<compile_context>
chip_gen: v7x
topology: tpu7x:2x2x1
jax: 0.10.2.dev20260603
libtpu: 0.0.44.dev20260713+nightly
codegen_flags: <defaults>
</compile_context>

<pallas_src>
import functools

import jax
import jax.numpy as jnp
import numpy as np
from jax import lax
from jax.experimental import pallas as pl
from jax.experimental.pallas import tpu as pltpu
from jax.experimental.pallas import tpu_sc as plsc

N = 10000
E = 320000
D = 128
NPAD = 10240
W = 128
NWIN = E // W
NC = 2
NS = 16
NWK = NC * NS
ZR = NPAD // NS

NCHUNK = 4
EC = E // NCHUNK
NWINC = NWIN // NCHUNK
NJC = NWINC // NWK + 1

_mesh = plsc.VectorSubcoreMesh(core_axis_name="c", subcore_axis_name="s")


def _wrange(wid):
    w0 = wid * (NWINC // NWK) + jnp.minimum(wid, NWINC % NWK)
    cnt = NWINC // NWK + (wid < NWINC % NWK).astype(jnp.int32)
    return w0, cnt


def _pre(x, w1a, w1b, na, eb1, nb1):
    def body(x_r, wa_r, wb_r, na_r, eb1_r, nb1_r, xa_r, xb_r, xn_r):
        xv = x_r[...]
        xa_r[...] = jnp.dot(xv, wa_r[...], preferred_element_type=jnp.float32) + eb1_r[...]
        xb_r[...] = jnp.dot(xv, wb_r[...], preferred_element_type=jnp.float32)
        xn_r[...] = jnp.dot(xv, na_r[...], preferred_element_type=jnp.float32) + nb1_r[...]

    NB = 2000
    blk = pl.BlockSpec((NB, D), lambda i: (i, 0))
    wblk = pl.BlockSpec((D, D), lambda i: (0, 0))
    bblk = pl.BlockSpec((1, D), lambda i: (0, 0))
    outf = jax.ShapeDtypeStruct((N, D), jnp.float32)
    return pl.pallas_call(
        body,
        grid=(N // NB,),
        in_specs=[blk, wblk, wblk, wblk, bblk, bblk],
        out_specs=(blk, blk, blk),
        out_shape=(outf, outf, outf),
    )(x, w1a, w1b, na, eb1, nb1)


def _gather(xa, xb, row4, col4, idmat, c):
    @functools.partial(
        pl.kernel,
        out_type=jax.ShapeDtypeStruct((EC, D), jnp.float32),
        mesh=_mesh,
        scratch_types=[
            pltpu.VMEM((NJC, W), jnp.int32),
            pltpu.VMEM((NJC, W), jnp.int32),
            pltpu.VMEM((1, W), jnp.int32),
            pltpu.VMEM((W, D), jnp.float32),
            pltpu.VMEM((W, D), jnp.float32),
            pltpu.VMEM((W, D), jnp.float32),
            pltpu.VMEM((W, D), jnp.float32),
            pltpu.VMEM_SHARED((NS * W, D), jnp.float32),
            pltpu.VMEM_SHARED((NS * W, D), jnp.float32),
            pltpu.SemaphoreType.DMA,
            pltpu.SemaphoreType.DMA,
            pltpu.SemaphoreType.DMA,
            pltpu.SemaphoreType.DMA,
        ],
    )
    def k(xa_hbm, xb_hbm, row_hbm, col_hbm, idm_hbm, g_hbm,
          ridx, cidx, ida, r1a, r2a, r1b, r2b, spa, spb, sa, sb, swa, swb):
        cid = lax.axis_index("c")
        sid = lax.axis_index("s")
        wid = sid * NC + cid
        w0, cnt = _wrange(wid)
        my0 = sid * W

        pltpu.sync_copy(row_hbm.at[c, wid], ridx)
        pltpu.sync_copy(col_hbm.at[c, wid], cidx)
        pltpu.sync_copy(idm_hbm.at[sid], ida)

        pltpu.async_copy(xa_hbm.at[ridx.at[0]], r1a, sa)
        pltpu.async_copy(xb_hbm.at[cidx.at[0]], r2a, sa)

        def slot(k_, my1, my2, mysem, ot1, ot2, otsem, mysp, mywsem):
            @pl.when(k_ < cnt)
            def _():
                pltpu.make_async_copy(xa_hbm.at[ridx.at[0]], my1, mysem).wait()
                pltpu.make_async_copy(xb_hbm.at[cidx.at[0]], my2, mysem).wait()

                @pl.when(k_ + 1 < cnt)
                def _():
                    pltpu.async_copy(xa_hbm.at[ridx.at[k_ + 1]], ot1, otsem)
                    pltpu.async_copy(xb_hbm.at[cidx.at[k_ + 1]], ot2, otsem)

                @pl.when(k_ >= 2)
                def _():
                    pltpu.make_async_copy(mysp.at[pl.ds(my0, W)],
                                          g_hbm.at[pl.ds(0, W)], mywsem).wait()

                pltpu.sync_copy(my1, mysp.at[pl.ds(my0, W)])
                pltpu.sync_copy(my2, mysp.at[ida.at[0]], add=True)
                pltpu.async_copy(mysp.at[pl.ds(my0, W)],
                                 g_hbm.at[pl.ds((w0 + k_) * W, W)], mywsem)

        @pl.loop(0, NJC + 1, step=2)
        def _(k_):
            slot(k_, r1a, r2a, sa, r1b, r2b, sb, spa, swa)
            slot(k_ + 1, r1b, r2b, sb, r1a, r2a, sa, spb, swb)

        pltpu.make_async_copy(spa.at[pl.ds(my0, W)],
                              g_hbm.at[pl.ds(0, W)], swa).wait()
        pltpu.make_async_copy(spb.at[pl.ds(my0, W)],
                              g_hbm.at[pl.ds(0, W)], swb).wait()

    return k(xa, xb, row4, col4, idmat)


def _edge(g, ea_full, w1c, w2, eb2, c):
    EB = 4000
    NBLK = EC // EB

    def body(g_r, ea_r, w1_r, w2_r, b2_r, out_r):
        eav = ea_r[...]
        cc = jnp.dot(eav.astype(jnp.bfloat16), w1_r[...], preferred_element_type=jnp.float32)
        h = jnp.maximum(g_r[...] + cc, 0.0)
        out_r[...] = (eav + jnp.dot(h.astype(jnp.bfloat16), w2_r[...],
                                    preferred_element_type=jnp.float32) + b2_r[...])

    blk = pl.BlockSpec((EB, D), lambda i: (i, 0))
    eablk = pl.BlockSpec((EB, D), lambda i, c=c: (c * NBLK + i, 0))
    wblk = pl.BlockSpec((D, D), lambda i: (0, 0))
    bblk = pl.BlockSpec((1, D), lambda i: (0, 0))
    return pl.pallas_call(
        body,
        grid=(NBLK,),
        in_specs=[blk, eablk, wblk, wblk, bblk],
        out_specs=blk,
        out_shape=jax.ShapeDtypeStruct((EC, D), jnp.float32),
    )(g, ea_full, w1c, w2, eb2)


NJS = NWINC // 8 + 1


def _swrange(u):
    lw0 = u * (NWINC // 8) + jnp.minimum(u, NWINC % 8)
    lcnt = NWINC // 8 + (u < NWINC % 8).astype(jnp.int32)
    return lw0, lcnt


def _scatter(eouts, col3, zrows):
    @functools.partial(
        pl.kernel,
        out_type=(jax.ShapeDtypeStruct((NC, NPAD, D), jnp.float32),
                  jax.ShapeDtypeStruct((E, D), jnp.float32)),
        mesh=_mesh,
        scratch_types=[
            pltpu.VMEM((NJS, W), jnp.int32),
            pltpu.VMEM((W, D), jnp.float32),
            pltpu.VMEM((W, D), jnp.float32),
            pltpu.VMEM_SHARED((NPAD, D), jnp.float32),
            pltpu.SemaphoreType.DMA,
            pltpu.SemaphoreType.DMA,
            pltpu.SemaphoreType.DMA,
            pltpu.SemaphoreType.DMA,
        ],
    )
    def k(e0_hbm, e1_hbm, e2_hbm, e3_hbm, col_hbm, z_hbm, out_hbm, eo_hbm,
          cidx, ebufa, ebufb, acc, sa, sb, swa, swb):
        cid = lax.axis_index("c")
        sid = lax.axis_index("s")
        wid = sid * NC + cid
        u = lax.rem(wid, 8)
        lw0, lcnt = _swrange(u)

        pltpu.sync_copy(z_hbm, acc.at[pl.ds(sid * ZR, ZR)])
        pltpu.sync_copy(col_hbm.at[wid], cidx)
        plsc.subcore_barrier()

        def chunk_loop(e_hbm, c):
            pltpu.async_copy(e_hbm.at[pl.ds(lw0 * W, W)], ebufa, sa)

            def slot(k_, mybuf, mysem, otbuf, otsem, otwsem, mywsem):
                @pl.when(k_ < lcnt)
                def _():
                    pltpu.make_async_copy(e_hbm.at[pl.ds(0, W)], mybuf,
                                          mysem).wait()

                    @pl.when(k_ + 1 < lcnt)
                    def _():
                        @pl.when(k_ >= 1)
                        def _():
                            pltpu.make_async_copy(
                                otbuf, eo_hbm.at[pl.ds(0, W)], otwsem).wait()

                        pltpu.async_copy(e_hbm.at[pl.ds((lw0 + k_ + 1) * W, W)],
                                         otbuf, otsem)

                    pltpu.sync_copy(mybuf, acc.at[cidx.at[k_]], add=True)
                    pltpu.async_copy(
                        mybuf, eo_hbm.at[pl.ds(c * EC + (lw0 + k_) * W, W)],
                        mywsem)

            @pl.loop(0, NJS + 1, step=2)
            def _(k_):
                slot(k_, ebufa, sa, ebufb, sb, swb, swa)
                slot(k_ + 1, ebufb, sb, ebufa, sa, swa, swb)

            pltpu.make_async_copy(ebufa, eo_hbm.at[pl.ds(0, W)], swa).wait()
            pltpu.make_async_copy(ebufb, eo_hbm.at[pl.ds(0, W)], swb).wait()

        for c, e_hbm in enumerate((e0_hbm, e1_hbm, e2_hbm, e3_hbm)):
            @pl.when(jnp.logical_and(wid >= 8 * c, wid < 8 * (c + 1)))
            def _(e_hbm=e_hbm, c=c):
                chunk_loop(e_hbm, c)

        plsc.subcore_barrier()
        pltpu.sync_copy(acc.at[pl.ds(sid * ZR, ZR)],
                        out_hbm.at[cid, pl.ds(sid * ZR, ZR)])

    return k(*eouts, col3, zrows)


def _node(x, xn, partials, nbw, nw2, nb2):
    NB = 2000

    def body(x_r, xn_r, p_r, nb_r, w2_r, b2_r, out_r):
        agg = p_r[0] + p_r[1]
        h2 = jnp.maximum(xn_r[...] + jnp.dot(agg, nb_r[...], preferred_element_type=jnp.float32), 0.0)
        out_r[...] = x_r[...] + jnp.dot(h2, w2_r[...], preferred_element_type=jnp.float32) + b2_r[...]

    blk = pl.BlockSpec((NB, D), lambda i: (i, 0))
    pblk = pl.BlockSpec((NC, NB, D), lambda i: (0, i, 0))
    wblk = pl.BlockSpec((D, D), lambda i: (0, 0))
    bblk = pl.BlockSpec((1, D), lambda i: (0, 0))
    return pl.pallas_call(
        body,
        grid=(N // NB,),
        in_specs=[blk, blk, pblk, wblk, wblk, bblk],
        out_specs=blk,
        out_shape=jax.ShapeDtypeStruct((N, D), jnp.float32),
    )(x, xn, partials, nbw, nw2, nb2)


def kernel(x, edge_attr, edge_index, eW1, eb1, eW2, eb2, nW1, nb1, nW2, nb2):
    w1a, w1b, w1c = eW1[:D], eW1[D:2 * D], eW1[2 * D:]
    na, nbw = nW1[:D], nW1[D:]
    eb1r = eb1.reshape(1, D)
    eb2r = eb2.reshape(1, D)
    nb1r = nb1.reshape(1, D)
    nb2r = nb2.reshape(1, D)

    ei2 = edge_index.astype(jnp.int32).reshape(2 * NWIN, W)

    def wsafe(w):
        return w if w < NWIN else 0

    gw = np.array([[wsafe(c * NWINC + t * (NWINC // NWK) + min(t, NWINC % NWK) + j)
                    for t in range(NWK) for j in range(NJC)]
                   for c in range(NCHUNK)]).reshape(-1)
    row4 = jnp.take(ei2, gw, axis=0).reshape(NCHUNK, NWK, NJC, W)
    col4 = jnp.take(ei2, gw + NWIN, axis=0).reshape(NCHUNK, NWK, NJC, W)
    sw = np.array([wsafe((t // 8) * NWINC + (t % 8) * (NWINC // 8)
                         + min(t % 8, NWINC % 8) + j)
                   for t in range(NWK) for j in range(NJS)])
    col3s = jnp.take(ei2, sw + NWIN, axis=0).reshape(NWK, NJS, W)

    idmat = (jnp.arange(NS, dtype=jnp.int32)[:, None, None] * W
             + jnp.arange(W, dtype=jnp.int32)[None, None, :])
    zrows = jnp.zeros((ZR, D), jnp.float32)
    w1cb = w1c.astype(jnp.bfloat16)
    w2b = eW2.astype(jnp.bfloat16)

    xa, xb, xn = _pre(x, w1a, w1b, na, eb1r, nb1r)

    eouts = []
    for c in range(NCHUNK):
        g_c = _gather(xa, xb, row4, col4, idmat, c)
        eouts.append(_edge(g_c, edge_attr, w1cb, w2b, eb2r, c))

    partials, eout = _scatter(eouts, col3s, zrows)
    x_new = _node(x, xn, partials, nbw, nW2, nb2r)
    return (x_new, eout)

# --- scband reference (transcript-rebuilt; emitter-appended) ---
"""Pipeline reference for scband-graph-network-block-20246475833428 (READ-ONLY COPY).

The authoritative reference and input builder live on the scoring server;
editing this copy changes nothing except your own understanding.
"""

import jax, jax.numpy as jnp
import numpy as np

N_NODES = 10000
N_EDGES = 320000
D = 128
H = 128


def setup_inputs(seed: int = 0) -> dict:
    key = jax.random.key(seed)
    ks = jax.random.split(key, 12)
    x = jax.random.normal(ks[0], (N_NODES, D), dtype=jnp.float32)
    edge_attr = jax.random.normal(ks[1], (N_EDGES, D), dtype=jnp.float32)
    edge_index = jax.random.randint(ks[2], (2, N_EDGES), 0, N_NODES, dtype=jnp.int64)
    # edge_network MLP: Linear(3*D -> H), relu, Linear(H -> D)
    eW1 = jax.random.normal(ks[3], (3 * D, H), dtype=jnp.float32) * (1.0 / np.sqrt(3 * D))
    eb1 = jnp.zeros((H,), dtype=jnp.float32)
    eW2 = jax.random.normal(ks[4], (H, D), dtype=jnp.float32) * (1.0 / np.sqrt(H))
    eb2 = jnp.zeros((D,), dtype=jnp.float32)
    # node_network MLP: Linear(2*D -> H), relu, Linear(H -> D)
    nW1 = jax.random.normal(ks[5], (2 * D, H), dtype=jnp.float32) * (1.0 / np.sqrt(2 * D))
    nb1 = jnp.zeros((H,), dtype=jnp.float32)
    nW2 = jax.random.normal(ks[6], (H, D), dtype=jnp.float32) * (1.0 / np.sqrt(H))
    nb2 = jnp.zeros((D,), dtype=jnp.float32)
    return {
        "x": x,
        "edge_attr": edge_attr,
        "edge_index": edge_index,
        "eW1": eW1, "eb1": eb1, "eW2": eW2, "eb2": eb2,
        "nW1": nW1, "nb1": nb1, "nW2": nW2, "nb2": nb2,
    }


def reference(x, edge_attr, edge_index, eW1, eb1, eW2, eb2, nW1, nb1, nW2, nb2):
    row = edge_index[0]
    col = edge_index[1]
    # edge update
    edge_input = jnp.concatenate([jnp.take(x, row, axis=0), jnp.take(x, col, axis=0), edge_attr], axis=-1)
    h = jax.nn.relu(edge_input @ eW1 + eb1)
    edge_attr_new = edge_attr + (h @ eW2 + eb2)
    # aggregate edges to destination nodes (scatter-add)
    num_nodes = x.shape[0]
    aggregated = jnp.zeros((num_nodes, edge_attr_new.shape[1]), dtype=x.dtype).at[col].add(edge_attr_new)
    # node update
    node_input = jnp.concatenate([x, aggregated], axis=-1)
    h2 = jax.nn.relu(node_input @ nW1 + nb1)
    x_new = x + (h2 @ nW2 + nb2)
    return (x_new, edge_attr_new)

if __name__ == "__main__":
    import jax
    _d = setup_inputs()
    print(jax.jit(kernel)(*tuple(_d.values())))

</pallas_src>

<mosaic_0001>
#map = affine_map<(d0, d1) -> (0, 0)>
#map1 = affine_map<(d0, d1) -> (0, 0, 0, 0)>
#map2 = affine_map<(d0, d1) -> (0, 0, 0)>
module attributes {stable_mosaic.version = 14 : i64} {
  func.func @k(%arg0: i32, %arg1: i32, %arg2: memref<10000x128xf32, #tpu.memory_space<hbm>>, %arg3: memref<10000x128xf32, #tpu.memory_space<hbm>>, %arg4: memref<4x32x20x128xi32, #tpu.memory_space<hbm>>, %arg5: memref<4x32x20x128xi32, #tpu.memory_space<hbm>>, %arg6: memref<16x1x128xi32, #tpu.memory_space<hbm>>, %arg7: memref<80000x128xf32, #tpu.memory_space<hbm>>, %arg8: memref<20x128xi32, #tpu.memory_space<vmem>>, %arg9: memref<20x128xi32, #tpu.memory_space<vmem>>, %arg10: memref<1x128xi32, #tpu.memory_space<vmem>>, %arg11: memref<128x128xf32, #tpu.memory_space<vmem>>, %arg12: memref<128x128xf32, #tpu.memory_space<vmem>>, %arg13: memref<128x128xf32, #tpu.memory_space<vmem>>, %arg14: memref<128x128xf32, #tpu.memory_space<vmem>>, %arg15: memref<2048x128xf32, #tpu.memory_space<vmem_shared>>, %arg16: memref<2048x128xf32, #tpu.memory_space<vmem_shared>>, %arg17: memref<!tpu.dma_semaphore, #tpu.memory_space<semaphore_mem>>, %arg18: memref<!tpu.dma_semaphore, #tpu.memory_space<semaphore_mem>>, %arg19: memref<!tpu.dma_semaphore, #tpu.memory_space<semaphore_mem>>, %arg20: memref<!tpu.dma_semaphore, #tpu.memory_space<semaphore_mem>>) attributes {dimension_semantics = [#tpu.dimension_semantics<core_parallel>, #tpu.dimension_semantics<subcore_parallel>], iteration_bounds = array<i64: 2, 16>, scalar_prefetch = 0 : i64, scratch_operands = 13 : i64, tpu.core_type = #tpu.core_type<sc_vector_subcore>, window_params = [{transform_indices = #map}, {transform_indices = #map}, {transform_indices = #map1}, {transform_indices = #map1}, {transform_indices = #map2}, {transform_indices = #map}]} {
    %mul3A = arith.constant 2 : i32
    %mul3A_0 = arith.muli %arg1, %mul3A : i32
    %add3A = arith.addi %mul3A_0, %arg0 : i32
    %mul3A_1 = arith.constant 19 : i32
    %mul3A_2 = arith.muli %add3A, %mul3A_1 : i32
    %min3A = arith.constant 17 : i32
    %min3A_3 = arith.minsi %add3A, %min3A : i32
    %add3A_4 = arith.addi %mul3A_2, %min3A_3 : i32
    %lt3A = arith.constant 17 : i32
    %lt3A_5 = arith.cmpi slt, %add3A, %lt3A : i32
    %convert_element_type3A = arith.extui %lt3A_5 : i1 to i32
    %add3A_6 = arith.constant 19 : i32
    %add3A_7 = arith.addi %add3A_6, %convert_element_type3A : i32
    %mul3A_8 = arith.constant 128 : i32
    %mul3A_9 = arith.muli %arg1, %mul3A_8 : i32
    %run_scoped3A = arith.constant 3 : i32
    "tpu.region"() ({
      %run_scoped3A_37 = tpu.sem_alloc : memref<!tpu.dma_semaphore, #tpu.memory_space<semaphore_mem>>
      %dma_start3A_38 = arith.constant 0 : i32
      %dma_start3A_39 = arith.constant 0 : i32
      %dma_start3A_40 = tpu.memref_slice %arg4[%run_scoped3A, %add3A, %dma_start3A_38, %dma_start3A_39] : memref<4x32x20x128xi32, #tpu.memory_space<hbm>> -> memref<1x1x20x128xi32, #tpu.memory_space<hbm>>
      %dma_start3A_41 = tpu.memref_squeeze %dma_start3A_40 : memref<1x1x20x128xi32, #tpu.memory_space<hbm>> -> memref<20x128xi32, #tpu.memory_space<hbm>>
      %dma_start3A_42 = arith.constant 0 : i32
      %dma_start3A_43 = arith.constant 0 : i32
      %dma_start3A_44 = tpu.memref_slice %arg4[%run_scoped3A, %add3A, %dma_start3A_42, %dma_start3A_43] : memref<4x32x20x128xi32, #tpu.memory_space<hbm>> -> memref<1x1x20x128xi32, #tpu.memory_space<hbm>>
      %dma_start3A_45 = tpu.memref_squeeze %dma_start3A_44 : memref<1x1x20x128xi32, #tpu.memory_space<hbm>> -> memref<20x128xi32, #tpu.memory_space<hbm>>
      tpu.enqueue_dma source(%dma_start3A_45 : memref<20x128xi32, #tpu.memory_space<hbm>>) target(%arg8 : memref<20x128xi32, #tpu.memory_space<vmem>>) target_semaphore(%run_scoped3A_37 : memref<!tpu.dma_semaphore, #tpu.memory_space<semaphore_mem>>)
      %dma_wait3A_46 = arith.constant 0 : i32
      %dma_wait3A_47 = arith.constant 0 : i32
      %dma_wait3A_48 = tpu.memref_slice %arg4[%run_scoped3A, %add3A, %dma_wait3A_46, %dma_wait3A_47] : memref<4x32x20x128xi32, #tpu.memory_space<hbm>> -> memref<1x1x20x128xi32, #tpu.memory_space<hbm>>
      %dma_wait3A_49 = tpu.memref_squeeze %dma_wait3A_48 : memref<1x1x20x128xi32, #tpu.memory_space<hbm>> -> memref<20x128xi32, #tpu.memory_space<hbm>>
      %dma_wait3A_50 = arith.constant 0 : i32
      %dma_wait3A_51 = arith.constant 0 : i32
      %dma_wait3A_52 = tpu.memref_slice %arg4[%run_scoped3A, %add3A, %dma_wait3A_50, %dma_wait3A_51] : memref<4x32x20x128xi32, #tpu.memory_space<hbm>> -> memref<1x1x20x128xi32, #tpu.memory_space<hbm>>
      %dma_wait3A_53 = tpu.memref_squeeze %dma_wait3A_52 : memref<1x1x20x128xi32, #tpu.memory_space<hbm>> -> memref<20x128xi32, #tpu.memory_space<hbm>>
      tpu.wait_dma2 semaphore(%run_scoped3A_37 : memref<!tpu.dma_semaphore, #tpu.memory_space<semaphore_mem>>) src(%dma_wait3A_53 : memref<20x128xi32, #tpu.memory_space<hbm>>) dst(%arg8 : memref<20x128xi32, #tpu.memory_space<vmem>>)
      tpu.yield
    }) : () -> ()
    %run_scoped3A_10 = arith.constant 3 : i32
    "tpu.region"() ({
      %run_scoped3A_37 = tpu.sem_alloc : memref<!tpu.dma_semaphore, #tpu.memory_space<semaphore_mem>>
      %dma_start3A_38 = arith.constant 0 : i32
      %dma_start3A_39 = arith.constant 0 : i32
      %dma_start3A_40 = tpu.memref_slice %arg5[%run_scoped3A_10, %add3A, %dma_start3A_38, %dma_start3A_39] : memref<4x32x20x128xi32, #tpu.memory_space<hbm>> -> memref<1x1x20x128xi32, #tpu.memory_space<hbm>>
      %dma_start3A_41 = tpu.memref_squeeze %dma_start3A_40 : memref<1x1x20x128xi32, #tpu.memory_space<hbm>> -> memref<20x128xi32, #tpu.memory_space<hbm>>
      %dma_start3A_42 = arith.constant 0 : i32
      %dma_start3A_43 = arith.constant 0 : i32
      %dma_start3A_44 = tpu.memref_slice %arg5[%run_scoped3A_10, %add3A, %dma_start3A_42, %dma_start3A_43] : memref<4x32x20x128xi32, #tpu.memory_space<hbm>> -> memref<1x1x20x128xi32, #tpu.memory_space<hbm>>
      %dma_start3A_45 = tpu.memref_squeeze %dma_start3A_44 : memref<1x1x20x128xi32, #tpu.memory_space<hbm>> -> memref<20x128xi32, #tpu.memory_space<hbm>>
      tpu.enqueue_dma source(%dma_start3A_45 : memref<20x128xi32, #tpu.memory_space<hbm>>) target(%arg9 : memref<20x128xi32, #tpu.memory_space<vmem>>) target_semaphore(%run_scoped3A_37 : memref<!tpu.dma_semaphore, #tpu.memory_space<semaphore_mem>>)
      %dma_wait3A_46 = arith.constant 0 : i32
      %dma_wait3A_47 = arith.constant 0 : i32
      %dma_wait3A_48 = tpu.memref_slice %arg5[%run_scoped3A_10, %add3A, %dma_wait3A_46, %dma_wait3A_47] : memref<4x32x20x128xi32, #tpu.memory_space<hbm>> -> memref<1x1x20x128xi32, #tpu.memory_space<hbm>>
      %dma_wait3A_49 = tpu.memref_squeeze %dma_wait3A_48 : memref<1x1x20x128xi32, #tpu.memory_space<hbm>> -> memref<20x128xi32, #tpu.memory_space<hbm>>
      %dma_wait3A_50 = arith.constant 0 : i32
      %dma_wait3A_51 = arith.constant 0 : i32
      %dma_wait3A_52 = tpu.memref_slice %arg5[%run_scoped3A_10, %add3A, %dma_wait3A_50, %dma_wait3A_51] : memref<4x32x20x128xi32, #tpu.memory_space<hbm>> -> memref<1x1x20x128xi32, #tpu.memory_space<hbm>>
      %dma_wait3A_53 = tpu.memref_squeeze %dma_wait3A_52 : memref<1x1x20x128xi32, #tpu.memory_space<hbm>> -> memref<20x128xi32, #tpu.memory_space<hbm>>
      tpu.wait_dma2 semaphore(%run_scoped3A_37 : memref<!tpu.dma_semaphore, #tpu.memory_space<semaphore_mem>>) src(%dma_wait3A_53 : memref<20x128xi32, #tpu.memory_space<hbm>>) dst(%arg9 : memref<20x128xi32, #tpu.memory_space<vmem>>)
      tpu.yield
    }) : () -> ()
    "tpu.region"() ({
      %run_scoped3A_37 = tpu.sem_alloc : memref<!tpu.dma_semaphore, #tpu.memory_space<semaphore_mem>>
      %dma_start3A_38 = arith.constant 0 : i32
      %dma_start3A_39 = arith.constant 0 : i32
      %dma_start3A_40 = tpu.memref_slice %arg6[%arg1, %dma_start3A_38, %dma_start3A_39] : memref<16x1x128xi32, #tpu.memory_space<hbm>> -> memref<1x1x128xi32, #tpu.memory_space<hbm>>
      %dma_start3A_41 = tpu.memref_squeeze %dma_start3A_40 : memref<1x1x128xi32, #tpu.memory_space<hbm>> -> memref<1x128xi32, #tpu.memory_space<hbm>>
      %dma_start3A_42 = arith.constant 0 : i32
      %dma_start3A_43 = arith.constant 0 : i32
      %dma_start3A_44 = tpu.memref_slice %arg6[%arg1, %dma_start3A_42, %dma_start3A_43] : memref<16x1x128xi32, #tpu.memory_space<hbm>> -> memref<1x1x128xi32, #tpu.memory_space<hbm>>
      %dma_start3A_45 = tpu.memref_squeeze %dma_start3A_44 : memref<1x1x128xi32, #tpu.memory_space<hbm>> -> memref<1x128xi32, #tpu.memory_space<hbm>>
      tpu.enqueue_dma source(%dma_start3A_45 : memref<1x128xi32, #tpu.memory_space<hbm>>) target(%arg10 : memref<1x128xi32, #tpu.memory_space<vmem>>) target_semaphore(%run_scoped3A_37 : memref<!tpu.dma_semaphore, #tpu.memory_space<semaphore_mem>>)
      %dma_wait3A_46 = arith.constant 0 : i32
      %dma_wait3A_47 = arith.constant 0 : i32
      %dma_wait3A_48 = tpu.memref_slice %arg6[%arg1, %dma_wait3A_46, %dma_wait3A_47] : memref<16x1x128xi32, #tpu.memory_space<hbm>> -> memref<1x1x128xi32, #tpu.memory_space<hbm>>
      %dma_wait3A_49 = tpu.memref_squeeze %dma_wait3A_48 : memref<1x1x128xi32, #tpu.memory_space<hbm>> -> memref<1x128xi32, #tpu.memory_space<hbm>>
      %dma_wait3A_50 = arith.constant 0 : i32
      %dma_wait3A_51 = arith.constant 0 : i32
      %dma_wait3A_52 = tpu.memref_slice %arg6[%arg1, %dma_wait3A_50, %dma_wait3A_51] : memref<16x1x128xi32, #tpu.memory_space<hbm>> -> memref<1x1x128xi32, #tpu.memory_space<hbm>>
      %dma_wait3A_53 = tpu.memref_squeeze %dma_wait3A_52 : memref<1x1x128xi32, #tpu.memory_space<hbm>> -> memref<1x128xi32, #tpu.memory_space<hbm>>
      tpu.wait_dma2 semaphore(%run_scoped3A_37 : memref<!tpu.dma_semaphore, #tpu.memory_space<semaphore_mem>>) src(%dma_wait3A_53 : memref<1x128xi32, #tpu.memory_space<hbm>>) dst(%arg10 : memref<1x128xi32, #tpu.memory_space<vmem>>)
      tpu.yield
    }) : () -> ()
    %dma_start3A = arith.constant 0 : i32
    %dma_start3A_11 = arith.constant 0 : i32
    %dma_start3A_12 = tpu.memref_slice %arg8[%dma_start3A, %dma_start3A_11] : memref<20x128xi32, #tpu.memory_space<vmem>> -> memref<1x128xi32, #tpu.memory_space<vmem>>
    %dma_start3A_13 = tpu.memref_squeeze %dma_start3A_12 : memref<1x128xi32, #tpu.memory_space<vmem>> -> memref<128xi32, #tpu.memory_space<vmem>>
    %dma_start3A_14 = arith.constant 0 : i32
    %dma_start3A_15 = arith.constant 0 : i32
    %dma_start3A_16 = tpu.memref_slice %arg2[%dma_start3A_14, %dma_start3A_15] : memref<10000x128xf32, #tpu.memory_space<hbm>> -> memref<10000x128xf32, #tpu.memory_space<hbm>>
    tpu.enqueue_indirect_dma source(%dma_start3A_16 : memref<10000x128xf32, #tpu.memory_space<hbm>>) target(%arg11 : memref<128x128xf32, #tpu.memory_space<vmem>>) offsets(%dma_start3A_13 : memref<128xi32, #tpu.memory_space<vmem>>) semaphore(%arg17 : memref<!tpu.dma_semaphore, #tpu.memory_space<semaphore_mem>>)
    %dma_start3A_17 = arith.constant 0 : i32
    %dma_start3A_18 = arith.constant 0 : i32
    %dma_start3A_19 = tpu.memref_slice %arg9[%dma_start3A_17, %dma_start3A_18] : memref<20x128xi32, #tpu.memory_space<vmem>> -> memref<1x128xi32, #tpu.memory_space<vmem>>
    %dma_start3A_20 = tpu.memref_squeeze %dma_start3A_19 : memref<1x128xi32, #tpu.memory_space<vmem>> -> memref<128xi32, #tpu.memory_space<vmem>>
    %dma_start3A_21 = arith.constant 0 : i32
    %dma_start3A_22 = arith.constant 0 : i32
    %dma_start3A_23 = tpu.memref_slice %arg3[%dma_start3A_21, %dma_start3A_22] : memref<10000x128xf32, #tpu.memory_space<hbm>> -> memref<10000x128xf32, #tpu.memory_space<hbm>>
    tpu.enqueue_indirect_dma source(%dma_start3A_23 : memref<10000x128xf32, #tpu.memory_space<hbm>>) target(%arg12 : memref<128x128xf32, #tpu.memory_space<vmem>>) offsets(%dma_start3A_20 : memref<128xi32, #tpu.memory_space<vmem>>) semaphore(%arg17 : memref<!tpu.dma_semaphore, #tpu.memory_space<semaphore_mem>>)
    %scan3A = arith.constant 0 : i32
    %scan3A_24 = arith.constant 11 : i32
    %scan3A_25 = arith.addi %scan3A, %scan3A_24 : i32
    %scan3A_26 = arith.constant 1 : i32
    scf.for %scan3A_37 = %scan3A to %scan3A_25 step %scan3A_26  : i32 {
      %mul3A_38 = arith.constant 2 : i32
      %mul3A_39 = arith.muli %scan3A_37, %mul3A_38 : i32
      %add3A_40 = arith.constant 0 : i32
      %add3A_41 = arith.addi %add3A_40, %mul3A_39 : i32
      %lt3A_42 = arith.cmpi slt, %add3A_41, %add3A_7 : i32
      %convert_element_type3A_43 = arith.extui %lt3A_42 : i1 to i32
      %cond3A = arith.constant 0 : i32
      %cond3A_44 = arith.cmpi ne, %convert_element_type3A_43, %cond3A : i32
      scf.if %cond3A_44 {
        %dma_wait3A_51 = arith.constant 0 : i32
        %dma_wait3A_52 = arith.constant 0 : i32
        %dma_wait3A_53 = tpu.memref_slice %arg8[%dma_wait3A_51, %dma_wait3A_52] : memref<20x128xi32, #tpu.memory_space<vmem>> -> memref<1x128xi32, #tpu.memory_space<vmem>>
        %dma_wait3A_54 = tpu.memref_squeeze %dma_wait3A_53 : memref<1x128xi32, #tpu.memory_space<vmem>> -> memref<128xi32, #tpu.memory_space<vmem>>
        %dma_wait3A_55 = arith.constant 0 : i32
        %dma_wait3A_56 = arith.constant 0 : i32
        %dma_wait3A_57 = tpu.memref_slice %arg2[%dma_wait3A_55, %dma_wait3A_56] : memref<10000x128xf32, #tpu.memory_space<hbm>> -> memref<10000x128xf32, #tpu.memory_space<hbm>>
        tpu.wait_indirect_dma semaphore(%arg17 : memref<!tpu.dma_semaphore, #tpu.memory_space<semaphore_mem>>) src(%dma_wait3A_57 : memref<10000x128xf32, #tpu.memory_space<hbm>>) dst(%arg11 : memref<128x128xf32, #tpu.memory_space<vmem>>)
        %dma_wait3A_58 = arith.constant 0 : i32
        %dma_wait3A_59 = arith.constant 0 : i32
        %dma_wait3A_60 = tpu.memref_slice %arg9[%dma_wait3A_58, %dma_wait3A_59] : memref<20x128xi32, #tpu.memory_space<vmem>> -> memref<1x128xi32, #tpu.memory_space<vmem>>
        %dma_wait3A_61 = tpu.memref_squeeze %dma_wait3A_60 : memref<1x128xi32, #tpu.memory_space<vmem>> -> memref<128xi32, #tpu.memory_space<vmem>>
        %dma_wait3A_62 = arith.constant 0 : i32
        %dma_wait3A_63 = arith.constant 0 : i32
        %dma_wait3A_64 = tpu.memref_slice %arg3[%dma_wait3A_62, %dma_wait3A_63] : memref<10000x128xf32, #tpu.memory_space<hbm>> -> memref<10000x128xf32, #tpu.memory_space<hbm>>
        tpu.wait_indirect_dma semaphore(%arg17 : memref<!tpu.dma_semaphore, #tpu.memory_space<semaphore_mem>>) src(%dma_wait3A_64 : memref<10000x128xf32, #tpu.memory_space<hbm>>) dst(%arg12 : memref<128x128xf32, #tpu.memory_space<vmem>>)
        %add3A_65 = arith.constant 1 : i32
        %add3A_66 = arith.addi %add3A_41, %add3A_65 : i32
        %lt3A_67 = arith.cmpi slt, %add3A_66, %add3A_7 : i32
        %convert_element_type3A_68 = arith.extui %lt3A_67 : i1 to i32
        %cond3A_69 = arith.constant 0 : i32
        %cond3A_70 = arith.cmpi ne, %convert_element_type3A_68, %cond3A_69 : i32
        scf.if %cond3A_70 {
          %add3A_83 = arith.constant 1 : i32
          %add3A_84 = arith.addi %add3A_41, %add3A_83 : i32
          %dma_start3A_85 = arith.constant 0 : i32
          %dma_start3A_86 = tpu.memref_slice %arg8[%add3A_84, %dma_start3A_85] : memref<20x128xi32, #tpu.memory_space<vmem>> -> memref<1x128xi32, #tpu.memory_space<vmem>>
          %dma_start3A_87 = tpu.memref_squeeze %dma_start3A_86 : memref<1x128xi32, #tpu.memory_space<vmem>> -> memref<128xi32, #tpu.memory_space<vmem>>
          %dma_start3A_88 = arith.constant 0 : i32
          %dma_start3A_89 = arith.constant 0 : i32
          %dma_start3A_90 = tpu.memref_slice %arg2[%dma_start3A_88, %dma_start3A_89] : memref<10000x128xf32, #tpu.memory_space<hbm>> -> memref<10000x128xf32, #tpu.memory_space<hbm>>
          tpu.enqueue_indirect_dma source(%dma_start3A_90 : memref<10000x128xf32, #tpu.memory_space<hbm>>) target(%arg13 : memref<128x128xf32, #tpu.memory_space<vmem>>) offsets(%dma_start3A_87 : memref<128xi32, #tpu.memory_space<vmem>>) semaphore(%arg18 : memref<!tpu.dma_semaphore, #tpu.memory_space<semaphore_mem>>)
          %add3A_91 = arith.constant 1 : i32
          %add3A_92 = arith.addi %add3A_41, %add3A_91 : i32
          %dma_start3A_93 = arith.constant 0 : i32
          %dma_start3A_94 = tpu.memref_slice %arg9[%add3A_92, %dma_start3A_93] : memref<20x128xi32, #tpu.memory_space<vmem>> -> memref<1x128xi32, #tpu.memory_space<vmem>>
          %dma_start3A_95 = tpu.memref_squeeze %dma_start3A_94 : memref<1x128xi32, #tpu.memory_space<vmem>> -> memref<128xi32, #tpu.memory_space<vmem>>
          %dma_start3A_96 = arith.constant 0 : i32
          %dma_start3A_97 = arith.constant 0 : i32
          %dma_start3A_98 = tpu.memref_slice %arg3[%dma_start3A_96, %dma_start3A_97] : memref<10000x128xf32, #tpu.memory_space<hbm>> -> memref<10000x128xf32, #tpu.memory_space<hbm>>
          tpu.enqueue_indirect_dma source(%dma_start3A_98 : memref<10000x128xf32, #tpu.memory_space<hbm>>) target(%arg14 : memref<128x128xf32, #tpu.memory_space<vmem>>) offsets(%dma_start3A_95 : memref<128xi32, #tpu.memory_space<vmem>>) semaphore(%arg18 : memref<!tpu.dma_semaphore, #tpu.memory_space<semaphore_mem>>)
        } else {
        }
        %ge3A = arith.constant 2 : i32
        %ge3A_71 = arith.cmpi sge, %add3A_41, %ge3A : i32
        %convert_element_type3A_72 = arith.extui %ge3A_71 : i1 to i32
        %cond3A_73 = arith.constant 0 : i32
        %cond3A_74 = arith.cmpi ne, %convert_element_type3A_72, %cond3A_73 : i32
        scf.if %cond3A_74 {
          %dma_wait3A_83 = arith.constant 0 : i32
          %dma_wait3A_84 = arith.constant 0 : i32
          %dma_wait3A_85 = tpu.memref_slice %arg7[%dma_wait3A_83, %dma_wait3A_84] : memref<80000x128xf32, #tpu.memory_space<hbm>> -> memref<128x128xf32, #tpu.memory_space<hbm>>
          %dma_wait3A_86 = arith.constant 0 : i32
          %dma_wait3A_87 = tpu.memref_slice %arg15[%mul3A_9, %dma_wait3A_86] : memref<2048x128xf32, #tpu.memory_space<vmem_shared>> -> memref<128x128xf32, #tpu.memory_space<vmem_shared>>
          tpu.wait_dma2 semaphore(%arg19 : memref<!tpu.dma_semaphore, #tpu.memory_space<semaphore_mem>>) src(%dma_wait3A_87 : memref<128x128xf32, #tpu.memory_space<vmem_shared>>) dst(%dma_wait3A_85 : memref<128x128xf32, #tpu.memory_space<hbm>>)
        } else {
        }
        "tpu.region"() ({
          %run_scoped3A_83 = tpu.sem_alloc : memref<!tpu.dma_semaphore, #tpu.memory_space<semaphore_mem>>
          %dma_start3A_84 = arith.constant 0 : i32
          %dma_start3A_85 = tpu.memref_slice %arg15[%mul3A_9, %dma_start3A_84] : memref<2048x128xf32, #tpu.memory_space<vmem_shared>> -> memref<128x128xf32, #tpu.memory_space<vmem_shared>>
          %dma_start3A_86 = arith.constant 0 : i32
          %dma_start3A_87 = tpu.memref_slice %arg15[%mul3A_9, %dma_start3A_86] : memref<2048x128xf32, #tpu.memory_space<vmem_shared>> -> memref<128x128xf32, #tpu.memory_space<vmem_shared>>
          tpu.enqueue_dma source(%arg11 : memref<128x128xf32, #tpu.memory_space<vmem>>) target(%dma_start3A_87 : memref<128x128xf32, #tpu.memory_space<vmem_shared>>) target_semaphore(%run_scoped3A_83 : memref<!tpu.dma_semaphore, #tpu.memory_space<semaphore_mem>>)
          %dma_wait3A_88 = arith.constant 0 : i32
          %dma_wait3A_89 = tpu.memref_slice %arg15[%mul3A_9, %dma_wait3A_88] : memref<2048x128xf32, #tpu.memory_space<vmem_shared>> -> memref<128x128xf32, #tpu.memory_space<vmem_shared>>
          %dma_wait3A_90 = arith.constant 0 : i32
          %dma_wait3A_91 = tpu.memref_slice %arg15[%mul3A_9, %dma_wait3A_90] : memref<2048x128xf32, #tpu.memory_space<vmem_shared>> -> memref<128x128xf32, #tpu.memory_space<vmem_shared>>
          tpu.wait_dma2 semaphore(%run_scoped3A_83 : memref<!tpu.dma_semaphore, #tpu.memory_space<semaphore_mem>>) src(%arg11 : memref<128x128xf32, #tpu.memory_space<vmem>>) dst(%dma_wait3A_91 : memref<128x128xf32, #tpu.memory_space<vmem_shared>>)
          tpu.yield
        }) : () -> ()
        %run_scoped3A_75 = arith.constant 0 : i32
        "tpu.region"() ({
          %run_scoped3A_83 = tpu.sem_alloc : memref<!tpu.dma_semaphore, #tpu.memory_space<semaphore_mem>>
          %dma_start3A_84 = arith.constant 0 : i32
          %dma_start3A_85 = tpu.memref_slice %arg10[%run_scoped3A_75, %dma_start3A_84] : memref<1x128xi32, #tpu.memory_space<vmem>> -> memref<1x128xi32, #tpu.memory_space<vmem>>
          %dma_start3A_86 = tpu.memref_squeeze %dma_start3A_85 : memref<1x128xi32, #tpu.memory_space<vmem>> -> memref<128xi32, #tpu.memory_space<vmem>>
          %dma_start3A_87 = arith.constant 0 : i32
          %dma_start3A_88 = arith.constant 0 : i32
          %dma_start3A_89 = tpu.memref_slice %arg15[%dma_start3A_87, %dma_start3A_88] : memref<2048x128xf32, #tpu.memory_space<vmem_shared>> -> memref<2048x128xf32, #tpu.memory_space<vmem_shared>>
          tpu.enqueue_indirect_dma source(%arg12 : memref<128x128xf32, #tpu.memory_space<vmem>>) target(%dma_start3A_89 : memref<2048x128xf32, #tpu.memory_space<vmem_shared>>) offsets(%dma_start3A_86 : memref<128xi32, #tpu.memory_space<vmem>>) semaphore(%run_scoped3A_83 : memref<!tpu.dma_semaphore, #tpu.memory_space<semaphore_mem>>) {add = true}
          %dma_wait3A_90 = arith.constant 0 : i32
          %dma_wait3A_91 = tpu.memref_slice %arg10[%run_scoped3A_75, %dma_wait3A_90] : memref<1x128xi32, #tpu.memory_space<vmem>> -> memref<1x128xi32, #tpu.memory_space<vmem>>
          %dma_wait3A_92 = tpu.memref_squeeze %dma_wait3A_91 : memref<1x128xi32, #tpu.memory_space<vmem>> -> memref<128xi32, #tpu.memory_space<vmem>>
          %dma_wait3A_93 = arith.constant 0 : i32
          %dma_wait3A_94 = arith.constant 0 : i32
          %dma_wait3A_95 = tpu.memref_slice %arg15[%dma_wait3A_93, %dma_wait3A_94] : memref<2048x128xf32, #tpu.memory_space<vmem_shared>> -> memref<2048x128xf32, #tpu.memory_space<vmem_shared>>
          tpu.wait_indirect_dma semaphore(%run_scoped3A_83 : memref<!tpu.dma_semaphore, #tpu.memory_space<semaphore_mem>>) src(%arg12 : memref<128x128xf32, #tpu.memory_space<vmem>>) dst(%dma_wait3A_95 : memref<2048x128xf32, #tpu.memory_space<vmem_shared>>)
          tpu.yield
        }) : () -> ()
        %add3A_76 = arith.addi %add3A_4, %add3A_41 : i32
        %mul3A_77 = arith.constant 128 : i32
        %mul3A_78 = arith.muli %add3A_76, %mul3A_77 : i32
        %dma_start3A_79 = arith.constant 0 : i32
        %dma_start3A_80 = tpu.memref_slice %arg7[%mul3A_78, %dma_start3A_79] : memref<80000x128xf32, #tpu.memory_space<hbm>> -> memref<128x128xf32, #tpu.memory_space<hbm>>
        %dma_start3A_81 = arith.constant 0 : i32
        %dma_start3A_82 = tpu.memref_slice %arg15[%mul3A_9, %dma_start3A_81] : memref<2048x128xf32, #tpu.memory_space<vmem_shared>> -> memref<128x128xf32, #tpu.memory_space<vmem_shared>>
        tpu.enqueue_dma source(%dma_start3A_82 : memref<128x128xf32, #tpu.memory_space<vmem_shared>>) target(%dma_start3A_80 : memref<128x128xf32, #tpu.memory_space<hbm>>) target_semaphore(%arg19 : memref<!tpu.dma_semaphore, #tpu.memory_space<semaphore_mem>>)
      } else {
      }
      %add3A_45 = arith.constant 1 : i32
      %add3A_46 = arith.addi %add3A_41, %add3A_45 : i32
      %lt3A_47 = arith.cmpi slt, %add3A_46, %add3A_7 : i32
      %convert_element_type3A_48 = arith.extui %lt3A_47 : i1 to i32
      %cond3A_49 = arith.constant 0 : i32
      %cond3A_50 = arith.cmpi ne, %convert_element_type3A_48, %cond3A_49 : i32
      scf.if %cond3A_50 {
        %dma_wait3A_51 = arith.constant 0 : i32
        %dma_wait3A_52 = arith.constant 0 : i32
        %dma_wait3A_53 = tpu.memref_slice %arg8[%dma_wait3A_51, %dma_wait3A_52] : memref<20x128xi32, #tpu.memory_space<vmem>> -> memref<1x128xi32, #tpu.memory_space<vmem>>
        %dma_wait3A_54 = tpu.memref_squeeze %dma_wait3A_53 : memref<1x128xi32, #tpu.memory_space<vmem>> -> memref<128xi32, #tpu.memory_space<vmem>>
        %dma_wait3A_55 = arith.constant 0 : i32
        %dma_wait3A_56 = arith.constant 0 : i32
        %dma_wait3A_57 = tpu.memref_slice %arg2[%dma_wait3A_55, %dma_wait3A_56] : memref<10000x128xf32, #tpu.memory_space<hbm>> -> memref<10000x128xf32, #tpu.memory_space<hbm>>
        tpu.wait_indirect_dma semaphore(%arg18 : memref<!tpu.dma_semaphore, #tpu.memory_space<semaphore_mem>>) src(%dma_wait3A_57 : memref<10000x128xf32, #tpu.memory_space<hbm>>) dst(%arg13 : memref<128x128xf32, #tpu.memory_space<vmem>>)
        %dma_wait3A_58 = arith.constant 0 : i32
        %dma_wait3A_59 = arith.constant 0 : i32
        %dma_wait3A_60 = tpu.memref_slice %arg9[%dma_wait3A_58, %dma_wait3A_59] : memref<20x128xi32, #tpu.memory_space<vmem>> -> memref<1x128xi32, #tpu.memory_space<vmem>>
        %dma_wait3A_61 = tpu.memref_squeeze %dma_wait3A_60 : memref<1x128xi32, #tpu.memory_space<vmem>> -> memref<128xi32, #tpu.memory_space<vmem>>
        %dma_wait3A_62 = arith.constant 0 : i32
        %dma_wait3A_63 = arith.constant 0 : i32
        %dma_wait3A_64 = tpu.memref_slice %arg3[%dma_wait3A_62, %dma_wait3A_63] : memref<10000x128xf32, #tpu.memory_space<hbm>> -> memref<10000x128xf32, #tpu.memory_space<hbm>>
        tpu.wait_indirect_dma semaphore(%arg18 : memref<!tpu.dma_semaphore, #tpu.memory_space<semaphore_mem>>) src(%dma_wait3A_64 : memref<10000x128xf32, #tpu.memory_space<hbm>>) dst(%arg14 : memref<128x128xf32, #tpu.memory_space<vmem>>)
        %add3A_65 = arith.constant 1 : i32
        %add3A_66 = arith.addi %add3A_46, %add3A_65 : i32
        %lt3A_67 = arith.cmpi slt, %add3A_66, %add3A_7 : i32
        %convert_element_type3A_68 = arith.extui %lt3A_67 : i1 to i32
        %cond3A_69 = arith.constant 0 : i32
        %cond3A_70 = arith.cmpi ne, %convert_element_type3A_68, %cond3A_69 : i32
        scf.if %cond3A_70 {
          %add3A_83 = arith.constant 1 : i32
          %add3A_84 = arith.addi %add3A_46, %add3A_83 : i32
          %dma_start3A_85 = arith.constant 0 : i32
          %dma_start3A_86 = tpu.memref_slice %arg8[%add3A_84, %dma_start3A_85] : memref<20x128xi32, #tpu.memory_space<vmem>> -> memref<1x128xi32, #tpu.memory_space<vmem>>
          %dma_start3A_87 = tpu.memref_squeeze %dma_start3A_86 : memref<1x128xi32, #tpu.memory_space<vmem>> -> memref<128xi32, #tpu.memory_space<vmem>>
          %dma_start3A_88 = arith.constant 0 : i32
          %dma_start3A_89 = arith.constant 0 : i32
          %dma_start3A_90 = tpu.memref_slice %arg2[%dma_start3A_88, %dma_start3A_89] : memref<10000x128xf32, #tpu.memory_space<hbm>> -> memref<10000x128xf32, #tpu.memory_space<hbm>>
          tpu.enqueue_indirect_dma source(%dma_start3A_90 : memref<10000x128xf32, #tpu.memory_space<hbm>>) target(%arg11 : memref<128x128xf32, #tpu.memory_space<vmem>>) offsets(%dma_start3A_87 : memref<128xi32, #tpu.memory_space<vmem>>) semaphore(%arg17 : memref<!tpu.dma_semaphore, #tpu.memory_space<semaphore_mem>>)
          %add3A_91 = arith.constant 1 : i32
          %add3A_92 = arith.addi %add3A_46, %add3A_91 : i32
          %dma_start3A_93 = arith.constant 0 : i32
          %dma_start3A_94 = tpu.memref_slice %arg9[%add3A_92, %dma_start3A_93] : memref<20x128xi32, #tpu.memory_space<vmem>> -> memref<1x128xi32, #tpu.memory_space<vmem>>
          %dma_start3A_95 = tpu.memref_squeeze %dma_start3A_94 : memref<1x128xi32, #tpu.memory_space<vmem>> -> memref<128xi32, #tpu.memory_space<vmem>>
          %dma_start3A_96 = arith.constant 0 : i32
          %dma_start3A_97 = arith.constant 0 : i32
          %dma_start3A_98 = tpu.memref_slice %arg3[%dma_start3A_96, %dma_start3A_97] : memref<10000x128xf32, #tpu.memory_space<hbm>> -> memref<10000x128xf32, #tpu.memory_space<hbm>>
          tpu.enqueue_indirect_dma source(%dma_start3A_98 : memref<10000x128xf32, #tpu.memory_space<hbm>>) target(%arg12 : memref<128x128xf32, #tpu.memory_space<vmem>>) offsets(%dma_start3A_95 : memref<128xi32, #tpu.memory_space<vmem>>) semaphore(%arg17 : memref<!tpu.dma_semaphore, #tpu.memory_space<semaphore_mem>>)
        } else {
        }
        %ge3A = arith.constant 2 : i32
        %ge3A_71 = arith.cmpi sge, %add3A_46, %ge3A : i32
        %convert_element_type3A_72 = arith.extui %ge3A_71 : i1 to i32
        %cond3A_73 = arith.constant 0 : i32
        %cond3A_74 = arith.cmpi ne, %convert_element_type3A_72, %cond3A_73 : i32
        scf.if %cond3A_74 {
          %dma_wait3A_83 = arith.constant 0 : i32
          %dma_wait3A_84 = arith.constant 0 : i32
          %dma_wait3A_85 = tpu.memref_slice %arg7[%dma_wait3A_83, %dma_wait3A_84] : memref<80000x128xf32, #tpu.memory_space<hbm>> -> memref<128x128xf32, #tpu.memory_space<hbm>>
          %dma_wait3A_86 = arith.constant 0 : i32
          %dma_wait3A_87 = tpu.memref_slice %arg16[%mul3A_9, %dma_wait3A_86] : memref<2048x128xf32, #tpu.memory_space<vmem_shared>> -> memref<128x128xf32, #tpu.memory_space<vmem_shared>>
          tpu.wait_dma2 semaphore(%arg20 : memref<!tpu.dma_semaphore, #tpu.memory_space<semaphore_mem>>) src(%dma_wait3A_87 : memref<128x128xf32, #tpu.memory_space<vmem_shared>>) dst(%dma_wait3A_85 : memref<128x128xf32, #tpu.memory_space<hbm>>)
        } else {
        }
        "tpu.region"() ({
          %run_scoped3A_83 = tpu.sem_alloc : memref<!tpu.dma_semaphore, #tpu.memory_space<semaphore_mem>>
          %dma_start3A_84 = arith.constant 0 : i32
          %dma_start3A_85 = tpu.memref_slice %arg16[%mul3A_9, %dma_start3A_84] : memref<2048x128xf32, #tpu.memory_space<vmem_shared>> -> memref<128x128xf32, #tpu.memory_space<vmem_shared>>
          %dma_start3A_86 = arith.constant 0 : i32
          %dma_start3A_87 = tpu.memref_slice %arg16[%mul3A_9, %dma_start3A_86] : memref<2048x128xf32, #tpu.memory_space<vmem_shared>> -> memref<128x128xf32, #tpu.memory_space<vmem_shared>>
          tpu.enqueue_dma source(%arg13 : memref<128x128xf32, #tpu.memory_space<vmem>>) target(%dma_start3A_87 : memref<128x128xf32, #tpu.memory_space<vmem_shared>>) target_semaphore(%run_scoped3A_83 : memref<!tpu.dma_semaphore, #tpu.memory_space<semaphore_mem>>)
          %dma_wait3A_88 = arith.constant 0 : i32
          %dma_wait3A_89 = tpu.memref_slice %arg16[%mul3A_9, %dma_wait3A_88] : memref<2048x128xf32, #tpu.memory_space<vmem_shared>> -> memref<128x128xf32, #tpu.memory_space<vmem_shared>>
          %dma_wait3A_90 = arith.constant 0 : i32
          %dma_wait3A_91 = tpu.memref_slice %arg16[%mul3A_9, %dma_wait3A_90] : memref<2048x128xf32, #tpu.memory_space<vmem_shared>> -> memref<128x128xf32, #tpu.memory_space<vmem_shared>>
          tpu.wait_dma2 semaphore(%run_scoped3A_83 : memref<!tpu.dma_semaphore, #tpu.memory_space<semaphore_mem>>) src(%arg13 : memref<128x128xf32, #tpu.memory_space<vmem>>) dst(%dma_wait3A_91 : memref<128x128xf32, #tpu.memory_space<vmem_shared>>)
          tpu.yield
        }) : () -> ()
        %run_scoped3A_75 = arith.constant 0 : i32
        "tpu.region"() ({
          %run_scoped3A_83 = tpu.sem_alloc : memref<!tpu.dma_semaphore, #tpu.memory_space<semaphore_mem>>
          %dma_start3A_84 = arith.constant 0 : i32
          %dma_start3A_85 = tpu.memref_slice %arg10[%run_scoped3A_75, %dma_start3A_84] : memref<1x128xi32, #tpu.memory_space<vmem>> -> memref<1x128xi32, #tpu.memory_space<vmem>>
          %dma_start3A_86 = tpu.memref_squeeze %dma_start3A_85 : memref<1x128xi32, #tpu.memory_space<vmem>> -> memref<128xi32, #tpu.memory_space<vmem>>
          %dma_start3A_87 = arith.constant 0 : i32
          %dma_start3A_88 = arith.constant 0 : i32
          %dma_start3A_89 = tpu.memref_slice %arg16[%dma_start3A_87, %dma_start3A_88] : memref<2048x128xf32, #tpu.memory_space<vmem_shared>> -> memref<2048x128xf32, #tpu.memory_space<vmem_shared>>
          tpu.enqueue_indirect_dma source(%arg14 : memref<128x128xf32, #tpu.memory_space<vmem>>) target(%dma_start3A_89 : memref<2048x128xf32, #tpu.memory_space<vmem_shared>>) offsets(%dma_start3A_86 : memref<128xi32, #tpu.memory_space<vmem>>) semaphore(%run_scoped3A_83 : memref<!tpu.dma_semaphore, #tpu.memory_space<semaphore_mem>>) {add = true}
          %dma_wait3A_90 = arith.constant 0 : i32
          %dma_wait3A_91 = tpu.memref_slice %arg10[%run_scoped3A_75, %dma_wait3A_90] : memref<1x128xi32, #tpu.memory_space<vmem>> -> memref<1x128xi32, #tpu.memory_space<vmem>>
          %dma_wait3A_92 = tpu.memref_squeeze %dma_wait3A_91 : memref<1x128xi32, #tpu.memory_space<vmem>> -> memref<128xi32, #tpu.memory_space<vmem>>
          %dma_wait3A_93 = arith.constant 0 : i32
          %dma_wait3A_94 = arith.constant 0 : i32
          %dma_wait3A_95 = tpu.memref_slice %arg16[%dma_wait3A_93, %dma_wait3A_94] : memref<2048x128xf32, #tpu.memory_space<vmem_shared>> -> memref<2048x128xf32, #tpu.memory_space<vmem_shared>>
          tpu.wait_indirect_dma semaphore(%run_scoped3A_83 : memref<!tpu.dma_semaphore, #tpu.memory_space<semaphore_mem>>) src(%arg14 : memref<128x128xf32, #tpu.memory_space<vmem>>) dst(%dma_wait3A_95 : memref<2048x128xf32, #tpu.memory_space<vmem_shared>>)
          tpu.yield
        }) : () -> ()
        %add3A_76 = arith.addi %add3A_4, %add3A_46 : i32
        %mul3A_77 = arith.constant 128 : i32
        %mul3A_78 = arith.muli %add3A_76, %mul3A_77 : i32
        %dma_start3A_79 = arith.constant 0 : i32
        %dma_start3A_80 = tpu.memref_slice %arg7[%mul3A_78, %dma_start3A_79] : memref<80000x128xf32, #tpu.memory_space<hbm>> -> memref<128x128xf32, #tpu.memory_space<hbm>>
        %dma_start3A_81 = arith.constant 0 : i32
        %dma_start3A_82 = tpu.memref_slice %arg16[%mul3A_9, %dma_start3A_81] : memref<2048x128xf32, #tpu.memory_space<vmem_shared>> -> memref<128x128xf32, #tpu.memory_space<vmem_shared>>
        tpu.enqueue_dma source(%dma_start3A_82 : memref<128x128xf32, #tpu.memory_space<vmem_shared>>) target(%dma_start3A_80 : memref<128x128xf32, #tpu.memory_space<hbm>>) target_semaphore(%arg20 : memref<!tpu.dma_semaphore, #tpu.memory_space<semaphore_mem>>)
      } else {
      }
    }
    %scan3A_27 = arith.constant 11 : i32
    %dma_wait3A = arith.constant 0 : i32
    %dma_wait3A_28 = arith.constant 0 : i32
    %dma_wait3A_29 = tpu.memref_slice %arg7[%dma_wait3A, %dma_wait3A_28] : memref<80000x128xf32, #tpu.memory_space<hbm>> -> memref<128x128xf32, #tpu.memory_space<hbm>>
    %dma_wait3A_30 = arith.constant 0 : i32
    %dma_wait3A_31 = tpu.memref_slice %arg15[%mul3A_9, %dma_wait3A_30] : memref<2048x128xf32, #tpu.memory_space<vmem_shared>> -> memref<128x128xf32, #tpu.memory_space<vmem_shared>>
    tpu.wait_dma2 semaphore(%arg19 : memref<!tpu.dma_semaphore, #tpu.memory_space<semaphore_mem>>) src(%dma_wait3A_31 : memref<128x128xf32, #tpu.memory_space<vmem_shared>>) dst(%dma_wait3A_29 : memref<128x128xf32, #tpu.memory_space<hbm>>)
    %dma_wait3A_32 = arith.constant 0 : i32
    %dma_wait3A_33 = arith.constant 0 : i32
    %dma_wait3A_34 = tpu.memref_slice %arg7[%dma_wait3A_32, %dma_wait3A_33] : memref<80000x128xf32, #tpu.memory_space<hbm>> -> memref<128x128xf32, #tpu.memory_space<hbm>>
    %dma_wait3A_35 = arith.constant 0 : i32
    %dma_wait3A_36 = tpu.memref_slice %arg16[%mul3A_9, %dma_wait3A_35] : memref<2048x128xf32, #tpu.memory_space<vmem_shared>> -> memref<128x128xf32, #tpu.memory_space<vmem_shared>>
    tpu.wait_dma2 semaphore(%arg20 : memref<!tpu.dma_semaphore, #tpu.memory_space<semaphore_mem>>) src(%dma_wait3A_36 : memref<128x128xf32, #tpu.memory_space<vmem_shared>>) dst(%dma_wait3A_34 : memref<128x128xf32, #tpu.memory_space<hbm>>)
    return
  }
}

#map = affine_map<(d0, d1) -> (0, 0)>
#map1 = affine_map<(d0, d1) -> (0, 0, 0, 0)>
#map2 = affine_map<(d0, d1) -> (0, 0, 0)>
module attributes {stable_mosaic.version = 14 : i64} {
  func.func @k(%arg0: i32, %arg1: i32, %arg2: memref<10000x128xf32, #tpu.memory_space<hbm>>, %arg3: memref<10000x128xf32, #tpu.memory_space<hbm>>, %arg4: memref<4x32x20x128xi32, #tpu.memory_space<hbm>>, %arg5: memref<4x32x20x128xi32, #tpu.memory_space<hbm>>, %arg6: memref<16x1x128xi32, #tpu.memory_space<hbm>>, %arg7: memref<80000x128xf32, #tpu.memory_space<hbm>>, %arg8: memref<20x128xi32, #tpu.memory_space<vmem>>, %arg9: memref<20x128xi32, #tpu.memory_space<vmem>>, %arg10: memref<1x128xi32, #tpu.memory_space<vmem>>, %arg11: memref<128x128xf32, #tpu.memory_space<vmem>>, %arg12: memref<128x128xf32, #tpu.memory_space<vmem>>, %arg13: memref<128x128xf32, #tpu.memory_space<vmem>>, %arg14: memref<128x128xf32, #tpu.memory_space<vmem>>, %arg15: memref<2048x128xf32, #tpu.memory_space<vmem_shared>>, %arg16: memref<2048x128xf32, #tpu.memory_space<vmem_shared>>, %arg17: memref<!tpu.dma_semaphore, #tpu.memory_space<semaphore_mem>>, %arg18: memref<!tpu.dma_semaphore, #tpu.memory_space<semaphore_mem>>, %arg19: memref<!tpu.dma_semaphore, #tpu.memory_space<semaphore_mem>>, %arg20: memref<!tpu.dma_semaphore, #tpu.memory_space<semaphore_mem>>) attributes {dimension_semantics = [#tpu.dimension_semantics<core_parallel>, #tpu.dimension_semantics<subcore_parallel>], iteration_bounds = array<i64: 2, 16>, scalar_prefetch = 0 : i64, scratch_operands = 13 : i64, tpu.core_type = #tpu.core_type<sc_vector_subcore>, window_params = [{transform_indices = #map}, {transform_indices = #map}, {transform_indices = #map1}, {transform_indices = #map1}, {transform_indices = #map2}, {transform_indices = #map}]} {
    %mul3A = arith.constant 2 : i32
    %mul3A_0 = arith.muli %arg1, %mul3A : i32
    %add3A = arith.addi %mul3A_0, %arg0 : i32
    %mul3A_1 = arith.constant 19 : i32
    %mul3A_2 = arith.muli %add3A, %mul3A_1 : i32
    %min3A = arith.constant 17 : i32
    %min3A_3 = arith.minsi %add3A, %min3A : i32
    %add3A_4 = arith.addi %mul3A_2, %min3A_3 : i32
    %lt3A = arith.constant 17 : i32
    %lt3A_5 = arith.cmpi slt, %add3A, %lt3A : i32
    %convert_element_type3A = arith.extui %lt3A_5 : i1 to i32
    %add3A_6 = arith.constant 19 : i32
    %add3A_7 = arith.addi %add3A_6, %convert_element_type3A : i32
    %mul3A_8 = arith.constant 128 : i32
    %mul3A_9 = arith.muli %arg1, %mul3A_8 : i32
    %run_scoped3A = arith.constant 2 : i32
    "tpu.region"() ({
      %run_scoped3A_37 = tpu.sem_alloc : memref<!tpu.dma_semaphore, #tpu.memory_space<semaphore_mem>>
      %dma_start3A_38 = arith.constant 0 : i32
      %dma_start3A_39 = arith.constant 0 : i32
      %dma_start3A_40 = tpu.memref_slice %arg4[%run_scoped3A, %add3A, %dma_start3A_38, %dma_start3A_39] : memref<4x32x20x128xi32, #tpu.memory_space<hbm>> -> memref<1x1x20x128xi32, #tpu.memory_space<hbm>>
      %dma_start3A_41 = tpu.memref_squeeze %dma_start3A_40 : memref<1x1x20x128xi32, #tpu.memory_space<hbm>> -> memref<20x128xi32, #tpu.memory_space<hbm>>
      %dma_start3A_42 = arith.constant 0 : i32
      %dma_start3A_43 = arith.constant 0 : i32
      %dma_start3A_44 = tpu.memref_slice %arg4[%run_scoped3A, %add3A, %dma_start3A_42, %dma_start3A_43] : memref<4x32x20x128xi32, #tpu.memory_space<hbm>> -> memref<1x1x20x128xi32, #tpu.memory_space<hbm>>
      %dma_start3A_45 = tpu.memref_squeeze %dma_start3A_44 : memref<1x1x20x128xi32, #tpu.memory_space<hbm>> -> memref<20x128xi32, #tpu.memory_space<hbm>>
      tpu.enqueue_dma source(%dma_start3A_45 : memref<20x128xi32, #tpu.memory_space<hbm>>) target(%arg8 : memref<20x128xi32, #tpu.memory_space<vmem>>) target_semaphore(%run_scoped3A_37 : memref<!tpu.dma_semaphore, #tpu.memory_space<semaphore_mem>>)
      %dma_wait3A_46 = arith.constant 0 : i32
      %dma_wait3A_47 = arith.constant 0 : i32
      %dma_wait3A_48 = tpu.memref_slice %arg4[%run_scoped3A, %add3A, %dma_wait3A_46, %dma_wait3A_47] : memref<4x32x20x128xi32, #tpu.memory_space<hbm>> -> memref<1x1x20x128xi32, #tpu.memory_space<hbm>>
      %dma_wait3A_49 = tpu.memref_squeeze %dma_wait3A_48 : memref<1x1x20x128xi32, #tpu.memory_space<hbm>> -> memref<20x128xi32, #tpu.memory_space<hbm>>
      %dma_wait3A_50 = arith.constant 0 : i32
      %dma_wait3A_51 = arith.constant 0 : i32
      %dma_wait3A_52 = tpu.memref_slice %arg4[%run_scoped3A, %add3A, %dma_wait3A_50, %dma_wait3A_51] : memref<4x32x20x128xi32, #tpu.memory_space<hbm>> -> memref<1x1x20x128xi32, #tpu.memory_space<hbm>>
      %dma_wait3A_53 = tpu.memref_squeeze %dma_wait3A_52 : memref<1x1x20x128xi32, #tpu.memory_space<hbm>> -> memref<20x128xi32, #tpu.memory_space<hbm>>
      tpu.wait_dma2 semaphore(%run_scoped3A_37 : memref<!tpu.dma_semaphore, #tpu.memory_space<semaphore_mem>>) src(%dma_wait3A_53 : memref<20x128xi32, #tpu.memory_space<hbm>>) dst(%arg8 : memref<20x128xi32, #tpu.memory_space<vmem>>)
      tpu.yield
    }) : () -> ()
    %run_scoped3A_10 = arith.constant 2 : i32
    "tpu.region"() ({
      %run_scoped3A_37 = tpu.sem_alloc : memref<!tpu.dma_semaphore, #tpu.memory_space<semaphore_mem>>
      %dma_start3A_38 = arith.constant 0 : i32
      %dma_start3A_39 = arith.constant 0 : i32
      %dma_start3A_40 = tpu.memref_slice %arg5[%run_scoped3A_10, %add3A, %dma_start3A_38, %dma_start3A_39] : memref<4x32x20x128xi32, #tpu.memory_space<hbm>> -> memref<1x1x20x128xi32, #tpu.memory_space<hbm>>
      %dma_start3A_41 = tpu.memref_squeeze %dma_start3A_40 : memref<1x1x20x128xi32, #tpu.memory_space<hbm>> -> memref<20x128xi32, #tpu.memory_space<hbm>>
      %dma_start3A_42 = arith.constant 0 : i32
      %dma_start3A_43 = arith.constant 0 : i32
      %dma_start3A_44 = tpu.memref_slice %arg5[%run_scoped3A_10, %add3A, %dma_start3A_42, %dma_start3A_43] : memref<4x32x20x128xi32, #tpu.memory_space<hbm>> -> memref<1x1x20x128xi32, #tpu.memory_space<hbm>>
      %dma_start3A_45 = tpu.memref_squeeze %dma_start3A_44 : memref<1x1x20x128xi32, #tpu.memory_space<hbm>> -> memref<20x128xi32, #tpu.memory_space<hbm>>
      tpu.enqueue_dma source(%dma_start3A_45 : memref<20x128xi32, #tpu.memory_space<hbm>>) target(%arg9 : memref<20x128xi32, #tpu.memory_space<vmem>>) target_semaphore(%run_scoped3A_37 : memref<!tpu.dma_semaphore, #tpu.memory_space<semaphore_mem>>)
      %dma_wait3A_46 = arith.constant 0 : i32
      %dma_wait3A_47 = arith.constant 0 : i32
      %dma_wait3A_48 = tpu.memref_slice %arg5[%run_scoped3A_10, %add3A, %dma_wait3A_46, %dma_wait3A_47] : memref<4x32x20x128xi32, #tpu.memory_space<hbm>> -> memref<1x1x20x128xi32, #tpu.memory_space<hbm>>
      %dma_wait3A_49 = tpu.memref_squeeze %dma_wait3A_48 : memref<1x1x20x128xi32, #tpu.memory_space<hbm>> -> memref<20x128xi32, #tpu.memory_space<hbm>>
      %dma_wait3A_50 = arith.constant 0 : i32
      %dma_wait3A_51 = arith.constant 0 : i32
      %dma_wait3A_52 = tpu.memref_slice %arg5[%run_scoped3A_10, %add3A, %dma_wait3A_50, %dma_wait3A_51] : memref<4x32x20x128xi32, #tpu.memory_space<hbm>> -> memref<1x1x20x128xi32, #tpu.memory_space<hbm>>
      %dma_wait3A_53 = tpu.memref_squeeze %dma_wait3A_52 : memref<1x1x20x128xi32, #tpu.memory_space<hbm>> -> memref<20x128xi32, #tpu.memory_space<hbm>>
      tpu.wait_dma2 semaphore(%run_scoped3A_37 : memref<!tpu.dma_semaphore, #tpu.memory_space<semaphore_mem>>) src(%dma_wait3A_53 : memref<20x128xi32, #tpu.memory_space<hbm>>) dst(%arg9 : memref<20x128xi32, #tpu.memory_space<vmem>>)
      tpu.yield
    }) : () -> ()
    "tpu.region"() ({
      %run_scoped3A_37 = tpu.sem_alloc : memref<!tpu.dma_semaphore, #tpu.memory_space<semaphore_mem>>
      %dma_start3A_38 = arith.constant 0 : i32
      %dma_start3A_39 = arith.constant 0 : i32
      %dma_start3A_40 = tpu.memref_slice %arg6[%arg1, %dma_start3A_38, %dma_start3A_39] : memref<16x1x128xi32, #tpu.memory_space<hbm>> -> memref<1x1x128xi32, #tpu.memory_space<hbm>>
      %dma_start3A_41 = tpu.memref_squeeze %dma_start3A_40 : memref<1x1x128xi32, #tpu.memory_space<hbm>> -> memref<1x128xi32, #tpu.memory_space<hbm>>
      %dma_start3A_42 = arith.constant 0 : i32
      %dma_start3A_43 = arith.constant 0 : i32
      %dma_start3A_44 = tpu.memref_slice %arg6[%arg1, %dma_start3A_42, %dma_start3A_43] : memref<16x1x128xi32, #tpu.memory_space<hbm>> -> memref<1x1x128xi32, #tpu.memory_space<hbm>>
      %dma_start3A_45 = tpu.memref_squeeze %dma_start3A_44 : memref<1x1x128xi32, #tpu.memory_space<hbm>> -> memref<1x128xi32, #tpu.memory_space<hbm>>
      tpu.enqueue_dma source(%dma_start3A_45 : memref<1x128xi32, #tpu.memory_space<hbm>>) target(%arg10 : memref<1x128xi32, #tpu.memory_space<vmem>>) target_semaphore(%run_scoped3A_37 : memref<!tpu.dma_semaphore, #tpu.memory_space<semaphore_mem>>)
      %dma_wait3A_46 = arith.constant 0 : i32
      %dma_wait3A_47 = arith.constant 0 : i32
      %dma_wait3A_48 = tpu.memref_slice %arg6[%arg1, %dma_wait3A_46, %dma_wait3A_47] : memref<16x1x128xi32, #tpu.memory_space<hbm>> -> memref<1x1x128xi32, #tpu.memory_space<hbm>>
      %dma_wait3A_49 = tpu.memref_squeeze %dma_wait3A_48 : memref<1x1x128xi32, #tpu.memory_space<hbm>> -> memref<1x128xi32, #tpu.memory_space<hbm>>
      %dma_wait3A_50 = arith.constant 0 : i32
      %dma_wait3A_51 = arith.constant 0 : i32
      %dma_wait3A_52 = tpu.memref_slice %arg6[%arg1, %dma_wait3A_50, %dma_wait3A_51] : memref<16x1x128xi32, #tpu.memory_space<hbm>> -> memref<1x1x128xi32, #tpu.memory_space<hbm>>
      %dma_wait3A_53 = tpu.memref_squeeze %dma_wait3A_52 : memref<1x1x128xi32, #tpu.memory_space<hbm>> -> memref<1x128xi32, #tpu.memory_space<hbm>>
      tpu.wait_dma2 semaphore(%run_scoped3A_37 : memref<!tpu.dma_semaphore, #tpu.memory_space<semaphore_mem>>) src(%dma_wait3A_53 : memref<1x128xi32, #tpu.memory_space<hbm>>) dst(%arg10 : memref<1x128xi32, #tpu.memory_space<vmem>>)
      tpu.yield
    }) : () -> ()
    %dma_start3A = arith.constant 0 : i32
    %dma_start3A_11 = arith.constant 0 : i32
    %dma_start3A_12 = tpu.memref_slice %arg8[%dma_start3A, %dma_start3A_11] : memref<20x128xi32, #tpu.memory_space<vmem>> -> memref<1x128xi32, #tpu.memory_space<vmem>>
    %dma_start3A_13 = tpu.memref_squeeze %dma_start3A_12 : memref<1x128xi32, #tpu.memory_space<vmem>> -> memref<128xi32, #tpu.memory_space<vmem>>
    %dma_start3A_14 = arith.constant 0 : i32
    %dma_start3A_15 = arith.constant 0 : i32
    %dma_start3A_16 = tpu.memref_slice %arg2[%dma_start3A_14, %dma_start3A_15] : memref<10000x128xf32, #tpu.memory_space<hbm>> -> memref<10000x128xf32, #tpu.memory_space<hbm>>
    tpu.enqueue_indirect_dma source(%dma_start3A_16 : memref<10000x128xf32, #tpu.memory_space<hbm>>) target(%arg11 : memref<128x128xf32, #tpu.memory_space<vmem>>) offsets(%dma_start3A_13 : memref<128xi32, #tpu.memory_space<vmem>>) semaphore(%arg17 : memref<!tpu.dma_semaphore, #tpu.memory_space<semaphore_mem>>)
    %dma_start3A_17 = arith.constant 0 : i32
    %dma_start3A_18 = arith.constant 0 : i32
    %dma_start3A_19 = tpu.memref_slice %arg9[%dma_start3A_17, %dma_start3A_18] : memref<20x128xi32, #tpu.memory_space<vmem>> -> memref<1x128xi32, #tpu.memory_space<vmem>>
    %dma_start3A_20 = tpu.memref_squeeze %dma_start3A_19 : memref<1x128xi32, #tpu.memory_space<vmem>> -> memref<128xi32, #tpu.memory_space<vmem>>
    %dma_start3A_21 = arith.constant 0 : i32
    %dma_start3A_22 = arith.constant 0 : i32
    %dma_start3A_23 = tpu.memref_slice %arg3[%dma_start3A_21, %dma_start3A_22] : memref<10000x128xf32, #tpu.memory_space<hbm>> -> memref<10000x128xf32, #tpu.memory_space<hbm>>
    tpu.enqueue_indirect_dma source(%dma_start3A_23 : memref<10000x128xf32, #tpu.memory_space<hbm>>) target(%arg12 : memref<128x128xf32, #tpu.memory_space<vmem>>) offsets(%dma_start3A_20 : memref<128xi32, #tpu.memory_space<vmem>>) semaphore(%arg17 : memref<!tpu.dma_semaphore, #tpu.memory_space<semaphore_mem>>)
    %scan3A = arith.constant 0 : i32
    %scan3A_24 = arith.constant 11 : i32
    %scan3A_25 = arith.addi %scan3A, %scan3A_24 : i32
    %scan3A_26 = arith.constant 1 : i32
    scf.for %scan3A_37 = %scan3A to %scan3A_25 step %scan3A_26  : i32 {
      %mul3A_38 = arith.constant 2 : i32
      %mul3A_39 = arith.muli %scan3A_37, %mul3A_38 : i32
      %add3A_40 = arith.constant 0 : i32
      %add3A_41 = arith.addi %add3A_40, %mul3A_39 : i32
      %lt3A_42 = arith.cmpi slt, %add3A_41, %add3A_7 : i32
      %convert_element_type3A_43 = arith.extui %lt3A_42 : i1 to i32
      %cond3A = arith.constant 0 : i32
      %cond3A_44 = arith.cmpi ne, %convert_element_type3A_43, %cond3A : i32
      scf.if %cond3A_44 {
        %dma_wait3A_51 = arith.constant 0 : i32
        %dma_wait3A_52 = arith.constant 0 : i32
        %dma_wait3A_53 = tpu.memref_slice %arg8[%dma_wait3A_51, %dma_wait3A_52] : memref<20x128xi32, #tpu.memory_space<vmem>> -> memref<1x128xi32, #tpu.memory_space<vmem>>
        %dma_wait3A_54 = tpu.memref_squeeze %dma_wait3A_53 : memref<1x128xi32, #tpu.memory_space<vmem>> -> memref<128xi32, #tpu.memory_space<vmem>>
        %dma_wait3A_55 = arith.constant 0 : i32
        %dma_wait3A_56 = arith.constant 0 : i32
        %dma_wait3A_57 = tpu.memref_slice %arg2[%dma_wait3A_55, %dma_wait3A_56] : memref<10000x128xf32, #tpu.memory_space<hbm>> -> memref<10000x128xf32, #tpu.memory_space<hbm>>
        tpu.wait_indirect_dma semaphore(%arg17 : memref<!tpu.dma_semaphore, #tpu.memory_space<semaphore_mem>>) src(%dma_wait3A_57 : memref<10000x128xf32, #tpu.memory_space<hbm>>) dst(%arg11 : memref<128x128xf32, #tpu.memory_space<vmem>>)
        %dma_wait3A_58 = arith.constant 0 : i32
        %dma_wait3A_59 = arith.constant 0 : i32
        %dma_wait3A_60 = tpu.memref_slice %arg9[%dma_wait3A_58, %dma_wait3A_59] : memref<20x128xi32, #tpu.memory_space<vmem>> -> memref<1x128xi32, #tpu.memory_space<vmem>>
        %dma_wait3A_61 = tpu.memref_squeeze %dma_wait3A_60 : memref<1x128xi32, #tpu.memory_space<vmem>> -> memref<128xi32, #tpu.memory_space<vmem>>
        %dma_wait3A_62 = arith.constant 0 : i32
        %dma_wait3A_63 = arith.constant 0 : i32
        %dma_wait3A_64 = tpu.memref_slice %arg3[%dma_wait3A_62, %dma_wait3A_63] : memref<10000x128xf32, #tpu.memory_space<hbm>> -> memref<10000x128xf32, #tpu.memory_space<hbm>>
        tpu.wait_indirect_dma semaphore(%arg17 : memref<!tpu.dma_semaphore, #tpu.memory_space<semaphore_mem>>) src(%dma_wait3A_64 : memref<10000x128xf32, #tpu.memory_space<hbm>>) dst(%arg12 : memref<128x128xf32, #tpu.memory_space<vmem>>)
        %add3A_65 = arith.constant 1 : i32
        %add3A_66 = arith.addi %add3A_41, %add3A_65 : i32
        %lt3A_67 = arith.cmpi slt, %add3A_66, %add3A_7 : i32
        %convert_element_type3A_68 = arith.extui %lt3A_67 : i1 to i32
        %cond3A_69 = arith.constant 0 : i32
        %cond3A_70 = arith.cmpi ne, %convert_element_type3A_68, %cond3A_69 : i32
        scf.if %cond3A_70 {
          %add3A_83 = arith.constant 1 : i32
          %add3A_84 = arith.addi %add3A_41, %add3A_83 : i32
          %dma_start3A_85 = arith.constant 0 : i32
          %dma_start3A_86 = tpu.memref_slice %arg8[%add3A_84, %dma_start3A_85] : memref<20x128xi32, #tpu.memory_space<vmem>> -> memref<1x128xi32, #tpu.memory_space<vmem>>
          %dma_start3A_87 = tpu.memref_squeeze %dma_start3A_86 : memref<1x128xi32, #tpu.memory_space<vmem>> -> memref<128xi32, #tpu.memory_space<vmem>>
          %dma_start3A_88 = arith.constant 0 : i32
          %dma_start3A_89 = arith.constant 0 : i32
          %dma_start3A_90 = tpu.memref_slice %arg2[%dma_start3A_88, %dma_start3A_89] : memref<10000x128xf32, #tpu.memory_space<hbm>> -> memref<10000x128xf32, #tpu.memory_space<hbm>>
          tpu.enqueue_indirect_dma source(%dma_start3A_90 : memref<10000x128xf32, #tpu.memory_space<hbm>>) target(%arg13 : memref<128x128xf32, #tpu.memory_space<vmem>>) offsets(%dma_start3A_87 : memref<128xi32, #tpu.memory_space<vmem>>) semaphore(%arg18 : memref<!tpu.dma_semaphore, #tpu.memory_space<semaphore_mem>>)
          %add3A_91 = arith.constant 1 : i32
          %add3A_92 = arith.addi %add3A_41, %add3A_91 : i32
          %dma_start3A_93 = arith.constant 0 : i32
          %dma_start3A_94 = tpu.memref_slice %arg9[%add3A_92, %dma_start3A_93] : memref<20x128xi32, #tpu.memory_space<vmem>> -> memref<1x128xi32, #tpu.memory_space<vmem>>
          %dma_start3A_95 = tpu.memref_squeeze %dma_start3A_94 : memref<1x128xi32, #tpu.memory_space<vmem>> -> memref<128xi32, #tpu.memory_space<vmem>>
          %dma_start3A_96 = arith.constant 0 : i32
          %dma_start3A_97 = arith.constant 0 : i32
          %dma_start3A_98 = tpu.memref_slice %arg3[%dma_start3A_96, %dma_start3A_97] : memref<10000x128xf32, #tpu.memory_space<hbm>> -> memref<10000x128xf32, #tpu.memory_space<hbm>>
          tpu.enqueue_indirect_dma source(%dma_start3A_98 : memref<10000x128xf32, #tpu.memory_space<hbm>>) target(%arg14 : memref<128x128xf32, #tpu.memory_space<vmem>>) offsets(%dma_start3A_95 : memref<128xi32, #tpu.memory_space<vmem>>) semaphore(%arg18 : memref<!tpu.dma_semaphore, #tpu.memory_space<semaphore_mem>>)
        } else {
        }
        %ge3A = arith.constant 2 : i32
        %ge3A_71 = arith.cmpi sge, %add3A_41, %ge3A : i32
        %convert_element_type3A_72 = arith.extui %ge3A_71 : i1 to i32
        %cond3A_73 = arith.constant 0 : i32
        %cond3A_74 = arith.cmpi ne, %convert_element_type3A_72, %cond3A_73 : i32
        scf.if %cond3A_74 {
          %dma_wait3A_83 = arith.constant 0 : i32
          %dma_wait3A_84 = arith.constant 0 : i32
          %dma_wait3A_85 = tpu.memref_slice %arg7[%dma_wait3A_83, %dma_wait3A_84] : memref<80000x128xf32, #tpu.memory_space<hbm>> -> memref<128x128xf32, #tpu.memory_space<hbm>>
          %dma_wait3A_86 = arith.constant 0 : i32
          %dma_wait3A_87 = tpu.memref_slice %arg15[%mul3A_9, %dma_wait3A_86] : memref<2048x128xf32, #tpu.memory_space<vmem_shared>> -> memref<128x128xf32, #tpu.memory_space<vmem_shared>>
          tpu.wait_dma2 semaphore(%arg19 : memref<!tpu.dma_semaphore, #tpu.memory_space<semaphore_mem>>) src(%dma_wait3A_87 : memref<128x128xf32, #tpu.memory_space<vmem_shared>>) dst(%dma_wait3A_85 : memref<128x128xf32, #tpu.memory_space<hbm>>)
        } else {
        }
        "tpu.region"() ({
          %run_scoped3A_83 = tpu.sem_alloc : memref<!tpu.dma_semaphore, #tpu.memory_space<semaphore_mem>>
          %dma_start3A_84 = arith.constant 0 : i32
          %dma_start3A_85 = tpu.memref_slice %arg15[%mul3A_9, %dma_start3A_84] : memref<2048x128xf32, #tpu.memory_space<vmem_shared>> -> memref<128x128xf32, #tpu.memory_space<vmem_shared>>
          %dma_start3A_86 = arith.constant 0 : i32
          %dma_start3A_87 = tpu.memref_slice %arg15[%mul3A_9, %dma_start3A_86] : memref<2048x128xf32, #tpu.memory_space<vmem_shared>> -> memref<128x128xf32, #tpu.memory_space<vmem_shared>>
          tpu.enqueue_dma source(%arg11 : memref<128x128xf32, #tpu.memory_space<vmem>>) target(%dma_start3A_87 : memref<128x128xf32, #tpu.memory_space<vmem_shared>>) target_semaphore(%run_scoped3A_83 : memref<!tpu.dma_semaphore, #tpu.memory_space<semaphore_mem>>)
          %dma_wait3A_88 = arith.constant 0 : i32
          %dma_wait3A_89 = tpu.memref_slice %arg15[%mul3A_9, %dma_wait3A_88] : memref<2048x128xf32, #tpu.memory_space<vmem_shared>> -> memref<128x128xf32, #tpu.memory_space<vmem_shared>>
          %dma_wait3A_90 = arith.constant 0 : i32
          %dma_wait3A_91 = tpu.memref_slice %arg15[%mul3A_9, %dma_wait3A_90] : memref<2048x128xf32, #tpu.memory_space<vmem_shared>> -> memref<128x128xf32, #tpu.memory_space<vmem_shared>>
          tpu.wait_dma2 semaphore(%run_scoped3A_83 : memref<!tpu.dma_semaphore, #tpu.memory_space<semaphore_mem>>) src(%arg11 : memref<128x128xf32, #tpu.memory_space<vmem>>) dst(%dma_wait3A_91 : memref<128x128xf32, #tpu.memory_space<vmem_shared>>)
          tpu.yield
        }) : () -> ()
        %run_scoped3A_75 = arith.constant 0 : i32
        "tpu.region"() ({
          %run_scoped3A_83 = tpu.sem_alloc : memref<!tpu.dma_semaphore, #tpu.memory_space<semaphore_mem>>
          %dma_start3A_84 = arith.constant 0 : i32
          %dma_start3A_85 = tpu.memref_slice %arg10[%run_scoped3A_75, %dma_start3A_84] : memref<1x128xi32, #tpu.memory_space<vmem>> -> memref<1x128xi32, #tpu.memory_space<vmem>>
          %dma_start3A_86 = tpu.memref_squeeze %dma_start3A_85 : memref<1x128xi32, #tpu.memory_space<vmem>> -> memref<128xi32, #tpu.memory_space<vmem>>
          %dma_start3A_87 = arith.constant 0 : i32
          %dma_start3A_88 = arith.constant 0 : i32
          %dma_start3A_89 = tpu.memref_slice %arg15[%dma_start3A_87, %dma_start3A_88] : memref<2048x128xf32, #tpu.memory_space<vmem_shared>> -> memref<2048x128xf32, #tpu.memory_space<vmem_shared>>
          tpu.enqueue_indirect_dma source(%arg12 : memref<128x128xf32, #tpu.memory_space<vmem>>) target(%dma_start3A_89 : memref<2048x128xf32, #tpu.memory_space<vmem_shared>>) offsets(%dma_start3A_86 : memref<128xi32, #tpu.memory_space<vmem>>) semaphore(%run_scoped3A_83 : memref<!tpu.dma_semaphore, #tpu.memory_space<semaphore_mem>>) {add = true}
          %dma_wait3A_90 = arith.constant 0 : i32
          %dma_wait3A_91 = tpu.memref_slice %arg10[%run_scoped3A_75, %dma_wait3A_90] : memref<1x128xi32, #tpu.memory_space<vmem>> -> memref<1x128xi32, #tpu.memory_space<vmem>>
          %dma_wait3A_92 = tpu.memref_squeeze %dma_wait3A_91 : memref<1x128xi32, #tpu.memory_space<vmem>> -> memref<128xi32, #tpu.memory_space<vmem>>
          %dma_wait3A_93 = arith.constant 0 : i32
          %dma_wait3A_94 = arith.constant 0 : i32
          %dma_wait3A_95 = tpu.memref_slice %arg15[%dma_wait3A_93, %dma_wait3A_94] : memref<2048x128xf32, #tpu.memory_space<vmem_shared>> -> memref<2048x128xf32, #tpu.memory_space<vmem_shared>>
          tpu.wait_indirect_dma semaphore(%run_scoped3A_83 : memref<!tpu.dma_semaphore, #tpu.memory_space<semaphore_mem>>) src(%arg12 : memref<128x128xf32, #tpu.memory_space<vmem>>) dst(%dma_wait3A_95 : memref<2048x128xf32, #tpu.memory_space<vmem_shared>>)
          tpu.yield
        }) : () -> ()
        %add3A_76 = arith.addi %add3A_4, %add3A_41 : i32
        %mul3A_77 = arith.constant 128 : i32
        %mul3A_78 = arith.muli %add3A_76, %mul3A_77 : i32
        %dma_start3A_79 = arith.constant 0 : i32
        %dma_start3A_80 = tpu.memref_slice %arg7[%mul3A_78, %dma_start3A_79] : memref<80000x128xf32, #tpu.memory_space<hbm>> -> memref<128x128xf32, #tpu.memory_space<hbm>>
        %dma_start3A_81 = arith.constant 0 : i32
        %dma_start3A_82 = tpu.memref_slice %arg15[%mul3A_9, %dma_start3A_81] : memref<2048x128xf32, #tpu.memory_space<vmem_shared>> -> memref<128x128xf32, #tpu.memory_space<vmem_shared>>
        tpu.enqueue_dma source(%dma_start3A_82 : memref<128x128xf32, #tpu.memory_space<vmem_shared>>) target(%dma_start3A_80 : memref<128x128xf32, #tpu.memory_space<hbm>>) target_semaphore(%arg19 : memref<!tpu.dma_semaphore, #tpu.memory_space<semaphore_mem>>)
      } else {
      }
      %add3A_45 = arith.constant 1 : i32
      %add3A_46 = arith.addi %add3A_41, %add3A_45 : i32
      %lt3A_47 = arith.cmpi slt, %add3A_46, %add3A_7 : i32
      %convert_element_type3A_48 = arith.extui %lt3A_47 : i1 to i32
      %cond3A_49 = arith.constant 0 : i32
      %cond3A_50 = arith.cmpi ne, %convert_element_type3A_48, %cond3A_49 : i32
      scf.if %cond3A_50 {
        %dma_wait3A_51 = arith.constant 0 : i32
        %dma_wait3A_52 = arith.constant 0 : i32
        %dma_wait3A_53 = tpu.memref_slice %arg8[%dma_wait3A_51, %dma_wait3A_52] : memref<20x128xi32, #tpu.memory_space<vmem>> -> memref<1x128xi32, #tpu.memory_space<vmem>>
        %dma_wait3A_54 = tpu.memref_squeeze %dma_wait3A_53 : memref<1x128xi32, #tpu.memory_space<vmem>> -> memref<128xi32, #tpu.memory_space<vmem>>
        %dma_wait3A_55 = arith.constant 0 : i32
        %dma_wait3A_56 = arith.constant 0 : i32
        %dma_wait3A_57 = tpu.memref_slice %arg2[%dma_wait3A_55, %dma_wait3A_56] : memref<10000x128xf32, #tpu.memory_space<hbm>> -> memref<10000x128xf32, #tpu.memory_space<hbm>>
        tpu.wait_indirect_dma semaphore(%arg18 : memref<!tpu.dma_semaphore, #tpu.memory_space<semaphore_mem>>) src(%dma_wait3A_57 : memref<10000x128xf32, #tpu.memory_space<hbm>>) dst(%arg13 : memref<128x128xf32, #tpu.memory_space<vmem>>)
        %dma_wait3A_58 = arith.constant 0 : i32
        %dma_wait3A_59 = arith.constant 0 : i32
        %dma_wait3A_60 = tpu.memref_slice %arg9[%dma_wait3A_58, %dma_wait3A_59] : memref<20x128xi32, #tpu.memory_space<vmem>> -> memref<1x128xi32, #tpu.memory_space<vmem>>
        %dma_wait3A_61 = tpu.memref_squeeze %dma_wait3A_60 : memref<1x128xi32, #tpu.memory_space<vmem>> -> memref<128xi32, #tpu.memory_space<vmem>>
        %dma_wait3A_62 = arith.constant 0 : i32
        %dma_wait3A_63 = arith.constant 0 : i32
        %dma_wait3A_64 = tpu.memref_slice %arg3[%dma_wait3A_62, %dma_wait3A_63] : memref<10000x128xf32, #tpu.memory_space<hbm>> -> memref<10000x128xf32, #tpu.memory_space<hbm>>
        tpu.wait_indirect_dma semaphore(%arg18 : memref<!tpu.dma_semaphore, #tpu.memory_space<semaphore_mem>>) src(%dma_wait3A_64 : memref<10000x128xf32, #tpu.memory_space<hbm>>) dst(%arg14 : memref<128x128xf32, #tpu.memory_space<vmem>>)
        %add3A_65 = arith.constant 1 : i32
        %add3A_66 = arith.addi %add3A_46, %add3A_65 : i32
        %lt3A_67 = arith.cmpi slt, %add3A_66, %add3A_7 : i32
        %convert_element_type3A_68 = arith.extui %lt3A_67 : i1 to i32
        %cond3A_69 = arith.constant 0 : i32
        %cond3A_70 = arith.cmpi ne, %convert_element_type3A_68, %cond3A_69 : i32
        scf.if %cond3A_70 {
          %add3A_83 = arith.constant 1 : i32
          %add3A_84 = arith.addi %add3A_46, %add3A_83 : i32
          %dma_start3A_85 = arith.constant 0 : i32
          %dma_start3A_86 = tpu.memref_slice %arg8[%add3A_84, %dma_start3A_85] : memref<20x128xi32, #tpu.memory_space<vmem>> -> memref<1x128xi32, #tpu.memory_space<vmem>>
          %dma_start3A_87 = tpu.memref_squeeze %dma_start3A_86 : memref<1x128xi32, #tpu.memory_space<vmem>> -> memref<128xi32, #tpu.memory_space<vmem>>
          %dma_start3A_88 = arith.constant 0 : i32
          %dma_start3A_89 = arith.constant 0 : i32
          %dma_start3A_90 = tpu.memref_slice %arg2[%dma_start3A_88, %dma_start3A_89] : memref<10000x128xf32, #tpu.memory_space<hbm>> -> memref<10000x128xf32, #tpu.memory_space<hbm>>
          tpu.enqueue_indirect_dma source(%dma_start3A_90 : memref<10000x128xf32, #tpu.memory_space<hbm>>) target(%arg11 : memref<128x128xf32, #tpu.memory_space<vmem>>) offsets(%dma_start3A_87 : memref<128xi32, #tpu.memory_space<vmem>>) semaphore(%arg17 : memref<!tpu.dma_semaphore, #tpu.memory_space<semaphore_mem>>)
          %add3A_91 = arith.constant 1 : i32
          %add3A_92 = arith.addi %add3A_46, %add3A_91 : i32
          %dma_start3A_93 = arith.constant 0 : i32
          %dma_start3A_94 = tpu.memref_slice %arg9[%add3A_92, %dma_start3A_93] : memref<20x128xi32, #tpu.memory_space<vmem>> -> memref<1x128xi32, #tpu.memory_space<vmem>>
          %dma_start3A_95 = tpu.memref_squeeze %dma_start3A_94 : memref<1x128xi32, #tpu.memory_space<vmem>> -> memref<128xi32, #tpu.memory_space<vmem>>
          %dma_start3A_96 = arith.constant 0 : i32
          %dma_start3A_97 = arith.constant 0 : i32
          %dma_start3A_98 = tpu.memref_slice %arg3[%dma_start3A_96, %dma_start3A_97] : memref<10000x128xf32, #tpu.memory_space<hbm>> -> memref<10000x128xf32, #tpu.memory_space<hbm>>
          tpu.enqueue_indirect_dma source(%dma_start3A_98 : memref<10000x128xf32, #tpu.memory_space<hbm>>) target(%arg12 : memref<128x128xf32, #tpu.memory_space<vmem>>) offsets(%dma_start3A_95 : memref<128xi32, #tpu.memory_space<vmem>>) semaphore(%arg17 : memref<!tpu.dma_semaphore, #tpu.memory_space<semaphore_mem>>)
        } else {
        }
        %ge3A = arith.constant 2 : i32
        %ge3A_71 = arith.cmpi sge, %add3A_46, %ge3A : i32
        %convert_element_type3A_72 = arith.extui %ge3A_71 : i1 to i32
        %cond3A_73 = arith.constant 0 : i32
        %cond3A_74 = arith.cmpi ne, %convert_element_type3A_72, %cond3A_73 : i32
        scf.if %cond3A_74 {
          %dma_wait3A_83 = arith.constant 0 : i32
          %dma_wait3A_84 = arith.constant 0 : i32
          %dma_wait3A_85 = tpu.memref_slice %arg7[%dma_wait3A_83, %dma_wait3A_84] : memref<80000x128xf32, #tpu.memory_space<hbm>> -> memref<128x128xf32, #tpu.memory_space<hbm>>
          %dma_wait3A_86 = arith.constant 0 : i32
          %dma_wait3A_87 = tpu.memref_slice %arg16[%mul3A_9, %dma_wait3A_86] : memref<2048x128xf32, #tpu.memory_space<vmem_shared>> -> memref<128x128xf32, #tpu.memory_space<vmem_shared>>
          tpu.wait_dma2 semaphore(%arg20 : memref<!tpu.dma_semaphore, #tpu.memory_space<semaphore_mem>>) src(%dma_wait3A_87 : memref<128x128xf32, #tpu.memory_space<vmem_shared>>) dst(%dma_wait3A_85 : memref<128x128xf32, #tpu.memory_space<hbm>>)
        } else {
        }
        "tpu.region"() ({
          %run_scoped3A_83 = tpu.sem_alloc : memref<!tpu.dma_semaphore, #tpu.memory_space<semaphore_mem>>
          %dma_start3A_84 = arith.constant 0 : i32
          %dma_start3A_85 = tpu.memref_slice %arg16[%mul3A_9, %dma_start3A_84] : memref<2048x128xf32, #tpu.memory_space<vmem_shared>> -> memref<128x128xf32, #tpu.memory_space<vmem_shared>>
          %dma_start3A_86 = arith.constant 0 : i32
          %dma_start3A_87 = tpu.memref_slice %arg16[%mul3A_9, %dma_start3A_86] : memref<2048x128xf32, #tpu.memory_space<vmem_shared>> -> memref<128x128xf32, #tpu.memory_space<vmem_shared>>
          tpu.enqueue_dma source(%arg13 : memref<128x128xf32, #tpu.memory_space<vmem>>) target(%dma_start3A_87 : memref<128x128xf32, #tpu.memory_space<vmem_shared>>) target_semaphore(%run_scoped3A_83 : memref<!tpu.dma_semaphore, #tpu.memory_space<semaphore_mem>>)
          %dma_wait3A_88 = arith.constant 0 : i32
          %dma_wait3A_89 = tpu.memref_slice %arg16[%mul3A_9, %dma_wait3A_88] : memref<2048x128xf32, #tpu.memory_space<vmem_shared>> -> memref<128x128xf32, #tpu.memory_space<vmem_shared>>
          %dma_wait3A_90 = arith.constant 0 : i32
          %dma_wait3A_91 = tpu.memref_slice %arg16[%mul3A_9, %dma_wait3A_90] : memref<2048x128xf32, #tpu.memory_space<vmem_shared>> -> memref<128x128xf32, #tpu.memory_space<vmem_shared>>
          tpu.wait_dma2 semaphore(%run_scoped3A_83 : memref<!tpu.dma_semaphore, #tpu.memory_space<semaphore_mem>>) src(%arg13 : memref<128x128xf32, #tpu.memory_space<vmem>>) dst(%dma_wait3A_91 : memref<128x128xf32, #tpu.memory_space<vmem_shared>>)
          tpu.yield
        }) : () -> ()
        %run_scoped3A_75 = arith.constant 0 : i32
        "tpu.region"() ({
          %run_scoped3A_83 = tpu.sem_alloc : memref<!tpu.dma_semaphore, #tpu.memory_space<semaphore_mem>>
          %dma_start3A_84 = arith.constant 0 : i32
          %dma_start3A_85 = tpu.memref_slice %arg10[%run_scoped3A_75, %dma_start3A_84] : memref<1x128xi32, #tpu.memory_space<vmem>> -> memref<1x128xi32, #tpu.memory_space<vmem>>
          %dma_start3A_86 = tpu.memref_squeeze %dma_start3A_85 : memref<1x128xi32, #tpu.memory_space<vmem>> -> memref<128xi32, #tpu.memory_space<vmem>>
          %dma_start3A_87 = arith.constant 0 : i32
          %dma_start3A_88 = arith.constant 0 : i32
          %dma_start3A_89 = tpu.memref_slice %arg16[%dma_start3A_87, %dma_start3A_88] : memref<2048x128xf32, #tpu.memory_space<vmem_shared>> -> memref<2048x128xf32, #tpu.memory_space<vmem_shared>>
          tpu.enqueue_indirect_dma source(%arg14 : memref<128x128xf32, #tpu.memory_space<vmem>>) target(%dma_start3A_89 : memref<2048x128xf32, #tpu.memory_space<vmem_shared>>) offsets(%dma_start3A_86 : memref<128xi32, #tpu.memory_space<vmem>>) semaphore(%run_scoped3A_83 : memref<!tpu.dma_semaphore, #tpu.memory_space<semaphore_mem>>) {add = true}
          %dma_wait3A_90 = arith.constant 0 : i32
          %dma_wait3A_91 = tpu.memref_slice %arg10[%run_scoped3A_75, %dma_wait3A_90] : memref<1x128xi32, #tpu.memory_space<vmem>> -> memref<1x128xi32, #tpu.memory_space<vmem>>
          %dma_wait3A_92 = tpu.memref_squeeze %dma_wait3A_91 : memref<1x128xi32, #tpu.memory_space<vmem>> -> memref<128xi32, #tpu.memory_space<vmem>>
          %dma_wait3A_93 = arith.constant 0 : i32
          %dma_wait3A_94 = arith.constant 0 : i32
          %dma_wait3A_95 = tpu.memref_slice %arg16[%dma_wait3A_93, %dma_wait3A_94] : memref<2048x128xf32, #tpu.memory_space<vmem_shared>> -> memref<2048x128xf32, #tpu.memory_space<vmem_shared>>
          tpu.wait_indirect_dma semaphore(%run_scoped3A_83 : memref<!tpu.dma_semaphore, #tpu.memory_space<semaphore_mem>>) src(%arg14 : memref<128x128xf32, #tpu.memory_space<vmem>>) dst(%dma_wait3A_95 : memref<2048x128xf32, #tpu.memory_space<vmem_shared>>)
          tpu.yield
        }) : () -> ()
        %add3A_76 = arith.addi %add3A_4, %add3A_46 : i32
        %mul3A_77 = arith.constant 128 : i32
        %mul3A_78 = arith.muli %add3A_76, %mul3A_77 : i32
        %dma_start3A_79 = arith.constant 0 : i32
        %dma_start3A_80 = tpu.memref_slice %arg7[%mul3A_78, %dma_start3A_79] : memref<80000x128xf32, #tpu.memory_space<hbm>> -> memref<128x128xf32, #tpu.memory_space<hbm>>
        %dma_start3A_81 = arith.constant 0 : i32
        %dma_start3A_82 = tpu.memref_slice %arg16[%mul3A_9, %dma_start3A_81] : memref<2048x128xf32, #tpu.memory_space<vmem_shared>> -> memref<128x128xf32, #tpu.memory_space<vmem_shared>>
        tpu.enqueue_dma source(%dma_start3A_82 : memref<128x128xf32, #tpu.memory_space<vmem_shared>>) target(%dma_start3A_80 : memref<128x128xf32, #tpu.memory_space<hbm>>) target_semaphore(%arg20 : memref<!tpu.dma_semaphore, #tpu.memory_space<semaphore_mem>>)
      } else {
      }
    }
    %scan3A_27 = arith.constant 11 : i32
    %dma_wait3A = arith.constant 0 : i32
    %dma_wait3A_28 = arith.constant 0 : i32
    %dma_wait3A_29 = tpu.memref_slice %arg7[%dma_wait3A, %dma_wait3A_28] : memref<80000x128xf32, #tpu.memory_space<hbm>> -> memref<128x128xf32, #tpu.memory_space<hbm>>
    %dma_wait3A_30 = arith.constant 0 : i32
    %dma_wait3A_31 = tpu.memref_slice %arg15[%mul3A_9, %dma_wait3A_30] : memref<2048x128xf32, #tpu.memory_space<vmem_shared>> -> memref<128x128xf32, #tpu.memory_space<vmem_shared>>
    tpu.wait_dma2 semaphore(%arg19 : memref<!tpu.dma_semaphore, #tpu.memory_space<semaphore_mem>>) src(%dma_wait3A_31 : memref<128x128xf32, #tpu.memory_space<vmem_shared>>) dst(%dma_wait3A_29 : memref<128x128xf32, #tpu.memory_space<hbm>>)
    %dma_wait3A_32 = arith.constant 0 : i32
    %dma_wait3A_33 = arith.constant 0 : i32
    %dma_wait3A_34 = tpu.memref_slice %arg7[%dma_wait3A_32, %dma_wait3A_33] : memref<80000x128xf32, #tpu.memory_space<hbm>> -> memref<128x128xf32, #tpu.memory_space<hbm>>
    %dma_wait3A_35 = arith.constant 0 : i32
    %dma_wait3A_36 = tpu.memref_slice %arg16[%mul3A_9, %dma_wait3A_35] : memref<2048x128xf32, #tpu.memory_space<vmem_shared>> -> memref<128x128xf32, #tpu.memory_space<vmem_shared>>
    tpu.wait_dma2 semaphore(%arg20 : memref<!tpu.dma_semaphore, #tpu.memory_space<semaphore_mem>>) src(%dma_wait3A_36 : memref<128x128xf32, #tpu.memory_space<vmem_shared>>) dst(%dma_wait3A_34 : memref<128x128xf32, #tpu.memory_space<hbm>>)
    return
  }
}

#map = affine_map<(d0, d1) -> (0, 0)>
#map1 = affine_map<(d0, d1) -> (0, 0, 0, 0)>
#map2 = affine_map<(d0, d1) -> (0, 0, 0)>
module attributes {stable_mosaic.version = 14 : i64} {
  func.func @k(%arg0: i32, %arg1: i32, %arg2: memref<10000x128xf32, #tpu.memory_space<hbm>>, %arg3: memref<10000x128xf32, #tpu.memory_space<hbm>>, %arg4: memref<4x32x20x128xi32, #tpu.memory_space<hbm>>, %arg5: memref<4x32x20x128xi32, #tpu.memory_space<hbm>>, %arg6: memref<16x1x128xi32, #tpu.memory_space<hbm>>, %arg7: memref<80000x128xf32, #tpu.memory_space<hbm>>, %arg8: memref<20x128xi32, #tpu.memory_space<vmem>>, %arg9: memref<20x128xi32, #tpu.memory_space<vmem>>, %arg10: memref<1x128xi32, #tpu.memory_space<vmem>>, %arg11: memref<128x128xf32, #tpu.memory_space<vmem>>, %arg12: memref<128x128xf32, #tpu.memory_space<vmem>>, %arg13: memref<128x128xf32, #tpu.memory_space<vmem>>, %arg14: memref<128x128xf32, #tpu.memory_space<vmem>>, %arg15: memref<2048x128xf32, #tpu.memory_space<vmem_shared>>, %arg16: memref<2048x128xf32, #tpu.memory_space<vmem_shared>>, %arg17: memref<!tpu.dma_semaphore, #tpu.memory_space<semaphore_mem>>, %arg18: memref<!tpu.dma_semaphore, #tpu.memory_space<semaphore_mem>>, %arg19: memref<!tpu.dma_semaphore, #tpu.memory_space<semaphore_mem>>, %arg20: memref<!tpu.dma_semaphore, #tpu.memory_space<semaphore_mem>>) attributes {dimension_semantics = [#tpu.dimension_semantics<core_parallel>, #tpu.dimension_semantics<subcore_parallel>], iteration_bounds = array<i64: 2, 16>, scalar_prefetch = 0 : i64, scratch_operands = 13 : i64, tpu.core_type = #tpu.core_type<sc_vector_subcore>, window_params = [{transform_indices = #map}, {transform_indices = #map}, {transform_indices = #map1}, {transform_indices = #map1}, {transform_indices = #map2}, {transform_indices = #map}]} {
    %mul3A = arith.constant 2 : i32
    %mul3A_0 = arith.muli %arg1, %mul3A : i32
    %add3A = arith.addi %mul3A_0, %arg0 : i32
    %mul3A_1 = arith.constant 19 : i32
    %mul3A_2 = arith.muli %add3A, %mul3A_1 : i32
    %min3A = arith.constant 17 : i32
    %min3A_3 = arith.minsi %add3A, %min3A : i32
    %add3A_4 = arith.addi %mul3A_2, %min3A_3 : i32
    %lt3A = arith.constant 17 : i32
    %lt3A_5 = arith.cmpi slt, %add3A, %lt3A : i32
    %convert_element_type3A = arith.extui %lt3A_5 : i1 to i32
    %add3A_6 = arith.constant 19 : i32
    %add3A_7 = arith.addi %add3A_6, %convert_element_type3A : i32
    %mul3A_8 = arith.constant 128 : i32
    %mul3A_9 = arith.muli %arg1, %mul3A_8 : i32
    %run_scoped3A = arith.constant 1 : i32
    "tpu.region"() ({
      %run_scoped3A_37 = tpu.sem_alloc : memref<!tpu.dma_semaphore, #tpu.memory_space<semaphore_mem>>
      %dma_start3A_38 = arith.constant 0 : i32
      %dma_start3A_39 = arith.constant 0 : i32
      %dma_start3A_40 = tpu.memref_slice %arg4[%run_scoped3A, %add3A, %dma_start3A_38, %dma_start3A_39] : memref<4x32x20x128xi32, #tpu.memory_space<hbm>> -> memref<1x1x20x128xi32, #tpu.memory_space<hbm>>
      %dma_start3A_41 = tpu.memref_squeeze %dma_start3A_40 : memref<1x1x20x128xi32, #tpu.memory_space<hbm>> -> memref<20x128xi32, #tpu.memory_space<hbm>>
      %dma_start3A_42 = arith.constant 0 : i32
      %dma_start3A_43 = arith.constant 0 : i32
      %dma_start3A_44 = tpu.memref_slice %arg4[%run_scoped3A, %add3A, %dma_start3A_42, %dma_start3A_43] : memref<4x32x20x128xi32, #tpu.memory_space<hbm>> -> memref<1x1x20x128xi32, #tpu.memory_space<hbm>>
      %dma_start3A_45 = tpu.memref_squeeze %dma_start3A_44 : memref<1x1x20x128xi32, #tpu.memory_space<hbm>> -> memref<20x128xi32, #tpu.memory_space<hbm>>
      tpu.enqueue_dma source(%dma_start3A_45 : memref<20x128xi32, #tpu.memory_space<hbm>>) target(%arg8 : memref<20x128xi32, #tpu.memory_space<vmem>>) target_semaphore(%run_scoped3A_37 : memref<!tpu.dma_semaphore, #tpu.memory_space<semaphore_mem>>)
      %dma_wait3A_46 = arith.constant 0 : i32
      %dma_wait3A_47 = arith.constant 0 : i32
      %dma_wait3A_48 = tpu.memref_slice %arg4[%run_scoped3A, %add3A, %dma_wait3A_46, %dma_wait3A_47] : memref<4x32x20x128xi32, #tpu.memory_space<hbm>> -> memref<1x1x20x128xi32, #tpu.memory_space<hbm>>
      %dma_wait3A_49 = tpu.memref_squeeze %dma_wait3A_48 : memref<1x1x20x128xi32, #tpu.memory_space<hbm>> -> memref<20x128xi32, #tpu.memory_space<hbm>>
      %dma_wait3A_50 = arith.constant 0 : i32
      %dma_wait3A_51 = arith.constant 0 : i32
      %dma_wait3A_52 = tpu.memref_slice %arg4[%run_scoped3A, %add3A, %dma_wait3A_50, %dma_wait3A_51] : memref<4x32x20x128xi32, #tpu.memory_space<hbm>> -> memref<1x1x20x128xi32, #tpu.memory_space<hbm>>
      %dma_wait3A_53 = tpu.memref_squeeze %dma_wait3A_52 : memref<1x1x20x128xi32, #tpu.memory_space<hbm>> -> memref<20x128xi32, #tpu.memory_space<hbm>>
      tpu.wait_dma2 semaphore(%run_scoped3A_37 : memref<!tpu.dma_semaphore, #tpu.memory_space<semaphore_mem>>) src(%dma_wait3A_53 : memref<20x128xi32, #tpu.memory_space<hbm>>) dst(%arg8 : memref<20x128xi32, #tpu.memory_space<vmem>>)
      tpu.yield
    }) : () -> ()
    %run_scoped3A_10 = arith.constant 1 : i32
    "tpu.region"() ({
      %run_scoped3A_37 = tpu.sem_alloc : memref<!tpu.dma_semaphore, #tpu.memory_space<semaphore_mem>>
      %dma_start3A_38 = arith.constant 0 : i32
      %dma_start3A_39 = arith.constant 0 : i32
      %dma_start3A_40 = tpu.memref_slice %arg5[%run_scoped3A_10, %add3A, %dma_start3A_38, %dma_start3A_39] : memref<4x32x20x128xi32, #tpu.memory_space<hbm>> -> memref<1x1x20x128xi32, #tpu.memory_space<hbm>>
      %dma_start3A_41 = tpu.memref_squeeze %dma_start3A_40 : memref<1x1x20x128xi32, #tpu.memory_space<hbm>> -> memref<20x128xi32, #tpu.memory_space<hbm>>
      %dma_start3A_42 = arith.constant 0 : i32
      %dma_start3A_43 = arith.constant 0 : i32
      %dma_start3A_44 = tpu.memref_slice %arg5[%run_scoped3A_10, %add3A, %dma_start3A_42, %dma_start3A_43] : memref<4x32x20x128xi32, #tpu.memory_space<hbm>> -> memref<1x1x20x128xi32, #tpu.memory_space<hbm>>
      %dma_start3A_45 = tpu.memref_squeeze %dma_start3A_44 : memref<1x1x20x128xi32, #tpu.memory_space<hbm>> -> memref<20x128xi32, #tpu.memory_space<hbm>>
      tpu.enqueue_dma source(%dma_start3A_45 : memref<20x128xi32, #tpu.memory_space<hbm>>) target(%arg9 : memref<20x128xi32, #tpu.memory_space<vmem>>) target_semaphore(%run_scoped3A_37 : memref<!tpu.dma_semaphore, #tpu.memory_space<semaphore_mem>>)
      %dma_wait3A_46 = arith.constant 0 : i32
      %dma_wait3A_47 = arith.constant 0 : i32
      %dma_wait3A_48 = tpu.memref_slice %arg5[%run_scoped3A_10, %add3A, %dma_wait3A_46, %dma_wait3A_47] : memref<4x32x20x128xi32, #tpu.memory_space<hbm>> -> memref<1x1x20x128xi32, #tpu.memory_space<hbm>>
      %dma_wait3A_49 = tpu.memref_squeeze %dma_wait3A_48 : memref<1x1x20x128xi32, #tpu.memory_space<hbm>> -> memref<20x128xi32, #tpu.memory_space<hbm>>
      %dma_wait3A_50 = arith.constant 0 : i32
      %dma_wait3A_51 = arith.constant 0 : i32
      %dma_wait3A_52 = tpu.memref_slice %arg5[%run_scoped3A_10, %add3A, %dma_wait3A_50, %dma_wait3A_51] : memref<4x32x20x128xi32, #tpu.memory_space<hbm>> -> memref<1x1x20x128xi32, #tpu.memory_space<hbm>>
      %dma_wait3A_53 = tpu.memref_squeeze %dma_wait3A_52 : memref<1x1x20x128xi32, #tpu.memory_space<hbm>> -> memref<20x128xi32, #tpu.memory_space<hbm>>
      tpu.wait_dma2 semaphore(%run_scoped3A_37 : memref<!tpu.dma_semaphore, #tpu.memory_space<semaphore_mem>>) src(%dma_wait3A_53 : memref<20x128xi32, #tpu.memory_space<hbm>>) dst(%arg9 : memref<20x128xi32, #tpu.memory_space<vmem>>)
      tpu.yield
    }) : () -> ()
    "tpu.region"() ({
      %run_scoped3A_37 = tpu.sem_alloc : memref<!tpu.dma_semaphore, #tpu.memory_space<semaphore_mem>>
      %dma_start3A_38 = arith.constant 0 : i32
      %dma_start3A_39 = arith.constant 0 : i32
      %dma_start3A_40 = tpu.memref_slice %arg6[%arg1, %dma_start3A_38, %dma_start3A_39] : memref<16x1x128xi32, #tpu.memory_space<hbm>> -> memref<1x1x128xi32, #tpu.memory_space<hbm>>
      %dma_start3A_41 = tpu.memref_squeeze %dma_start3A_40 : memref<1x1x128xi32, #tpu.memory_space<hbm>> -> memref<1x128xi32, #tpu.memory_space<hbm>>
      %dma_start3A_42 = arith.constant 0 : i32
      %dma_start3A_43 = arith.constant 0 : i32
      %dma_start3A_44 = tpu.memref_slice %arg6[%arg1, %dma_start3A_42, %dma_start3A_43] : memref<16x1x128xi32, #tpu.memory_space<hbm>> -> memref<1x1x128xi32, #tpu.memory_space<hbm>>
      %dma_start3A_45 = tpu.memref_squeeze %dma_start3A_44 : memref<1x1x128xi32, #tpu.memory_space<hbm>> -> memref<1x128xi32, #tpu.memory_space<hbm>>
      tpu.enqueue_dma source(%dma_start3A_45 : memref<1x128xi32, #tpu.memory_space<hbm>>) target(%arg10 : memref<1x128xi32, #tpu.memory_space<vmem>>) target_semaphore(%run_scoped3A_37 : memref<!tpu.dma_semaphore, #tpu.memory_space<semaphore_mem>>)
      %dma_wait3A_46 = arith.constant 0 : i32
      %dma_wait3A_47 = arith.constant 0 : i32
      %dma_wait3A_48 = tpu.memref_slice %arg6[%arg1, %dma_wait3A_46, %dma_wait3A_47] : memref<16x1x128xi32, #tpu.memory_space<hbm>> -> memref<1x1x128xi32, #tpu.memory_space<hbm>>
      %dma_wait3A_49 = tpu.memref_squeeze %dma_wait3A_48 : memref<1x1x128xi32, #tpu.memory_space<hbm>> -> memref<1x128xi32, #tpu.memory_space<hbm>>
      %dma_wait3A_50 = arith.constant 0 : i32
      %dma_wait3A_51 = arith.constant 0 : i32
      %dma_wait3A_52 = tpu.memref_slice %arg6[%arg1, %dma_wait3A_50, %dma_wait3A_51] : memref<16x1x128xi32, #tpu.memory_space<hbm>> -> memref<1x1x128xi32, #tpu.memory_space<hbm>>
      %dma_wait3A_53 = tpu.memref_squeeze %dma_wait3A_52 : memref<1x1x128xi32, #tpu.memory_space<hbm>> -> memref<1x128xi32, #tpu.memory_space<hbm>>
      tpu.wait_dma2 semaphore(%run_scoped3A_37 : memref<!tpu.dma_semaphore, #tpu.memory_space<semaphore_mem>>) src(%dma_wait3A_53 : memref<1x128xi32, #tpu.memory_space<hbm>>) dst(%arg10 : memref<1x128xi32, #tpu.memory_space<vmem>>)
      tpu.yield
    }) : () -> ()
    %dma_start3A = arith.constant 0 : i32
    %dma_start3A_11 = arith.constant 0 : i32
    %dma_start3A_12 = tpu.memref_slice %arg8[%dma_start3A, %dma_start3A_11] : memref<20x128xi32, #tpu.memory_space<vmem>> -> memref<1x128xi32, #tpu.memory_space<vmem>>
    %dma_start3A_13 = tpu.memref_squeeze %dma_start3A_12 : memref<1x128xi32, #tpu.memory_space<vmem>> -> memref<128xi32, #tpu.memory_space<vmem>>
    %dma_start3A_14 = arith.constant 0 : i32
    %dma_start3A_15 = arith.constant 0 : i32
    %dma_start3A_16 = tpu.memref_slice %arg2[%dma_start3A_14, %dma_start3A_15] : memref<10000x128xf32, #tpu.memory_space<hbm>> -> memref<10000x128xf32, #tpu.memory_space<hbm>>
    tpu.enqueue_indirect_dma source(%dma_start3A_16 : memref<10000x128xf32, #tpu.memory_space<hbm>>) target(%arg11 : memref<128x128xf32, #tpu.memory_space<vmem>>) offsets(%dma_start3A_13 : memref<128xi32, #tpu.memory_space<vmem>>) semaphore(%arg17 : memref<!tpu.dma_semaphore, #tpu.memory_space<semaphore_mem>>)
    %dma_start3A_17 = arith.constant 0 : i32
    %dma_start3A_18 = arith.constant 0 : i32
    %dma_start3A_19 = tpu.memref_slice %arg9[%dma_start3A_17, %dma_start3A_18] : memref<20x128xi32, #tpu.memory_space<vmem>> -> memref<1x128xi32, #tpu.memory_space<vmem>>
    %dma_start3A_20 = tpu.memref_squeeze %dma_start3A_19 : memref<1x128xi32, #tpu.memory_space<vmem>> -> memref<128xi32, #tpu.memory_space<vmem>>
    %dma_start3A_21 = arith.constant 0 : i32
    %dma_start3A_22 = arith.constant 0 : i32
    %dma_start3A_23 = tpu.memref_slice %arg3[%dma_start3A_21, %dma_start3A_22] : memref<10000x128xf32, #tpu.memory_space<hbm>> -> memref<10000x128xf32, #tpu.memory_space<hbm>>
    tpu.enqueue_indirect_dma source(%dma_start3A_23 : memref<10000x128xf32, #tpu.memory_space<hbm>>) target(%arg12 : memref<128x128xf32, #tpu.memory_space<vmem>>) offsets(%dma_start3A_20 : memref<128xi32, #tpu.memory_space<vmem>>) semaphore(%arg17 : memref<!tpu.dma_semaphore, #tpu.memory_space<semaphore_mem>>)
    %scan3A = arith.constant 0 : i32
    %scan3A_24 = arith.constant 11 : i32
    %scan3A_25 = arith.addi %scan3A, %scan3A_24 : i32
    %scan3A_26 = arith.constant 1 : i32
    scf.for %scan3A_37 = %scan3A to %scan3A_25 step %scan3A_26  : i32 {
      %mul3A_38 = arith.constant 2 : i32
      %mul3A_39 = arith.muli %scan3A_37, %mul3A_38 : i32
      %add3A_40 = arith.constant 0 : i32
      %add3A_41 = arith.addi %add3A_40, %mul3A_39 : i32
      %lt3A_42 = arith.cmpi slt, %add3A_41, %add3A_7 : i32
      %convert_element_type3A_43 = arith.extui %lt3A_42 : i1 to i32
      %cond3A = arith.constant 0 : i32
      %cond3A_44 = arith.cmpi ne, %convert_element_type3A_43, %cond3A : i32
      scf.if %cond3A_44 {
        %dma_wait3A_51 = arith.constant 0 : i32
        %dma_wait3A_52 = arith.constant 0 : i32
        %dma_wait3A_53 = tpu.memref_slice %arg8[%dma_wait3A_51, %dma_wait3A_52] : memref<20x128xi32, #tpu.memory_space<vmem>> -> memref<1x128xi32, #tpu.memory_space<vmem>>
        %dma_wait3A_54 = tpu.memref_squeeze %dma_wait3A_53 : memref<1x128xi32, #tpu.memory_space<vmem>> -> memref<128xi32, #tpu.memory_space<vmem>>
        %dma_wait3A_55 = arith.constant 0 : i32
        %dma_wait3A_56 = arith.constant 0 : i32
        %dma_wait3A_57 = tpu.memref_slice %arg2[%dma_wait3A_55, %dma_wait3A_56] : memref<10000x128xf32, #tpu.memory_space<hbm>> -> memref<10000x128xf32, #tpu.memory_space<hbm>>
        tpu.wait_indirect_dma semaphore(%arg17 : memref<!tpu.dma_semaphore, #tpu.memory_space<semaphore_mem>>) src(%dma_wait3A_57 : memref<10000x128xf32, #tpu.memory_space<hbm>>) dst(%arg11 : memref<128x128xf32, #tpu.memory_space<vmem>>)
        %dma_wait3A_58 = arith.constant 0 : i32
        %dma_wait3A_59 = arith.constant 0 : i32
        %dma_wait3A_60 = tpu.memref_slice %arg9[%dma_wait3A_58, %dma_wait3A_59] : memref<20x128xi32, #tpu.memory_space<vmem>> -> memref<1x128xi32, #tpu.memory_space<vmem>>
        %dma_wait3A_61 = tpu.memref_squeeze %dma_wait3A_60 : memref<1x128xi32, #tpu.memory_space<vmem>> -> memref<128xi32, #tpu.memory_space<vmem>>
        %dma_wait3A_62 = arith.constant 0 : i32
        %dma_wait3A_63 = arith.constant 0 : i32
        %dma_wait3A_64 = tpu.memref_slice %arg3[%dma_wait3A_62, %dma_wait3A_63] : memref<10000x128xf32, #tpu.memory_space<hbm>> -> memref<10000x128xf32, #tpu.memory_space<hbm>>
        tpu.wait_indirect_dma semaphore(%arg17 : memref<!tpu.dma_semaphore, #tpu.memory_space<semaphore_mem>>) src(%dma_wait3A_64 : memref<10000x128xf32, #tpu.memory_space<hbm>>) dst(%arg12 : memref<128x128xf32, #tpu.memory_space<vmem>>)
        %add3A_65 = arith.constant 1 : i32
        %add3A_66 = arith.addi %add3A_41, %add3A_65 : i32
        %lt3A_67 = arith.cmpi slt, %add3A_66, %add3A_7 : i32
        %convert_element_type3A_68 = arith.extui %lt3A_67 : i1 to i32
        %cond3A_69 = arith.constant 0 : i32
        %cond3A_70 = arith.cmpi ne, %convert_element_type3A_68, %cond3A_69 : i32
        scf.if %cond3A_70 {
          %add3A_83 = arith.constant 1 : i32
          %add3A_84 = arith.addi %add3A_41, %add3A_83 : i32
          %dma_start3A_85 = arith.constant 0 : i32
          %dma_start3A_86 = tpu.memref_slice %arg8[%add3A_84, %dma_start3A_85] : memref<20x128xi32, #tpu.memory_space<vmem>> -> memref<1x128xi32, #tpu.memory_space<vmem>>
          %dma_start3A_87 = tpu.memref_squeeze %dma_start3A_86 : memref<1x128xi32, #tpu.memory_space<vmem>> -> memref<128xi32, #tpu.memory_space<vmem>>
          %dma_start3A_88 = arith.constant 0 : i32
          %dma_start3A_89 = arith.constant 0 : i32
          %dma_start3A_90 = tpu.memref_slice %arg2[%dma_start3A_88, %dma_start3A_89] : memref<10000x128xf32, #tpu.memory_space<hbm>> -> memref<10000x128xf32, #tpu.memory_space<hbm>>
          tpu.enqueue_indirect_dma source(%dma_start3A_90 : memref<10000x128xf32, #tpu.memory_space<hbm>>) target(%arg13 : memref<128x128xf32, #tpu.memory_space<vmem>>) offsets(%dma_start3A_87 : memref<128xi32, #tpu.memory_space<vmem>>) semaphore(%arg18 : memref<!tpu.dma_semaphore, #tpu.memory_space<semaphore_mem>>)
          %add3A_91 = arith.constant 1 : i32
          %add3A_92 = arith.addi %add3A_41, %add3A_91 : i32
          %dma_start3A_93 = arith.constant 0 : i32
          %dma_start3A_94 = tpu.memref_slice %arg9[%add3A_92, %dma_start3A_93] : memref<20x128xi32, #tpu.memory_space<vmem>> -> memref<1x128xi32, #tpu.memory_space<vmem>>
          %dma_start3A_95 = tpu.memref_squeeze %dma_start3A_94 : memref<1x128xi32, #tpu.memory_space<vmem>> -> memref<128xi32, #tpu.memory_space<vmem>>
          %dma_start3A_96 = arith.constant 0 : i32
          %dma_start3A_97 = arith.constant 0 : i32
          %dma_start3A_98 = tpu.memref_slice %arg3[%dma_start3A_96, %dma_start3A_97] : memref<10000x128xf32, #tpu.memory_space<hbm>> -> memref<10000x128xf32, #tpu.memory_space<hbm>>
          tpu.enqueue_indirect_dma source(%dma_start3A_98 : memref<10000x128xf32, #tpu.memory_space<hbm>>) target(%arg14 : memref<128x128xf32, #tpu.memory_space<vmem>>) offsets(%dma_start3A_95 : memref<128xi32, #tpu.memory_space<vmem>>) semaphore(%arg18 : memref<!tpu.dma_semaphore, #tpu.memory_space<semaphore_mem>>)
        } else {
        }
        %ge3A = arith.constant 2 : i32
        %ge3A_71 = arith.cmpi sge, %add3A_41, %ge3A : i32
        %convert_element_type3A_72 = arith.extui %ge3A_71 : i1 to i32
        %cond3A_73 = arith.constant 0 : i32
        %cond3A_74 = arith.cmpi ne, %convert_element_type3A_72, %cond3A_73 : i32
        scf.if %cond3A_74 {
          %dma_wait3A_83 = arith.constant 0 : i32
          %dma_wait3A_84 = arith.constant 0 : i32
          %dma_wait3A_85 = tpu.memref_slice %arg7[%dma_wait3A_83, %dma_wait3A_84] : memref<80000x128xf32, #tpu.memory_space<hbm>> -> memref<128x128xf32, #tpu.memory_space<hbm>>
          %dma_wait3A_86 = arith.constant 0 : i32
          %dma_wait3A_87 = tpu.memref_slice %arg15[%mul3A_9, %dma_wait3A_86] : memref<2048x128xf32, #tpu.memory_space<vmem_shared>> -> memref<128x128xf32, #tpu.memory_space<vmem_shared>>
          tpu.wait_dma2 semaphore(%arg19 : memref<!tpu.dma_semaphore, #tpu.memory_space<semaphore_mem>>) src(%dma_wait3A_87 : memref<128x128xf32, #tpu.memory_space<vmem_shared>>) dst(%dma_wait3A_85 : memref<128x128xf32, #tpu.memory_space<hbm>>)
        } else {
        }
        "tpu.region"() ({
          %run_scoped3A_83 = tpu.sem_alloc : memref<!tpu.dma_semaphore, #tpu.memory_space<semaphore_mem>>
          %dma_start3A_84 = arith.constant 0 : i32
          %dma_start3A_85 = tpu.memref_slice %arg15[%mul3A_9, %dma_start3A_84] : memref<2048x128xf32, #tpu.memory_space<vmem_shared>> -> memref<128x128xf32, #tpu.memory_space<vmem_shared>>
          %dma_start3A_86 = arith.constant 0 : i32
          %dma_start3A_87 = tpu.memref_slice %arg15[%mul3A_9, %dma_start3A_86] : memref<2048x128xf32, #tpu.memory_space<vmem_shared>> -> memref<128x128xf32, #tpu.memory_space<vmem_shared>>
          tpu.enqueue_dma source(%arg11 : memref<128x128xf32, #tpu.memory_space<vmem>>) target(%dma_start3A_87 : memref<128x128xf32, #tpu.memory_space<vmem_shared>>) target_semaphore(%run_scoped3A_83 : memref<!tpu.dma_semaphore, #tpu.memory_space<semaphore_mem>>)
          %dma_wait3A_88 = arith.constant 0 : i32
          %dma_wait3A_89 = tpu.memref_slice %arg15[%mul3A_9, %dma_wait3A_88] : memref<2048x128xf32, #tpu.memory_space<vmem_shared>> -> memref<128x128xf32, #tpu.memory_space<vmem_shared>>
          %dma_wait3A_90 = arith.constant 0 : i32
          %dma_wait3A_91 = tpu.memref_slice %arg15[%mul3A_9, %dma_wait3A_90] : memref<2048x128xf32, #tpu.memory_space<vmem_shared>> -> memref<128x128xf32, #tpu.memory_space<vmem_shared>>
          tpu.wait_dma2 semaphore(%run_scoped3A_83 : memref<!tpu.dma_semaphore, #tpu.memory_space<semaphore_mem>>) src(%arg11 : memref<128x128xf32, #tpu.memory_space<vmem>>) dst(%dma_wait3A_91 : memref<128x128xf32, #tpu.memory_space<vmem_shared>>)
          tpu.yield
        }) : () -> ()
        %run_scoped3A_75 = arith.constant 0 : i32
        "tpu.region"() ({
          %run_scoped3A_83 = tpu.sem_alloc : memref<!tpu.dma_semaphore, #tpu.memory_space<semaphore_mem>>
          %dma_start3A_84 = arith.constant 0 : i32
          %dma_start3A_85 = tpu.memref_slice %arg10[%run_scoped3A_75, %dma_start3A_84] : memref<1x128xi32, #tpu.memory_space<vmem>> -> memref<1x128xi32, #tpu.memory_space<vmem>>
          %dma_start3A_86 = tpu.memref_squeeze %dma_start3A_85 : memref<1x128xi32, #tpu.memory_space<vmem>> -> memref<128xi32, #tpu.memory_space<vmem>>
          %dma_start3A_87 = arith.constant 0 : i32
          %dma_start3A_88 = arith.constant 0 : i32
          %dma_start3A_89 = tpu.memref_slice %arg15[%dma_start3A_87, %dma_start3A_88] : memref<2048x128xf32, #tpu.memory_space<vmem_shared>> -> memref<2048x128xf32, #tpu.memory_space<vmem_shared>>
          tpu.enqueue_indirect_dma source(%arg12 : memref<128x128xf32, #tpu.memory_space<vmem>>) target(%dma_start3A_89 : memref<2048x128xf32, #tpu.memory_space<vmem_shared>>) offsets(%dma_start3A_86 : memref<128xi32, #tpu.memory_space<vmem>>) semaphore(%run_scoped3A_83 : memref<!tpu.dma_semaphore, #tpu.memory_space<semaphore_mem>>) {add = true}
          %dma_wait3A_90 = arith.constant 0 : i32
          %dma_wait3A_91 = tpu.memref_slice %arg10[%run_scoped3A_75, %dma_wait3A_90] : memref<1x128xi32, #tpu.memory_space<vmem>> -> memref<1x128xi32, #tpu.memory_space<vmem>>
          %dma_wait3A_92 = tpu.memref_squeeze %dma_wait3A_91 : memref<1x128xi32, #tpu.memory_space<vmem>> -> memref<128xi32, #tpu.memory_space<vmem>>
          %dma_wait3A_93 = arith.constant 0 : i32
          %dma_wait3A_94 = arith.constant 0 : i32
          %dma_wait3A_95 = tpu.memref_slice %arg15[%dma_wait3A_93, %dma_wait3A_94] : memref<2048x128xf32, #tpu.memory_space<vmem_shared>> -> memref<2048x128xf32, #tpu.memory_space<vmem_shared>>
          tpu.wait_indirect_dma semaphore(%run_scoped3A_83 : memref<!tpu.dma_semaphore, #tpu.memory_space<semaphore_mem>>) src(%arg12 : memref<128x128xf32, #tpu.memory_space<vmem>>) dst(%dma_wait3A_95 : memref<2048x128xf32, #tpu.memory_space<vmem_shared>>)
          tpu.yield
        }) : () -> ()
        %add3A_76 = arith.addi %add3A_4, %add3A_41 : i32
        %mul3A_77 = arith.constant 128 : i32
        %mul3A_78 = arith.muli %add3A_76, %mul3A_77 : i32
        %dma_start3A_79 = arith.constant 0 : i32
        %dma_start3A_80 = tpu.memref_slice %arg7[%mul3A_78, %dma_start3A_79] : memref<80000x128xf32, #tpu.memory_space<hbm>> -> memref<128x128xf32, #tpu.memory_space<hbm>>
        %dma_start3A_81 = arith.constant 0 : i32
        %dma_start3A_82 = tpu.memref_slice %arg15[%mul3A_9, %dma_start3A_81] : memref<2048x128xf32, #tpu.memory_space<vmem_shared>> -> memref<128x128xf32, #tpu.memory_space<vmem_shared>>
        tpu.enqueue_dma source(%dma_start3A_82 : memref<128x128xf32, #tpu.memory_space<vmem_shared>>) target(%dma_start3A_80 : memref<128x128xf32, #tpu.memory_space<hbm>>) target_semaphore(%arg19 : memref<!tpu.dma_semaphore, #tpu.memory_space<semaphore_mem>>)
      } else {
      }
      %add3A_45 = arith.constant 1 : i32
      %add3A_46 = arith.addi %add3A_41, %add3A_45 : i32
      %lt3A_47 = arith.cmpi slt, %add3A_46, %add3A_7 : i32
      %convert_element_type3A_48 = arith.extui %lt3A_47 : i1 to i32
      %cond3A_49 = arith.constant 0 : i32
      %cond3A_50 = arith.cmpi ne, %convert_element_type3A_48, %cond3A_49 : i32
      scf.if %cond3A_50 {
        %dma_wait3A_51 = arith.constant 0 : i32
        %dma_wait3A_52 = arith.constant 0 : i32
        %dma_wait3A_53 = tpu.memref_slice %arg8[%dma_wait3A_51, %dma_wait3A_52] : memref<20x128xi32, #tpu.memory_space<vmem>> -> memref<1x128xi32, #tpu.memory_space<vmem>>
        %dma_wait3A_54 = tpu.memref_squeeze %dma_wait3A_53 : memref<1x128xi32, #tpu.memory_space<vmem>> -> memref<128xi32, #tpu.memory_space<vmem>>
        %dma_wait3A_55 = arith.constant 0 : i32
        %dma_wait3A_56 = arith.constant 0 : i32
        %dma_wait3A_57 = tpu.memref_slice %arg2[%dma_wait3A_55, %dma_wait3A_56] : memref<10000x128xf32, #tpu.memory_space<hbm>> -> memref<10000x128xf32, #tpu.memory_space<hbm>>
        tpu.wait_indirect_dma semaphore(%arg18 : memref<!tpu.dma_semaphore, #tpu.memory_space<semaphore_mem>>) src(%dma_wait3A_57 : memref<10000x128xf32, #tpu.memory_space<hbm>>) dst(%arg13 : memref<128x128xf32, #tpu.memory_space<vmem>>)
        %dma_wait3A_58 = arith.constant 0 : i32
        %dma_wait3A_59 = arith.constant 0 : i32
        %dma_wait3A_60 = tpu.memref_slice %arg9[%dma_wait3A_58, %dma_wait3A_59] : memref<20x128xi32, #tpu.memory_space<vmem>> -> memref<1x128xi32, #tpu.memory_space<vmem>>
        %dma_wait3A_61 = tpu.memref_squeeze %dma_wait3A_60 : memref<1x128xi32, #tpu.memory_space<vmem>> -> memref<128xi32, #tpu.memory_space<vmem>>
        %dma_wait3A_62 = arith.constant 0 : i32
        %dma_wait3A_63 = arith.constant 0 : i32
        %dma_wait3A_64 = tpu.memref_slice %arg3[%dma_wait3A_62, %dma_wait3A_63] : memref<10000x128xf32, #tpu.memory_space<hbm>> -> memref<10000x128xf32, #tpu.memory_space<hbm>>
        tpu.wait_indirect_dma semaphore(%arg18 : memref<!tpu.dma_semaphore, #tpu.memory_space<semaphore_mem>>) src(%dma_wait3A_64 : memref<10000x128xf32, #tpu.memory_space<hbm>>) dst(%arg14 : memref<128x128xf32, #tpu.memory_space<vmem>>)
        %add3A_65 = arith.constant 1 : i32
        %add3A_66 = arith.addi %add3A_46, %add3A_65 : i32
        %lt3A_67 = arith.cmpi slt, %add3A_66, %add3A_7 : i32
        %convert_element_type3A_68 = arith.extui %lt3A_67 : i1 to i32
        %cond3A_69 = arith.constant 0 : i32
        %cond3A_70 = arith.cmpi ne, %convert_element_type3A_68, %cond3A_69 : i32
        scf.if %cond3A_70 {
          %add3A_83 = arith.constant 1 : i32
          %add3A_84 = arith.addi %add3A_46, %add3A_83 : i32
          %dma_start3A_85 = arith.constant 0 : i32
          %dma_start3A_86 = tpu.memref_slice %arg8[%add3A_84, %dma_start3A_85] : memref<20x128xi32, #tpu.memory_space<vmem>> -> memref<1x128xi32, #tpu.memory_space<vmem>>
          %dma_start3A_87 = tpu.memref_squeeze %dma_start3A_86 : memref<1x128xi32, #tpu.memory_space<vmem>> -> memref<128xi32, #tpu.memory_space<vmem>>
          %dma_start3A_88 = arith.constant 0 : i32
          %dma_start3A_89 = arith.constant 0 : i32
          %dma_start3A_90 = tpu.memref_slice %arg2[%dma_start3A_88, %dma_start3A_89] : memref<10000x128xf32, #tpu.memory_space<hbm>> -> memref<10000x128xf32, #tpu.memory_space<hbm>>
          tpu.enqueue_indirect_dma source(%dma_start3A_90 : memref<10000x128xf32, #tpu.memory_space<hbm>>) target(%arg11 : memref<128x128xf32, #tpu.memory_space<vmem>>) offsets(%dma_start3A_87 : memref<128xi32, #tpu.memory_space<vmem>>) semaphore(%arg17 : memref<!tpu.dma_semaphore, #tpu.memory_space<semaphore_mem>>)
          %add3A_91 = arith.constant 1 : i32
          %add3A_92 = arith.addi %add3A_46, %add3A_91 : i32
          %dma_start3A_93 = arith.constant 0 : i32
          %dma_start3A_94 = tpu.memref_slice %arg9[%add3A_92, %dma_start3A_93] : memref<20x128xi32, #tpu.memory_space<vmem>> -> memref<1x128xi32, #tpu.memory_space<vmem>>
          %dma_start3A_95 = tpu.memref_squeeze %dma_start3A_94 : memref<1x128xi32, #tpu.memory_space<vmem>> -> memref<128xi32, #tpu.memory_space<vmem>>
          %dma_start3A_96 = arith.constant 0 : i32
          %dma_start3A_97 = arith.constant 0 : i32
          %dma_start3A_98 = tpu.memref_slice %arg3[%dma_start3A_96, %dma_start3A_97] : memref<10000x128xf32, #tpu.memory_space<hbm>> -> memref<10000x128xf32, #tpu.memory_space<hbm>>
          tpu.enqueue_indirect_dma source(%dma_start3A_98 : memref<10000x128xf32, #tpu.memory_space<hbm>>) target(%arg12 : memref<128x128xf32, #tpu.memory_space<vmem>>) offsets(%dma_start3A_95 : memref<128xi32, #tpu.memory_space<vmem>>) semaphore(%arg17 : memref<!tpu.dma_semaphore, #tpu.memory_space<semaphore_mem>>)
        } else {
        }
        %ge3A = arith.constant 2 : i32
        %ge3A_71 = arith.cmpi sge, %add3A_46, %ge3A : i32
        %convert_element_type3A_72 = arith.extui %ge3A_71 : i1 to i32
        %cond3A_73 = arith.constant 0 : i32
        %cond3A_74 = arith.cmpi ne, %convert_element_type3A_72, %cond3A_73 : i32
        scf.if %cond3A_74 {
          %dma_wait3A_83 = arith.constant 0 : i32
          %dma_wait3A_84 = arith.constant 0 : i32
          %dma_wait3A_85 = tpu.memref_slice %arg7[%dma_wait3A_83, %dma_wait3A_84] : memref<80000x128xf32, #tpu.memory_space<hbm>> -> memref<128x128xf32, #tpu.memory_space<hbm>>
          %dma_wait3A_86 = arith.constant 0 : i32
          %dma_wait3A_87 = tpu.memref_slice %arg16[%mul3A_9, %dma_wait3A_86] : memref<2048x128xf32, #tpu.memory_space<vmem_shared>> -> memref<128x128xf32, #tpu.memory_space<vmem_shared>>
          tpu.wait_dma2 semaphore(%arg20 : memref<!tpu.dma_semaphore, #tpu.memory_space<semaphore_mem>>) src(%dma_wait3A_87 : memref<128x128xf32, #tpu.memory_space<vmem_shared>>) dst(%dma_wait3A_85 : memref<128x128xf32, #tpu.memory_space<hbm>>)
        } else {
        }
        "tpu.region"() ({
          %run_scoped3A_83 = tpu.sem_alloc : memref<!tpu.dma_semaphore, #tpu.memory_space<semaphore_mem>>
          %dma_start3A_84 = arith.constant 0 : i32
          %dma_start3A_85 = tpu.memref_slice %arg16[%mul3A_9, %dma_start3A_84] : memref<2048x128xf32, #tpu.memory_space<vmem_shared>> -> memref<128x128xf32, #tpu.memory_space<vmem_shared>>
          %dma_start3A_86 = arith.constant 0 : i32
          %dma_start3A_87 = tpu.memref_slice %arg16[%mul3A_9, %dma_start3A_86] : memref<2048x128xf32, #tpu.memory_space<vmem_shared>> -> memref<128x128xf32, #tpu.memory_space<vmem_shared>>
          tpu.enqueue_dma source(%arg13 : memref<128x128xf32, #tpu.memory_space<vmem>>) target(%dma_start3A_87 : memref<128x128xf32, #tpu.memory_space<vmem_shared>>) target_semaphore(%run_scoped3A_83 : memref<!tpu.dma_semaphore, #tpu.memory_space<semaphore_mem>>)
          %dma_wait3A_88 = arith.constant 0 : i32
          %dma_wait3A_89 = tpu.memref_slice %arg16[%mul3A_9, %dma_wait3A_88] : memref<2048x128xf32, #tpu.memory_space<vmem_shared>> -> memref<128x128xf32, #tpu.memory_space<vmem_shared>>
          %dma_wait3A_90 = arith.constant 0 : i32
          %dma_wait3A_91 = tpu.memref_slice %arg16[%mul3A_9, %dma_wait3A_90] : memref<2048x128xf32, #tpu.memory_space<vmem_shared>> -> memref<128x128xf32, #tpu.memory_space<vmem_shared>>
          tpu.wait_dma2 semaphore(%run_scoped3A_83 : memref<!tpu.dma_semaphore, #tpu.memory_space<semaphore_mem>>) src(%arg13 : memref<128x128xf32, #tpu.memory_space<vmem>>) dst(%dma_wait3A_91 : memref<128x128xf32, #tpu.memory_space<vmem_shared>>)
          tpu.yield
        }) : () -> ()
        %run_scoped3A_75 = arith.constant 0 : i32
        "tpu.region"() ({
          %run_scoped3A_83 = tpu.sem_alloc : memref<!tpu.dma_semaphore, #tpu.memory_space<semaphore_mem>>
          %dma_start3A_84 = arith.constant 0 : i32
          %dma_start3A_85 = tpu.memref_slice %arg10[%run_scoped3A_75, %dma_start3A_84] : memref<1x128xi32, #tpu.memory_space<vmem>> -> memref<1x128xi32, #tpu.memory_space<vmem>>
          %dma_start3A_86 = tpu.memref_squeeze %dma_start3A_85 : memref<1x128xi32, #tpu.memory_space<vmem>> -> memref<128xi32, #tpu.memory_space<vmem>>
          %dma_start3A_87 = arith.constant 0 : i32
          %dma_start3A_88 = arith.constant 0 : i32
          %dma_start3A_89 = tpu.memref_slice %arg16[%dma_start3A_87, %dma_start3A_88] : memref<2048x128xf32, #tpu.memory_space<vmem_shared>> -> memref<2048x128xf32, #tpu.memory_space<vmem_shared>>
          tpu.enqueue_indirect_dma source(%arg14 : memref<128x128xf32, #tpu.memory_space<vmem>>) target(%dma_start3A_89 : memref<2048x128xf32, #tpu.memory_space<vmem_shared>>) offsets(%dma_start3A_86 : memref<128xi32, #tpu.memory_space<vmem>>) semaphore(%run_scoped3A_83 : memref<!tpu.dma_semaphore, #tpu.memory_space<semaphore_mem>>) {add = true}
          %dma_wait3A_90 = arith.constant 0 : i32
          %dma_wait3A_91 = tpu.memref_slice %arg10[%run_scoped3A_75, %dma_wait3A_90] : memref<1x128xi32, #tpu.memory_space<vmem>> -> memref<1x128xi32, #tpu.memory_space<vmem>>
          %dma_wait3A_92 = tpu.memref_squeeze %dma_wait3A_91 : memref<1x128xi32, #tpu.memory_space<vmem>> -> memref<128xi32, #tpu.memory_space<vmem>>
          %dma_wait3A_93 = arith.constant 0 : i32
          %dma_wait3A_94 = arith.constant 0 : i32
          %dma_wait3A_95 = tpu.memref_slice %arg16[%dma_wait3A_93, %dma_wait3A_94] : memref<2048x128xf32, #tpu.memory_space<vmem_shared>> -> memref<2048x128xf32, #tpu.memory_space<vmem_shared>>
          tpu.wait_indirect_dma semaphore(%run_scoped3A_83 : memref<!tpu.dma_semaphore, #tpu.memory_space<semaphore_mem>>) src(%arg14 : memref<128x128xf32, #tpu.memory_space<vmem>>) dst(%dma_wait3A_95 : memref<2048x128xf32, #tpu.memory_space<vmem_shared>>)
          tpu.yield
        }) : () -> ()
        %add3A_76 = arith.addi %add3A_4, %add3A_46 : i32
        %mul3A_77 = arith.constant 128 : i32
        %mul3A_78 = arith.muli %add3A_76, %mul3A_77 : i32
        %dma_start3A_79 = arith.constant 0 : i32
        %dma_start3A_80 = tpu.memref_slice %arg7[%mul3A_78, %dma_start3A_79] : memref<80000x128xf32, #tpu.memory_space<hbm>> -> memref<128x128xf32, #tpu.memory_space<hbm>>
        %dma_start3A_81 = arith.constant 0 : i32
        %dma_start3A_82 = tpu.memref_slice %arg16[%mul3A_9, %dma_start3A_81] : memref<2048x128xf32, #tpu.memory_space<vmem_shared>> -> memref<128x128xf32, #tpu.memory_space<vmem_shared>>
        tpu.enqueue_dma source(%dma_start3A_82 : memref<128x128xf32, #tpu.memory_space<vmem_shared>>) target(%dma_start3A_80 : memref<128x128xf32, #tpu.memory_space<hbm>>) target_semaphore(%arg20 : memref<!tpu.dma_semaphore, #tpu.memory_space<semaphore_mem>>)
      } else {
      }
    }
    %scan3A_27 = arith.constant 11 : i32
    %dma_wait3A = arith.constant 0 : i32
    %dma_wait3A_28 = arith.constant 0 : i32
    %dma_wait3A_29 = tpu.memref_slice %arg7[%dma_wait3A, %dma_wait3A_28] : memref<80000x128xf32, #tpu.memory_space<hbm>> -> memref<128x128xf32, #tpu.memory_space<hbm>>
    %dma_wait3A_30 = arith.constant 0 : i32
    %dma_wait3A_31 = tpu.memref_slice %arg15[%mul3A_9, %dma_wait3A_30] : memref<2048x128xf32, #tpu.memory_space<vmem_shared>> -> memref<128x128xf32, #tpu.memory_space<vmem_shared>>
    tpu.wait_dma2 semaphore(%arg19 : memref<!tpu.dma_semaphore, #tpu.memory_space<semaphore_mem>>) src(%dma_wait3A_31 : memref<128x128xf32, #tpu.memory_space<vmem_shared>>) dst(%dma_wait3A_29 : memref<128x128xf32, #tpu.memory_space<hbm>>)
    %dma_wait3A_32 = arith.constant 0 : i32
    %dma_wait3A_33 = arith.constant 0 : i32
    %dma_wait3A_34 = tpu.memref_slice %arg7[%dma_wait3A_32, %dma_wait3A_33] : memref<80000x128xf32, #tpu.memory_space<hbm>> -> memref<128x128xf32, #tpu.memory_space<hbm>>
    %dma_wait3A_35 = arith.constant 0 : i32
    %dma_wait3A_36 = tpu.memref_slice %arg16[%mul3A_9, %dma_wait3A_35] : memref<2048x128xf32, #tpu.memory_space<vmem_shared>> -> memref<128x128xf32, #tpu.memory_space<vmem_shared>>
    tpu.wait_dma2 semaphore(%arg20 : memref<!tpu.dma_semaphore, #tpu.memory_space<semaphore_mem>>) src(%dma_wait3A_36 : memref<128x128xf32, #tpu.memory_space<vmem_shared>>) dst(%dma_wait3A_34 : memref<128x128xf32, #tpu.memory_space<hbm>>)
    return
  }
}

#map = affine_map<(d0, d1) -> (0, 0)>
#map1 = affine_map<(d0, d1) -> (0, 0, 0, 0)>
#map2 = affine_map<(d0, d1) -> (0, 0, 0)>
module attributes {stable_mosaic.version = 14 : i64} {
  func.func @k(%arg0: i32, %arg1: i32, %arg2: memref<10000x128xf32, #tpu.memory_space<hbm>>, %arg3: memref<10000x128xf32, #tpu.memory_space<hbm>>, %arg4: memref<4x32x20x128xi32, #tpu.memory_space<hbm>>, %arg5: memref<4x32x20x128xi32, #tpu.memory_space<hbm>>, %arg6: memref<16x1x128xi32, #tpu.memory_space<hbm>>, %arg7: memref<80000x128xf32, #tpu.memory_space<hbm>>, %arg8: memref<20x128xi32, #tpu.memory_space<vmem>>, %arg9: memref<20x128xi32, #tpu.memory_space<vmem>>, %arg10: memref<1x128xi32, #tpu.memory_space<vmem>>, %arg11: memref<128x128xf32, #tpu.memory_space<vmem>>, %arg12: memref<128x128xf32, #tpu.memory_space<vmem>>, %arg13: memref<128x128xf32, #tpu.memory_space<vmem>>, %arg14: memref<128x128xf32, #tpu.memory_space<vmem>>, %arg15: memref<2048x128xf32, #tpu.memory_space<vmem_shared>>, %arg16: memref<2048x128xf32, #tpu.memory_space<vmem_shared>>, %arg17: memref<!tpu.dma_semaphore, #tpu.memory_space<semaphore_mem>>, %arg18: memref<!tpu.dma_semaphore, #tpu.memory_space<semaphore_mem>>, %arg19: memref<!tpu.dma_semaphore, #tpu.memory_space<semaphore_mem>>, %arg20: memref<!tpu.dma_semaphore, #tpu.memory_space<semaphore_mem>>) attributes {dimension_semantics = [#tpu.dimension_semantics<core_parallel>, #tpu.dimension_semantics<subcore_parallel>], iteration_bounds = array<i64: 2, 16>, scalar_prefetch = 0 : i64, scratch_operands = 13 : i64, tpu.core_type = #tpu.core_type<sc_vector_subcore>, window_params = [{transform_indices = #map}, {transform_indices = #map}, {transform_indices = #map1}, {transform_indices = #map1}, {transform_indices = #map2}, {transform_indices = #map}]} {
    %mul3A = arith.constant 2 : i32
    %mul3A_0 = arith.muli %arg1, %mul3A : i32
    %add3A = arith.addi %mul3A_0, %arg0 : i32
    %mul3A_1 = arith.constant 19 : i32
    %mul3A_2 = arith.muli %add3A, %mul3A_1 : i32
    %min3A = arith.constant 17 : i32
    %min3A_3 = arith.minsi %add3A, %min3A : i32
    %add3A_4 = arith.addi %mul3A_2, %min3A_3 : i32
    %lt3A = arith.constant 17 : i32
    %lt3A_5 = arith.cmpi slt, %add3A, %lt3A : i32
    %convert_element_type3A = arith.extui %lt3A_5 : i1 to i32
    %add3A_6 = arith.constant 19 : i32
    %add3A_7 = arith.addi %add3A_6, %convert_element_type3A : i32
    %mul3A_8 = arith.constant 128 : i32
    %mul3A_9 = arith.muli %arg1, %mul3A_8 : i32
    %run_scoped3A = arith.constant 0 : i32
    "tpu.region"() ({
      %run_scoped3A_37 = tpu.sem_alloc : memref<!tpu.dma_semaphore, #tpu.memory_space<semaphore_mem>>
      %dma_start3A_38 = arith.constant 0 : i32
      %dma_start3A_39 = arith.constant 0 : i32
      %dma_start3A_40 = tpu.memref_slice %arg4[%run_scoped3A, %add3A, %dma_start3A_38, %dma_start3A_39] : memref<4x32x20x128xi32, #tpu.memory_space<hbm>> -> memref<1x1x20x128xi32, #tpu.memory_space<hbm>>
      %dma_start3A_41 = tpu.memref_squeeze %dma_start3A_40 : memref<1x1x20x128xi32, #tpu.memory_space<hbm>> -> memref<20x128xi32, #tpu.memory_space<hbm>>
      %dma_start3A_42 = arith.constant 0 : i32
      %dma_start3A_43 = arith.constant 0 : i32
      %dma_start3A_44 = tpu.memref_slice %arg4[%run_scoped3A, %add3A, %dma_start3A_42, %dma_start3A_43] : memref<4x32x20x128xi32, #tpu.memory_space<hbm>> -> memref<1x1x20x128xi32, #tpu.memory_space<hbm>>
      %dma_start3A_45 = tpu.memref_squeeze %dma_start3A_44 : memref<1x1x20x128xi32, #tpu.memory_space<hbm>> -> memref<20x128xi32, #tpu.memory_space<hbm>>
      tpu.enqueue_dma source(%dma_start3A_45 : memref<20x128xi32, #tpu.memory_space<hbm>>) target(%arg8 : memref<20x128xi32, #tpu.memory_space<vmem>>) target_semaphore(%run_scoped3A_37 : memref<!tpu.dma_semaphore, #tpu.memory_space<semaphore_mem>>)
      %dma_wait3A_46 = arith.constant 0 : i32
      %dma_wait3A_47 = arith.constant 0 : i32
      %dma_wait3A_48 = tpu.memref_slice %arg4[%run_scoped3A, %add3A, %dma_wait3A_46, %dma_wait3A_47] : memref<4x32x20x128xi32, #tpu.memory_space<hbm>> -> memref<1x1x20x128xi32, #tpu.memory_space<hbm>>
      %dma_wait3A_49 = tpu.memref_squeeze %dma_wait3A_48 : memref<1x1x20x128xi32, #tpu.memory_space<hbm>> -> memref<20x128xi32, #tpu.memory_space<hbm>>
      %dma_wait3A_50 = arith.constant 0 : i32
      %dma_wait3A_51 = arith.constant 0 : i32
      %dma_wait3A_52 = tpu.memref_slice %arg4[%run_scoped3A, %add3A, %dma_wait3A_50, %dma_wait3A_51] : memref<4x32x20x128xi32, #tpu.memory_space<hbm>> -> memref<1x1x20x128xi32, #tpu.memory_space<hbm>>
      %dma_wait3A_53 = tpu.memref_squeeze %dma_wait3A_52 : memref<1x1x20x128xi32, #tpu.memory_space<hbm>> -> memref<20x128xi32, #tpu.memory_space<hbm>>
      tpu.wait_dma2 semaphore(%run_scoped3A_37 : memref<!tpu.dma_semaphore, #tpu.memory_space<semaphore_mem>>) src(%dma_wait3A_53 : memref<20x128xi32, #tpu.memory_space<hbm>>) dst(%arg8 : memref<20x128xi32, #tpu.memory_space<vmem>>)
      tpu.yield
    }) : () -> ()
    %run_scoped3A_10 = arith.constant 0 : i32
    "tpu.region"() ({
      %run_scoped3A_37 = tpu.sem_alloc : memref<!tpu.dma_semaphore, #tpu.memory_space<semaphore_mem>>
      %dma_start3A_38 = arith.constant 0 : i32
      %dma_start3A_39 = arith.constant 0 : i32
      %dma_start3A_40 = tpu.memref_slice %arg5[%run_scoped3A_10, %add3A, %dma_start3A_38, %dma_start3A_39] : memref<4x32x20x128xi32, #tpu.memory_space<hbm>> -> memref<1x1x20x128xi32, #tpu.memory_space<hbm>>
      %dma_start3A_41 = tpu.memref_squeeze %dma_start3A_40 : memref<1x1x20x128xi32, #tpu.memory_space<hbm>> -> memref<20x128xi32, #tpu.memory_space<hbm>>
      %dma_start3A_42 = arith.constant 0 : i32
      %dma_start3A_43 = arith.constant 0 : i32
      %dma_start3A_44 = tpu.memref_slice %arg5[%run_scoped3A_10, %add3A, %dma_start3A_42, %dma_start3A_43] : memref<4x32x20x128xi32, #tpu.memory_space<hbm>> -> memref<1x1x20x128xi32, #tpu.memory_space<hbm>>
      %dma_start3A_45 = tpu.memref_squeeze %dma_start3A_44 : memref<1x1x20x128xi32, #tpu.memory_space<hbm>> -> memref<20x128xi32, #tpu.memory_space<hbm>>
      tpu.enqueue_dma source(%dma_start3A_45 : memref<20x128xi32, #tpu.memory_space<hbm>>) target(%arg9 : memref<20x128xi32, #tpu.memory_space<vmem>>) target_semaphore(%run_scoped3A_37 : memref<!tpu.dma_semaphore, #tpu.memory_space<semaphore_mem>>)
      %dma_wait3A_46 = arith.constant 0 : i32
      %dma_wait3A_47 = arith.constant 0 : i32
      %dma_wait3A_48 = tpu.memref_slice %arg5[%run_scoped3A_10, %add3A, %dma_wait3A_46, %dma_wait3A_47] : memref<4x32x20x128xi32, #tpu.memory_space<hbm>> -> memref<1x1x20x128xi32, #tpu.memory_space<hbm>>
      %dma_wait3A_49 = tpu.memref_squeeze %dma_wait3A_48 : memref<1x1x20x128xi32, #tpu.memory_space<hbm>> -> memref<20x128xi32, #tpu.memory_space<hbm>>
      %dma_wait3A_50 = arith.constant 0 : i32
      %dma_wait3A_51 = arith.constant 0 : i32
      %dma_wait3A_52 = tpu.memref_slice %arg5[%run_scoped3A_10, %add3A, %dma_wait3A_50, %dma_wait3A_51] : memref<4x32x20x128xi32, #tpu.memory_space<hbm>> -> memref<1x1x20x128xi32, #tpu.memory_space<hbm>>
      %dma_wait3A_53 = tpu.memref_squeeze %dma_wait3A_52 : memref<1x1x20x128xi32, #tpu.memory_space<hbm>> -> memref<20x128xi32, #tpu.memory_space<hbm>>
      tpu.wait_dma2 semaphore(%run_scoped3A_37 : memref<!tpu.dma_semaphore, #tpu.memory_space<semaphore_mem>>) src(%dma_wait3A_53 : memref<20x128xi32, #tpu.memory_space<hbm>>) dst(%arg9 : memref<20x128xi32, #tpu.memory_space<vmem>>)
      tpu.yield
    }) : () -> ()
    "tpu.region"() ({
      %run_scoped3A_37 = tpu.sem_alloc : memref<!tpu.dma_semaphore, #tpu.memory_space<semaphore_mem>>
      %dma_start3A_38 = arith.constant 0 : i32
      %dma_start3A_39 = arith.constant 0 : i32
      %dma_start3A_40 = tpu.memref_slice %arg6[%arg1, %dma_start3A_38, %dma_start3A_39] : memref<16x1x128xi32, #tpu.memory_space<hbm>> -> memref<1x1x128xi32, #tpu.memory_space<hbm>>
      %dma_start3A_41 = tpu.memref_squeeze %dma_start3A_40 : memref<1x1x128xi32, #tpu.memory_space<hbm>> -> memref<1x128xi32, #tpu.memory_space<hbm>>
      %dma_start3A_42 = arith.constant 0 : i32
      %dma_start3A_43 = arith.constant 0 : i32
      %dma_start3A_44 = tpu.memref_slice %arg6[%arg1, %dma_start3A_42, %dma_start3A_43] : memref<16x1x128xi32, #tpu.memory_space<hbm>> -> memref<1x1x128xi32, #tpu.memory_space<hbm>>
      %dma_start3A_45 = tpu.memref_squeeze %dma_start3A_44 : memref<1x1x128xi32, #tpu.memory_space<hbm>> -> memref<1x128xi32, #tpu.memory_space<hbm>>
      tpu.enqueue_dma source(%dma_start3A_45 : memref<1x128xi32, #tpu.memory_space<hbm>>) target(%arg10 : memref<1x128xi32, #tpu.memory_space<vmem>>) target_semaphore(%run_scoped3A_37 : memref<!tpu.dma_semaphore, #tpu.memory_space<semaphore_mem>>)
      %dma_wait3A_46 = arith.constant 0 : i32
      %dma_wait3A_47 = arith.constant 0 : i32
      %dma_wait3A_48 = tpu.memref_slice %arg6[%arg1, %dma_wait3A_46, %dma_wait3A_47] : memref<16x1x128xi32, #tpu.memory_space<hbm>> -> memref<1x1x128xi32, #tpu.memory_space<hbm>>
      %dma_wait3A_49 = tpu.memref_squeeze %dma_wait3A_48 : memref<1x1x128xi32, #tpu.memory_space<hbm>> -> memref<1x128xi32, #tpu.memory_space<hbm>>
      %dma_wait3A_50 = arith.constant 0 : i32
      %dma_wait3A_51 = arith.constant 0 : i32
      %dma_wait3A_52 = tpu.memref_slice %arg6[%arg1, %dma_wait3A_50, %dma_wait3A_51] : memref<16x1x128xi32, #tpu.memory_space<hbm>> -> memref<1x1x128xi32, #tpu.memory_space<hbm>>
      %dma_wait3A_53 = tpu.memref_squeeze %dma_wait3A_52 : memref<1x1x128xi32, #tpu.memory_space<hbm>> -> memref<1x128xi32, #tpu.memory_space<hbm>>
      tpu.wait_dma2 semaphore(%run_scoped3A_37 : memref<!tpu.dma_semaphore, #tpu.memory_space<semaphore_mem>>) src(%dma_wait3A_53 : memref<1x128xi32, #tpu.memory_space<hbm>>) dst(%arg10 : memref<1x128xi32, #tpu.memory_space<vmem>>)
      tpu.yield
    }) : () -> ()
    %dma_start3A = arith.constant 0 : i32
    %dma_start3A_11 = arith.constant 0 : i32
    %dma_start3A_12 = tpu.memref_slice %arg8[%dma_start3A, %dma_start3A_11] : memref<20x128xi32, #tpu.memory_space<vmem>> -> memref<1x128xi32, #tpu.memory_space<vmem>>
    %dma_start3A_13 = tpu.memref_squeeze %dma_start3A_12 : memref<1x128xi32, #tpu.memory_space<vmem>> -> memref<128xi32, #tpu.memory_space<vmem>>
    %dma_start3A_14 = arith.constant 0 : i32
    %dma_start3A_15 = arith.constant 0 : i32
    %dma_start3A_16 = tpu.memref_slice %arg2[%dma_start3A_14, %dma_start3A_15] : memref<10000x128xf32, #tpu.memory_space<hbm>> -> memref<10000x128xf32, #tpu.memory_space<hbm>>
    tpu.enqueue_indirect_dma source(%dma_start3A_16 : memref<10000x128xf32, #tpu.memory_space<hbm>>) target(%arg11 : memref<128x128xf32, #tpu.memory_space<vmem>>) offsets(%dma_start3A_13 : memref<128xi32, #tpu.memory_space<vmem>>) semaphore(%arg17 : memref<!tpu.dma_semaphore, #tpu.memory_space<semaphore_mem>>)
    %dma_start3A_17 = arith.constant 0 : i32
    %dma_start3A_18 = arith.constant 0 : i32
    %dma_start3A_19 = tpu.memref_slice %arg9[%dma_start3A_17, %dma_start3A_18] : memref<20x128xi32, #tpu.memory_space<vmem>> -> memref<1x128xi32, #tpu.memory_space<vmem>>
    %dma_start3A_20 = tpu.memref_squeeze %dma_start3A_19 : memref<1x128xi32, #tpu.memory_space<vmem>> -> memref<128xi32, #tpu.memory_space<vmem>>
    %dma_start3A_21 = arith.constant 0 : i32
    %dma_start3A_22 = arith.constant 0 : i32
    %dma_start3A_23 = tpu.memref_slice %arg3[%dma_start3A_21, %dma_start3A_22] : memref<10000x128xf32, #tpu.memory_space<hbm>> -> memref<10000x128xf32, #tpu.memory_space<hbm>>
    tpu.enqueue_indirect_dma source(%dma_start3A_23 : memref<10000x128xf32, #tpu.memory_space<hbm>>) target(%arg12 : memref<128x128xf32, #tpu.memory_space<vmem>>) offsets(%dma_start3A_20 : memref<128xi32, #tpu.memory_space<vmem>>) semaphore(%arg17 : memref<!tpu.dma_semaphore, #tpu.memory_space<semaphore_mem>>)
    %scan3A = arith.constant 0 : i32
    %scan3A_24 = arith.constant 11 : i32
    %scan3A_25 = arith.addi %scan3A, %scan3A_24 : i32
    %scan3A_26 = arith.constant 1 : i32
    scf.for %scan3A_37 = %scan3A to %scan3A_25 step %scan3A_26  : i32 {
      %mul3A_38 = arith.constant 2 : i32
      %mul3A_39 = arith.muli %scan3A_37, %mul3A_38 : i32
      %add3A_40 = arith.constant 0 : i32
      %add3A_41 = arith.addi %add3A_40, %mul3A_39 : i32
      %lt3A_42 = arith.cmpi slt, %add3A_41, %add3A_7 : i32
      %convert_element_type3A_43 = arith.extui %lt3A_42 : i1 to i32
      %cond3A = arith.constant 0 : i32
      %cond3A_44 = arith.cmpi ne, %convert_element_type3A_43, %cond3A : i32
      scf.if %cond3A_44 {
        %dma_wait3A_51 = arith.constant 0 : i32
        %dma_wait3A_52 = arith.constant 0 : i32
        %dma_wait3A_53 = tpu.memref_slice %arg8[%dma_wait3A_51, %dma_wait3A_52] : memref<20x128xi32, #tpu.memory_space<vmem>> -> memref<1x128xi32, #tpu.memory_space<vmem>>
        %dma_wait3A_54 = tpu.memref_squeeze %dma_wait3A_53 : memref<1x128xi32, #tpu.memory_space<vmem>> -> memref<128xi32, #tpu.memory_space<vmem>>
        %dma_wait3A_55 = arith.constant 0 : i32
        %dma_wait3A_56 = arith.constant 0 : i32
        %dma_wait3A_57 = tpu.memref_slice %arg2[%dma_wait3A_55, %dma_wait3A_56] : memref<10000x128xf32, #tpu.memory_space<hbm>> -> memref<10000x128xf32, #tpu.memory_space<hbm>>
        tpu.wait_indirect_dma semaphore(%arg17 : memref<!tpu.dma_semaphore, #tpu.memory_space<semaphore_mem>>) src(%dma_wait3A_57 : memref<10000x128xf32, #tpu.memory_space<hbm>>) dst(%arg11 : memref<128x128xf32, #tpu.memory_space<vmem>>)
        %dma_wait3A_58 = arith.constant 0 : i32
        %dma_wait3A_59 = arith.constant 0 : i32
        %dma_wait3A_60 = tpu.memref_slice %arg9[%dma_wait3A_58, %dma_wait3A_59] : memref<20x128xi32, #tpu.memory_space<vmem>> -> memref<1x128xi32, #tpu.memory_space<vmem>>
        %dma_wait3A_61 = tpu.memref_squeeze %dma_wait3A_60 : memref<1x128xi32, #tpu.memory_space<vmem>> -> memref<128xi32, #tpu.memory_space<vmem>>
        %dma_wait3A_62 = arith.constant 0 : i32
        %dma_wait3A_63 = arith.constant 0 : i32
        %dma_wait3A_64 = tpu.memref_slice %arg3[%dma_wait3A_62, %dma_wait3A_63] : memref<10000x128xf32, #tpu.memory_space<hbm>> -> memref<10000x128xf32, #tpu.memory_space<hbm>>
        tpu.wait_indirect_dma semaphore(%arg17 : memref<!tpu.dma_semaphore, #tpu.memory_space<semaphore_mem>>) src(%dma_wait3A_64 : memref<10000x128xf32, #tpu.memory_space<hbm>>) dst(%arg12 : memref<128x128xf32, #tpu.memory_space<vmem>>)
        %add3A_65 = arith.constant 1 : i32
        %add3A_66 = arith.addi %add3A_41, %add3A_65 : i32
        %lt3A_67 = arith.cmpi slt, %add3A_66, %add3A_7 : i32
        %convert_element_type3A_68 = arith.extui %lt3A_67 : i1 to i32
        %cond3A_69 = arith.constant 0 : i32
        %cond3A_70 = arith.cmpi ne, %convert_element_type3A_68, %cond3A_69 : i32
        scf.if %cond3A_70 {
          %add3A_83 = arith.constant 1 : i32
          %add3A_84 = arith.addi %add3A_41, %add3A_83 : i32
          %dma_start3A_85 = arith.constant 0 : i32
          %dma_start3A_86 = tpu.memref_slice %arg8[%add3A_84, %dma_start3A_85] : memref<20x128xi32, #tpu.memory_space<vmem>> -> memref<1x128xi32, #tpu.memory_space<vmem>>
          %dma_start3A_87 = tpu.memref_squeeze %dma_start3A_86 : memref<1x128xi32, #tpu.memory_space<vmem>> -> memref<128xi32, #tpu.memory_space<vmem>>
          %dma_start3A_88 = arith.constant 0 : i32
          %dma_start3A_89 = arith.constant 0 : i32
          %dma_start3A_90 = tpu.memref_slice %arg2[%dma_start3A_88, %dma_start3A_89] : memref<10000x128xf32, #tpu.memory_space<hbm>> -> memref<10000x128xf32, #tpu.memory_space<hbm>>
          tpu.enqueue_indirect_dma source(%dma_start3A_90 : memref<10000x128xf32, #tpu.memory_space<hbm>>) target(%arg13 : memref<128x128xf32, #tpu.memory_space<vmem>>) offsets(%dma_start3A_87 : memref<128xi32, #tpu.memory_space<vmem>>) semaphore(%arg18 : memref<!tpu.dma_semaphore, #tpu.memory_space<semaphore_mem>>)
          %add3A_91 = arith.constant 1 : i32
          %add3A_92 = arith.addi %add3A_41, %add3A_91 : i32
          %dma_start3A_93 = arith.constant 0 : i32
          %dma_start3A_94 = tpu.memref_slice %arg9[%add3A_92, %dma_start3A_93] : memref<20x128xi32, #tpu.memory_space<vmem>> -> memref<1x128xi32, #tpu.memory_space<vmem>>
          %dma_start3A_95 = tpu.memref_squeeze %dma_start3A_94 : memref<1x128xi32, #tpu.memory_space<vmem>> -> memref<128xi32, #tpu.memory_space<vmem>>
          %dma_start3A_96 = arith.constant 0 : i32
          %dma_start3A_97 = arith.constant 0 : i32
          %dma_start3A_98 = tpu.memref_slice %arg3[%dma_start3A_96, %dma_start3A_97] : memref<10000x128xf32, #tpu.memory_space<hbm>> -> memref<10000x128xf32, #tpu.memory_space<hbm>>
          tpu.enqueue_indirect_dma source(%dma_start3A_98 : memref<10000x128xf32, #tpu.memory_space<hbm>>) target(%arg14 : memref<128x128xf32, #tpu.memory_space<vmem>>) offsets(%dma_start3A_95 : memref<128xi32, #tpu.memory_space<vmem>>) semaphore(%arg18 : memref<!tpu.dma_semaphore, #tpu.memory_space<semaphore_mem>>)
        } else {
        }
        %ge3A = arith.constant 2 : i32
        %ge3A_71 = arith.cmpi sge, %add3A_41, %ge3A : i32
        %convert_element_type3A_72 = arith.extui %ge3A_71 : i1 to i32
        %cond3A_73 = arith.constant 0 : i32
        %cond3A_74 = arith.cmpi ne, %convert_element_type3A_72, %cond3A_73 : i32
        scf.if %cond3A_74 {
          %dma_wait3A_83 = arith.constant 0 : i32
          %dma_wait3A_84 = arith.constant 0 : i32
          %dma_wait3A_85 = tpu.memref_slice %arg7[%dma_wait3A_83, %dma_wait3A_84] : memref<80000x128xf32, #tpu.memory_space<hbm>> -> memref<128x128xf32, #tpu.memory_space<hbm>>
          %dma_wait3A_86 = arith.constant 0 : i32
          %dma_wait3A_87 = tpu.memref_slice %arg15[%mul3A_9, %dma_wait3A_86] : memref<2048x128xf32, #tpu.memory_space<vmem_shared>> -> memref<128x128xf32, #tpu.memory_space<vmem_shared>>
          tpu.wait_dma2 semaphore(%arg19 : memref<!tpu.dma_semaphore, #tpu.memory_space<semaphore_mem>>) src(%dma_wait3A_87 : memref<128x128xf32, #tpu.memory_space<vmem_shared>>) dst(%dma_wait3A_85 : memref<128x128xf32, #tpu.memory_space<hbm>>)
        } else {
        }
        "tpu.region"() ({
          %run_scoped3A_83 = tpu.sem_alloc : memref<!tpu.dma_semaphore, #tpu.memory_space<semaphore_mem>>
          %dma_start3A_84 = arith.constant 0 : i32
          %dma_start3A_85 = tpu.memref_slice %arg15[%mul3A_9, %dma_start3A_84] : memref<2048x128xf32, #tpu.memory_space<vmem_shared>> -> memref<128x128xf32, #tpu.memory_space<vmem_shared>>
          %dma_start3A_86 = arith.constant 0 : i32
          %dma_start3A_87 = tpu.memref_slice %arg15[%mul3A_9, %dma_start3A_86] : memref<2048x128xf32, #tpu.memory_space<vmem_shared>> -> memref<128x128xf32, #tpu.memory_space<vmem_shared>>
          tpu.enqueue_dma source(%arg11 : memref<128x128xf32, #tpu.memory_space<vmem>>) target(%dma_start3A_87 : memref<128x128xf32, #tpu.memory_space<vmem_shared>>) target_semaphore(%run_scoped3A_83 : memref<!tpu.dma_semaphore, #tpu.memory_space<semaphore_mem>>)
          %dma_wait3A_88 = arith.constant 0 : i32
          %dma_wait3A_89 = tpu.memref_slice %arg15[%mul3A_9, %dma_wait3A_88] : memref<2048x128xf32, #tpu.memory_space<vmem_shared>> -> memref<128x128xf32, #tpu.memory_space<vmem_shared>>
          %dma_wait3A_90 = arith.constant 0 : i32
          %dma_wait3A_91 = tpu.memref_slice %arg15[%mul3A_9, %dma_wait3A_90] : memref<2048x128xf32, #tpu.memory_space<vmem_shared>> -> memref<128x128xf32, #tpu.memory_space<vmem_shared>>
          tpu.wait_dma2 semaphore(%run_scoped3A_83 : memref<!tpu.dma_semaphore, #tpu.memory_space<semaphore_mem>>) src(%arg11 : memref<128x128xf32, #tpu.memory_space<vmem>>) dst(%dma_wait3A_91 : memref<128x128xf32, #tpu.memory_space<vmem_shared>>)
          tpu.yield
        }) : () -> ()
        %run_scoped3A_75 = arith.constant 0 : i32
        "tpu.region"() ({
          %run_scoped3A_83 = tpu.sem_alloc : memref<!tpu.dma_semaphore, #tpu.memory_space<semaphore_mem>>
          %dma_start3A_84 = arith.constant 0 : i32
          %dma_start3A_85 = tpu.memref_slice %arg10[%run_scoped3A_75, %dma_start3A_84] : memref<1x128xi32, #tpu.memory_space<vmem>> -> memref<1x128xi32, #tpu.memory_space<vmem>>
          %dma_start3A_86 = tpu.memref_squeeze %dma_start3A_85 : memref<1x128xi32, #tpu.memory_space<vmem>> -> memref<128xi32, #tpu.memory_space<vmem>>
          %dma_start3A_87 = arith.constant 0 : i32
          %dma_start3A_88 = arith.constant 0 : i32
          %dma_start3A_89 = tpu.memref_slice %arg15[%dma_start3A_87, %dma_start3A_88] : memref<2048x128xf32, #tpu.memory_space<vmem_shared>> -> memref<2048x128xf32, #tpu.memory_space<vmem_shared>>
          tpu.enqueue_indirect_dma source(%arg12 : memref<128x128xf32, #tpu.memory_space<vmem>>) target(%dma_start3A_89 : memref<2048x128xf32, #tpu.memory_space<vmem_shared>>) offsets(%dma_start3A_86 : memref<128xi32, #tpu.memory_space<vmem>>) semaphore(%run_scoped3A_83 : memref<!tpu.dma_semaphore, #tpu.memory_space<semaphore_mem>>) {add = true}
          %dma_wait3A_90 = arith.constant 0 : i32
          %dma_wait3A_91 = tpu.memref_slice %arg10[%run_scoped3A_75, %dma_wait3A_90] : memref<1x128xi32, #tpu.memory_space<vmem>> -> memref<1x128xi32, #tpu.memory_space<vmem>>
          %dma_wait3A_92 = tpu.memref_squeeze %dma_wait3A_91 : memref<1x128xi32, #tpu.memory_space<vmem>> -> memref<128xi32, #tpu.memory_space<vmem>>
          %dma_wait3A_93 = arith.constant 0 : i32
          %dma_wait3A_94 = arith.constant 0 : i32
          %dma_wait3A_95 = tpu.memref_slice %arg15[%dma_wait3A_93, %dma_wait3A_94] : memref<2048x128xf32, #tpu.memory_space<vmem_shared>> -> memref<2048x128xf32, #tpu.memory_space<vmem_shared>>
          tpu.wait_indirect_dma semaphore(%run_scoped3A_83 : memref<!tpu.dma_semaphore, #tpu.memory_space<semaphore_mem>>) src(%arg12 : memref<128x128xf32, #tpu.memory_space<vmem>>) dst(%dma_wait3A_95 : memref<2048x128xf32, #tpu.memory_space<vmem_shared>>)
          tpu.yield
        }) : () -> ()
        %add3A_76 = arith.addi %add3A_4, %add3A_41 : i32
        %mul3A_77 = arith.constant 128 : i32
        %mul3A_78 = arith.muli %add3A_76, %mul3A_77 : i32
        %dma_start3A_79 = arith.constant 0 : i32
        %dma_start3A_80 = tpu.memref_slice %arg7[%mul3A_78, %dma_start3A_79] : memref<80000x128xf32, #tpu.memory_space<hbm>> -> memref<128x128xf32, #tpu.memory_space<hbm>>
        %dma_start3A_81 = arith.constant 0 : i32
        %dma_start3A_82 = tpu.memref_slice %arg15[%mul3A_9, %dma_start3A_81] : memref<2048x128xf32, #tpu.memory_space<vmem_shared>> -> memref<128x128xf32, #tpu.memory_space<vmem_shared>>
        tpu.enqueue_dma source(%dma_start3A_82 : memref<128x128xf32, #tpu.memory_space<vmem_shared>>) target(%dma_start3A_80 : memref<128x128xf32, #tpu.memory_space<hbm>>) target_semaphore(%arg19 : memref<!tpu.dma_semaphore, #tpu.memory_space<semaphore_mem>>)
      } else {
      }
      %add3A_45 = arith.constant 1 : i32
      %add3A_46 = arith.addi %add3A_41, %add3A_45 : i32
      %lt3A_47 = arith.cmpi slt, %add3A_46, %add3A_7 : i32
      %convert_element_type3A_48 = arith.extui %lt3A_47 : i1 to i32
      %cond3A_49 = arith.constant 0 : i32
      %cond3A_50 = arith.cmpi ne, %convert_element_type3A_48, %cond3A_49 : i32
      scf.if %cond3A_50 {
        %dma_wait3A_51 = arith.constant 0 : i32
        %dma_wait3A_52 = arith.constant 0 : i32
        %dma_wait3A_53 = tpu.memref_slice %arg8[%dma_wait3A_51, %dma_wait3A_52] : memref<20x128xi32, #tpu.memory_space<vmem>> -> memref<1x128xi32, #tpu.memory_space<vmem>>
        %dma_wait3A_54 = tpu.memref_squeeze %dma_wait3A_53 : memref<1x128xi32, #tpu.memory_space<vmem>> -> memref<128xi32, #tpu.memory_space<vmem>>
        %dma_wait3A_55 = arith.constant 0 : i32
        %dma_wait3A_56 = arith.constant 0 : i32
        %dma_wait3A_57 = tpu.memref_slice %arg2[%dma_wait3A_55, %dma_wait3A_56] : memref<10000x128xf32, #tpu.memory_space<hbm>> -> memref<10000x128xf32, #tpu.memory_space<hbm>>
        tpu.wait_indirect_dma semaphore(%arg18 : memref<!tpu.dma_semaphore, #tpu.memory_space<semaphore_mem>>) src(%dma_wait3A_57 : memref<10000x128xf32, #tpu.memory_space<hbm>>) dst(%arg13 : memref<128x128xf32, #tpu.memory_space<vmem>>)
        %dma_wait3A_58 = arith.constant 0 : i32
        %dma_wait3A_59 = arith.constant 0 : i32
        %dma_wait3A_60 = tpu.memref_slice %arg9[%dma_wait3A_58, %dma_wait3A_59] : memref<20x128xi32, #tpu.memory_space<vmem>> -> memref<1x128xi32, #tpu.memory_space<vmem>>
        %dma_wait3A_61 = tpu.memref_squeeze %dma_wait3A_60 : memref<1x128xi32, #tpu.memory_space<vmem>> -> memref<128xi32, #tpu.memory_space<vmem>>
        %dma_wait3A_62 = arith.constant 0 : i32
        %dma_wait3A_63 = arith.constant 0 : i32
        %dma_wait3A_64 = tpu.memref_slice %arg3[%dma_wait3A_62, %dma_wait3A_63] : memref<10000x128xf32, #tpu.memory_space<hbm>> -> memref<10000x128xf32, #tpu.memory_space<hbm>>
        tpu.wait_indirect_dma semaphore(%arg18 : memref<!tpu.dma_semaphore, #tpu.memory_space<semaphore_mem>>) src(%dma_wait3A_64 : memref<10000x128xf32, #tpu.memory_space<hbm>>) dst(%arg14 : memref<128x128xf32, #tpu.memory_space<vmem>>)
        %add3A_65 = arith.constant 1 : i32
        %add3A_66 = arith.addi %add3A_46, %add3A_65 : i32
        %lt3A_67 = arith.cmpi slt, %add3A_66, %add3A_7 : i32
        %convert_element_type3A_68 = arith.extui %lt3A_67 : i1 to i32
        %cond3A_69 = arith.constant 0 : i32
        %cond3A_70 = arith.cmpi ne, %convert_element_type3A_68, %cond3A_69 : i32
        scf.if %cond3A_70 {
          %add3A_83 = arith.constant 1 : i32
          %add3A_84 = arith.addi %add3A_46, %add3A_83 : i32
          %dma_start3A_85 = arith.constant 0 : i32
          %dma_start3A_86 = tpu.memref_slice %arg8[%add3A_84, %dma_start3A_85] : memref<20x128xi32, #tpu.memory_space<vmem>> -> memref<1x128xi32, #tpu.memory_space<vmem>>
          %dma_start3A_87 = tpu.memref_squeeze %dma_start3A_86 : memref<1x128xi32, #tpu.memory_space<vmem>> -> memref<128xi32, #tpu.memory_space<vmem>>
          %dma_start3A_88 = arith.constant 0 : i32
          %dma_start3A_89 = arith.constant 0 : i32
          %dma_start3A_90 = tpu.memref_slice %arg2[%dma_start3A_88, %dma_start3A_89] : memref<10000x128xf32, #tpu.memory_space<hbm>> -> memref<10000x128xf32, #tpu.memory_space<hbm>>
          tpu.enqueue_indirect_dma source(%dma_start3A_90 : memref<10000x128xf32, #tpu.memory_space<hbm>>) target(%arg11 : memref<128x128xf32, #tpu.memory_space<vmem>>) offsets(%dma_start3A_87 : memref<128xi32, #tpu.memory_space<vmem>>) semaphore(%arg17 : memref<!tpu.dma_semaphore, #tpu.memory_space<semaphore_mem>>)
          %add3A_91 = arith.constant 1 : i32
          %add3A_92 = arith.addi %add3A_46, %add3A_91 : i32
          %dma_start3A_93 = arith.constant 0 : i32
          %dma_start3A_94 = tpu.memref_slice %arg9[%add3A_92, %dma_start3A_93] : memref<20x128xi32, #tpu.memory_space<vmem>> -> memref<1x128xi32, #tpu.memory_space<vmem>>
          %dma_start3A_95 = tpu.memref_squeeze %dma_start3A_94 : memref<1x128xi32, #tpu.memory_space<vmem>> -> memref<128xi32, #tpu.memory_space<vmem>>
          %dma_start3A_96 = arith.constant 0 : i32
          %dma_start3A_97 = arith.constant 0 : i32
          %dma_start3A_98 = tpu.memref_slice %arg3[%dma_start3A_96, %dma_start3A_97] : memref<10000x128xf32, #tpu.memory_space<hbm>> -> memref<10000x128xf32, #tpu.memory_space<hbm>>
          tpu.enqueue_indirect_dma source(%dma_start3A_98 : memref<10000x128xf32, #tpu.memory_space<hbm>>) target(%arg12 : memref<128x128xf32, #tpu.memory_space<vmem>>) offsets(%dma_start3A_95 : memref<128xi32, #tpu.memory_space<vmem>>) semaphore(%arg17 : memref<!tpu.dma_semaphore, #tpu.memory_space<semaphore_mem>>)
        } else {
        }
        %ge3A = arith.constant 2 : i32
        %ge3A_71 = arith.cmpi sge, %add3A_46, %ge3A : i32
        %convert_element_type3A_72 = arith.extui %ge3A_71 : i1 to i32
        %cond3A_73 = arith.constant 0 : i32
        %cond3A_74 = arith.cmpi ne, %convert_element_type3A_72, %cond3A_73 : i32
        scf.if %cond3A_74 {
          %dma_wait3A_83 = arith.constant 0 : i32
          %dma_wait3A_84 = arith.constant 0 : i32
          %dma_wait3A_85 = tpu.memref_slice %arg7[%dma_wait3A_83, %dma_wait3A_84] : memref<80000x128xf32, #tpu.memory_space<hbm>> -> memref<128x128xf32, #tpu.memory_space<hbm>>
          %dma_wait3A_86 = arith.constant 0 : i32
          %dma_wait3A_87 = tpu.memref_slice %arg16[%mul3A_9, %dma_wait3A_86] : memref<2048x128xf32, #tpu.memory_space<vmem_shared>> -> memref<128x128xf32, #tpu.memory_space<vmem_shared>>
          tpu.wait_dma2 semaphore(%arg20 : memref<!tpu.dma_semaphore, #tpu.memory_space<semaphore_mem>>) src(%dma_wait3A_87 : memref<128x128xf32, #tpu.memory_space<vmem_shared>>) dst(%dma_wait3A_85 : memref<128x128xf32, #tpu.memory_space<hbm>>)
        } else {
        }
        "tpu.region"() ({
          %run_scoped3A_83 = tpu.sem_alloc : memref<!tpu.dma_semaphore, #tpu.memory_space<semaphore_mem>>
          %dma_start3A_84 = arith.constant 0 : i32
          %dma_start3A_85 = tpu.memref_slice %arg16[%mul3A_9, %dma_start3A_84] : memref<2048x128xf32, #tpu.memory_space<vmem_shared>> -> memref<128x128xf32, #tpu.memory_space<vmem_shared>>
          %dma_start3A_86 = arith.constant 0 : i32
          %dma_start3A_87 = tpu.memref_slice %arg16[%mul3A_9, %dma_start3A_86] : memref<2048x128xf32, #tpu.memory_space<vmem_shared>> -> memref<128x128xf32, #tpu.memory_space<vmem_shared>>
          tpu.enqueue_dma source(%arg13 : memref<128x128xf32, #tpu.memory_space<vmem>>) target(%dma_start3A_87 : memref<128x128xf32, #tpu.memory_space<vmem_shared>>) target_semaphore(%run_scoped3A_83 : memref<!tpu.dma_semaphore, #tpu.memory_space<semaphore_mem>>)
          %dma_wait3A_88 = arith.constant 0 : i32
          %dma_wait3A_89 = tpu.memref_slice %arg16[%mul3A_9, %dma_wait3A_88] : memref<2048x128xf32, #tpu.memory_space<vmem_shared>> -> memref<128x128xf32, #tpu.memory_space<vmem_shared>>
          %dma_wait3A_90 = arith.constant 0 : i32
          %dma_wait3A_91 = tpu.memref_slice %arg16[%mul3A_9, %dma_wait3A_90] : memref<2048x128xf32, #tpu.memory_space<vmem_shared>> -> memref<128x128xf32, #tpu.memory_space<vmem_shared>>
          tpu.wait_dma2 semaphore(%run_scoped3A_83 : memref<!tpu.dma_semaphore, #tpu.memory_space<semaphore_mem>>) src(%arg13 : memref<128x128xf32, #tpu.memory_space<vmem>>) dst(%dma_wait3A_91 : memref<128x128xf32, #tpu.memory_space<vmem_shared>>)
          tpu.yield
        }) : () -> ()
        %run_scoped3A_75 = arith.constant 0 : i32
        "tpu.region"() ({
          %run_scoped3A_83 = tpu.sem_alloc : memref<!tpu.dma_semaphore, #tpu.memory_space<semaphore_mem>>
          %dma_start3A_84 = arith.constant 0 : i32
          %dma_start3A_85 = tpu.memref_slice %arg10[%run_scoped3A_75, %dma_start3A_84] : memref<1x128xi32, #tpu.memory_space<vmem>> -> memref<1x128xi32, #tpu.memory_space<vmem>>
          %dma_start3A_86 = tpu.memref_squeeze %dma_start3A_85 : memref<1x128xi32, #tpu.memory_space<vmem>> -> memref<128xi32, #tpu.memory_space<vmem>>
          %dma_start3A_87 = arith.constant 0 : i32
          %dma_start3A_88 = arith.constant 0 : i32
          %dma_start3A_89 = tpu.memref_slice %arg16[%dma_start3A_87, %dma_start3A_88] : memref<2048x128xf32, #tpu.memory_space<vmem_shared>> -> memref<2048x128xf32, #tpu.memory_space<vmem_shared>>
          tpu.enqueue_indirect_dma source(%arg14 : memref<128x128xf32, #tpu.memory_space<vmem>>) target(%dma_start3A_89 : memref<2048x128xf32, #tpu.memory_space<vmem_shared>>) offsets(%dma_start3A_86 : memref<128xi32, #tpu.memory_space<vmem>>) semaphore(%run_scoped3A_83 : memref<!tpu.dma_semaphore, #tpu.memory_space<semaphore_mem>>) {add = true}
          %dma_wait3A_90 = arith.constant 0 : i32
          %dma_wait3A_91 = tpu.memref_slice %arg10[%run_scoped3A_75, %dma_wait3A_90] : memref<1x128xi32, #tpu.memory_space<vmem>> -> memref<1x128xi32, #tpu.memory_space<vmem>>
          %dma_wait3A_92 = tpu.memref_squeeze %dma_wait3A_91 : memref<1x128xi32, #tpu.memory_space<vmem>> -> memref<128xi32, #tpu.memory_space<vmem>>
          %dma_wait3A_93 = arith.constant 0 : i32
          %dma_wait3A_94 = arith.constant 0 : i32
          %dma_wait3A_95 = tpu.memref_slice %arg16[%dma_wait3A_93, %dma_wait3A_94] : memref<2048x128xf32, #tpu.memory_space<vmem_shared>> -> memref<2048x128xf32, #tpu.memory_space<vmem_shared>>
          tpu.wait_indirect_dma semaphore(%run_scoped3A_83 : memref<!tpu.dma_semaphore, #tpu.memory_space<semaphore_mem>>) src(%arg14 : memref<128x128xf32, #tpu.memory_space<vmem>>) dst(%dma_wait3A_95 : memref<2048x128xf32, #tpu.memory_space<vmem_shared>>)
          tpu.yield
        }) : () -> ()
        %add3A_76 = arith.addi %add3A_4, %add3A_46 : i32
        %mul3A_77 = arith.constant 128 : i32
        %mul3A_78 = arith.muli %add3A_76, %mul3A_77 : i32
        %dma_start3A_79 = arith.constant 0 : i32
        %dma_start3A_80 = tpu.memref_slice %arg7[%mul3A_78, %dma_start3A_79] : memref<80000x128xf32, #tpu.memory_space<hbm>> -> memref<128x128xf32, #tpu.memory_space<hbm>>
        %dma_start3A_81 = arith.constant 0 : i32
        %dma_start3A_82 = tpu.memref_slice %arg16[%mul3A_9, %dma_start3A_81] : memref<2048x128xf32, #tpu.memory_space<vmem_shared>> -> memref<128x128xf32, #tpu.memory_space<vmem_shared>>
        tpu.enqueue_dma source(%dma_start3A_82 : memref<128x128xf32, #tpu.memory_space<vmem_shared>>) target(%dma_start3A_80 : memref<128x128xf32, #tpu.memory_space<hbm>>) target_semaphore(%arg20 : memref<!tpu.dma_semaphore, #tpu.memory_space<semaphore_mem>>)
      } else {
      }
    }
    %scan3A_27 = arith.constant 11 : i32
    %dma_wait3A = arith.constant 0 : i32
    %dma_wait3A_28 = arith.constant 0 : i32
    %dma_wait3A_29 = tpu.memref_slice %arg7[%dma_wait3A, %dma_wait3A_28] : memref<80000x128xf32, #tpu.memory_space<hbm>> -> memref<128x128xf32, #tpu.memory_space<hbm>>
    %dma_wait3A_30 = arith.constant 0 : i32
    %dma_wait3A_31 = tpu.memref_slice %arg15[%mul3A_9, %dma_wait3A_30] : memref<2048x128xf32, #tpu.memory_space<vmem_shared>> -> memref<128x128xf32, #tpu.memory_space<vmem_shared>>
    tpu.wait_dma2 semaphore(%arg19 : memref<!tpu.dma_semaphore, #tpu.memory_space<semaphore_mem>>) src(%dma_wait3A_31 : memref<128x128xf32, #tpu.memory_space<vmem_shared>>) dst(%dma_wait3A_29 : memref<128x128xf32, #tpu.memory_space<hbm>>)
    %dma_wait3A_32 = arith.constant 0 : i32
    %dma_wait3A_33 = arith.constant 0 : i32
    %dma_wait3A_34 = tpu.memref_slice %arg7[%dma_wait3A_32, %dma_wait3A_33] : memref<80000x128xf32, #tpu.memory_space<hbm>> -> memref<128x128xf32, #tpu.memory_space<hbm>>
    %dma_wait3A_35 = arith.constant 0 : i32
    %dma_wait3A_36 = tpu.memref_slice %arg16[%mul3A_9, %dma_wait3A_35] : memref<2048x128xf32, #tpu.memory_space<vmem_shared>> -> memref<128x128xf32, #tpu.memory_space<vmem_shared>>
    tpu.wait_dma2 semaphore(%arg20 : memref<!tpu.dma_semaphore, #tpu.memory_space<semaphore_mem>>) src(%dma_wait3A_36 : memref<128x128xf32, #tpu.memory_space<vmem_shared>>) dst(%dma_wait3A_34 : memref<128x128xf32, #tpu.memory_space<hbm>>)
    return
  }
}

#map = affine_map<(d0, d1) -> (0, 0)>
#map1 = affine_map<(d0, d1) -> (0, 0, 0)>
module attributes {stable_mosaic.version = 14 : i64} {
  func.func @k(%arg0: i32, %arg1: i32, %arg2: memref<80000x128xf32, #tpu.memory_space<hbm>>, %arg3: memref<80000x128xf32, #tpu.memory_space<hbm>>, %arg4: memref<80000x128xf32, #tpu.memory_space<hbm>>, %arg5: memref<80000x128xf32, #tpu.memory_space<hbm>>, %arg6: memref<32x79x128xi32, #tpu.memory_space<hbm>>, %arg7: memref<640x128xf32, #tpu.memory_space<hbm>>, %arg8: memref<2x10240x128xf32, #tpu.memory_space<hbm>>, %arg9: memref<320000x128xf32, #tpu.memory_space<hbm>>, %arg10: memref<79x128xi32, #tpu.memory_space<vmem>>, %arg11: memref<128x128xf32, #tpu.memory_space<vmem>>, %arg12: memref<128x128xf32, #tpu.memory_space<vmem>>, %arg13: memref<10240x128xf32, #tpu.memory_space<vmem_shared>>, %arg14: memref<!tpu.dma_semaphore, #tpu.memory_space<semaphore_mem>>, %arg15: memref<!tpu.dma_semaphore, #tpu.memory_space<semaphore_mem>>, %arg16: memref<!tpu.dma_semaphore, #tpu.memory_space<semaphore_mem>>, %arg17: memref<!tpu.dma_semaphore, #tpu.memory_space<semaphore_mem>>) attributes {dimension_semantics = [#tpu.dimension_semantics<core_parallel>, #tpu.dimension_semantics<subcore_parallel>], iteration_bounds = array<i64: 2, 16>, scalar_prefetch = 0 : i64, scratch_operands = 8 : i64, tpu.core_type = #tpu.core_type<sc_vector_subcore>, window_params = [{transform_indices = #map}, {transform_indices = #map}, {transform_indices = #map}, {transform_indices = #map}, {transform_indices = #map1}, {transform_indices = #map}, {transform_indices = #map1}, {transform_indices = #map}]} {
    %mul3A = arith.constant 2 : i32
    %mul3A_0 = arith.muli %arg1, %mul3A : i32
    %add3A = arith.addi %mul3A_0, %arg0 : i32
    %rem3A = arith.constant 8 : i32
    %rem3A_1 = arith.remsi %add3A, %rem3A : i32
    %mul3A_2 = arith.constant 78 : i32
    %mul3A_3 = arith.muli %rem3A_1, %mul3A_2 : i32
    %min3A = arith.constant 1 : i32
    %min3A_4 = arith.minsi %rem3A_1, %min3A : i32
    %add3A_5 = arith.addi %mul3A_3, %min3A_4 : i32
    %lt3A = arith.constant 1 : i32
    %lt3A_6 = arith.cmpi slt, %rem3A_1, %lt3A : i32
    %convert_element_type3A = arith.extui %lt3A_6 : i1 to i32
    %add3A_7 = arith.constant 78 : i32
    %add3A_8 = arith.addi %add3A_7, %convert_element_type3A : i32
    %mul3A_9 = arith.constant 640 : i32
    %mul3A_10 = arith.muli %arg1, %mul3A_9 : i32
    "tpu.region"() ({
      %run_scoped3A = tpu.sem_alloc : memref<!tpu.dma_semaphore, #tpu.memory_space<semaphore_mem>>
      %dma_start3A = arith.constant 0 : i32
      %dma_start3A_45 = tpu.memref_slice %arg13[%mul3A_10, %dma_start3A] : memref<10240x128xf32, #tpu.memory_space<vmem_shared>> -> memref<640x128xf32, #tpu.memory_space<vmem_shared>>
      tpu.enqueue_dma source(%arg7 : memref<640x128xf32, #tpu.memory_space<hbm>>) target(%dma_start3A_45 : memref<640x128xf32, #tpu.memory_space<vmem_shared>>) target_semaphore(%run_scoped3A : memref<!tpu.dma_semaphore, #tpu.memory_space<semaphore_mem>>)
      %dma_wait3A = arith.constant 0 : i32
      %dma_wait3A_46 = tpu.memref_slice %arg13[%mul3A_10, %dma_wait3A] : memref<10240x128xf32, #tpu.memory_space<vmem_shared>> -> memref<640x128xf32, #tpu.memory_space<vmem_shared>>
      tpu.wait_dma2 semaphore(%run_scoped3A : memref<!tpu.dma_semaphore, #tpu.memory_space<semaphore_mem>>) src(%arg7 : memref<640x128xf32, #tpu.memory_space<hbm>>) dst(%dma_wait3A_46 : memref<640x128xf32, #tpu.memory_space<vmem_shared>>)
      tpu.yield
    }) : () -> ()
    "tpu.region"() ({
      %run_scoped3A = tpu.sem_alloc : memref<!tpu.dma_semaphore, #tpu.memory_space<semaphore_mem>>
      %dma_start3A = arith.constant 0 : i32
      %dma_start3A_45 = arith.constant 0 : i32
      %dma_start3A_46 = tpu.memref_slice %arg6[%add3A, %dma_start3A, %dma_start3A_45] : memref<32x79x128xi32, #tpu.memory_space<hbm>> -> memref<1x79x128xi32, #tpu.memory_space<hbm>>
      %dma_start3A_47 = tpu.memref_squeeze %dma_start3A_46 : memref<1x79x128xi32, #tpu.memory_space<hbm>> -> memref<79x128xi32, #tpu.memory_space<hbm>>
      %dma_start3A_48 = arith.constant 0 : i32
      %dma_start3A_49 = arith.constant 0 : i32
      %dma_start3A_50 = tpu.memref_slice %arg6[%add3A, %dma_start3A_48, %dma_start3A_49] : memref<32x79x128xi32, #tpu.memory_space<hbm>> -> memref<1x79x128xi32, #tpu.memory_space<hbm>>
      %dma_start3A_51 = tpu.memref_squeeze %dma_start3A_50 : memref<1x79x128xi32, #tpu.memory_space<hbm>> -> memref<79x128xi32, #tpu.memory_space<hbm>>
      tpu.enqueue_dma source(%dma_start3A_51 : memref<79x128xi32, #tpu.memory_space<hbm>>) target(%arg10 : memref<79x128xi32, #tpu.memory_space<vmem>>) target_semaphore(%run_scoped3A : memref<!tpu.dma_semaphore, #tpu.memory_space<semaphore_mem>>)
      %dma_wait3A = arith.constant 0 : i32
      %dma_wait3A_52 = arith.constant 0 : i32
      %dma_wait3A_53 = tpu.memref_slice %arg6[%add3A, %dma_wait3A, %dma_wait3A_52] : memref<32x79x128xi32, #tpu.memory_space<hbm>> -> memref<1x79x128xi32, #tpu.memory_space<hbm>>
      %dma_wait3A_54 = tpu.memref_squeeze %dma_wait3A_53 : memref<1x79x128xi32, #tpu.memory_space<hbm>> -> memref<79x128xi32, #tpu.memory_space<hbm>>
      %dma_wait3A_55 = arith.constant 0 : i32
      %dma_wait3A_56 = arith.constant 0 : i32
      %dma_wait3A_57 = tpu.memref_slice %arg6[%add3A, %dma_wait3A_55, %dma_wait3A_56] : memref<32x79x128xi32, #tpu.memory_space<hbm>> -> memref<1x79x128xi32, #tpu.memory_space<hbm>>
      %dma_wait3A_58 = tpu.memref_squeeze %dma_wait3A_57 : memref<1x79x128xi32, #tpu.memory_space<hbm>> -> memref<79x128xi32, #tpu.memory_space<hbm>>
      tpu.wait_dma2 semaphore(%run_scoped3A : memref<!tpu.dma_semaphore, #tpu.memory_space<semaphore_mem>>) src(%dma_wait3A_58 : memref<79x128xi32, #tpu.memory_space<hbm>>) dst(%arg10 : memref<79x128xi32, #tpu.memory_space<vmem>>)
      tpu.yield
    }) : () -> ()
    %barrier3A = arith.constant 0 : index
    tpu.barrier barrier_id(%barrier3A)
    %ge3A = arith.constant 0 : i32
    %ge3A_11 = arith.cmpi sge, %add3A, %ge3A : i32
    %lt3A_12 = arith.constant 8 : i32
    %lt3A_13 = arith.cmpi slt, %add3A, %lt3A_12 : i32
    %and3A = arith.andi %ge3A_11, %lt3A_13 : i1
    %convert_element_type3A_14 = arith.extui %and3A : i1 to i32
    %cond3A = arith.constant 0 : i32
    %cond3A_15 = arith.cmpi ne, %convert_element_type3A_14, %cond3A : i32
    scf.if %cond3A_15 {
      %mul3A_45 = arith.constant 128 : i32
      %mul3A_46 = arith.muli %add3A_5, %mul3A_45 : i32
      %dma_start3A = arith.constant 0 : i32
      %dma_start3A_47 = tpu.memref_slice %arg2[%mul3A_46, %dma_start3A] : memref<80000x128xf32, #tpu.memory_space<hbm>> -> memref<128x128xf32, #tpu.memory_space<hbm>>
      %dma_start3A_48 = arith.constant 0 : i32
      %dma_start3A_49 = tpu.memref_slice %arg2[%mul3A_46, %dma_start3A_48] : memref<80000x128xf32, #tpu.memory_space<hbm>> -> memref<128x128xf32, #tpu.memory_space<hbm>>
      tpu.enqueue_dma source(%dma_start3A_49 : memref<128x128xf32, #tpu.memory_space<hbm>>) target(%arg11 : memref<128x128xf32, #tpu.memory_space<vmem>>) target_semaphore(%arg14 : memref<!tpu.dma_semaphore, #tpu.memory_space<semaphore_mem>>)
      %scan3A = arith.constant 0 : i32
      %scan3A_50 = arith.constant 40 : i32
      %scan3A_51 = arith.addi %scan3A, %scan3A_50 : i32
      %scan3A_52 = arith.constant 1 : i32
      scf.for %scan3A_65 = %scan3A to %scan3A_51 step %scan3A_52  : i32 {
        %mul3A_66 = arith.constant 2 : i32
        %mul3A_67 = arith.muli %scan3A_65, %mul3A_66 : i32
        %add3A_68 = arith.constant 0 : i32
        %add3A_69 = arith.addi %add3A_68, %mul3A_67 : i32
        %lt3A_70 = arith.cmpi slt, %add3A_69, %add3A_8 : i32
        %convert_element_type3A_71 = arith.extui %lt3A_70 : i1 to i32
        %cond3A_72 = arith.constant 0 : i32
        %cond3A_73 = arith.cmpi ne, %convert_element_type3A_71, %cond3A_72 : i32
        scf.if %cond3A_73 {
          %dma_wait3A_80 = arith.constant 0 : i32
          %dma_wait3A_81 = arith.constant 0 : i32
          %dma_wait3A_82 = tpu.memref_slice %arg2[%dma_wait3A_80, %dma_wait3A_81] : memref<80000x128xf32, #tpu.memory_space<hbm>> -> memref<128x128xf32, #tpu.memory_space<hbm>>
          %dma_wait3A_83 = arith.constant 0 : i32
          %dma_wait3A_84 = arith.constant 0 : i32
          %dma_wait3A_85 = tpu.memref_slice %arg2[%dma_wait3A_83, %dma_wait3A_84] : memref<80000x128xf32, #tpu.memory_space<hbm>> -> memref<128x128xf32, #tpu.memory_space<hbm>>
          tpu.wait_dma2 semaphore(%arg14 : memref<!tpu.dma_semaphore, #tpu.memory_space<semaphore_mem>>) src(%dma_wait3A_85 : memref<128x128xf32, #tpu.memory_space<hbm>>) dst(%arg11 : memref<128x128xf32, #tpu.memory_space<vmem>>)
          %add3A_86 = arith.constant 1 : i32
          %add3A_87 = arith.addi %add3A_69, %add3A_86 : i32
          %lt3A_88 = arith.cmpi slt, %add3A_87, %add3A_8 : i32
          %convert_element_type3A_89 = arith.extui %lt3A_88 : i1 to i32
          %cond3A_90 = arith.constant 0 : i32
          %cond3A_91 = arith.cmpi ne, %convert_element_type3A_89, %cond3A_90 : i32
          scf.if %cond3A_91 {
            %ge3A_101 = arith.constant 1 : i32
            %ge3A_102 = arith.cmpi sge, %add3A_69, %ge3A_101 : i32
            %convert_element_type3A_103 = arith.extui %ge3A_102 : i1 to i32
            %cond3A_104 = arith.constant 0 : i32
            %cond3A_105 = arith.cmpi ne, %convert_element_type3A_103, %cond3A_104 : i32
            scf.if %cond3A_105 {
              %dma_wait3A_115 = arith.constant 0 : i32
              %dma_wait3A_116 = arith.constant 0 : i32
              %dma_wait3A_117 = tpu.memref_slice %arg9[%dma_wait3A_115, %dma_wait3A_116] : memref<320000x128xf32, #tpu.memory_space<hbm>> -> memref<128x128xf32, #tpu.memory_space<hbm>>
              %dma_wait3A_118 = arith.constant 0 : i32
              %dma_wait3A_119 = arith.constant 0 : i32
              %dma_wait3A_120 = tpu.memref_slice %arg9[%dma_wait3A_118, %dma_wait3A_119] : memref<320000x128xf32, #tpu.memory_space<hbm>> -> memref<128x128xf32, #tpu.memory_space<hbm>>
              tpu.wait_dma2 semaphore(%arg17 : memref<!tpu.dma_semaphore, #tpu.memory_space<semaphore_mem>>) src(%arg12 : memref<128x128xf32, #tpu.memory_space<vmem>>) dst(%dma_wait3A_120 : memref<128x128xf32, #tpu.memory_space<hbm>>)
            } else {
            }
            %add3A_106 = arith.addi %add3A_5, %add3A_69 : i32
            %add3A_107 = arith.constant 1 : i32
            %add3A_108 = arith.addi %add3A_106, %add3A_107 : i32
            %mul3A_109 = arith.constant 128 : i32
            %mul3A_110 = arith.muli %add3A_108, %mul3A_109 : i32
            %dma_start3A_111 = arith.constant 0 : i32
            %dma_start3A_112 = tpu.memref_slice %arg2[%mul3A_110, %dma_start3A_111] : memref<80000x128xf32, #tpu.memory_space<hbm>> -> memref<128x128xf32, #tpu.memory_space<hbm>>
            %dma_start3A_113 = arith.constant 0 : i32
            %dma_start3A_114 = tpu.memref_slice %arg2[%mul3A_110, %dma_start3A_113] : memref<80000x128xf32, #tpu.memory_space<hbm>> -> memref<128x128xf32, #tpu.memory_space<hbm>>
            tpu.enqueue_dma source(%dma_start3A_114 : memref<128x128xf32, #tpu.memory_space<hbm>>) target(%arg12 : memref<128x128xf32, #tpu.memory_space<vmem>>) target_semaphore(%arg15 : memref<!tpu.dma_semaphore, #tpu.memory_space<semaphore_mem>>)
          } else {
          }
          "tpu.region"() ({
            %run_scoped3A = tpu.sem_alloc : memref<!tpu.dma_semaphore, #tpu.memory_space<semaphore_mem>>
            %dma_start3A_101 = arith.constant 0 : i32
            %dma_start3A_102 = tpu.memref_slice %arg10[%add3A_69, %dma_start3A_101] : memref<79x128xi32, #tpu.memory_space<vmem>> -> memref<1x128xi32, #tpu.memory_space<vmem>>
            %dma_start3A_103 = tpu.memref_squeeze %dma_start3A_102 : memref<1x128xi32, #tpu.memory_space<vmem>> -> memref<128xi32, #tpu.memory_space<vmem>>
            %dma_start3A_104 = arith.constant 0 : i32
            %dma_start3A_105 = arith.constant 0 : i32
            %dma_start3A_106 = tpu.memref_slice %arg13[%dma_start3A_104, %dma_start3A_105] : memref<10240x128xf32, #tpu.memory_space<vmem_shared>> -> memref<10240x128xf32, #tpu.memory_space<vmem_shared>>
            tpu.enqueue_indirect_dma source(%arg11 : memref<128x128xf32, #tpu.memory_space<vmem>>) target(%dma_start3A_106 : memref<10240x128xf32, #tpu.memory_space<vmem_shared>>) offsets(%dma_start3A_103 : memref<128xi32, #tpu.memory_space<vmem>>) semaphore(%run_scoped3A : memref<!tpu.dma_semaphore, #tpu.memory_space<semaphore_mem>>) {add = true}
            %dma_wait3A_107 = arith.constant 0 : i32
            %dma_wait3A_108 = tpu.memref_slice %arg10[%add3A_69, %dma_wait3A_107] : memref<79x128xi32, #tpu.memory_space<vmem>> -> memref<1x128xi32, #tpu.memory_space<vmem>>
            %dma_wait3A_109 = tpu.memref_squeeze %dma_wait3A_108 : memref<1x128xi32, #tpu.memory_space<vmem>> -> memref<128xi32, #tpu.memory_space<vmem>>
            %dma_wait3A_110 = arith.constant 0 : i32
            %dma_wait3A_111 = arith.constant 0 : i32
            %dma_wait3A_112 = tpu.memref_slice %arg13[%dma_wait3A_110, %dma_wait3A_111] : memref<10240x128xf32, #tpu.memory_space<vmem_shared>> -> memref<10240x128xf32, #tpu.memory_space<vmem_shared>>
            tpu.wait_indirect_dma semaphore(%run_scoped3A : memref<!tpu.dma_semaphore, #tpu.memory_space<semaphore_mem>>) src(%arg11 : memref<128x128xf32, #tpu.memory_space<vmem>>) dst(%dma_wait3A_112 : memref<10240x128xf32, #tpu.memory_space<vmem_shared>>)
            tpu.yield
          }) : () -> ()
          %add3A_92 = arith.addi %add3A_5, %add3A_69 : i32
          %mul3A_93 = arith.constant 128 : i32
          %mul3A_94 = arith.muli %add3A_92, %mul3A_93 : i32
          %add3A_95 = arith.constant 0 : i32
          %add3A_96 = arith.addi %add3A_95, %mul3A_94 : i32
          %dma_start3A_97 = arith.constant 0 : i32
          %dma_start3A_98 = tpu.memref_slice %arg9[%add3A_96, %dma_start3A_97] : memref<320000x128xf32, #tpu.memory_space<hbm>> -> memref<128x128xf32, #tpu.memory_space<hbm>>
          %dma_start3A_99 = arith.constant 0 : i32
          %dma_start3A_100 = tpu.memref_slice %arg9[%add3A_96, %dma_start3A_99] : memref<320000x128xf32, #tpu.memory_space<hbm>> -> memref<128x128xf32, #tpu.memory_space<hbm>>
          tpu.enqueue_dma source(%arg11 : memref<128x128xf32, #tpu.memory_space<vmem>>) target(%dma_start3A_100 : memref<128x128xf32, #tpu.memory_space<hbm>>) target_semaphore(%arg16 : memref<!tpu.dma_semaphore, #tpu.memory_space<semaphore_mem>>)
        } else {
        }
        %add3A_74 = arith.constant 1 : i32
        %add3A_75 = arith.addi %add3A_69, %add3A_74 : i32
        %lt3A_76 = arith.cmpi slt, %add3A_75, %add3A_8 : i32
        %convert_element_type3A_77 = arith.extui %lt3A_76 : i1 to i32
        %cond3A_78 = arith.constant 0 : i32
        %cond3A_79 = arith.cmpi ne, %convert_element_type3A_77, %cond3A_78 : i32
        scf.if %cond3A_79 {
          %dma_wait3A_80 = arith.constant 0 : i32
          %dma_wait3A_81 = arith.constant 0 : i32
          %dma_wait3A_82 = tpu.memref_slice %arg2[%dma_wait3A_80, %dma_wait3A_81] : memref<80000x128xf32, #tpu.memory_space<hbm>> -> memref<128x128xf32, #tpu.memory_space<hbm>>
          %dma_wait3A_83 = arith.constant 0 : i32
          %dma_wait3A_84 = arith.constant 0 : i32
          %dma_wait3A_85 = tpu.memref_slice %arg2[%dma_wait3A_83, %dma_wait3A_84] : memref<80000x128xf32, #tpu.memory_space<hbm>> -> memref<128x128xf32, #tpu.memory_space<hbm>>
          tpu.wait_dma2 semaphore(%arg15 : memref<!tpu.dma_semaphore, #tpu.memory_space<semaphore_mem>>) src(%dma_wait3A_85 : memref<128x128xf32, #tpu.memory_space<hbm>>) dst(%arg12 : memref<128x128xf32, #tpu.memory_space<vmem>>)
          %add3A_86 = arith.constant 1 : i32
          %add3A_87 = arith.addi %add3A_75, %add3A_86 : i32
          %lt3A_88 = arith.cmpi slt, %add3A_87, %add3A_8 : i32
          %convert_element_type3A_89 = arith.extui %lt3A_88 : i1 to i32
          %cond3A_90 = arith.constant 0 : i32
          %cond3A_91 = arith.cmpi ne, %convert_element_type3A_89, %cond3A_90 : i32
          scf.if %cond3A_91 {
            %ge3A_101 = arith.constant 1 : i32
            %ge3A_102 = arith.cmpi sge, %add3A_75, %ge3A_101 : i32
            %convert_element_type3A_103 = arith.extui %ge3A_102 : i1 to i32
            %cond3A_104 = arith.constant 0 : i32
            %cond3A_105 = arith.cmpi ne, %convert_element_type3A_103, %cond3A_104 : i32
            scf.if %cond3A_105 {
              %dma_wait3A_115 = arith.constant 0 : i32
              %dma_wait3A_116 = arith.constant 0 : i32
              %dma_wait3A_117 = tpu.memref_slice %arg9[%dma_wait3A_115, %dma_wait3A_116] : memref<320000x128xf32, #tpu.memory_space<hbm>> -> memref<128x128xf32, #tpu.memory_space<hbm>>
              %dma_wait3A_118 = arith.constant 0 : i32
              %dma_wait3A_119 = arith.constant 0 : i32
              %dma_wait3A_120 = tpu.memref_slice %arg9[%dma_wait3A_118, %dma_wait3A_119] : memref<320000x128xf32, #tpu.memory_space<hbm>> -> memref<128x128xf32, #tpu.memory_space<hbm>>
              tpu.wait_dma2 semaphore(%arg16 : memref<!tpu.dma_semaphore, #tpu.memory_space<semaphore_mem>>) src(%arg11 : memref<128x128xf32, #tpu.memory_space<vmem>>) dst(%dma_wait3A_120 : memref<128x128xf32, #tpu.memory_space<hbm>>)
            } else {
            }
            %add3A_106 = arith.addi %add3A_5, %add3A_75 : i32
            %add3A_107 = arith.constant 1 : i32
            %add3A_108 = arith.addi %add3A_106, %add3A_107 : i32
            %mul3A_109 = arith.constant 128 : i32
            %mul3A_110 = arith.muli %add3A_108, %mul3A_109 : i32
            %dma_start3A_111 = arith.constant 0 : i32
            %dma_start3A_112 = tpu.memref_slice %arg2[%mul3A_110, %dma_start3A_111] : memref<80000x128xf32, #tpu.memory_space<hbm>> -> memref<128x128xf32, #tpu.memory_space<hbm>>
            %dma_start3A_113 = arith.constant 0 : i32
            %dma_start3A_114 = tpu.memref_slice %arg2[%mul3A_110, %dma_start3A_113] : memref<80000x128xf32, #tpu.memory_space<hbm>> -> memref<128x128xf32, #tpu.memory_space<hbm>>
            tpu.enqueue_dma source(%dma_start3A_114 : memref<128x128xf32, #tpu.memory_space<hbm>>) target(%arg11 : memref<128x128xf32, #tpu.memory_space<vmem>>) target_semaphore(%arg14 : memref<!tpu.dma_semaphore, #tpu.memory_space<semaphore_mem>>)
          } else {
          }
          "tpu.region"() ({
            %run_scoped3A = tpu.sem_alloc : memref<!tpu.dma_semaphore, #tpu.memory_space<semaphore_mem>>
            %dma_start3A_101 = arith.constant 0 : i32
            %dma_start3A_102 = tpu.memref_slice %arg10[%add3A_75, %dma_start3A_101] : memref<79x128xi32, #tpu.memory_space<vmem>> -> memref<1x128xi32, #tpu.memory_space<vmem>>
            %dma_start3A_103 = tpu.memref_squeeze %dma_start3A_102 : memref<1x128xi32, #tpu.memory_space<vmem>> -> memref<128xi32, #tpu.memory_space<vmem>>
            %dma_start3A_104 = arith.constant 0 : i32
            %dma_start3A_105 = arith.constant 0 : i32
            %dma_start3A_106 = tpu.memref_slice %arg13[%dma_start3A_104, %dma_start3A_105] : memref<10240x128xf32, #tpu.memory_space<vmem_shared>> -> memref<10240x128xf32, #tpu.memory_space<vmem_shared>>
            tpu.enqueue_indirect_dma source(%arg12 : memref<128x128xf32, #tpu.memory_space<vmem>>) target(%dma_start3A_106 : memref<10240x128xf32, #tpu.memory_space<vmem_shared>>) offsets(%dma_start3A_103 : memref<128xi32, #tpu.memory_space<vmem>>) semaphore(%run_scoped3A : memref<!tpu.dma_semaphore, #tpu.memory_space<semaphore_mem>>) {add = true}
            %dma_wait3A_107 = arith.constant 0 : i32
            %dma_wait3A_108 = tpu.memref_slice %arg10[%add3A_75, %dma_wait3A_107] : memref<79x128xi32, #tpu.memory_space<vmem>> -> memref<1x128xi32, #tpu.memory_space<vmem>>
            %dma_wait3A_109 = tpu.memref_squeeze %dma_wait3A_108 : memref<1x128xi32, #tpu.memory_space<vmem>> -> memref<128xi32, #tpu.memory_space<vmem>>
            %dma_wait3A_110 = arith.constant 0 : i32
            %dma_wait3A_111 = arith.constant 0 : i32
            %dma_wait3A_112 = tpu.memref_slice %arg13[%dma_wait3A_110, %dma_wait3A_111] : memref<10240x128xf32, #tpu.memory_space<vmem_shared>> -> memref<10240x128xf32, #tpu.memory_space<vmem_shared>>
            tpu.wait_indirect_dma semaphore(%run_scoped3A : memref<!tpu.dma_semaphore, #tpu.memory_space<semaphore_mem>>) src(%arg12 : memref<128x128xf32, #tpu.memory_space<vmem>>) dst(%dma_wait3A_112 : memref<10240x128xf32, #tpu.memory_space<vmem_shared>>)
            tpu.yield
          }) : () -> ()
          %add3A_92 = arith.addi %add3A_5, %add3A_75 : i32
          %mul3A_93 = arith.constant 128 : i32
          %mul3A_94 = arith.muli %add3A_92, %mul3A_93 : i32
          %add3A_95 = arith.constant 0 : i32
          %add3A_96 = arith.addi %add3A_95, %mul3A_94 : i32
          %dma_start3A_97 = arith.constant 0 : i32
          %dma_start3A_98 = tpu.memref_slice %arg9[%add3A_96, %dma_start3A_97] : memref<320000x128xf32, #tpu.memory_space<hbm>> -> memref<128x128xf32, #tpu.memory_space<hbm>>
          %dma_start3A_99 = arith.constant 0 : i32
          %dma_start3A_100 = tpu.memref_slice %arg9[%add3A_96, %dma_start3A_99] : memref<320000x128xf32, #tpu.memory_space<hbm>> -> memref<128x128xf32, #tpu.memory_space<hbm>>
          tpu.enqueue_dma source(%arg12 : memref<128x128xf32, #tpu.memory_space<vmem>>) target(%dma_start3A_100 : memref<128x128xf32, #tpu.memory_space<hbm>>) target_semaphore(%arg17 : memref<!tpu.dma_semaphore, #tpu.memory_space<semaphore_mem>>)
        } else {
        }
      }
      %scan3A_53 = arith.constant 40 : i32
      %dma_wait3A = arith.constant 0 : i32
      %dma_wait3A_54 = arith.constant 0 : i32
      %dma_wait3A_55 = tpu.memref_slice %arg9[%dma_wait3A, %dma_wait3A_54] : memref<320000x128xf32, #tpu.memory_space<hbm>> -> memref<128x128xf32, #tpu.memory_space<hbm>>
      %dma_wait3A_56 = arith.constant 0 : i32
      %dma_wait3A_57 = arith.constant 0 : i32
      %dma_wait3A_58 = tpu.memref_slice %arg9[%dma_wait3A_56, %dma_wait3A_57] : memref<320000x128xf32, #tpu.memory_space<hbm>> -> memref<128x128xf32, #tpu.memory_space<hbm>>
      tpu.wait_dma2 semaphore(%arg16 : memref<!tpu.dma_semaphore, #tpu.memory_space<semaphore_mem>>) src(%arg11 : memref<128x128xf32, #tpu.memory_space<vmem>>) dst(%dma_wait3A_58 : memref<128x128xf32, #tpu.memory_space<hbm>>)
      %dma_wait3A_59 = arith.constant 0 : i32
      %dma_wait3A_60 = arith.constant 0 : i32
      %dma_wait3A_61 = tpu.memref_slice %arg9[%dma_wait3A_59, %dma_wait3A_60] : memref<320000x128xf32, #tpu.memory_space<hbm>> -> memref<128x128xf32, #tpu.memory_space<hbm>>
      %dma_wait3A_62 = arith.constant 0 : i32
      %dma_wait3A_63 = arith.constant 0 : i32
      %dma_wait3A_64 = tpu.memref_slice %arg9[%dma_wait3A_62, %dma_wait3A_63] : memref<320000x128xf32, #tpu.memory_space<hbm>> -> memref<128x128xf32, #tpu.memory_space<hbm>>
      tpu.wait_dma2 semaphore(%arg17 : memref<!tpu.dma_semaphore, #tpu.memory_space<semaphore_mem>>) src(%arg12 : memref<128x128xf32, #tpu.memory_space<vmem>>) dst(%dma_wait3A_64 : memref<128x128xf32, #tpu.memory_space<hbm>>)
    } else {
    }
    %ge3A_16 = arith.constant 8 : i32
    %ge3A_17 = arith.cmpi sge, %add3A, %ge3A_16 : i32
    %lt3A_18 = arith.constant 16 : i32
    %lt3A_19 = arith.cmpi slt, %add3A, %lt3A_18 : i32
    %and3A_20 = arith.andi %ge3A_17, %lt3A_19 : i1
    %convert_element_type3A_21 = arith.extui %and3A_20 : i1 to i32
    %cond3A_22 = arith.constant 0 : i32
    %cond3A_23 = arith.cmpi ne, %convert_element_type3A_21, %cond3A_22 : i32
    scf.if %cond3A_23 {
      %mul3A_45 = arith.constant 128 : i32
      %mul3A_46 = arith.muli %add3A_5, %mul3A_45 : i32
      %dma_start3A = arith.constant 0 : i32
      %dma_start3A_47 = tpu.memref_slice %arg3[%mul3A_46, %dma_start3A] : memref<80000x128xf32, #tpu.memory_space<hbm>> -> memref<128x128xf32, #tpu.memory_space<hbm>>
      %dma_start3A_48 = arith.constant 0 : i32
      %dma_start3A_49 = tpu.memref_slice %arg3[%mul3A_46, %dma_start3A_48] : memref<80000x128xf32, #tpu.memory_space<hbm>> -> memref<128x128xf32, #tpu.memory_space<hbm>>
      tpu.enqueue_dma source(%dma_start3A_49 : memref<128x128xf32, #tpu.memory_space<hbm>>) target(%arg11 : memref<128x128xf32, #tpu.memory_space<vmem>>) target_semaphore(%arg14 : memref<!tpu.dma_semaphore, #tpu.memory_space<semaphore_mem>>)
      %scan3A = arith.constant 0 : i32
      %scan3A_50 = arith.constant 40 : i32
      %scan3A_51 = arith.addi %scan3A, %scan3A_50 : i32
      %scan3A_52 = arith.constant 1 : i32
      scf.for %scan3A_65 = %scan3A to %scan3A_51 step %scan3A_52  : i32 {
        %mul3A_66 = arith.constant 2 : i32
        %mul3A_67 = arith.muli %scan3A_65, %mul3A_66 : i32
        %add3A_68 = arith.constant 0 : i32
        %add3A_69 = arith.addi %add3A_68, %mul3A_67 : i32
        %lt3A_70 = arith.cmpi slt, %add3A_69, %add3A_8 : i32
        %convert_element_type3A_71 = arith.extui %lt3A_70 : i1 to i32
        %cond3A_72 = arith.constant 0 : i32
        %cond3A_73 = arith.cmpi ne, %convert_element_type3A_71, %cond3A_72 : i32
        scf.if %cond3A_73 {
          %dma_wait3A_80 = arith.constant 0 : i32
          %dma_wait3A_81 = arith.constant 0 : i32
          %dma_wait3A_82 = tpu.memref_slice %arg3[%dma_wait3A_80, %dma_wait3A_81] : memref<80000x128xf32, #tpu.memory_space<hbm>> -> memref<128x128xf32, #tpu.memory_space<hbm>>
          %dma_wait3A_83 = arith.constant 0 : i32
          %dma_wait3A_84 = arith.constant 0 : i32
          %dma_wait3A_85 = tpu.memref_slice %arg3[%dma_wait3A_83, %dma_wait3A_84] : memref<80000x128xf32, #tpu.memory_space<hbm>> -> memref<128x128xf32, #tpu.memory_space<hbm>>
          tpu.wait_dma2 semaphore(%arg14 : memref<!tpu.dma_semaphore, #tpu.memory_space<semaphore_mem>>) src(%dma_wait3A_85 : memref<128x128xf32, #tpu.memory_space<hbm>>) dst(%arg11 : memref<128x128xf32, #tpu.memory_space<vmem>>)
          %add3A_86 = arith.constant 1 : i32
          %add3A_87 = arith.addi %add3A_69, %add3A_86 : i32
          %lt3A_88 = arith.cmpi slt, %add3A_87, %add3A_8 : i32
          %convert_element_type3A_89 = arith.extui %lt3A_88 : i1 to i32
          %cond3A_90 = arith.constant 0 : i32
          %cond3A_91 = arith.cmpi ne, %convert_element_type3A_89, %cond3A_90 : i32
          scf.if %cond3A_91 {
            %ge3A_101 = arith.constant 1 : i32
            %ge3A_102 = arith.cmpi sge, %add3A_69, %ge3A_101 : i32
            %convert_element_type3A_103 = arith.extui %ge3A_102 : i1 to i32
            %cond3A_104 = arith.constant 0 : i32
            %cond3A_105 = arith.cmpi ne, %convert_element_type3A_103, %cond3A_104 : i32
            scf.if %cond3A_105 {
              %dma_wait3A_115 = arith.constant 0 : i32
              %dma_wait3A_116 = arith.constant 0 : i32
              %dma_wait3A_117 = tpu.memref_slice %arg9[%dma_wait3A_115, %dma_wait3A_116] : memref<320000x128xf32, #tpu.memory_space<hbm>> -> memref<128x128xf32, #tpu.memory_space<hbm>>
              %dma_wait3A_118 = arith.constant 0 : i32
              %dma_wait3A_119 = arith.constant 0 : i32
              %dma_wait3A_120 = tpu.memref_slice %arg9[%dma_wait3A_118, %dma_wait3A_119] : memref<320000x128xf32, #tpu.memory_space<hbm>> -> memref<128x128xf32, #tpu.memory_space<hbm>>
              tpu.wait_dma2 semaphore(%arg17 : memref<!tpu.dma_semaphore, #tpu.memory_space<semaphore_mem>>) src(%arg12 : memref<128x128xf32, #tpu.memory_space<vmem>>) dst(%dma_wait3A_120 : memref<128x128xf32, #tpu.memory_space<hbm>>)
            } else {
            }
            %add3A_106 = arith.addi %add3A_5, %add3A_69 : i32
            %add3A_107 = arith.constant 1 : i32
            %add3A_108 = arith.addi %add3A_106, %add3A_107 : i32
            %mul3A_109 = arith.constant 128 : i32
            %mul3A_110 = arith.muli %add3A_108, %mul3A_109 : i32
            %dma_start3A_111 = arith.constant 0 : i32
            %dma_start3A_112 = tpu.memref_slice %arg3[%mul3A_110, %dma_start3A_111] : memref<80000x128xf32, #tpu.memory_space<hbm>> -> memref<128x128xf32, #tpu.memory_space<hbm>>
            %dma_start3A_113 = arith.constant 0 : i32
            %dma_start3A_114 = tpu.memref_slice %arg3[%mul3A_110, %dma_start3A_113] : memref<80000x128xf32, #tpu.memory_space<hbm>> -> memref<128x128xf32, #tpu.memory_space<hbm>>
            tpu.enqueue_dma source(%dma_start3A_114 : memref<128x128xf32, #tpu.memory_space<hbm>>) target(%arg12 : memref<128x128xf32, #tpu.memory_space<vmem>>) target_semaphore(%arg15 : memref<!tpu.dma_semaphore, #tpu.memory_space<semaphore_mem>>)
          } else {
          }
          "tpu.region"() ({
            %run_scoped3A = tpu.sem_alloc : memref<!tpu.dma_semaphore, #tpu.memory_space<semaphore_mem>>
            %dma_start3A_101 = arith.constant 0 : i32
            %dma_start3A_102 = tpu.memref_slice %arg10[%add3A_69, %dma_start3A_101] : memref<79x128xi32, #tpu.memory_space<vmem>> -> memref<1x128xi32, #tpu.memory_space<vmem>>
            %dma_start3A_103 = tpu.memref_squeeze %dma_start3A_102 : memref<1x128xi32, #tpu.memory_space<vmem>> -> memref<128xi32, #tpu.memory_space<vmem>>
            %dma_start3A_104 = arith.constant 0 : i32
            %dma_start3A_105 = arith.constant 0 : i32
            %dma_start3A_106 = tpu.memref_slice %arg13[%dma_start3A_104, %dma_start3A_105] : memref<10240x128xf32, #tpu.memory_space<vmem_shared>> -> memref<10240x128xf32, #tpu.memory_space<vmem_shared>>
            tpu.enqueue_indirect_dma source(%arg11 : memref<128x128xf32, #tpu.memory_space<vmem>>) target(%dma_start3A_106 : memref<10240x128xf32, #tpu.memory_space<vmem_shared>>) offsets(%dma_start3A_103 : memref<128xi32, #tpu.memory_space<vmem>>) semaphore(%run_scoped3A : memref<!tpu.dma_semaphore, #tpu.memory_space<semaphore_mem>>) {add = true}
            %dma_wait3A_107 = arith.constant 0 : i32
            %dma_wait3A_108 = tpu.memref_slice %arg10[%add3A_69, %dma_wait3A_107] : memref<79x128xi32, #tpu.memory_space<vmem>> -> memref<1x128xi32, #tpu.memory_space<vmem>>
            %dma_wait3A_109 = tpu.memref_squeeze %dma_wait3A_108 : memref<1x128xi32, #tpu.memory_space<vmem>> -> memref<128xi32, #tpu.memory_space<vmem>>
            %dma_wait3A_110 = arith.constant 0 : i32
            %dma_wait3A_111 = arith.constant 0 : i32
            %dma_wait3A_112 = tpu.memref_slice %arg13[%dma_wait3A_110, %dma_wait3A_111] : memref<10240x128xf32, #tpu.memory_space<vmem_shared>> -> memref<10240x128xf32, #tpu.memory_space<vmem_shared>>
            tpu.wait_indirect_dma semaphore(%run_scoped3A : memref<!tpu.dma_semaphore, #tpu.memory_space<semaphore_mem>>) src(%arg11 : memref<128x128xf32, #tpu.memory_space<vmem>>) dst(%dma_wait3A_112 : memref<10240x128xf32, #tpu.memory_space<vmem_shared>>)
            tpu.yield
          }) : () -> ()
          %add3A_92 = arith.addi %add3A_5, %add3A_69 : i32
          %mul3A_93 = arith.constant 128 : i32
          %mul3A_94 = arith.muli %add3A_92, %mul3A_93 : i32
          %add3A_95 = arith.constant 80000 : i32
          %add3A_96 = arith.addi %add3A_95, %mul3A_94 : i32
          %dma_start3A_97 = arith.constant 0 : i32
          %dma_start3A_98 = tpu.memref_slice %arg9[%add3A_96, %dma_start3A_97] : memref<320000x128xf32, #tpu.memory_space<hbm>> -> memref<128x128xf32, #tpu.memory_space<hbm>>
          %dma_start3A_99 = arith.constant 0 : i32
          %dma_start3A_100 = tpu.memref_slice %arg9[%add3A_96, %dma_start3A_99] : memref<320000x128xf32, #tpu.memory_space<hbm>> -> memref<128x128xf32, #tpu.memory_space<hbm>>
          tpu.enqueue_dma source(%arg11 : memref<128x128xf32, #tpu.memory_space<vmem>>) target(%dma_start3A_100 : memref<128x128xf32, #tpu.memory_space<hbm>>) target_semaphore(%arg16 : memref<!tpu.dma_semaphore, #tpu.memory_space<semaphore_mem>>)
        } else {
        }
        %add3A_74 = arith.constant 1 : i32
        %add3A_75 = arith.addi %add3A_69, %add3A_74 : i32
        %lt3A_76 = arith.cmpi slt, %add3A_75, %add3A_8 : i32
        %convert_element_type3A_77 = arith.extui %lt3A_76 : i1 to i32
        %cond3A_78 = arith.constant 0 : i32
        %cond3A_79 = arith.cmpi ne, %convert_element_type3A_77, %cond3A_78 : i32
        scf.if %cond3A_79 {
          %dma_wait3A_80 = arith.constant 0 : i32
          %dma_wait3A_81 = arith.constant 0 : i32
          %dma_wait3A_82 = tpu.memref_slice %arg3[%dma_wait3A_80, %dma_wait3A_81] : memref<80000x128xf32, #tpu.memory_space<hbm>> -> memref<128x128xf32, #tpu.memory_space<hbm>>
          %dma_wait3A_83 = arith.constant 0 : i32
          %dma_wait3A_84 = arith.constant 0 : i32
          %dma_wait3A_85 = tpu.memref_slice %arg3[%dma_wait3A_83, %dma_wait3A_84] : memref<80000x128xf32, #tpu.memory_space<hbm>> -> memref<128x128xf32, #tpu.memory_space<hbm>>
          tpu.wait_dma2 semaphore(%arg15 : memref<!tpu.dma_semaphore, #tpu.memory_space<semaphore_mem>>) src(%dma_wait3A_85 : memref<128x128xf32, #tpu.memory_space<hbm>>) dst(%arg12 : memref<128x128xf32, #tpu.memory_space<vmem>>)
          %add3A_86 = arith.constant 1 : i32
          %add3A_87 = arith.addi %add3A_75, %add3A_86 : i32
          %lt3A_88 = arith.cmpi slt, %add3A_87, %add3A_8 : i32
          %convert_element_type3A_89 = arith.extui %lt3A_88 : i1 to i32
          %cond3A_90 = arith.constant 0 : i32
          %cond3A_91 = arith.cmpi ne, %convert_element_type3A_89, %cond3A_90 : i32
          scf.if %cond3A_91 {
            %ge3A_101 = arith.constant 1 : i32
            %ge3A_102 = arith.cmpi sge, %add3A_75, %ge3A_101 : i32
            %convert_element_type3A_103 = arith.extui %ge3A_102 : i1 to i32
            %cond3A_104 = arith.constant 0 : i32
            %cond3A_105 = arith.cmpi ne, %convert_element_type3A_103, %cond3A_104 : i32
            scf.if %cond3A_105 {
              %dma_wait3A_115 = arith.constant 0 : i32
              %dma_wait3A_116 = arith.constant 0 : i32
              %dma_wait3A_117 = tpu.memref_slice %arg9[%dma_wait3A_115, %dma_wait3A_116] : memref<320000x128xf32, #tpu.memory_space<hbm>> -> memref<128x128xf32, #tpu.memory_space<hbm>>
              %dma_wait3A_118 = arith.constant 0 : i32
              %dma_wait3A_119 = arith.constant 0 : i32
              %dma_wait3A_120 = tpu.memref_slice %arg9[%dma_wait3A_118, %dma_wait3A_119] : memref<320000x128xf32, #tpu.memory_space<hbm>> -> memref<128x128xf32, #tpu.memory_space<hbm>>
              tpu.wait_dma2 semaphore(%arg16 : memref<!tpu.dma_semaphore, #tpu.memory_space<semaphore_mem>>) src(%arg11 : memref<128x128xf32, #tpu.memory_space<vmem>>) dst(%dma_wait3A_120 : memref<128x128xf32, #tpu.memory_space<hbm>>)
            } else {
            }
            %add3A_106 = arith.addi %add3A_5, %add3A_75 : i32
            %add3A_107 = arith.constant 1 : i32
            %add3A_108 = arith.addi %add3A_106, %add3A_107 : i32
            %mul3A_109 = arith.constant 128 : i32
            %mul3A_110 = arith.muli %add3A_108, %mul3A_109 : i32
            %dma_start3A_111 = arith.constant 0 : i32
            %dma_start3A_112 = tpu.memref_slice %arg3[%mul3A_110, %dma_start3A_111] : memref<80000x128xf32, #tpu.memory_space<hbm>> -> memref<128x128xf32, #tpu.memory_space<hbm>>
            %dma_start3A_113 = arith.constant 0 : i32
            %dma_start3A_114 = tpu.memref_slice %arg3[%mul3A_110, %dma_start3A_113] : memref<80000x128xf32, #tpu.memory_space<hbm>> -> memref<128x128xf32, #tpu.memory_space<hbm>>
            tpu.enqueue_dma source(%dma_start3A_114 : memref<128x128xf32, #tpu.memory_space<hbm>>) target(%arg11 : memref<128x128xf32, #tpu.memory_space<vmem>>) target_semaphore(%arg14 : memref<!tpu.dma_semaphore, #tpu.memory_space<semaphore_mem>>)
          } else {
          }
          "tpu.region"() ({
            %run_scoped3A = tpu.sem_alloc : memref<!tpu.dma_semaphore, #tpu.memory_space<semaphore_mem>>
            %dma_start3A_101 = arith.constant 0 : i32
            %dma_start3A_102 = tpu.memref_slice %arg10[%add3A_75, %dma_start3A_101] : memref<79x128xi32, #tpu.memory_space<vmem>> -> memref<1x128xi32, #tpu.memory_space<vmem>>
            %dma_start3A_103 = tpu.memref_squeeze %dma_start3A_102 : memref<1x128xi32, #tpu.memory_space<vmem>> -> memref<128xi32, #tpu.memory_space<vmem>>
            %dma_start3A_104 = arith.constant 0 : i32
            %dma_start3A_105 = arith.constant 0 : i32
            %dma_start3A_106 = tpu.memref_slice %arg13[%dma_start3A_104, %dma_start3A_105] : memref<10240x128xf32, #tpu.memory_space<vmem_shared>> -> memref<10240x128xf32, #tpu.memory_space<vmem_shared>>
            tpu.enqueue_indirect_dma source(%arg12 : memref<128x128xf32, #tpu.memory_space<vmem>>) target(%dma_start3A_106 : memref<10240x128xf32, #tpu.memory_space<vmem_shared>>) offsets(%dma_start3A_103 : memref<128xi32, #tpu.memory_space<vmem>>) semaphore(%run_scoped3A : memref<!tpu.dma_semaphore, #tpu.memory_space<semaphore_mem>>) {add = true}
            %dma_wait3A_107 = arith.constant 0 : i32
            %dma_wait3A_108 = tpu.memref_slice %arg10[%add3A_75, %dma_wait3A_107] : memref<79x128xi32, #tpu.memory_space<vmem>> -> memref<1x128xi32, #tpu.memory_space<vmem>>
            %dma_wait3A_109 = tpu.memref_squeeze %dma_wait3A_108 : memref<1x128xi32, #tpu.memory_space<vmem>> -> memref<128xi32, #tpu.memory_space<vmem>>
            %dma_wait3A_110 = arith.constant 0 : i32
            %dma_wait3A_111 = arith.constant 0 : i32
            %dma_wait3A_112 = tpu.memref_slice %arg13[%dma_wait3A_110, %dma_wait3A_111] : memref<10240x128xf32, #tpu.memory_space<vmem_shared>> -> memref<10240x128xf32, #tpu.memory_space<vmem_shared>>
            tpu.wait_indirect_dma semaphore(%run_scoped3A : memref<!tpu.dma_semaphore, #tpu.memory_space<semaphore_mem>>) src(%arg12 : memref<128x128xf32, #tpu.memory_space<vmem>>) dst(%dma_wait3A_112 : memref<10240x128xf32, #tpu.memory_space<vmem_shared>>)
            tpu.yield
          }) : () -> ()
          %add3A_92 = arith.addi %add3A_5, %add3A_75 : i32
          %mul3A_93 = arith.constant 128 : i32
          %mul3A_94 = arith.muli %add3A_92, %mul3A_93 : i32
          %add3A_95 = arith.constant 80000 : i32
          %add3A_96 = arith.addi %add3A_95, %mul3A_94 : i32
          %dma_start3A_97 = arith.constant 0 : i32
          %dma_start3A_98 = tpu.memref_slice %arg9[%add3A_96, %dma_start3A_97] : memref<320000x128xf32, #tpu.memory_space<hbm>> -> memref<128x128xf32, #tpu.memory_space<hbm>>
          %dma_start3A_99 = arith.constant 0 : i32
          %dma_start3A_100 = tpu.memref_slice %arg9[%add3A_96, %dma_start3A_99] : memref<320000x128xf32, #tpu.memory_space<hbm>> -> memref<128x128xf32, #tpu.memory_space<hbm>>
          tpu.enqueue_dma source(%arg12 : memref<128x128xf32, #tpu.memory_space<vmem>>) target(%dma_start3A_100 : memref<128x128xf32, #tpu.memory_space<hbm>>) target_semaphore(%arg17 : memref<!tpu.dma_semaphore, #tpu.memory_space<semaphore_mem>>)
        } else {
        }
      }
      %scan3A_53 = arith.constant 40 : i32
      %dma_wait3A = arith.constant 0 : i32
      %dma_wait3A_54 = arith.constant 0 : i32
      %dma_wait3A_55 = tpu.memref_slice %arg9[%dma_wait3A, %dma_wait3A_54] : memref<320000x128xf32, #tpu.memory_space<hbm>> -> memref<128x128xf32, #tpu.memory_space<hbm>>
      %dma_wait3A_56 = arith.constant 0 : i32
      %dma_wait3A_57 = arith.constant 0 : i32
      %dma_wait3A_58 = tpu.memref_slice %arg9[%dma_wait3A_56, %dma_wait3A_57] : memref<320000x128xf32, #tpu.memory_space<hbm>> -> memref<128x128xf32, #tpu.memory_space<hbm>>
      tpu.wait_dma2 semaphore(%arg16 : memref<!tpu.dma_semaphore, #tpu.memory_space<semaphore_mem>>) src(%arg11 : memref<128x128xf32, #tpu.memory_space<vmem>>) dst(%dma_wait3A_58 : memref<128x128xf32, #tpu.memory_space<hbm>>)
      %dma_wait3A_59 = arith.constant 0 : i32
      %dma_wait3A_60 = arith.constant 0 : i32
      %dma_wait3A_61 = tpu.memref_slice %arg9[%dma_wait3A_59, %dma_wait3A_60] : memref<320000x128xf32, #tpu.memory_space<hbm>> -> memref<128x128xf32, #tpu.memory_space<hbm>>
      %dma_wait3A_62 = arith.constant 0 : i32
      %dma_wait3A_63 = arith.constant 0 : i32
      %dma_wait3A_64 = tpu.memref_slice %arg9[%dma_wait3A_62, %dma_wait3A_63] : memref<320000x128xf32, #tpu.memory_space<hbm>> -> memref<128x128xf32, #tpu.memory_space<hbm>>
      tpu.wait_dma2 semaphore(%arg17 : memref<!tpu.dma_semaphore, #tpu.memory_space<semaphore_mem>>) src(%arg12 : memref<128x128xf32, #tpu.memory_space<vmem>>) dst(%dma_wait3A_64 : memref<128x128xf32, #tpu.memory_space<hbm>>)
    } else {
    }
    %ge3A_24 = arith.constant 16 : i32
    %ge3A_25 = arith.cmpi sge, %add3A, %ge3A_24 : i32
    %lt3A_26 = arith.constant 24 : i32
    %lt3A_27 = arith.cmpi slt, %add3A, %lt3A_26 : i32
    %and3A_28 = arith.andi %ge3A_25, %lt3A_27 : i1
    %convert_element_type3A_29 = arith.extui %and3A_28 : i1 to i32
    %cond3A_30 = arith.constant 0 : i32
    %cond3A_31 = arith.cmpi ne, %convert_element_type3A_29, %cond3A_30 : i32
    scf.if %cond3A_31 {
      %mul3A_45 = arith.constant 128 : i32
      %mul3A_46 = arith.muli %add3A_5, %mul3A_45 : i32
      %dma_start3A = arith.constant 0 : i32
      %dma_start3A_47 = tpu.memref_slice %arg4[%mul3A_46, %dma_start3A] : memref<80000x128xf32, #tpu.memory_space<hbm>> -> memref<128x128xf32, #tpu.memory_space<hbm>>
      %dma_start3A_48 = arith.constant 0 : i32
      %dma_start3A_49 = tpu.memref_slice %arg4[%mul3A_46, %dma_start3A_48] : memref<80000x128xf32, #tpu.memory_space<hbm>> -> memref<128x128xf32, #tpu.memory_space<hbm>>
      tpu.enqueue_dma source(%dma_start3A_49 : memref<128x128xf32, #tpu.memory_space<hbm>>) target(%arg11 : memref<128x128xf32, #tpu.memory_space<vmem>>) target_semaphore(%arg14 : memref<!tpu.dma_semaphore, #tpu.memory_space<semaphore_mem>>)
      %scan3A = arith.constant 0 : i32
      %scan3A_50 = arith.constant 40 : i32
      %scan3A_51 = arith.addi %scan3A, %scan3A_50 : i32
      %scan3A_52 = arith.constant 1 : i32
      scf.for %scan3A_65 = %scan3A to %scan3A_51 step %scan3A_52  : i32 {
        %mul3A_66 = arith.constant 2 : i32
        %mul3A_67 = arith.muli %scan3A_65, %mul3A_66 : i32
        %add3A_68 = arith.constant 0 : i32
        %add3A_69 = arith.addi %add3A_68, %mul3A_67 : i32
        %lt3A_70 = arith.cmpi slt, %add3A_69, %add3A_8 : i32
        %convert_element_type3A_71 = arith.extui %lt3A_70 : i1 to i32
        %cond3A_72 = arith.constant 0 : i32
        %cond3A_73 = arith.cmpi ne, %convert_element_type3A_71, %cond3A_72 : i32
        scf.if %cond3A_73 {
          %dma_wait3A_80 = arith.constant 0 : i32
          %dma_wait3A_81 = arith.constant 0 : i32
          %dma_wait3A_82 = tpu.memref_slice %arg4[%dma_wait3A_80, %dma_wait3A_81] : memref<80000x128xf32, #tpu.memory_space<hbm>> -> memref<128x128xf32, #tpu.memory_space<hbm>>
          %dma_wait3A_83 = arith.constant 0 : i32
          %dma_wait3A_84 = arith.constant 0 : i32
          %dma_wait3A_85 = tpu.memref_slice %arg4[%dma_wait3A_83, %dma_wait3A_84] : memref<80000x128xf32, #tpu.memory_space<hbm>> -> memref<128x128xf32, #tpu.memory_space<hbm>>
          tpu.wait_dma2 semaphore(%arg14 : memref<!tpu.dma_semaphore, #tpu.memory_space<semaphore_mem>>) src(%dma_wait3A_85 : memref<128x128xf32, #tpu.memory_space<hbm>>) dst(%arg11 : memref<128x128xf32, #tpu.memory_space<vmem>>)
          %add3A_86 = arith.constant 1 : i32
          %add3A_87 = arith.addi %add3A_69, %add3A_86 : i32
          %lt3A_88 = arith.cmpi slt, %add3A_87, %add3A_8 : i32
          %convert_element_type3A_89 = arith.extui %lt3A_88 : i1 to i32
          %cond3A_90 = arith.constant 0 : i32
          %cond3A_91 = arith.cmpi ne, %convert_element_type3A_89, %cond3A_90 : i32
          scf.if %cond3A_91 {
            %ge3A_101 = arith.constant 1 : i32
            %ge3A_102 = arith.cmpi sge, %add3A_69, %ge3A_101 : i32
            %convert_element_type3A_103 = arith.extui %ge3A_102 : i1 to i32
            %cond3A_104 = arith.constant 0 : i32
            %cond3A_105 = arith.cmpi ne, %convert_element_type3A_103, %cond3A_104 : i32
            scf.if %cond3A_105 {
              %dma_wait3A_115 = arith.constant 0 : i32
              %dma_wait3A_116 = arith.constant 0 : i32
              %dma_wait3A_117 = tpu.memref_slice %arg9[%dma_wait3A_115, %dma_wait3A_116] : memref<320000x128xf32, #tpu.memory_space<hbm>> -> memref<128x128xf32, #tpu.memory_space<hbm>>
              %dma_wait3A_118 = arith.constant 0 : i32
              %dma_wait3A_119 = arith.constant 0 : i32
              %dma_wait3A_120 = tpu.memref_slice %arg9[%dma_wait3A_118, %dma_wait3A_119] : memref<320000x128xf32, #tpu.memory_space<hbm>> -> memref<128x128xf32, #tpu.memory_space<hbm>>
              tpu.wait_dma2 semaphore(%arg17 : memref<!tpu.dma_semaphore, #tpu.memory_space<semaphore_mem>>) src(%arg12 : memref<128x128xf32, #tpu.memory_space<vmem>>) dst(%dma_wait3A_120 : memref<128x128xf32, #tpu.memory_space<hbm>>)
            } else {
            }
            %add3A_106 = arith.addi %add3A_5, %add3A_69 : i32
            %add3A_107 = arith.constant 1 : i32
            %add3A_108 = arith.addi %add3A_106, %add3A_107 : i32
            %mul3A_109 = arith.constant 128 : i32
            %mul3A_110 = arith.muli %add3A_108, %mul3A_109 : i32
            %dma_start3A_111 = arith.constant 0 : i32
            %dma_start3A_112 = tpu.memref_slice %arg4[%mul3A_110, %dma_start3A_111] : memref<80000x128xf32, #tpu.memory_space<hbm>> -> memref<128x128xf32, #tpu.memory_space<hbm>>
            %dma_start3A_113 = arith.constant 0 : i32
            %dma_start3A_114 = tpu.memref_slice %arg4[%mul3A_110, %dma_start3A_113] : memref<80000x128xf32, #tpu.memory_space<hbm>> -> memref<128x128xf32, #tpu.memory_space<hbm>>
            tpu.enqueue_dma source(%dma_start3A_114 : memref<128x128xf32, #tpu.memory_space<hbm>>) target(%arg12 : memref<128x128xf32, #tpu.memory_space<vmem>>) target_semaphore(%arg15 : memref<!tpu.dma_semaphore, #tpu.memory_space<semaphore_mem>>)
          } else {
          }
          "tpu.region"() ({
            %run_scoped3A = tpu.sem_alloc : memref<!tpu.dma_semaphore, #tpu.memory_space<semaphore_mem>>
            %dma_start3A_101 = arith.constant 0 : i32
            %dma_start3A_102 = tpu.memref_slice %arg10[%add3A_69, %dma_start3A_101] : memref<79x128xi32, #tpu.memory_space<vmem>> -> memref<1x128xi32, #tpu.memory_space<vmem>>
            %dma_start3A_103 = tpu.memref_squeeze %dma_start3A_102 : memref<1x128xi32, #tpu.memory_space<vmem>> -> memref<128xi32, #tpu.memory_space<vmem>>
            %dma_start3A_104 = arith.constant 0 : i32
            %dma_start3A_105 = arith.constant 0 : i32
            %dma_start3A_106 = tpu.memref_slice %arg13[%dma_start3A_104, %dma_start3A_105] : memref<10240x128xf32, #tpu.memory_space<vmem_shared>> -> memref<10240x128xf32, #tpu.memory_space<vmem_shared>>
            tpu.enqueue_indirect_dma source(%arg11 : memref<128x128xf32, #tpu.memory_space<vmem>>) target(%dma_start3A_106 : memref<10240x128xf32, #tpu.memory_space<vmem_shared>>) offsets(%dma_start3A_103 : memref<128xi32, #tpu.memory_space<vmem>>) semaphore(%run_scoped3A : memref<!tpu.dma_semaphore, #tpu.memory_space<semaphore_mem>>) {add = true}
            %dma_wait3A_107 = arith.constant 0 : i32
            %dma_wait3A_108 = tpu.memref_slice %arg10[%add3A_69, %dma_wait3A_107] : memref<79x128xi32, #tpu.memory_space<vmem>> -> memref<1x128xi32, #tpu.memory_space<vmem>>
            %dma_wait3A_109 = tpu.memref_squeeze %dma_wait3A_108 : memref<1x128xi32, #tpu.memory_space<vmem>> -> memref<128xi32, #tpu.memory_space<vmem>>
            %dma_wait3A_110 = arith.constant 0 : i32
            %dma_wait3A_111 = arith.constant 0 : i32
            %dma_wait3A_112 = tpu.memref_slice %arg13[%dma_wait3A_110, %dma_wait3A_111] : memref<10240x128xf32, #tpu.memory_space<vmem_shared>> -> memref<10240x128xf32, #tpu.memory_space<vmem_shared>>
            tpu.wait_indirect_dma semaphore(%run_scoped3A : memref<!tpu.dma_semaphore, #tpu.memory_space<semaphore_mem>>) src(%arg11 : memref<128x128xf32, #tpu.memory_space<vmem>>) dst(%dma_wait3A_112 : memref<10240x128xf32, #tpu.memory_space<vmem_shared>>)
            tpu.yield
          }) : () -> ()
          %add3A_92 = arith.addi %add3A_5, %add3A_69 : i32
          %mul3A_93 = arith.constant 128 : i32
          %mul3A_94 = arith.muli %add3A_92, %mul3A_93 : i32
          %add3A_95 = arith.constant 160000 : i32
          %add3A_96 = arith.addi %add3A_95, %mul3A_94 : i32
          %dma_start3A_97 = arith.constant 0 : i32
          %dma_start3A_98 = tpu.memref_slice %arg9[%add3A_96, %dma_start3A_97] : memref<320000x128xf32, #tpu.memory_space<hbm>> -> memref<128x128xf32, #tpu.memory_space<hbm>>
          %dma_start3A_99 = arith.constant 0 : i32
          %dma_start3A_100 = tpu.memref_slice %arg9[%add3A_96, %dma_start3A_99] : memref<320000x128xf32, #tpu.memory_space<hbm>> -> memref<128x128xf32, #tpu.memory_space<hbm>>
          tpu.enqueue_dma source(%arg11 : memref<128x128xf32, #tpu.memory_space<vmem>>) target(%dma_start3A_100 : memref<128x128xf32, #tpu.memory_space<hbm>>) target_semaphore(%arg16 : memref<!tpu.dma_semaphore, #tpu.memory_space<semaphore_mem>>)
        } else {
        }
        %add3A_74 = arith.constant 1 : i32
        %add3A_75 = arith.addi %add3A_69, %add3A_74 : i32
        %lt3A_76 = arith.cmpi slt, %add3A_75, %add3A_8 : i32
        %convert_element_type3A_77 = arith.extui %lt3A_76 : i1 to i32
        %cond3A_78 = arith.constant 0 : i32
        %cond3A_79 = arith.cmpi ne, %convert_element_type3A_77, %cond3A_78 : i32
        scf.if %cond3A_79 {
          %dma_wait3A_80 = arith.constant 0 : i32
          %dma_wait3A_81 = arith.constant 0 : i32
          %dma_wait3A_82 = tpu.memref_slice %arg4[%dma_wait3A_80, %dma_wait3A_81] : memref<80000x128xf32, #tpu.memory_space<hbm>> -> memref<128x128xf32, #tpu.memory_space<hbm>>
          %dma_wait3A_83 = arith.constant 0 : i32
          %dma_wait3A_84 = arith.constant 0 : i32
          %dma_wait3A_85 = tpu.memref_slice %arg4[%dma_wait3A_83, %dma_wait3A_84] : memref<80000x128xf32, #tpu.memory_space<hbm>> -> memref<128x128xf32, #tpu.memory_space<hbm>>
          tpu.wait_dma2 semaphore(%arg15 : memref<!tpu.dma_semaphore, #tpu.memory_space<semaphore_mem>>) src(%dma_wait3A_85 : memref<128x128xf32, #tpu.memory_space<hbm>>) dst(%arg12 : memref<128x128xf32, #tpu.memory_space<vmem>>)
          %add3A_86 = arith.constant 1 : i32
          %add3A_87 = arith.addi %add3A_75, %add3A_86 : i32
          %lt3A_88 = arith.cmpi slt, %add3A_87, %add3A_8 : i32
          %convert_element_type3A_89 = arith.extui %lt3A_88 : i1 to i32
          %cond3A_90 = arith.constant 0 : i32
          %cond3A_91 = arith.cmpi ne, %convert_element_type3A_89, %cond3A_90 : i32
          scf.if %cond3A_91 {
            %ge3A_101 = arith.constant 1 : i32
            %ge3A_102 = arith.cmpi sge, %add3A_75, %ge3A_101 : i32
            %convert_element_type3A_103 = arith.extui %ge3A_102 : i1 to i32
            %cond3A_104 = arith.constant 0 : i32
            %cond3A_105 = arith.cmpi ne, %convert_element_type3A_103, %cond3A_104 : i32
            scf.if %cond3A_105 {
              %dma_wait3A_115 = arith.constant 0 : i32
              %dma_wait3A_116 = arith.constant 0 : i32
              %dma_wait3A_117 = tpu.memref_slice %arg9[%dma_wait3A_115, %dma_wait3A_116] : memref<320000x128xf32, #tpu.memory_space<hbm>> -> memref<128x128xf32, #tpu.memory_space<hbm>>
              %dma_wait3A_118 = arith.constant 0 : i32
              %dma_wait3A_119 = arith.constant 0 : i32
              %dma_wait3A_120 = tpu.memref_slice %arg9[%dma_wait3A_118, %dma_wait3A_119] : memref<320000x128xf32, #tpu.memory_space<hbm>> -> memref<128x128xf32, #tpu.memory_space<hbm>>
              tpu.wait_dma2 semaphore(%arg16 : memref<!tpu.dma_semaphore, #tpu.memory_space<semaphore_mem>>) src(%arg11 : memref<128x128xf32, #tpu.memory_space<vmem>>) dst(%dma_wait3A_120 : memref<128x128xf32, #tpu.memory_space<hbm>>)
            } else {
            }
            %add3A_106 = arith.addi %add3A_5, %add3A_75 : i32
            %add3A_107 = arith.constant 1 : i32
            %add3A_108 = arith.addi %add3A_106, %add3A_107 : i32
            %mul3A_109 = arith.constant 128 : i32
            %mul3A_110 = arith.muli %add3A_108, %mul3A_109 : i32
            %dma_start3A_111 = arith.constant 0 : i32
            %dma_start3A_112 = tpu.memref_slice %arg4[%mul3A_110, %dma_start3A_111] : memref<80000x128xf32, #tpu.memory_space<hbm>> -> memref<128x128xf32, #tpu.memory_space<hbm>>
            %dma_start3A_113 = arith.constant 0 : i32
            %dma_start3A_114 = tpu.memref_slice %arg4[%mul3A_110, %dma_start3A_113] : memref<80000x128xf32, #tpu.memory_space<hbm>> -> memref<128x128xf32, #tpu.memory_space<hbm>>
            tpu.enqueue_dma source(%dma_start3A_114 : memref<128x128xf32, #tpu.memory_space<hbm>>) target(%arg11 : memref<128x128xf32, #tpu.memory_space<vmem>>) target_semaphore(%arg14 : memref<!tpu.dma_semaphore, #tpu.memory_space<semaphore_mem>>)
          } else {
          }
          "tpu.region"() ({
            %run_scoped3A = tpu.sem_alloc : memref<!tpu.dma_semaphore, #tpu.memory_space<semaphore_mem>>
            %dma_start3A_101 = arith.constant 0 : i32
            %dma_start3A_102 = tpu.memref_slice %arg10[%add3A_75, %dma_start3A_101] : memref<79x128xi32, #tpu.memory_space<vmem>> -> memref<1x128xi32, #tpu.memory_space<vmem>>
            %dma_start3A_103 = tpu.memref_squeeze %dma_start3A_102 : memref<1x128xi32, #tpu.memory_space<vmem>> -> memref<128xi32, #tpu.memory_space<vmem>>
            %dma_start3A_104 = arith.constant 0 : i32
            %dma_start3A_105 = arith.constant 0 : i32
            %dma_start3A_106 = tpu.memref_slice %arg13[%dma_start3A_104, %dma_start3A_105] : memref<10240x128xf32, #tpu.memory_space<vmem_shared>> -> memref<10240x128xf32, #tpu.memory_space<vmem_shared>>
            tpu.enqueue_indirect_dma source(%arg12 : memref<128x128xf32, #tpu.memory_space<vmem>>) target(%dma_start3A_106 : memref<10240x128xf32, #tpu.memory_space<vmem_shared>>) offsets(%dma_start3A_103 : memref<128xi32, #tpu.memory_space<vmem>>) semaphore(%run_scoped3A : memref<!tpu.dma_semaphore, #tpu.memory_space<semaphore_mem>>) {add = true}
            %dma_wait3A_107 = arith.constant 0 : i32
            %dma_wait3A_108 = tpu.memref_slice %arg10[%add3A_75, %dma_wait3A_107] : memref<79x128xi32, #tpu.memory_space<vmem>> -> memref<1x128xi32, #tpu.memory_space<vmem>>
            %dma_wait3A_109 = tpu.memref_squeeze %dma_wait3A_108 : memref<1x128xi32, #tpu.memory_space<vmem>> -> memref<128xi32, #tpu.memory_space<vmem>>
            %dma_wait3A_110 = arith.constant 0 : i32
            %dma_wait3A_111 = arith.constant 0 : i32
            %dma_wait3A_112 = tpu.memref_slice %arg13[%dma_wait3A_110, %dma_wait3A_111] : memref<10240x128xf32, #tpu.memory_space<vmem_shared>> -> memref<10240x128xf32, #tpu.memory_space<vmem_shared>>
            tpu.wait_indirect_dma semaphore(%run_scoped3A : memref<!tpu.dma_semaphore, #tpu.memory_space<semaphore_mem>>) src(%arg12 : memref<128x128xf32, #tpu.memory_space<vmem>>) dst(%dma_wait3A_112 : memref<10240x128xf32, #tpu.memory_space<vmem_shared>>)
            tpu.yield
          }) : () -> ()
          %add3A_92 = arith.addi %add3A_5, %add3A_75 : i32
          %mul3A_93 = arith.constant 128 : i32
          %mul3A_94 = arith.muli %add3A_92, %mul3A_93 : i32
          %add3A_95 = arith.constant 160000 : i32
          %add3A_96 = arith.addi %add3A_95, %mul3A_94 : i32
          %dma_start3A_97 = arith.constant 0 : i32
          %dma_start3A_98 = tpu.memref_slice %arg9[%add3A_96, %dma_start3A_97] : memref<320000x128xf32, #tpu.memory_space<hbm>> -> memref<128x128xf32, #tpu.memory_space<hbm>>
          %dma_start3A_99 = arith.constant 0 : i32
          %dma_start3A_100 = tpu.memref_slice %arg9[%add3A_96, %dma_start3A_99] : memref<320000x128xf32, #tpu.memory_space<hbm>> -> memref<128x128xf32, #tpu.memory_space<hbm>>
          tpu.enqueue_dma source(%arg12 : memref<128x128xf32, #tpu.memory_space<vmem>>) target(%dma_start3A_100 : memref<128x128xf32, #tpu.memory_space<hbm>>) target_semaphore(%arg17 : memref<!tpu.dma_semaphore, #tpu.memory_space<semaphore_mem>>)
        } else {
        }
      }
      %scan3A_53 = arith.constant 40 : i32
      %dma_wait3A = arith.constant 0 : i32
      %dma_wait3A_54 = arith.constant 0 : i32
      %dma_wait3A_55 = tpu.memref_slice %arg9[%dma_wait3A, %dma_wait3A_54] : memref<320000x128xf32, #tpu.memory_space<hbm>> -> memref<128x128xf32, #tpu.memory_space<hbm>>
      %dma_wait3A_56 = arith.constant 0 : i32
      %dma_wait3A_57 = arith.constant 0 : i32
      %dma_wait3A_58 = tpu.memref_slice %arg9[%dma_wait3A_56, %dma_wait3A_57] : memref<320000x128xf32, #tpu.memory_space<hbm>> -> memref<128x128xf32, #tpu.memory_space<hbm>>
      tpu.wait_dma2 semaphore(%arg16 : memref<!tpu.dma_semaphore, #tpu.memory_space<semaphore_mem>>) src(%arg11 : memref<128x128xf32, #tpu.memory_space<vmem>>) dst(%dma_wait3A_58 : memref<128x128xf32, #tpu.memory_space<hbm>>)
      %dma_wait3A_59 = arith.constant 0 : i32
      %dma_wait3A_60 = arith.constant 0 : i32
      %dma_wait3A_61 = tpu.memref_slice %arg9[%dma_wait3A_59, %dma_wait3A_60] : memref<320000x128xf32, #tpu.memory_space<hbm>> -> memref<128x128xf32, #tpu.memory_space<hbm>>
      %dma_wait3A_62 = arith.constant 0 : i32
      %dma_wait3A_63 = arith.constant 0 : i32
      %dma_wait3A_64 = tpu.memref_slice %arg9[%dma_wait3A_62, %dma_wait3A_63] : memref<320000x128xf32, #tpu.memory_space<hbm>> -> memref<128x128xf32, #tpu.memory_space<hbm>>
      tpu.wait_dma2 semaphore(%arg17 : memref<!tpu.dma_semaphore, #tpu.memory_space<semaphore_mem>>) src(%arg12 : memref<128x128xf32, #tpu.memory_space<vmem>>) dst(%dma_wait3A_64 : memref<128x128xf32, #tpu.memory_space<hbm>>)
    } else {
    }
    %ge3A_32 = arith.constant 24 : i32
    %ge3A_33 = arith.cmpi sge, %add3A, %ge3A_32 : i32
    %lt3A_34 = arith.constant 32 : i32
    %lt3A_35 = arith.cmpi slt, %add3A, %lt3A_34 : i32
    %and3A_36 = arith.andi %ge3A_33, %lt3A_35 : i1
    %convert_element_type3A_37 = arith.extui %and3A_36 : i1 to i32
    %cond3A_38 = arith.constant 0 : i32
    %cond3A_39 = arith.cmpi ne, %convert_element_type3A_37, %cond3A_38 : i32
    scf.if %cond3A_39 {
      %mul3A_45 = arith.constant 128 : i32
      %mul3A_46 = arith.muli %add3A_5, %mul3A_45 : i32
      %dma_start3A = arith.constant 0 : i32
      %dma_start3A_47 = tpu.memref_slice %arg5[%mul3A_46, %dma_start3A] : memref<80000x128xf32, #tpu.memory_space<hbm>> -> memref<128x128xf32, #tpu.memory_space<hbm>>
      %dma_start3A_48 = arith.constant 0 : i32
      %dma_start3A_49 = tpu.memref_slice %arg5[%mul3A_46, %dma_start3A_48] : memref<80000x128xf32, #tpu.memory_space<hbm>> -> memref<128x128xf32, #tpu.memory_space<hbm>>
      tpu.enqueue_dma source(%dma_start3A_49 : memref<128x128xf32, #tpu.memory_space<hbm>>) target(%arg11 : memref<128x128xf32, #tpu.memory_space<vmem>>) target_semaphore(%arg14 : memref<!tpu.dma_semaphore, #tpu.memory_space<semaphore_mem>>)
      %scan3A = arith.constant 0 : i32
      %scan3A_50 = arith.constant 40 : i32
      %scan3A_51 = arith.addi %scan3A, %scan3A_50 : i32
      %scan3A_52 = arith.constant 1 : i32
      scf.for %scan3A_65 = %scan3A to %scan3A_51 step %scan3A_52  : i32 {
        %mul3A_66 = arith.constant 2 : i32
        %mul3A_67 = arith.muli %scan3A_65, %mul3A_66 : i32
        %add3A_68 = arith.constant 0 : i32
        %add3A_69 = arith.addi %add3A_68, %mul3A_67 : i32
        %lt3A_70 = arith.cmpi slt, %add3A_69, %add3A_8 : i32
        %convert_element_type3A_71 = arith.extui %lt3A_70 : i1 to i32
        %cond3A_72 = arith.constant 0 : i32
        %cond3A_73 = arith.cmpi ne, %convert_element_type3A_71, %cond3A_72 : i32
        scf.if %cond3A_73 {
          %dma_wait3A_80 = arith.constant 0 : i32
          %dma_wait3A_81 = arith.constant 0 : i32
          %dma_wait3A_82 = tpu.memref_slice %arg5[%dma_wait3A_80, %dma_wait3A_81] : memref<80000x128xf32, #tpu.memory_space<hbm>> -> memref<128x128xf32, #tpu.memory_space<hbm>>
          %dma_wait3A_83 = arith.constant 0 : i32
          %dma_wait3A_84 = arith.constant 0 : i32
          %dma_wait3A_85 = tpu.memref_slice %arg5[%dma_wait3A_83, %dma_wait3A_84] : memref<80000x128xf32, #tpu.memory_space<hbm>> -> memref<128x128xf32, #tpu.memory_space<hbm>>
          tpu.wait_dma2 semaphore(%arg14 : memref<!tpu.dma_semaphore, #tpu.memory_space<semaphore_mem>>) src(%dma_wait3A_85 : memref<128x128xf32, #tpu.memory_space<hbm>>) dst(%arg11 : memref<128x128xf32, #tpu.memory_space<vmem>>)
          %add3A_86 = arith.constant 1 : i32
          %add3A_87 = arith.addi %add3A_69, %add3A_86 : i32
          %lt3A_88 = arith.cmpi slt, %add3A_87, %add3A_8 : i32
          %convert_element_type3A_89 = arith.extui %lt3A_88 : i1 to i32
          %cond3A_90 = arith.constant 0 : i32
          %cond3A_91 = arith.cmpi ne, %convert_element_type3A_89, %cond3A_90 : i32
          scf.if %cond3A_91 {
            %ge3A_101 = arith.constant 1 : i32
            %ge3A_102 = arith.cmpi sge, %add3A_69, %ge3A_101 : i32
            %convert_element_type3A_103 = arith.extui %ge3A_102 : i1 to i32
            %cond3A_104 = arith.constant 0 : i32
            %cond3A_105 = arith.cmpi ne, %convert_element_type3A_103, %cond3A_104 : i32
            scf.if %cond3A_105 {
              %dma_wait3A_115 = arith.constant 0 : i32
              %dma_wait3A_116 = arith.constant 0 : i32
              %dma_wait3A_117 = tpu.memref_slice %arg9[%dma_wait3A_115, %dma_wait3A_116] : memref<320000x128xf32, #tpu.memory_space<hbm>> -> memref<128x128xf32, #tpu.memory_space<hbm>>
              %dma_wait3A_118 = arith.constant 0 : i32
              %dma_wait3A_119 = arith.constant 0 : i32
              %dma_wait3A_120 = tpu.memref_slice %arg9[%dma_wait3A_118, %dma_wait3A_119] : memref<320000x128xf32, #tpu.memory_space<hbm>> -> memref<128x128xf32, #tpu.memory_space<hbm>>
              tpu.wait_dma2 semaphore(%arg17 : memref<!tpu.dma_semaphore, #tpu.memory_space<semaphore_mem>>) src(%arg12 : memref<128x128xf32, #tpu.memory_space<vmem>>) dst(%dma_wait3A_120 : memref<128x128xf32, #tpu.memory_space<hbm>>)
            } else {
            }
            %add3A_106 = arith.addi %add3A_5, %add3A_69 : i32
            %add3A_107 = arith.constant 1 : i32
            %add3A_108 = arith.addi %add3A_106, %add3A_107 : i32
            %mul3A_109 = arith.constant 128 : i32
            %mul3A_110 = arith.muli %add3A_108, %mul3A_109 : i32
            %dma_start3A_111 = arith.constant 0 : i32
            %dma_start3A_112 = tpu.memref_slice %arg5[%mul3A_110, %dma_start3A_111] : memref<80000x128xf32, #tpu.memory_space<hbm>> -> memref<128x128xf32, #tpu.memory_space<hbm>>
            %dma_start3A_113 = arith.constant 0 : i32
            %dma_start3A_114 = tpu.memref_slice %arg5[%mul3A_110, %dma_start3A_113] : memref<80000x128xf32, #tpu.memory_space<hbm>> -> memref<128x128xf32, #tpu.memory_space<hbm>>
            tpu.enqueue_dma source(%dma_start3A_114 : memref<128x128xf32, #tpu.memory_space<hbm>>) target(%arg12 : memref<128x128xf32, #tpu.memory_space<vmem>>) target_semaphore(%arg15 : memref<!tpu.dma_semaphore, #tpu.memory_space<semaphore_mem>>)
          } else {
          }
          "tpu.region"() ({
            %run_scoped3A = tpu.sem_alloc : memref<!tpu.dma_semaphore, #tpu.memory_space<semaphore_mem>>
            %dma_start3A_101 = arith.constant 0 : i32
            %dma_start3A_102 = tpu.memref_slice %arg10[%add3A_69, %dma_start3A_101] : memref<79x128xi32, #tpu.memory_space<vmem>> -> memref<1x128xi32, #tpu.memory_space<vmem>>
            %dma_start3A_103 = tpu.memref_squeeze %dma_start3A_102 : memref<1x128xi32, #tpu.memory_space<vmem>> -> memref<128xi32, #tpu.memory_space<vmem>>
            %dma_start3A_104 = arith.constant 0 : i32
            %dma_start3A_105 = arith.constant 0 : i32
            %dma_start3A_106 = tpu.memref_slice %arg13[%dma_start3A_104, %dma_start3A_105] : memref<10240x128xf32, #tpu.memory_space<vmem_shared>> -> memref<10240x128xf32, #tpu.memory_space<vmem_shared>>
            tpu.enqueue_indirect_dma source(%arg11 : memref<128x128xf32, #tpu.memory_space<vmem>>) target(%dma_start3A_106 : memref<10240x128xf32, #tpu.memory_space<vmem_shared>>) offsets(%dma_start3A_103 : memref<128xi32, #tpu.memory_space<vmem>>) semaphore(%run_scoped3A : memref<!tpu.dma_semaphore, #tpu.memory_space<semaphore_mem>>) {add = true}
            %dma_wait3A_107 = arith.constant 0 : i32
            %dma_wait3A_108 = tpu.memref_slice %arg10[%add3A_69, %dma_wait3A_107] : memref<79x128xi32, #tpu.memory_space<vmem>> -> memref<1x128xi32, #tpu.memory_space<vmem>>
            %dma_wait3A_109 = tpu.memref_squeeze %dma_wait3A_108 : memref<1x128xi32, #tpu.memory_space<vmem>> -> memref<128xi32, #tpu.memory_space<vmem>>
            %dma_wait3A_110 = arith.constant 0 : i32
            %dma_wait3A_111 = arith.constant 0 : i32
            %dma_wait3A_112 = tpu.memref_slice %arg13[%dma_wait3A_110, %dma_wait3A_111] : memref<10240x128xf32, #tpu.memory_space<vmem_shared>> -> memref<10240x128xf32, #tpu.memory_space<vmem_shared>>
            tpu.wait_indirect_dma semaphore(%run_scoped3A : memref<!tpu.dma_semaphore, #tpu.memory_space<semaphore_mem>>) src(%arg11 : memref<128x128xf32, #tpu.memory_space<vmem>>) dst(%dma_wait3A_112 : memref<10240x128xf32, #tpu.memory_space<vmem_shared>>)
            tpu.yield
          }) : () -> ()
          %add3A_92 = arith.addi %add3A_5, %add3A_69 : i32
          %mul3A_93 = arith.constant 128 : i32
          %mul3A_94 = arith.muli %add3A_92, %mul3A_93 : i32
          %add3A_95 = arith.constant 240000 : i32
          %add3A_96 = arith.addi %add3A_95, %mul3A_94 : i32
          %dma_start3A_97 = arith.constant 0 : i32
          %dma_start3A_98 = tpu.memref_slice %arg9[%add3A_96, %dma_start3A_97] : memref<320000x128xf32, #tpu.memory_space<hbm>> -> memref<128x128xf32, #tpu.memory_space<hbm>>
          %dma_start3A_99 = arith.constant 0 : i32
          %dma_start3A_100 = tpu.memref_slice %arg9[%add3A_96, %dma_start3A_99] : memref<320000x128xf32, #tpu.memory_space<hbm>> -> memref<128x128xf32, #tpu.memory_space<hbm>>
          tpu.enqueue_dma source(%arg11 : memref<128x128xf32, #tpu.memory_space<vmem>>) target(%dma_start3A_100 : memref<128x128xf32, #tpu.memory_space<hbm>>) target_semaphore(%arg16 : memref<!tpu.dma_semaphore, #tpu.memory_space<semaphore_mem>>)
        } else {
        }
        %add3A_74 = arith.constant 1 : i32
        %add3A_75 = arith.addi %add3A_69, %add3A_74 : i32
        %lt3A_76 = arith.cmpi slt, %add3A_75, %add3A_8 : i32
        %convert_element_type3A_77 = arith.extui %lt3A_76 : i1 to i32
        %cond3A_78 = arith.constant 0 : i32
        %cond3A_79 = arith.cmpi ne, %convert_element_type3A_77, %cond3A_78 : i32
        scf.if %cond3A_79 {
          %dma_wait3A_80 = arith.constant 0 : i32
          %dma_wait3A_81 = arith.constant 0 : i32
          %dma_wait3A_82 = tpu.memref_slice %arg5[%dma_wait3A_80, %dma_wait3A_81] : memref<80000x128xf32, #tpu.memory_space<hbm>> -> memref<128x128xf32, #tpu.memory_space<hbm>>
          %dma_wait3A_83 = arith.constant 0 : i32
          %dma_wait3A_84 = arith.constant 0 : i32
          %dma_wait3A_85 = tpu.memref_slice %arg5[%dma_wait3A_83, %dma_wait3A_84] : memref<80000x128xf32, #tpu.memory_space<hbm>> -> memref<128x128xf32, #tpu.memory_space<hbm>>
          tpu.wait_dma2 semaphore(%arg15 : memref<!tpu.dma_semaphore, #tpu.memory_space<semaphore_mem>>) src(%dma_wait3A_85 : memref<128x128xf32, #tpu.memory_space<hbm>>) dst(%arg12 : memref<128x128xf32, #tpu.memory_space<vmem>>)
          %add3A_86 = arith.constant 1 : i32
          %add3A_87 = arith.addi %add3A_75, %add3A_86 : i32
          %lt3A_88 = arith.cmpi slt, %add3A_87, %add3A_8 : i32
          %convert_element_type3A_89 = arith.extui %lt3A_88 : i1 to i32
          %cond3A_90 = arith.constant 0 : i32
          %cond3A_91 = arith.cmpi ne, %convert_element_type3A_89, %cond3A_90 : i32
          scf.if %cond3A_91 {
            %ge3A_101 = arith.constant 1 : i32
            %ge3A_102 = arith.cmpi sge, %add3A_75, %ge3A_101 : i32
            %convert_element_type3A_103 = arith.extui %ge3A_102 : i1 to i32
            %cond3A_104 = arith.constant 0 : i32
            %cond3A_105 = arith.cmpi ne, %convert_element_type3A_103, %cond3A_104 : i32
            scf.if %cond3A_105 {
              %dma_wait3A_115 = arith.constant 0 : i32
              %dma_wait3A_116 = arith.constant 0 : i32
              %dma_wait3A_117 = tpu.memref_slice %arg9[%dma_wait3A_115, %dma_wait3A_116] : memref<320000x128xf32, #tpu.memory_space<hbm>> -> memref<128x128xf32, #tpu.memory_space<hbm>>
              %dma_wait3A_118 = arith.constant 0 : i32
              %dma_wait3A_119 = arith.constant 0 : i32
              %dma_wait3A_120 = tpu.memref_slice %arg9[%dma_wait3A_118, %dma_wait3A_119] : memref<320000x128xf32, #tpu.memory_space<hbm>> -> memref<128x128xf32, #tpu.memory_space<hbm>>
              tpu.wait_dma2 semaphore(%arg16 : memref<!tpu.dma_semaphore, #tpu.memory_space<semaphore_mem>>) src(%arg11 : memref<128x128xf32, #tpu.memory_space<vmem>>) dst(%dma_wait3A_120 : memref<128x128xf32, #tpu.memory_space<hbm>>)
            } else {
            }
            %add3A_106 = arith.addi %add3A_5, %add3A_75 : i32
            %add3A_107 = arith.constant 1 : i32
            %add3A_108 = arith.addi %add3A_106, %add3A_107 : i32
            %mul3A_109 = arith.constant 128 : i32
            %mul3A_110 = arith.muli %add3A_108, %mul3A_109 : i32
            %dma_start3A_111 = arith.constant 0 : i32
            %dma_start3A_112 = tpu.memref_slice %arg5[%mul3A_110, %dma_start3A_111] : memref<80000x128xf32, #tpu.memory_space<hbm>> -> memref<128x128xf32, #tpu.memory_space<hbm>>
            %dma_start3A_113 = arith.constant 0 : i32
            %dma_start3A_114 = tpu.memref_slice %arg5[%mul3A_110, %dma_start3A_113] : memref<80000x128xf32, #tpu.memory_space<hbm>> -> memref<128x128xf32, #tpu.memory_space<hbm>>
            tpu.enqueue_dma source(%dma_start3A_114 : memref<128x128xf32, #tpu.memory_space<hbm>>) target(%arg11 : memref<128x128xf32, #tpu.memory_space<vmem>>) target_semaphore(%arg14 : memref<!tpu.dma_semaphore, #tpu.memory_space<semaphore_mem>>)
          } else {
          }
          "tpu.region"() ({
            %run_scoped3A = tpu.sem_alloc : memref<!tpu.dma_semaphore, #tpu.memory_space<semaphore_mem>>
            %dma_start3A_101 = arith.constant 0 : i32
            %dma_start3A_102 = tpu.memref_slice %arg10[%add3A_75, %dma_start3A_101] : memref<79x128xi32, #tpu.memory_space<vmem>> -> memref<1x128xi32, #tpu.memory_space<vmem>>
            %dma_start3A_103 = tpu.memref_squeeze %dma_start3A_102 : memref<1x128xi32, #tpu.memory_space<vmem>> -> memref<128xi32, #tpu.memory_space<vmem>>
            %dma_start3A_104 = arith.constant 0 : i32
            %dma_start3A_105 = arith.constant 0 : i32
            %dma_start3A_106 = tpu.memref_slice %arg13[%dma_start3A_104, %dma_start3A_105] : memref<10240x128xf32, #tpu.memory_space<vmem_shared>> -> memref<10240x128xf32, #tpu.memory_space<vmem_shared>>
            tpu.enqueue_indirect_dma source(%arg12 : memref<128x128xf32, #tpu.memory_space<vmem>>) target(%dma_start3A_106 : memref<10240x128xf32, #tpu.memory_space<vmem_shared>>) offsets(%dma_start3A_103 : memref<128xi32, #tpu.memory_space<vmem>>) semaphore(%run_scoped3A : memref<!tpu.dma_semaphore, #tpu.memory_space<semaphore_mem>>) {add = true}
            %dma_wait3A_107 = arith.constant 0 : i32
            %dma_wait3A_108 = tpu.memref_slice %arg10[%add3A_75, %dma_wait3A_107] : memref<79x128xi32, #tpu.memory_space<vmem>> -> memref<1x128xi32, #tpu.memory_space<vmem>>
            %dma_wait3A_109 = tpu.memref_squeeze %dma_wait3A_108 : memref<1x128xi32, #tpu.memory_space<vmem>> -> memref<128xi32, #tpu.memory_space<vmem>>
            %dma_wait3A_110 = arith.constant 0 : i32
            %dma_wait3A_111 = arith.constant 0 : i32
            %dma_wait3A_112 = tpu.memref_slice %arg13[%dma_wait3A_110, %dma_wait3A_111] : memref<10240x128xf32, #tpu.memory_space<vmem_shared>> -> memref<10240x128xf32, #tpu.memory_space<vmem_shared>>
            tpu.wait_indirect_dma semaphore(%run_scoped3A : memref<!tpu.dma_semaphore, #tpu.memory_space<semaphore_mem>>) src(%arg12 : memref<128x128xf32, #tpu.memory_space<vmem>>) dst(%dma_wait3A_112 : memref<10240x128xf32, #tpu.memory_space<vmem_shared>>)
            tpu.yield
          }) : () -> ()
          %add3A_92 = arith.addi %add3A_5, %add3A_75 : i32
          %mul3A_93 = arith.constant 128 : i32
          %mul3A_94 = arith.muli %add3A_92, %mul3A_93 : i32
          %add3A_95 = arith.constant 240000 : i32
          %add3A_96 = arith.addi %add3A_95, %mul3A_94 : i32
          %dma_start3A_97 = arith.constant 0 : i32
          %dma_start3A_98 = tpu.memref_slice %arg9[%add3A_96, %dma_start3A_97] : memref<320000x128xf32, #tpu.memory_space<hbm>> -> memref<128x128xf32, #tpu.memory_space<hbm>>
          %dma_start3A_99 = arith.constant 0 : i32
          %dma_start3A_100 = tpu.memref_slice %arg9[%add3A_96, %dma_start3A_99] : memref<320000x128xf32, #tpu.memory_space<hbm>> -> memref<128x128xf32, #tpu.memory_space<hbm>>
          tpu.enqueue_dma source(%arg12 : memref<128x128xf32, #tpu.memory_space<vmem>>) target(%dma_start3A_100 : memref<128x128xf32, #tpu.memory_space<hbm>>) target_semaphore(%arg17 : memref<!tpu.dma_semaphore, #tpu.memory_space<semaphore_mem>>)
        } else {
        }
      }
      %scan3A_53 = arith.constant 40 : i32
      %dma_wait3A = arith.constant 0 : i32
      %dma_wait3A_54 = arith.constant 0 : i32
      %dma_wait3A_55 = tpu.memref_slice %arg9[%dma_wait3A, %dma_wait3A_54] : memref<320000x128xf32, #tpu.memory_space<hbm>> -> memref<128x128xf32, #tpu.memory_space<hbm>>
      %dma_wait3A_56 = arith.constant 0 : i32
      %dma_wait3A_57 = arith.constant 0 : i32
      %dma_wait3A_58 = tpu.memref_slice %arg9[%dma_wait3A_56, %dma_wait3A_57] : memref<320000x128xf32, #tpu.memory_space<hbm>> -> memref<128x128xf32, #tpu.memory_space<hbm>>
      tpu.wait_dma2 semaphore(%arg16 : memref<!tpu.dma_semaphore, #tpu.memory_space<semaphore_mem>>) src(%arg11 : memref<128x128xf32, #tpu.memory_space<vmem>>) dst(%dma_wait3A_58 : memref<128x128xf32, #tpu.memory_space<hbm>>)
      %dma_wait3A_59 = arith.constant 0 : i32
      %dma_wait3A_60 = arith.constant 0 : i32
      %dma_wait3A_61 = tpu.memref_slice %arg9[%dma_wait3A_59, %dma_wait3A_60] : memref<320000x128xf32, #tpu.memory_space<hbm>> -> memref<128x128xf32, #tpu.memory_space<hbm>>
      %dma_wait3A_62 = arith.constant 0 : i32
      %dma_wait3A_63 = arith.constant 0 : i32
      %dma_wait3A_64 = tpu.memref_slice %arg9[%dma_wait3A_62, %dma_wait3A_63] : memref<320000x128xf32, #tpu.memory_space<hbm>> -> memref<128x128xf32, #tpu.memory_space<hbm>>
      tpu.wait_dma2 semaphore(%arg17 : memref<!tpu.dma_semaphore, #tpu.memory_space<semaphore_mem>>) src(%arg12 : memref<128x128xf32, #tpu.memory_space<vmem>>) dst(%dma_wait3A_64 : memref<128x128xf32, #tpu.memory_space<hbm>>)
    } else {
    }
    %barrier3A_40 = arith.constant 0 : index
    tpu.barrier barrier_id(%barrier3A_40)
    %mul3A_41 = arith.constant 640 : i32
    %mul3A_42 = arith.muli %arg1, %mul3A_41 : i32
    %mul3A_43 = arith.constant 640 : i32
    %mul3A_44 = arith.muli %arg1, %mul3A_43 : i32
    "tpu.region"() ({
      %run_scoped3A = tpu.sem_alloc : memref<!tpu.dma_semaphore, #tpu.memory_space<semaphore_mem>>
      %dma_start3A = arith.constant 0 : i32
      %dma_start3A_45 = tpu.memref_slice %arg8[%arg0, %mul3A_44, %dma_start3A] : memref<2x10240x128xf32, #tpu.memory_space<hbm>> -> memref<1x640x128xf32, #tpu.memory_space<hbm>>
      %dma_start3A_46 = tpu.memref_squeeze %dma_start3A_45 : memref<1x640x128xf32, #tpu.memory_space<hbm>> -> memref<640x128xf32, #tpu.memory_space<hbm>>
      %dma_start3A_47 = arith.constant 0 : i32
      %dma_start3A_48 = tpu.memref_slice %arg13[%mul3A_42, %dma_start3A_47] : memref<10240x128xf32, #tpu.memory_space<vmem_shared>> -> memref<640x128xf32, #tpu.memory_space<vmem_shared>>
      tpu.enqueue_dma source(%dma_start3A_48 : memref<640x128xf32, #tpu.memory_space<vmem_shared>>) target(%dma_start3A_46 : memref<640x128xf32, #tpu.memory_space<hbm>>) target_semaphore(%run_scoped3A : memref<!tpu.dma_semaphore, #tpu.memory_space<semaphore_mem>>)
      %dma_wait3A = arith.constant 0 : i32
      %dma_wait3A_49 = tpu.memref_slice %arg8[%arg0, %mul3A_44, %dma_wait3A] : memref<2x10240x128xf32, #tpu.memory_space<hbm>> -> memref<1x640x128xf32, #tpu.memory_space<hbm>>
      %dma_wait3A_50 = tpu.memref_squeeze %dma_wait3A_49 : memref<1x640x128xf32, #tpu.memory_space<hbm>> -> memref<640x128xf32, #tpu.memory_space<hbm>>
      %dma_wait3A_51 = arith.constant 0 : i32
      %dma_wait3A_52 = tpu.memref_slice %arg13[%mul3A_42, %dma_wait3A_51] : memref<10240x128xf32, #tpu.memory_space<vmem_shared>> -> memref<640x128xf32, #tpu.memory_space<vmem_shared>>
      tpu.wait_dma2 semaphore(%run_scoped3A : memref<!tpu.dma_semaphore, #tpu.memory_space<semaphore_mem>>) src(%dma_wait3A_52 : memref<640x128xf32, #tpu.memory_space<vmem_shared>>) dst(%dma_wait3A_50 : memref<640x128xf32, #tpu.memory_space<hbm>>)
      tpu.yield
    }) : () -> ()
    return
  }
}

module attributes {stable_mosaic.version = 14 : i64} {
  func.func @body(%arg0: i32, %arg1: memref<2000x128xf32, #tpu.memory_space<vmem>>, %arg2: memref<128x128xf32, #tpu.memory_space<vmem>>, %arg3: memref<128x128xf32, #tpu.memory_space<vmem>>, %arg4: memref<128x128xf32, #tpu.memory_space<vmem>>, %arg5: memref<1x128xf32, #tpu.memory_space<vmem>>, %arg6: memref<1x128xf32, #tpu.memory_space<vmem>>, %arg7: memref<2000x128xf32, #tpu.memory_space<vmem>>, %arg8: memref<2000x128xf32, #tpu.memory_space<vmem>>, %arg9: memref<2000x128xf32, #tpu.memory_space<vmem>>) attributes {dimension_semantics = [#tpu.dimension_semantics<arbitrary>], iteration_bounds = array<i64: 5>, scalar_prefetch = 0 : i64, scratch_operands = 0 : i64, tpu.core_type = #tpu.core_type<tc>, window_params = [{transform_indices = @transform_0, window_bounds = array<i64: 2000, 128>}, {pipeline_mode = #tpu.pipeline_mode<synchronous>, transform_indices = @transform_1, window_bounds = array<i64: 128, 128>}, {pipeline_mode = #tpu.pipeline_mode<synchronous>, transform_indices = @transform_2, window_bounds = array<i64: 128, 128>}, {pipeline_mode = #tpu.pipeline_mode<synchronous>, transform_indices = @transform_3, window_bounds = array<i64: 128, 128>}, {pipeline_mode = #tpu.pipeline_mode<synchronous>, transform_indices = @transform_4, window_bounds = array<i64: 1, 128>}, {pipeline_mode = #tpu.pipeline_mode<synchronous>, transform_indices = @transform_5, window_bounds = array<i64: 1, 128>}, {transform_indices = @transform_6, window_bounds = array<i64: 2000, 128>}, {transform_indices = @transform_7, window_bounds = array<i64: 2000, 128>}, {transform_indices = @transform_8, window_bounds = array<i64: 2000, 128>}]} {
    %get3A = arith.constant 0 : index
    %get3A_0 = arith.constant 0 : index
    %get3A_1 = vector.load %arg1[%get3A, %get3A_0] : memref<2000x128xf32, #tpu.memory_space<vmem>>, vector<2000x128xf32>
    %get3A_2 = arith.constant 0 : index
    %get3A_3 = arith.constant 0 : index
    %get3A_4 = vector.load %arg2[%get3A_2, %get3A_3] : memref<128x128xf32, #tpu.memory_space<vmem>>, vector<128x128xf32>
    %dot_general3A = arith.constant dense<0.000000e+00> : vector<2000x128xf32>
    %dot_general3A_5 = tpu.matmul %get3A_1, %get3A_4, %dot_general3A {dimension_numbers = #tpu.dot_dimension_numbers<[1], [0], [0], [1], [0, 0, 1, 1], [], []>, transpose_lhs_hint = false} : vector<2000x128xf32>, vector<128x128xf32>, vector<2000x128xf32> -> vector<2000x128xf32>
    %get3A_6 = arith.constant 0 : index
    %get3A_7 = arith.constant 0 : index
    %get3A_8 = vector.load %arg5[%get3A_6, %get3A_7] : memref<1x128xf32, #tpu.memory_space<vmem>>, vector<1x128xf32>
    %add3A = vector.broadcast %get3A_8 : vector<1x128xf32> to vector<2000x128xf32>
    %add3A_9 = arith.addf %dot_general3A_5, %add3A : vector<2000x128xf32>
    %swap3A = arith.constant 0 : index
    %swap3A_10 = arith.constant 0 : index
    %swap3A_11 = vector.load %arg7[%swap3A, %swap3A_10] : memref<2000x128xf32, #tpu.memory_space<vmem>>, vector<2000x128xf32>
    tpu.vector_store %arg7[%swap3A, %swap3A_10], %add3A_9 {strides = array<i32>} : memref<2000x128xf32, #tpu.memory_space<vmem>>, vector<2000x128xf32>,
    %get3A_12 = arith.constant 0 : index
    %get3A_13 = arith.constant 0 : index
    %get3A_14 = vector.load %arg3[%get3A_12, %get3A_13] : memref<128x128xf32, #tpu.memory_space<vmem>>, vector<128x128xf32>
    %dot_general3A_15 = arith.constant dense<0.000000e+00> : vector<2000x128xf32>
    %dot_general3A_16 = tpu.matmul %get3A_1, %get3A_14, %dot_general3A_15 {dimension_numbers = #tpu.dot_dimension_numbers<[1], [0], [0], [1], [0, 0, 1, 1], [], []>, transpose_lhs_hint = false} : vector<2000x128xf32>, vector<128x128xf32>, vector<2000x128xf32> -> vector<2000x128xf32>
    %swap3A_17 = arith.constant 0 : index
    %swap3A_18 = arith.constant 0 : index
    %swap3A_19 = vector.load %arg8[%swap3A_17, %swap3A_18] : memref<2000x128xf32, #tpu.memory_space<vmem>>, vector<2000x128xf32>
    tpu.vector_store %arg8[%swap3A_17, %swap3A_18], %dot_general3A_16 {strides = array<i32>} : memref<2000x128xf32, #tpu.memory_space<vmem>>, vector<2000x128xf32>,
    %get3A_20 = arith.constant 0 : index
    %get3A_21 = arith.constant 0 : index
    %get3A_22 = vector.load %arg4[%get3A_20, %get3A_21] : memref<128x128xf32, #tpu.memory_space<vmem>>, vector<128x128xf32>
    %dot_general3A_23 = arith.constant dense<0.000000e+00> : vector<2000x128xf32>
    %dot_general3A_24 = tpu.matmul %get3A_1, %get3A_22, %dot_general3A_23 {dimension_numbers = #tpu.dot_dimension_numbers<[1], [0], [0], [1], [0, 0, 1, 1], [], []>, transpose_lhs_hint = false} : vector<2000x128xf32>, vector<128x128xf32>, vector<2000x128xf32> -> vector<2000x128xf32>
    %get3A_25 = arith.constant 0 : index
    %get3A_26 = arith.constant 0 : index
    %get3A_27 = vector.load %arg6[%get3A_25, %get3A_26] : memref<1x128xf32, #tpu.memory_space<vmem>>, vector<1x128xf32>
    %add3A_28 = vector.broadcast %get3A_27 : vector<1x128xf32> to vector<2000x128xf32>
    %add3A_29 = arith.addf %dot_general3A_24, %add3A_28 : vector<2000x128xf32>
    %swap3A_30 = arith.constant 0 : index
    %swap3A_31 = arith.constant 0 : index
    %swap3A_32 = vector.load %arg9[%swap3A_30, %swap3A_31] : memref<2000x128xf32, #tpu.memory_space<vmem>>, vector<2000x128xf32>
    tpu.vector_store %arg9[%swap3A_30, %swap3A_31], %add3A_29 {strides = array<i32>} : memref<2000x128xf32, #tpu.memory_space<vmem>>, vector<2000x128xf32>,
    return
  }
  func.func @transform_0(%arg0: i32) -> (i32, i32) {
    %c0_i32 = arith.constant 0 : i32
    %c0_i32_0 = arith.constant 0 : i32
    return %arg0, %c0_i32 : i32, i32
  }
  func.func @transform_1(%arg0: i32) -> (i32, i32) {
    %c0_i32 = arith.constant 0 : i32
    %c0_i32_0 = arith.constant 0 : i32
    %c0_i32_1 = arith.constant 0 : i32
    return %c0_i32, %c0_i32_0 : i32, i32
  }
  func.func @transform_2(%arg0: i32) -> (i32, i32) {
    %c0_i32 = arith.constant 0 : i32
    %c0_i32_0 = arith.constant 0 : i32
    %c0_i32_1 = arith.constant 0 : i32
    return %c0_i32, %c0_i32_0 : i32, i32
  }
  func.func @transform_3(%arg0: i32) -> (i32, i32) {
    %c0_i32 = arith.constant 0 : i32
    %c0_i32_0 = arith.constant 0 : i32
    %c0_i32_1 = arith.constant 0 : i32
    return %c0_i32, %c0_i32_0 : i32, i32
  }
  func.func @transform_4(%arg0: i32) -> (i32, i32) {
    %c0_i32 = arith.constant 0 : i32
    %c0_i32_0 = arith.constant 0 : i32
    %c0_i32_1 = arith.constant 0 : i32
    return %c0_i32, %c0_i32_0 : i32, i32
  }
  func.func @transform_5(%arg0: i32) -> (i32, i32) {
    %c0_i32 = arith.constant 0 : i32
    %c0_i32_0 = arith.constant 0 : i32
    %c0_i32_1 = arith.constant 0 : i32
    return %c0_i32, %c0_i32_0 : i32, i32
  }
  func.func @transform_6(%arg0: i32) -> (i32, i32) {
    %c0_i32 = arith.constant 0 : i32
    %c0_i32_0 = arith.constant 0 : i32
    return %arg0, %c0_i32 : i32, i32
  }
  func.func @transform_7(%arg0: i32) -> (i32, i32) {
    %c0_i32 = arith.constant 0 : i32
    %c0_i32_0 = arith.constant 0 : i32
    return %arg0, %c0_i32 : i32, i32
  }
  func.func @transform_8(%arg0: i32) -> (i32, i32) {
    %c0_i32 = arith.constant 0 : i32
    %c0_i32_0 = arith.constant 0 : i32
    return %arg0, %c0_i32 : i32, i32
  }
}

module attributes {stable_mosaic.version = 14 : i64} {
  func.func @body(%arg0: i32, %arg1: memref<4000x128xf32, #tpu.memory_space<vmem>>, %arg2: memref<4000x128xf32, #tpu.memory_space<vmem>>, %arg3: memref<128x128xbf16, #tpu.memory_space<vmem>>, %arg4: memref<128x128xbf16, #tpu.memory_space<vmem>>, %arg5: memref<1x128xf32, #tpu.memory_space<vmem>>, %arg6: memref<4000x128xf32, #tpu.memory_space<vmem>>) attributes {dimension_semantics = [#tpu.dimension_semantics<arbitrary>], iteration_bounds = array<i64: 20>, scalar_prefetch = 0 : i64, scratch_operands = 0 : i64, tpu.core_type = #tpu.core_type<tc>, window_params = [{transform_indices = @transform_0, window_bounds = array<i64: 4000, 128>}, {transform_indices = @transform_1, window_bounds = array<i64: 4000, 128>}, {pipeline_mode = #tpu.pipeline_mode<synchronous>, transform_indices = @transform_2, window_bounds = array<i64: 128, 128>}, {pipeline_mode = #tpu.pipeline_mode<synchronous>, transform_indices = @transform_3, window_bounds = array<i64: 128, 128>}, {pipeline_mode = #tpu.pipeline_mode<synchronous>, transform_indices = @transform_4, window_bounds = array<i64: 1, 128>}, {transform_indices = @transform_5, window_bounds = array<i64: 4000, 128>}]} {
    %get3A = arith.constant 0 : index
    %get3A_0 = arith.constant 0 : index
    %get3A_1 = vector.load %arg2[%get3A, %get3A_0] : memref<4000x128xf32, #tpu.memory_space<vmem>>, vector<4000x128xf32>
    %convert_element_type3A = arith.truncf %get3A_1 : vector<4000x128xf32> to vector<4000x128xbf16>
    %get3A_2 = arith.constant 0 : index
    %get3A_3 = arith.constant 0 : index
    %get3A_4 = vector.load %arg3[%get3A_2, %get3A_3] : memref<128x128xbf16, #tpu.memory_space<vmem>>, vector<128x128xbf16>
    %dot_general3A = arith.constant dense<0.000000e+00> : vector<4000x128xf32>
    %dot_general3A_5 = tpu.matmul %convert_element_type3A, %get3A_4, %dot_general3A {dimension_numbers = #tpu.dot_dimension_numbers<[1], [0], [0], [1], [0, 0, 1, 1], [], []>, transpose_lhs_hint = false} : vector<4000x128xbf16>, vector<128x128xbf16>, vector<4000x128xf32> -> vector<4000x128xf32>
    %get3A_6 = arith.constant 0 : index
    %get3A_7 = arith.constant 0 : index
    %get3A_8 = vector.load %arg1[%get3A_6, %get3A_7] : memref<4000x128xf32, #tpu.memory_space<vmem>>, vector<4000x128xf32>
    %add3A = arith.addf %get3A_8, %dot_general3A_5 : vector<4000x128xf32>
    %max3A = arith.constant 0.000000e+00 : f32
    %max3A_9 = vector.broadcast %max3A : f32 to vector<4000x128xf32>
    %max3A_10 = arith.maximumf %add3A, %max3A_9 : vector<4000x128xf32>
    %convert_element_type3A_11 = arith.truncf %max3A_10 : vector<4000x128xf32> to vector<4000x128xbf16>
    %get3A_12 = arith.constant 0 : index
    %get3A_13 = arith.constant 0 : index
    %get3A_14 = vector.load %arg4[%get3A_12, %get3A_13] : memref<128x128xbf16, #tpu.memory_space<vmem>>, vector<128x128xbf16>
    %dot_general3A_15 = arith.constant dense<0.000000e+00> : vector<4000x128xf32>
    %dot_general3A_16 = tpu.matmul %convert_element_type3A_11, %get3A_14, %dot_general3A_15 {dimension_numbers = #tpu.dot_dimension_numbers<[1], [0], [0], [1], [0, 0, 1, 1], [], []>, transpose_lhs_hint = false} : vector<4000x128xbf16>, vector<128x128xbf16>, vector<4000x128xf32> -> vector<4000x128xf32>
    %add3A_17 = arith.addf %get3A_1, %dot_general3A_16 : vector<4000x128xf32>
    %get3A_18 = arith.constant 0 : index
    %get3A_19 = arith.constant 0 : index
    %get3A_20 = vector.load %arg5[%get3A_18, %get3A_19] : memref<1x128xf32, #tpu.memory_space<vmem>>, vector<1x128xf32>
    %add3A_21 = vector.broadcast %get3A_20 : vector<1x128xf32> to vector<4000x128xf32>
    %add3A_22 = arith.addf %add3A_17, %add3A_21 : vector<4000x128xf32>
    %swap3A = arith.constant 0 : index
    %swap3A_23 = arith.constant 0 : index
    %swap3A_24 = vector.load %arg6[%swap3A, %swap3A_23] : memref<4000x128xf32, #tpu.memory_space<vmem>>, vector<4000x128xf32>
    tpu.vector_store %arg6[%swap3A, %swap3A_23], %add3A_22 {strides = array<i32>} : memref<4000x128xf32, #tpu.memory_space<vmem>>, vector<4000x128xf32>,
    return
  }
  func.func @transform_0(%arg0: i32) -> (i32, i32) {
    %c0_i32 = arith.constant 0 : i32
    %c0_i32_0 = arith.constant 0 : i32
    return %arg0, %c0_i32 : i32, i32
  }
  func.func @transform_1(%arg0: i32) -> (i32, i32) {
    %add3A = arith.constant 60 : i32
    %add3A_0 = arith.addi %add3A, %arg0 : i32
    %c0_i32 = arith.constant 0 : i32
    %c0_i32_1 = arith.constant 0 : i32
    return %add3A_0, %c0_i32 : i32, i32
  }
  func.func @transform_2(%arg0: i32) -> (i32, i32) {
    %c0_i32 = arith.constant 0 : i32
    %c0_i32_0 = arith.constant 0 : i32
    %c0_i32_1 = arith.constant 0 : i32
    return %c0_i32, %c0_i32_0 : i32, i32
  }
  func.func @transform_3(%arg0: i32) -> (i32, i32) {
    %c0_i32 = arith.constant 0 : i32
    %c0_i32_0 = arith.constant 0 : i32
    %c0_i32_1 = arith.constant 0 : i32
    return %c0_i32, %c0_i32_0 : i32, i32
  }
  func.func @transform_4(%arg0: i32) -> (i32, i32) {
    %c0_i32 = arith.constant 0 : i32
    %c0_i32_0 = arith.constant 0 : i32
    %c0_i32_1 = arith.constant 0 : i32
    return %c0_i32, %c0_i32_0 : i32, i32
  }
  func.func @transform_5(%arg0: i32) -> (i32, i32) {
    %c0_i32 = arith.constant 0 : i32
    %c0_i32_0 = arith.constant 0 : i32
    return %arg0, %c0_i32 : i32, i32
  }
}

module attributes {stable_mosaic.version = 14 : i64} {
  func.func @body(%arg0: i32, %arg1: memref<4000x128xf32, #tpu.memory_space<vmem>>, %arg2: memref<4000x128xf32, #tpu.memory_space<vmem>>, %arg3: memref<128x128xbf16, #tpu.memory_space<vmem>>, %arg4: memref<128x128xbf16, #tpu.memory_space<vmem>>, %arg5: memref<1x128xf32, #tpu.memory_space<vmem>>, %arg6: memref<4000x128xf32, #tpu.memory_space<vmem>>) attributes {dimension_semantics = [#tpu.dimension_semantics<arbitrary>], iteration_bounds = array<i64: 20>, scalar_prefetch = 0 : i64, scratch_operands = 0 : i64, tpu.core_type = #tpu.core_type<tc>, window_params = [{transform_indices = @transform_0, window_bounds = array<i64: 4000, 128>}, {transform_indices = @transform_1, window_bounds = array<i64: 4000, 128>}, {pipeline_mode = #tpu.pipeline_mode<synchronous>, transform_indices = @transform_2, window_bounds = array<i64: 128, 128>}, {pipeline_mode = #tpu.pipeline_mode<synchronous>, transform_indices = @transform_3, window_bounds = array<i64: 128, 128>}, {pipeline_mode = #tpu.pipeline_mode<synchronous>, transform_indices = @transform_4, window_bounds = array<i64: 1, 128>}, {transform_indices = @transform_5, window_bounds = array<i64: 4000, 128>}]} {
    %get3A = arith.constant 0 : index
    %get3A_0 = arith.constant 0 : index
    %get3A_1 = vector.load %arg2[%get3A, %get3A_0] : memref<4000x128xf32, #tpu.memory_space<vmem>>, vector<4000x128xf32>
    %convert_element_type3A = arith.truncf %get3A_1 : vector<4000x128xf32> to vector<4000x128xbf16>
    %get3A_2 = arith.constant 0 : index
    %get3A_3 = arith.constant 0 : index
    %get3A_4 = vector.load %arg3[%get3A_2, %get3A_3] : memref<128x128xbf16, #tpu.memory_space<vmem>>, vector<128x128xbf16>
    %dot_general3A = arith.constant dense<0.000000e+00> : vector<4000x128xf32>
    %dot_general3A_5 = tpu.matmul %convert_element_type3A, %get3A_4, %dot_general3A {dimension_numbers = #tpu.dot_dimension_numbers<[1], [0], [0], [1], [0, 0, 1, 1], [], []>, transpose_lhs_hint = false} : vector<4000x128xbf16>, vector<128x128xbf16>, vector<4000x128xf32> -> vector<4000x128xf32>
    %get3A_6 = arith.constant 0 : index
    %get3A_7 = arith.constant 0 : index
    %get3A_8 = vector.load %arg1[%get3A_6, %get3A_7] : memref<4000x128xf32, #tpu.memory_space<vmem>>, vector<4000x128xf32>
    %add3A = arith.addf %get3A_8, %dot_general3A_5 : vector<4000x128xf32>
    %max3A = arith.constant 0.000000e+00 : f32
    %max3A_9 = vector.broadcast %max3A : f32 to vector<4000x128xf32>
    %max3A_10 = arith.maximumf %add3A, %max3A_9 : vector<4000x128xf32>
    %convert_element_type3A_11 = arith.truncf %max3A_10 : vector<4000x128xf32> to vector<4000x128xbf16>
    %get3A_12 = arith.constant 0 : index
    %get3A_13 = arith.constant 0 : index
    %get3A_14 = vector.load %arg4[%get3A_12, %get3A_13] : memref<128x128xbf16, #tpu.memory_space<vmem>>, vector<128x128xbf16>
    %dot_general3A_15 = arith.constant dense<0.000000e+00> : vector<4000x128xf32>
    %dot_general3A_16 = tpu.matmul %convert_element_type3A_11, %get3A_14, %dot_general3A_15 {dimension_numbers = #tpu.dot_dimension_numbers<[1], [0], [0], [1], [0, 0, 1, 1], [], []>, transpose_lhs_hint = false} : vector<4000x128xbf16>, vector<128x128xbf16>, vector<4000x128xf32> -> vector<4000x128xf32>
    %add3A_17 = arith.addf %get3A_1, %dot_general3A_16 : vector<4000x128xf32>
    %get3A_18 = arith.constant 0 : index
    %get3A_19 = arith.constant 0 : index
    %get3A_20 = vector.load %arg5[%get3A_18, %get3A_19] : memref<1x128xf32, #tpu.memory_space<vmem>>, vector<1x128xf32>
    %add3A_21 = vector.broadcast %get3A_20 : vector<1x128xf32> to vector<4000x128xf32>
    %add3A_22 = arith.addf %add3A_17, %add3A_21 : vector<4000x128xf32>
    %swap3A = arith.constant 0 : index
    %swap3A_23 = arith.constant 0 : index
    %swap3A_24 = vector.load %arg6[%swap3A, %swap3A_23] : memref<4000x128xf32, #tpu.memory_space<vmem>>, vector<4000x128xf32>
    tpu.vector_store %arg6[%swap3A, %swap3A_23], %add3A_22 {strides = array<i32>} : memref<4000x128xf32, #tpu.memory_space<vmem>>, vector<4000x128xf32>,
    return
  }
  func.func @transform_0(%arg0: i32) -> (i32, i32) {
    %c0_i32 = arith.constant 0 : i32
    %c0_i32_0 = arith.constant 0 : i32
    return %arg0, %c0_i32 : i32, i32
  }
  func.func @transform_1(%arg0: i32) -> (i32, i32) {
    %add3A = arith.constant 40 : i32
    %add3A_0 = arith.addi %add3A, %arg0 : i32
    %c0_i32 = arith.constant 0 : i32
    %c0_i32_1 = arith.constant 0 : i32
    return %add3A_0, %c0_i32 : i32, i32
  }
  func.func @transform_2(%arg0: i32) -> (i32, i32) {
    %c0_i32 = arith.constant 0 : i32
    %c0_i32_0 = arith.constant 0 : i32
    %c0_i32_1 = arith.constant 0 : i32
    return %c0_i32, %c0_i32_0 : i32, i32
  }
  func.func @transform_3(%arg0: i32) -> (i32, i32) {
    %c0_i32 = arith.constant 0 : i32
    %c0_i32_0 = arith.constant 0 : i32
    %c0_i32_1 = arith.constant 0 : i32
    return %c0_i32, %c0_i32_0 : i32, i32
  }
  func.func @transform_4(%arg0: i32) -> (i32, i32) {
    %c0_i32 = arith.constant 0 : i32
    %c0_i32_0 = arith.constant 0 : i32
    %c0_i32_1 = arith.constant 0 : i32
    return %c0_i32, %c0_i32_0 : i32, i32
  }
  func.func @transform_5(%arg0: i32) -> (i32, i32) {
    %c0_i32 = arith.constant 0 : i32
    %c0_i32_0 = arith.constant 0 : i32
    return %arg0, %c0_i32 : i32, i32
  }
}

module attributes {stable_mosaic.version = 14 : i64} {
  func.func @body(%arg0: i32, %arg1: memref<4000x128xf32, #tpu.memory_space<vmem>>, %arg2: memref<4000x128xf32, #tpu.memory_space<vmem>>, %arg3: memref<128x128xbf16, #tpu.memory_space<vmem>>, %arg4: memref<128x128xbf16, #tpu.memory_space<vmem>>, %arg5: memref<1x128xf32, #tpu.memory_space<vmem>>, %arg6: memref<4000x128xf32, #tpu.memory_space<vmem>>) attributes {dimension_semantics = [#tpu.dimension_semantics<arbitrary>], iteration_bounds = array<i64: 20>, scalar_prefetch = 0 : i64, scratch_operands = 0 : i64, tpu.core_type = #tpu.core_type<tc>, window_params = [{transform_indices = @transform_0, window_bounds = array<i64: 4000, 128>}, {transform_indices = @transform_1, window_bounds = array<i64: 4000, 128>}, {pipeline_mode = #tpu.pipeline_mode<synchronous>, transform_indices = @transform_2, window_bounds = array<i64: 128, 128>}, {pipeline_mode = #tpu.pipeline_mode<synchronous>, transform_indices = @transform_3, window_bounds = array<i64: 128, 128>}, {pipeline_mode = #tpu.pipeline_mode<synchronous>, transform_indices = @transform_4, window_bounds = array<i64: 1, 128>}, {transform_indices = @transform_5, window_bounds = array<i64: 4000, 128>}]} {
    %get3A = arith.constant 0 : index
    %get3A_0 = arith.constant 0 : index
    %get3A_1 = vector.load %arg2[%get3A, %get3A_0] : memref<4000x128xf32, #tpu.memory_space<vmem>>, vector<4000x128xf32>
    %convert_element_type3A = arith.truncf %get3A_1 : vector<4000x128xf32> to vector<4000x128xbf16>
    %get3A_2 = arith.constant 0 : index
    %get3A_3 = arith.constant 0 : index
    %get3A_4 = vector.load %arg3[%get3A_2, %get3A_3] : memref<128x128xbf16, #tpu.memory_space<vmem>>, vector<128x128xbf16>
    %dot_general3A = arith.constant dense<0.000000e+00> : vector<4000x128xf32>
    %dot_general3A_5 = tpu.matmul %convert_element_type3A, %get3A_4, %dot_general3A {dimension_numbers = #tpu.dot_dimension_numbers<[1], [0], [0], [1], [0, 0, 1, 1], [], []>, transpose_lhs_hint = false} : vector<4000x128xbf16>, vector<128x128xbf16>, vector<4000x128xf32> -> vector<4000x128xf32>
    %get3A_6 = arith.constant 0 : index
    %get3A_7 = arith.constant 0 : index
    %get3A_8 = vector.load %arg1[%get3A_6, %get3A_7] : memref<4000x128xf32, #tpu.memory_space<vmem>>, vector<4000x128xf32>
    %add3A = arith.addf %get3A_8, %dot_general3A_5 : vector<4000x128xf32>
    %max3A = arith.constant 0.000000e+00 : f32
    %max3A_9 = vector.broadcast %max3A : f32 to vector<4000x128xf32>
    %max3A_10 = arith.maximumf %add3A, %max3A_9 : vector<4000x128xf32>
    %convert_element_type3A_11 = arith.truncf %max3A_10 : vector<4000x128xf32> to vector<4000x128xbf16>
    %get3A_12 = arith.constant 0 : index
    %get3A_13 = arith.constant 0 : index
    %get3A_14 = vector.load %arg4[%get3A_12, %get3A_13] : memref<128x128xbf16, #tpu.memory_space<vmem>>, vector<128x128xbf16>
    %dot_general3A_15 = arith.constant dense<0.000000e+00> : vector<4000x128xf32>
    %dot_general3A_16 = tpu.matmul %convert_element_type3A_11, %get3A_14, %dot_general3A_15 {dimension_numbers = #tpu.dot_dimension_numbers<[1], [0], [0], [1], [0, 0, 1, 1], [], []>, transpose_lhs_hint = false} : vector<4000x128xbf16>, vector<128x128xbf16>, vector<4000x128xf32> -> vector<4000x128xf32>
    %add3A_17 = arith.addf %get3A_1, %dot_general3A_16 : vector<4000x128xf32>
    %get3A_18 = arith.constant 0 : index
    %get3A_19 = arith.constant 0 : index
    %get3A_20 = vector.load %arg5[%get3A_18, %get3A_19] : memref<1x128xf32, #tpu.memory_space<vmem>>, vector<1x128xf32>
    %add3A_21 = vector.broadcast %get3A_20 : vector<1x128xf32> to vector<4000x128xf32>
    %add3A_22 = arith.addf %add3A_17, %add3A_21 : vector<4000x128xf32>
    %swap3A = arith.constant 0 : index
    %swap3A_23 = arith.constant 0 : index
    %swap3A_24 = vector.load %arg6[%swap3A, %swap3A_23] : memref<4000x128xf32, #tpu.memory_space<vmem>>, vector<4000x128xf32>
    tpu.vector_store %arg6[%swap3A, %swap3A_23], %add3A_22 {strides = array<i32>} : memref<4000x128xf32, #tpu.memory_space<vmem>>, vector<4000x128xf32>,
    return
  }
  func.func @transform_0(%arg0: i32) -> (i32, i32) {
    %c0_i32 = arith.constant 0 : i32
    %c0_i32_0 = arith.constant 0 : i32
    return %arg0, %c0_i32 : i32, i32
  }
  func.func @transform_1(%arg0: i32) -> (i32, i32) {
    %add3A = arith.constant 20 : i32
    %add3A_0 = arith.addi %add3A, %arg0 : i32
    %c0_i32 = arith.constant 0 : i32
    %c0_i32_1 = arith.constant 0 : i32
    return %add3A_0, %c0_i32 : i32, i32
  }
  func.func @transform_2(%arg0: i32) -> (i32, i32) {
    %c0_i32 = arith.constant 0 : i32
    %c0_i32_0 = arith.constant 0 : i32
    %c0_i32_1 = arith.constant 0 : i32
    return %c0_i32, %c0_i32_0 : i32, i32
  }
  func.func @transform_3(%arg0: i32) -> (i32, i32) {
    %c0_i32 = arith.constant 0 : i32
    %c0_i32_0 = arith.constant 0 : i32
    %c0_i32_1 = arith.constant 0 : i32
    return %c0_i32, %c0_i32_0 : i32, i32
  }
  func.func @transform_4(%arg0: i32) -> (i32, i32) {
    %c0_i32 = arith.constant 0 : i32
    %c0_i32_0 = arith.constant 0 : i32
    %c0_i32_1 = arith.constant 0 : i32
    return %c0_i32, %c0_i32_0 : i32, i32
  }
  func.func @transform_5(%arg0: i32) -> (i32, i32) {
    %c0_i32 = arith.constant 0 : i32
    %c0_i32_0 = arith.constant 0 : i32
    return %arg0, %c0_i32 : i32, i32
  }
}

module attributes {stable_mosaic.version = 14 : i64} {
  func.func @body(%arg0: i32, %arg1: memref<4000x128xf32, #tpu.memory_space<vmem>>, %arg2: memref<4000x128xf32, #tpu.memory_space<vmem>>, %arg3: memref<128x128xbf16, #tpu.memory_space<vmem>>, %arg4: memref<128x128xbf16, #tpu.memory_space<vmem>>, %arg5: memref<1x128xf32, #tpu.memory_space<vmem>>, %arg6: memref<4000x128xf32, #tpu.memory_space<vmem>>) attributes {dimension_semantics = [#tpu.dimension_semantics<arbitrary>], iteration_bounds = array<i64: 20>, scalar_prefetch = 0 : i64, scratch_operands = 0 : i64, tpu.core_type = #tpu.core_type<tc>, window_params = [{transform_indices = @transform_0, window_bounds = array<i64: 4000, 128>}, {transform_indices = @transform_1, window_bounds = array<i64: 4000, 128>}, {pipeline_mode = #tpu.pipeline_mode<synchronous>, transform_indices = @transform_2, window_bounds = array<i64: 128, 128>}, {pipeline_mode = #tpu.pipeline_mode<synchronous>, transform_indices = @transform_3, window_bounds = array<i64: 128, 128>}, {pipeline_mode = #tpu.pipeline_mode<synchronous>, transform_indices = @transform_4, window_bounds = array<i64: 1, 128>}, {transform_indices = @transform_5, window_bounds = array<i64: 4000, 128>}]} {
    %get3A = arith.constant 0 : index
    %get3A_0 = arith.constant 0 : index
    %get3A_1 = vector.load %arg2[%get3A, %get3A_0] : memref<4000x128xf32, #tpu.memory_space<vmem>>, vector<4000x128xf32>
    %convert_element_type3A = arith.truncf %get3A_1 : vector<4000x128xf32> to vector<4000x128xbf16>
    %get3A_2 = arith.constant 0 : index
    %get3A_3 = arith.constant 0 : index
    %get3A_4 = vector.load %arg3[%get3A_2, %get3A_3] : memref<128x128xbf16, #tpu.memory_space<vmem>>, vector<128x128xbf16>
    %dot_general3A = arith.constant dense<0.000000e+00> : vector<4000x128xf32>
    %dot_general3A_5 = tpu.matmul %convert_element_type3A, %get3A_4, %dot_general3A {dimension_numbers = #tpu.dot_dimension_numbers<[1], [0], [0], [1], [0, 0, 1, 1], [], []>, transpose_lhs_hint = false} : vector<4000x128xbf16>, vector<128x128xbf16>, vector<4000x128xf32> -> vector<4000x128xf32>
    %get3A_6 = arith.constant 0 : index
    %get3A_7 = arith.constant 0 : index
    %get3A_8 = vector.load %arg1[%get3A_6, %get3A_7] : memref<4000x128xf32, #tpu.memory_space<vmem>>, vector<4000x128xf32>
    %add3A = arith.addf %get3A_8, %dot_general3A_5 : vector<4000x128xf32>
    %max3A = arith.constant 0.000000e+00 : f32
    %max3A_9 = vector.broadcast %max3A : f32 to vector<4000x128xf32>
    %max3A_10 = arith.maximumf %add3A, %max3A_9 : vector<4000x128xf32>
    %convert_element_type3A_11 = arith.truncf %max3A_10 : vector<4000x128xf32> to vector<4000x128xbf16>
    %get3A_12 = arith.constant 0 : index
    %get3A_13 = arith.constant 0 : index
    %get3A_14 = vector.load %arg4[%get3A_12, %get3A_13] : memref<128x128xbf16, #tpu.memory_space<vmem>>, vector<128x128xbf16>
    %dot_general3A_15 = arith.constant dense<0.000000e+00> : vector<4000x128xf32>
    %dot_general3A_16 = tpu.matmul %convert_element_type3A_11, %get3A_14, %dot_general3A_15 {dimension_numbers = #tpu.dot_dimension_numbers<[1], [0], [0], [1], [0, 0, 1, 1], [], []>, transpose_lhs_hint = false} : vector<4000x128xbf16>, vector<128x128xbf16>, vector<4000x128xf32> -> vector<4000x128xf32>
    %add3A_17 = arith.addf %get3A_1, %dot_general3A_16 : vector<4000x128xf32>
    %get3A_18 = arith.constant 0 : index
    %get3A_19 = arith.constant 0 : index
    %get3A_20 = vector.load %arg5[%get3A_18, %get3A_19] : memref<1x128xf32, #tpu.memory_space<vmem>>, vector<1x128xf32>
    %add3A_21 = vector.broadcast %get3A_20 : vector<1x128xf32> to vector<4000x128xf32>
    %add3A_22 = arith.addf %add3A_17, %add3A_21 : vector<4000x128xf32>
    %swap3A = arith.constant 0 : index
    %swap3A_23 = arith.constant 0 : index
    %swap3A_24 = vector.load %arg6[%swap3A, %swap3A_23] : memref<4000x128xf32, #tpu.memory_space<vmem>>, vector<4000x128xf32>
    tpu.vector_store %arg6[%swap3A, %swap3A_23], %add3A_22 {strides = array<i32>} : memref<4000x128xf32, #tpu.memory_space<vmem>>, vector<4000x128xf32>,
    return
  }
  func.func @transform_0(%arg0: i32) -> (i32, i32) {
    %c0_i32 = arith.constant 0 : i32
    %c0_i32_0 = arith.constant 0 : i32
    return %arg0, %c0_i32 : i32, i32
  }
  func.func @transform_1(%arg0: i32) -> (i32, i32) {
    %add3A = arith.constant 0 : i32
    %add3A_0 = arith.addi %add3A, %arg0 : i32
    %c0_i32 = arith.constant 0 : i32
    %c0_i32_1 = arith.constant 0 : i32
    return %add3A_0, %c0_i32 : i32, i32
  }
  func.func @transform_2(%arg0: i32) -> (i32, i32) {
    %c0_i32 = arith.constant 0 : i32
    %c0_i32_0 = arith.constant 0 : i32
    %c0_i32_1 = arith.constant 0 : i32
    return %c0_i32, %c0_i32_0 : i32, i32
  }
  func.func @transform_3(%arg0: i32) -> (i32, i32) {
    %c0_i32 = arith.constant 0 : i32
    %c0_i32_0 = arith.constant 0 : i32
    %c0_i32_1 = arith.constant 0 : i32
    return %c0_i32, %c0_i32_0 : i32, i32
  }
  func.func @transform_4(%arg0: i32) -> (i32, i32) {
    %c0_i32 = arith.constant 0 : i32
    %c0_i32_0 = arith.constant 0 : i32
    %c0_i32_1 = arith.constant 0 : i32
    return %c0_i32, %c0_i32_0 : i32, i32
  }
  func.func @transform_5(%arg0: i32) -> (i32, i32) {
    %c0_i32 = arith.constant 0 : i32
    %c0_i32_0 = arith.constant 0 : i32
    return %arg0, %c0_i32 : i32, i32
  }
}

module attributes {stable_mosaic.version = 14 : i64} {
  func.func @body(%arg0: i32, %arg1: memref<2000x128xf32, #tpu.memory_space<vmem>>, %arg2: memref<2000x128xf32, #tpu.memory_space<vmem>>, %arg3: memref<2x2000x128xf32, #tpu.memory_space<vmem>>, %arg4: memref<128x128xf32, #tpu.memory_space<vmem>>, %arg5: memref<128x128xf32, #tpu.memory_space<vmem>>, %arg6: memref<1x128xf32, #tpu.memory_space<vmem>>, %arg7: memref<2000x128xf32, #tpu.memory_space<vmem>>) attributes {dimension_semantics = [#tpu.dimension_semantics<arbitrary>], iteration_bounds = array<i64: 5>, scalar_prefetch = 0 : i64, scratch_operands = 0 : i64, tpu.core_type = #tpu.core_type<tc>, window_params = [{transform_indices = @transform_0, window_bounds = array<i64: 2000, 128>}, {transform_indices = @transform_1, window_bounds = array<i64: 2000, 128>}, {transform_indices = @transform_2, window_bounds = array<i64: 2, 2000, 128>}, {pipeline_mode = #tpu.pipeline_mode<synchronous>, transform_indices = @transform_3, window_bounds = array<i64: 128, 128>}, {pipeline_mode = #tpu.pipeline_mode<synchronous>, transform_indices = @transform_4, window_bounds = array<i64: 128, 128>}, {pipeline_mode = #tpu.pipeline_mode<synchronous>, transform_indices = @transform_5, window_bounds = array<i64: 1, 128>}, {transform_indices = @transform_6, window_bounds = array<i64: 2000, 128>}]} {
    %get3A = arith.constant 0 : index
    %get3A_0 = arith.constant 0 : index
    %get3A_1 = arith.constant 0 : index
    %get3A_2 = vector.load %arg3[%get3A, %get3A_0, %get3A_1] : memref<2x2000x128xf32, #tpu.memory_space<vmem>>, vector<1x2000x128xf32>
    %get3A_3 = vector.shape_cast %get3A_2 : vector<1x2000x128xf32> to vector<2000x128xf32>
    %get3A_4 = arith.constant 1 : index
    %get3A_5 = arith.constant 0 : index
    %get3A_6 = arith.constant 0 : index
    %get3A_7 = vector.load %arg3[%get3A_4, %get3A_5, %get3A_6] : memref<2x2000x128xf32, #tpu.memory_space<vmem>>, vector<1x2000x128xf32>
    %get3A_8 = vector.shape_cast %get3A_7 : vector<1x2000x128xf32> to vector<2000x128xf32>
    %add3A = arith.addf %get3A_3, %get3A_8 : vector<2000x128xf32>
    %get3A_9 = arith.constant 0 : index
    %get3A_10 = arith.constant 0 : index
    %get3A_11 = vector.load %arg2[%get3A_9, %get3A_10] : memref<2000x128xf32, #tpu.memory_space<vmem>>, vector<2000x128xf32>
    %get3A_12 = arith.constant 0 : index
    %get3A_13 = arith.constant 0 : index
    %get3A_14 = vector.load %arg4[%get3A_12, %get3A_13] : memref<128x128xf32, #tpu.memory_space<vmem>>, vector<128x128xf32>
    %dot_general3A = arith.constant dense<0.000000e+00> : vector<2000x128xf32>
    %dot_general3A_15 = tpu.matmul %add3A, %get3A_14, %dot_general3A {dimension_numbers = #tpu.dot_dimension_numbers<[1], [0], [0], [1], [0, 0, 1, 1], [], []>, transpose_lhs_hint = false} : vector<2000x128xf32>, vector<128x128xf32>, vector<2000x128xf32> -> vector<2000x128xf32>
    %add3A_16 = arith.addf %get3A_11, %dot_general3A_15 : vector<2000x128xf32>
    %max3A = arith.constant 0.000000e+00 : f32
    %max3A_17 = vector.broadcast %max3A : f32 to vector<2000x128xf32>
    %max3A_18 = arith.maximumf %add3A_16, %max3A_17 : vector<2000x128xf32>
    %get3A_19 = arith.constant 0 : index
    %get3A_20 = arith.constant 0 : index
    %get3A_21 = vector.load %arg1[%get3A_19, %get3A_20] : memref<2000x128xf32, #tpu.memory_space<vmem>>, vector<2000x128xf32>
    %get3A_22 = arith.constant 0 : index
    %get3A_23 = arith.constant 0 : index
    %get3A_24 = vector.load %arg5[%get3A_22, %get3A_23] : memref<128x128xf32, #tpu.memory_space<vmem>>, vector<128x128xf32>
    %dot_general3A_25 = arith.constant dense<0.000000e+00> : vector<2000x128xf32>
    %dot_general3A_26 = tpu.matmul %max3A_18, %get3A_24, %dot_general3A_25 {dimension_numbers = #tpu.dot_dimension_numbers<[1], [0], [0], [1], [0, 0, 1, 1], [], []>, transpose_lhs_hint = false} : vector<2000x128xf32>, vector<128x128xf32>, vector<2000x128xf32> -> vector<2000x128xf32>
    %add3A_27 = arith.addf %get3A_21, %dot_general3A_26 : vector<2000x128xf32>
    %get3A_28 = arith.constant 0 : index
    %get3A_29 = arith.constant 0 : index
    %get3A_30 = vector.load %arg6[%get3A_28, %get3A_29] : memref<1x128xf32, #tpu.memory_space<vmem>>, vector<1x128xf32>
    %add3A_31 = vector.broadcast %get3A_30 : vector<1x128xf32> to vector<2000x128xf32>
    %add3A_32 = arith.addf %add3A_27, %add3A_31 : vector<2000x128xf32>
    %swap3A = arith.constant 0 : index
    %swap3A_33 = arith.constant 0 : index
    %swap3A_34 = vector.load %arg7[%swap3A, %swap3A_33] : memref<2000x128xf32, #tpu.memory_space<vmem>>, vector<2000x128xf32>
    tpu.vector_store %arg7[%swap3A, %swap3A_33], %add3A_32 {strides = array<i32>} : memref<2000x128xf32, #tpu.memory_space<vmem>>, vector<2000x128xf32>,
    return
  }
  func.func @transform_0(%arg0: i32) -> (i32, i32) {
    %c0_i32 = arith.constant 0 : i32
    %c0_i32_0 = arith.constant 0 : i32
    return %arg0, %c0_i32 : i32, i32
  }
  func.func @transform_1(%arg0: i32) -> (i32, i32) {
    %c0_i32 = arith.constant 0 : i32
    %c0_i32_0 = arith.constant 0 : i32
    return %arg0, %c0_i32 : i32, i32
  }
  func.func @transform_2(%arg0: i32) -> (i32, i32, i32) {
    %c0_i32 = arith.constant 0 : i32
    %c0_i32_0 = arith.constant 0 : i32
    %c0_i32_1 = arith.constant 0 : i32
    return %c0_i32, %arg0, %c0_i32_0 : i32, i32, i32
  }
  func.func @transform_3(%arg0: i32) -> (i32, i32) {
    %c0_i32 = arith.constant 0 : i32
    %c0_i32_0 = arith.constant 0 : i32
    %c0_i32_1 = arith.constant 0 : i32
    return %c0_i32, %c0_i32_0 : i32, i32
  }
  func.func @transform_4(%arg0: i32) -> (i32, i32) {
    %c0_i32 = arith.constant 0 : i32
    %c0_i32_0 = arith.constant 0 : i32
    %c0_i32_1 = arith.constant 0 : i32
    return %c0_i32, %c0_i32_0 : i32, i32
  }
  func.func @transform_5(%arg0: i32) -> (i32, i32) {
    %c0_i32 = arith.constant 0 : i32
    %c0_i32_0 = arith.constant 0 : i32
    %c0_i32_1 = arith.constant 0 : i32
    return %c0_i32, %c0_i32_0 : i32, i32
  }
  func.func @transform_6(%arg0: i32) -> (i32, i32) {
    %c0_i32 = arith.constant 0 : i32
    %c0_i32_0 = arith.constant 0 : i32
    return %arg0, %c0_i32 : i32, i32
  }
}

</mosaic_0001>

<sc_bundles>
// kernel: gather_offload_async_start.1
scs
__scs_entry_jumppad:
0x0: {  	(pc) =	sbr.rel $0x88, $3  }
0x1: {  	(tag) =	ssettag $0x0;
	lr =	simm.s32 $0x1  }
0x2: {  	[smem:$0x3F96] =	sst lr;
	_ =	strace $0xD0000000  }
0x3: {  	_ = 	snop  }
0x4: {  	_ = 	snop  }
0x5: {  	_ = 	snop  }
0x6: {  	_ = 	snop  }
0x7: {  	_ = 	snop  }
__scs_overlays_trampoline_lowered:
0x8: {  	[smem:$0x3FA5] =	sst s0  }
0x9: {  	[smem:$0x3FA6] =	sst s1  }
0xa: {  	[smem:$0x3FA7] =	sst s2  }
0xb: {  	[smem:$0x3FA8] =	sst s3  }
0xc: {  	[smem:$0x3FA9] =	sst s4  }
0xd: {  	[smem:$0x3FAA] =	sst s5  }
0xe: {  	[smem:$0x3FAB] =	sst s6  }
0xf: {  	[smem:$0x3FAC] =	sst s7  }
0x10: {  	[smem:$0x3FAD] =	sst s8  }
0x11: {  	[smem:$0x3FAE] =	sst s9;
	s0 =	simm.s32 @!p0 $0x0  }
0x12: {  	s1 =	sld [smem:$0x3F94];
	s0 =	simm.s32 @p0 $0x1  }
0x13: {  	[smem:$0x3FAF] =	sst s0;
	s0 =	simm.s32 @!p1 $0x0  }
0x14: {  	s2 =	sld [smem:$0x3F93];
	s0 =	simm.s32 @p1 $0x1  }
0x15: {  	[smem:$0x3FB0] =	sst s0;
	s0 =	simm.s32 @!p2 $0x0  }
0x16: {  	s3 =	sld [smem:$0x3FDB];
	s0 =	simm.s32 @p2 $0x1  }
0x17: {  	s4 =	simm.s32 $0x1BF5;
	[smem:$0x3FB2] =	sst s0  }
0x18: {  	s0 =	sld [smem:$0x3F95];
	_ =	swait.ge [sflag:s4], $0x0  }
0x19: {  	s7 =	sld [smem:$0x3F96]  }
0x1a: {  	s8 =	sadd.s32 $0xFFFFE003, lr  }
0x1b: {  	s9 =	sadd.s32 $0xFFFFFEF7, lr;
	s5 =	simm.s32 $0xFFFFFFFF;
	p2 =	slt.u32 s8, $0xFFFFF086  }
0x1c: {  	p1 =	slt.u32 s9, $0xF7A;
	s5 =	simm.s32 @!p2 $0x0  }
0x1d: {  	s5 =	simm.s32 @p1 $0x1;
	p0 =	seq.s32 s7, s2  }
0x1e: {  	s7 =	smul.u32 @!p0 $0xF7A, s2;
	p2 =	seq.s32 @!p0 s5, $0x0  }
0x1f: {  	s9 =	smul.u32 $0xF7A, s1;
	s8 =	simm.s32 @!p0 $0x1BF5;
	p2 =	por !p2, p0  }
0x20: {  	[sflag:s8] =	ssyncset.s32 @!p0 $0xFFFFF086;
	s6 =	sadd.s32 @!p0 s3, s7;
	s7 =	simm.s32 @!p0 $0x108  }
0x21: {  	s3 =	sadd.s32 s3, s9;
	s6 =	sadd.s32 @!p0 $0x88, s6;
	s7 =	simm.s32 @p2 $0x1082  }
0x22: {  	[simem:s7], [sflag:s8] =	dma.local @!p0 [hbm:s6], $0xF7A  }
0x23: {  	s9 =	sor.u32 $0xD0000000, s2;
	s6 =	simm.s32 $0x108;
	_ =	swait.ge @!p0 [sflag:s8], $0x0  }
0x24: {  	s3 =	sadd.s32 $0x88, s3;
	s6 =	simm.s32 @!p1 $0x1082;
	[sflag:s4] =	ssyncset.s32 $0xFFFFF086  }
0x25: {  	[simem:s6], [sflag:s4] =	dma.local [hbm:s3], $0xF7A  }
0x26: {  	[smem:$0x3F96] =	sst s1;
	(tag) =	ssettag s2;
	_ =	strace s9  }
0x27: {  	s1 =	sld [smem:$0x3FA6]  }
0x28: {  	s2 =	sld [smem:$0x3FA7]  }
0x29: {  	s4 =	sld [smem:$0x3FA9]  }
0x2a: {  	p0 =	seq.s32 s5, $0x0;
	s5 =	sld [smem:$0x3FAA]  }
0x2b: {  	s6 =	sld [smem:$0x3FAB]  }
0x2c: {  	s7 =	sld [smem:$0x3FAC]  }
0x2d: {  	s3 =	simm.s32 $0x108;
	s8 =	sld [smem:$0x3FAD]  }
0x2e: {  	s3 =	simm.s32 @!p0 $0x1082;
	s9 =	sld [smem:$0x3FAE]  }
0x2f: {  	lr =	sadd.s32 s0, s3;
	s0 =	sld [smem:$0x3FA5]  }
0x30: {  	s3 =	sld [smem:$0x3FA8]  }
0x31: {  	[smem:$0x3FB1] =	sst s10  }
0x32: {  	s10 =	sld [smem:$0x3FAF];
	_ =	sdelay $0x3  }
0x33: {  	p0 =	seq.s32 s10, $0x1;
	s10 =	sld [smem:$0x3FB1];
	_ =	sdelay $0x3  }
0x34: {  	[smem:$0x3FB1] =	sst s10  }
0x35: {  	s10 =	sld [smem:$0x3FB0];
	_ =	sdelay $0x3  }
0x36: {  	p1 =	seq.s32 s10, $0x1;
	s10 =	sld [smem:$0x3FB1];
	_ =	sdelay $0x3  }
0x37: {  	[smem:$0x3FB1] =	sst s10  }
0x38: {  	s10 =	sld [smem:$0x3FB2]  }
0x39: {  	_ = 	snop;
	(pc) =	sbr.ind lr, $3  }
0x3a: {  	_ = 	snop  }
0x3b: {  	_ = 	snop  }
0x3c: {  	p2 =	seq.s32 s10, $0x1;
	s10 =	sld [smem:$0x3FB1]  }
0x3d: {  	_ =	shalt  }
0x3e: {  	_ =	shalt  }
0x3f: {  	_ =	shalt  }
0x40: {  	_ =	shalt  }
0x41: {  	_ =	shalt  }
0x42: {  	_ =	shalt  }
0x43: {  	_ =	shalt  }
0x44: {  	_ =	shalt  }
0x45: {  	_ =	shalt  }
0x46: {  	_ =	shalt  }
0x47: {  	_ =	shalt  }
0x48: {  	_ =	shalt  }
0x49: {  	_ =	shalt  }
0x4a: {  	_ =	shalt  }
0x4b: {  	_ =	shalt  }
0x4c: {  	_ =	shalt  }
0x4d: {  	_ =	shalt  }
0x4e: {  	_ =	shalt  }
0x4f: {  	_ =	shalt  }
0x50: {  	_ =	shalt  }
0x51: {  	_ =	shalt  }
0x52: {  	_ =	shalt  }
0x53: {  	_ =	shalt  }
0x54: {  	_ =	shalt  }
0x55: {  	_ =	shalt  }
0x56: {  	_ =	shalt  }
0x57: {  	_ =	shalt  }
0x58: {  	_ =	shalt  }
0x59: {  	_ =	shalt  }
0x5a: {  	_ =	shalt  }
0x5b: {  	_ =	shalt  }
0x5c: {  	_ =	shalt  }
0x5d: {  	_ =	shalt  }
0x5e: {  	_ =	shalt  }
0x5f: {  	_ =	shalt  }
0x60: {  	_ =	shalt  }
0x61: {  	_ =	shalt  }
0x62: {  	_ =	shalt  }
0x63: {  	_ =	shalt  }
0x64: {  	_ =	shalt  }
0x65: {  	_ =	shalt  }
0x66: {  	_ =	shalt  }
0x67: {  	_ =	shalt  }
0x68: {  	_ =	shalt  }
0x69: {  	_ =	shalt  }
0x6a: {  	_ =	shalt  }
0x6b: {  	_ =	shalt  }
0x6c: {  	_ =	shalt  }
0x6d: {  	_ =	shalt  }
0x6e: {  	_ =	shalt  }
0x6f: {  	_ =	shalt  }
0x70: {  	_ =	shalt  }
0x71: {  	_ =	shalt  }
0x72: {  	_ =	shalt  }
0x73: {  	_ =	shalt  }
0x74: {  	_ =	shalt  }
0x75: {  	_ =	shalt  }
0x76: {  	_ =	shalt  }
0x77: {  	_ =	shalt  }
0x78: {  	_ =	shalt  }
0x79: {  	_ =	shalt  }
0x7a: {  	_ =	shalt  }
0x7b: {  	_ =	shalt  }
0x7c: {  	_ =	shalt  }
0x7d: {  	_ =	shalt  }
0x7e: {  	_ =	shalt  }
0x7f: {  	_ =	shalt  }
0x80: {  	_ =	shalt  }
0x81: {  	_ =	shalt  }
0x82: {  	_ =	shalt  }
0x83: {  	_ =	shalt  }
0x84: {  	_ =	shalt  }
0x85: {  	_ =	shalt  }
0x86: {  	_ =	shalt  }
0x87: {  	_ =	shalt  }
.Lfunc_end0:
.L_simem_size_0:
called_computation.1_lowered:
.L_overlay_start_0:
0x88: {  	s2 =	sld [smem:$0x3FD9]  }
0x89: {  	s3 =	sld [smem:$0x3FFE];
	_ =	sdelay $0x1  }
0x8a: {  	s1 =	srdreg.scid  }
0x8b: {  	s0 =	sand.u32 $0x1, s1  }
0x8c: {  	s15 =	sshll.u32 s0, $0xA;
	s2 =	sadd.s32 s3, s2  }
0x8d: {  	s2 =	sadd.s32 s2, s15  }
0x8e: {  	[smem:$0x3FBD] =	sst s2  }
0x8f: {  	_ = 	snop  }
0x90: {  	s2 =	sld [smem:$0x3FD0];
	_ =	sdelay $0x2  }
0x91: {  	s16 =	simm.s32 $0xE;
	s4 =	simm.s32 $0x10  }
0x92: {  	[smem:s4], [sflag:s16] =	dma.local [hbm:s2], $0x1  }
0x93: {  	_ =	swait.eq [sflag:s16], $0x1  }
0x94: {  	[sflag:s16] =	ssyncset.done $0x0  }
0x95: {  	[sflag:s16] =	ssyncadd.s32 $0xFFFFFFFF  }
0x96: {  	s17 =	sld [smem:$0x11];
	(tm) =	ssettm $0x1  }
0x97: {  	s18 =	sld [smem:$0x3FFB];
	_ =	sdelay $0x3  }
0x98: {  	_ =	strace s18  }
0x99: {  	s2 =	sld [smem:$0x3FFC];
	_ =	sdelay $0x3  }
0x9a: {  	_ =	strace s2  }
0x9b: {  	s2 =	sld [smem:$0x3FFD];
	_ =	sdelay $0x3  }
0x9c: {  	_ =	strace s2  }
0x9d: {  	_ =	strace $0x8FFFFFFF  }
0x9e: {  	s19 =	sld [smem:$0x3FDB];
	_ =	sdelay $0x1  }
0x9f: {  	s20 =	simm.s32 $_scs_section_size  }
0xa0: {  	s5 =	simm.s32 $_size__tile_overlayer_lowered;
	s6 =	simm.s32 $_tile_overlayer_lowered  }
0xa1: {  	s7 =	simm.s32 $0x1BFF;
	s21 =	sshll.u32 s6, $0x1;
	s4 =	sadd.s32 s20, s19  }
0xa2: {  	s22 =	simm.s32 $0x0;
	s5 =	sshll.u32 s5, $0x1;
	s6 =	sadd.s32 s21, s4  }
0xa3: {  	[timem:s22], [sflag:s7] =	dma.local [hbm:s6], s5  }
0xa4: {  	_ =	swait.ge [sflag:s7], s5  }
0xa5: {  	s5 =	ssub.s32 $0x0, s5;
	[sflag:s7] =	ssyncset.done $0x0  }
0xa6: {  	[sflag:s7] =	ssyncadd.s32 s5;
	_ =	sdelay $0x1  }
0xa7: {  	s23 =	simm.s32 $0x1B8B  }
0xa8: {  	_ =	swait.ge [sflag:s23], $0x1  }
0xa9: {  	[sflag:s23] =	ssyncset.done $0x0  }
0xaa: {  	[sflag:s23] =	ssyncadd.s32 $0xFFFFFFFF  }
0xab: {  	s5 =	sld [smem:$0x0]  }
0xac: {  	s6 =	sand.u32 $0xFFFFFFFE, s1  }
0xad: {  	p0 =	sne.s32 s1, s6  }
0xae: {  	s6 =	sshll.u32 @p0 s6, $0xE  }
0xaf: {  	s6 =	sadd.s32 @p0 $0x11B8D, s6;
	s7 =	sshll.u32 @p0 s5, $0x11  }
0xb0: {  	s6 =	sor.u32 @p0 s7, s6  }
0xb1: {  	[sflag:s6] =	ssyncadd.remote.s32 @p0 $0x1;
	_ =	sdelay $0x1  }
0xb2: {  	s6 =	simm.s32 @p0 $0x1B8D  }
0xb3: {  	_ =	swait.eq @p0 [sflag:s6], $0x1  }
0xb4: {  	[sflag:s6] =	ssyncadd.s32 @p0 $0xFFFFFFFF  }
0xb5: {  	s7 =	sshll.u32 @!p0 s1, $0xE  }
0xb6: {  	s7 =	sor.u32 @!p0 $0x4000, s7;
	s6 =	simm.s32 @!p0 $0x1B8D  }
0xb7: {  	s5 =	sshll.u32 @!p0 s5, $0x11;
	s7 =	sadd.s32 @!p0 $0x11B8D, s7;
	_ =	swait.eq @!p0 [sflag:s6], $0x1  }
0xb8: {  	s5 =	sor.u32 @!p0 s5, s7;
	[sflag:s6] =	ssyncadd.s32 @!p0 $0xFFFFFFFF  }
0xb9: {  	s25 =	simm.s32 $0x1B8E;
	s24 =	sld [smem:$0x3FFE];
	[sflag:s5] =	ssyncadd.remote.s32 @!p0 $0x1  }
0xba: {  	s26 =	simm.s32 $execute0_lowered;
	[smem:$0x3FD2] =	sst s25  }
0xbb: {  	s6 =	sshll.u32 s26, $0x1;
	_ =	strace $0x80000049;
	[dreg:$0x1] =	wrdreg $0xFFFFFFFF  }
0xbc: {  	s28 =	simm.s32 $_size_execute0_lowered;
	s4 =	sadd.s32 s4, s6;
	[dreg:$0x0] =	wrdreg $0x0  }
0xbd: {  	s6 =	sshll.u32 s28, $0x1;
	[dreg:$0x2] =	wrdreg s4  }
0xbe: {  	[dreg:$0x3] =	wrdreg s6  }
0xbf: {  	[dreg:$0x4] =	wrdreg $0xC0  }
0xc0: {  	_ =	task [dreg:s22], $0x5FFFF  }
0xc1: {  	[dreg:$0x1] =	wrdreg $0xFFFFFFFF  }
0xc2: {  	[dreg:$0x0] =	wrdreg $0x60  }
0xc3: {  	[dreg:$0x2] =	wrdreg s24  }
0xc4: {  	[dreg:$0x3] =	wrdreg s17  }
0xc5: {  	[dreg:$0x4] =	wrdreg $0xA  }
0xc6: {  	_ =	task.clear_ibuf [dreg:s22], $0x5FFFF;
	_ =	strace $0x90000049  }
0xc7: {  	s29 =	simm.s32 $0xA;
	_ =	strace $0x8000004B  }
0xc8: {  	_ =	swait.ge [sflag:s29], $0x1  }
0xc9: {  	[sflag:s29] =	ssyncadd.s32 $0xFFFFFFFF  }
0xca: {  	_ =	strace $0x9000004B  }
0xcb: {  	_ =	sfence  }
0xcc: {  	s30 =	sld [smem:$0x0];
	_ =	sdelay $0x2  }
0xcd: {  	s31 =	sshll.u32 s1, $0xD;
	s1 =	sshrl.u32 s1, $0x2  }
0xce: {  	s4 =	sand.u32 $0x4000, s31;
	s1 =	sadd.s32 s1, s30  }
0xcf: {  	s0 =	sor.u32 s4, s0;
	s1 =	sshll.u32 s1, $0x11  }
0xd0: {  	s0 =	sor.u32 s1, s0  }
0xd1: {  	s0 =	sadd.s32 $0x8F2B, s0  }
0xd2: {  	[sflag:s0] =	ssyncadd.remote.s32 $0x1  }
0xd3: {  	_ =	sfence.sel $0xFFFF  }
0xd4: {  	[dreg:$0x0] =	wrdreg $0xFFFFFFFF;
	(pc) =	sbr.abs _section_cstart, $3  }
0xd5: {  	[dreg:$0x1] =	wrdreg $0xFFFFFFFF  }
0xd6: {  	_ =	task.clear_ibuf [dreg:s22], $0x2FFFF;
	_ =	strace $0x9FFFFFFF  }
0xd7: {  	(tm) =	ssettm $0x7FFFFFFF  }
tec
execute0_lowered:
.L_overlay_start_1:
0x0: {  	(tag) =	ssettag $0x1  }
0x1: {  	s0 =	srdreg.scid  }
0x2: {  	s1 =	sshll.u32 s0, $0x4  }
0x3: {  	s0 =	stileid.u32;
	s1 =	sand.u32 $0x10, s1  }
0x4: {  	s9 =	rddreg [dreg:$0x0];
	s1 =	sor.u32 s0, s1  }
0x5: {  	s3 =	rddreg [dreg:$0x1];
	s2 =	smin.u32 s1, $0x8  }
0x6: {  	p0 =	slt.u32 s1, $0x8;
	s2 =	sadd.s32 s1, s2;
	s1 =	simm.s32 $0x80  }
0x7: {  	s6 =	simm.s32 $0x1;
	s2 =	sshll.u32 s2, $0x6;
	s1 =	simm.s32 @!p0 $0x40  }
0x8: {  	s7 =	simm.s32 $0x2;
	s10 =	simm.s32 $0x3;
	s4 =	sadd.s32 s1, s2  }
0x9: {  	s13 =	simm.s32 $0x0;
	s12 =	simm.s32 $0x0;
	s4 =	smin.u32 s4, $0xA00  }
.Ltmp0:
0xa: {  	s5 =	sadd.s32 $0x6000, s9;
	s8 =	ssub.s32 s4, s2;
	(pc) =	sbr.rel .LBB2_1-.Ltmp0, $4  }
0xb: {  	s1 =	rddreg [dreg:$0x2];
	_ =	strace $0x8000004A;
	p0 =	sgt.s32 s8, $0x0  }
0xc: {  	s9 =	sadd.s32 $0x72600, s9;
	[sflag:s6] =	ssyncpa.u1 $0x0;
	s8 =	simm.s32 @!p0 $0x0  }
0xd: {  	s11 =	smov.u32 s2;
	[sflag:s7] =	ssyncpa.u1 $0x0;
	s8 =	sshrl.u32 s8, $0x6  }
0xe: {  	vm0 =	vmmov $0xff;
	vm1 =	vcmask $0x3F20;
	[sflag:s10] =	ssyncpa.u1 $0x0;
	p0 =	por $0x0, $0x0;
	s10 =	sadd.s32 $0x1, s8  }
.LBB2_6:
0xf: {  	[hbm:s17] =	stream.linear.scatter [tilespmem:s14], [sflag:$0x3], $0x400, $0x38;
	[tilespmem:$0x4080] =	vst v63  }
.LBB2_7:
0x10: {  	s13 =	sadd.s32 $0x40, s11  }
0x11: {  	s15 =	smov.u32 s2;
	p2 =	slt.s32 s13, s4  }
0x12: {  	s15 =	smov.u32 @p2 s13;
	p2 =	sne.s32 s12, s10  }
.Ltmp1:
0x13: {  	p1 =	slt.u32 s12, $0x2;
	(pc) =	sbr.rel @!p2 .LBB2_8-.Ltmp1, $4  }
0x14: {  	s14 =	simm.s32 @!p1 $0x3  }
0x15: {  	s16 =	sadd.s32 $0x1, s12;
	_ =	swait.ge @!p1 [sflag:s14], $0x2000  }
0x16: {  	p0 =	por !p0, !p0;
	s13 =	smov.u32 s11;
	[sflag:s14] =	ssyncset.done @!p1 $0x0  }
0x17: {  	s12 =	smov.u32 s16;
	s11 =	smov.u32 s15;
	[sflag:s14] =	ssyncadd.s32 @!p1 $0xFFFFE000  }
.LBB2_1:
0x18: {  	p1 =	sge.u32 s12, s8  }
0x19: {  	s14 =	sxor.u32 @!p1 $0xFFFFFFFF, s12  }
0x1a: {  	s31 =	sadd.s32 $0xFFFFFFFF, s12;
	s15 =	sshrl.u32 @!p1 s11, $0x3;
	s14 =	sshll.u32 @!p1 s14, $0x6  }
0x1b: {  	s16 =	sand.u32 @!p1 $0x7, s11;
	s15 =	sadd.s32 @!p1 s9, s15;
	s14 =	sand.u32 @!p1 $0x40, s14  }
0x1c: {  	[tilespmem:s14], [sflag:$0x2] =	stream.linear.gather @!p1 [hbm4b:s15+s16], $0x40, $0x38;
	[tilespmem:$0x4080] =	vst v63  }
0x1d: {  	p1 =	sge.u32 s31, s8  }
.Ltmp2:
0x1e: {  	_ = 	snop;
	(pc) =	sbr.rel @p1 .LBB2_7-.Ltmp2, $1  }
0x1f: {  	_ =	sdelay $0x3  }
0x20: {  	s14 =	simm.s32 $0x1  }
0x21: {  	_ =	swait.ge [sflag:s7], $0x40;
	s14 =	simm.s32 @!p0 $0x0  }
0x22: {  	[sflag:s7] =	ssyncset.done $0x0;
	s16 =	sshll.u32 s14, $0x6  }
0x23: {  	[sflag:s7] =	ssyncadd.s32 $0xFFFFFFC0;
	s15 =	sadd.s32 $0x0, s16  }
0x24: {  	v0 =	vld.msk [tilespmem:s15+$0x0 ss:$0x1], $0xffff;
	_ =	sdelay $0x4  }
0x25: {  	vm2 =	vgt.s32 v0, $0x0  }
0x26: {  	v0 =	vnsel vm2, $0x0, v0  }
0x27: {  	v0 =	vmin.u32 v0, $0x1387  }
0x28: {  	v0 =	vshll.u32 v0, $0x4;
	_ =	sdelay $0x2  }
0x29: {  	s14 =	sshll.u32 s14, $0xD  }
0x2a: {  	s14 =	sor.u32 $0x80, s14  }
0x2b: {  	[tilespmem:s14], [sflag:$0x1] =	stream.indirect_vreg.gather [hbm:s5], $0x80, v0, vm0, $0x38;
	[tilespmem:$0x4080] =	vst v63  }
0x2c: {  	s17 =	sadd.s32 $0x10, s16;
	s15 =	sadd.s32 $0x400, s14  }
0x2d: {  	[tilespmem:s15], [sflag:$0x1] =	stream.indirect_vreg.gather [hbm:s5], $0x80, v0, vm1, $0x38;
	[tilespmem:$0x4080] =	vst v63  }
0x2e: {  	s18 =	simm.s32 $0x80;
	v0 =	vld.msk [tilespmem:s17+$0x0 ss:$0x1], $0xffff;
	s17 =	smov.u32 s14  }
.LBB2_3:
0x2f: {  	p1 =	sne.s32 s18, $0xC0;
	_ =	sdelay $0x4  }
0x30: {  	vm2 =	vgt.s32 v0, $0x0  }
0x31: {  	v0 =	vnsel vm2, $0x0, v0  }
0x32: {  	v0 =	vmin.u32 v0, $0x1387  }
0x33: {  	v0 =	vshll.u32 v0, $0x4;
	_ =	sdelay $0x3  }
.Ltmp3:
0x34: {  	s19 =	sshra.s32 s18, $0x2;
	s17 =	sadd.s32 $0x800, s17;
	(pc) =	sbr.rel @p1 .LBB2_3-.Ltmp3, $4  }
0x35: {  	[tilespmem:s17], [sflag:$0x1] =	stream.indirect_vreg.gather [hbm:s5], $0x80, v0, vm0, $0x38;
	[tilespmem:$0x4080] =	vst v63  }
0x36: {  	s19 =	sadd.s32 s19, s16;
	s20 =	sadd.s32 $0x400, s17  }
0x37: {  	[tilespmem:s20], [sflag:$0x1] =	stream.indirect_vreg.gather [hbm:s5], $0x80, v0, vm1, $0x38;
	[tilespmem:$0x4080] =	vst v63  }
0x38: {  	s18 =	sadd.s32 $0x40, s18;
	v0 =	vld.msk [tilespmem:s19+$0x0 ss:$0x1], $0xffff  }
0x39: {  	_ =	sdelay $0x3  }
0x3a: {  	vm2 =	vgt.s32 v0, $0x0  }
0x3b: {  	v0 =	vnsel vm2, $0x0, v0  }
0x3c: {  	v0 =	vmin.u32 v0, $0x1387  }
0x3d: {  	v0 =	vshll.u32 v0, $0x4;
	_ =	sdelay $0x3  }
0x3e: {  	s16 =	sadd.s32 $0x800, s17  }
0x3f: {  	[tilespmem:s16], [sflag:$0x1] =	stream.indirect_vreg.gather [hbm:s5], $0x80, v0, vm0, $0x38;
	[tilespmem:$0x4080] =	vst v63  }
0x40: {  	s16 =	sadd.s32 $0x400, s16  }
0x41: {  	[tilespmem:s16], [sflag:$0x1] =	stream.indirect_vreg.gather [hbm:s5], $0x80, v0, vm1, $0x38;
	[tilespmem:$0x4080] =	vst v63  }
0x42: {  	s13 =	sshll.u32 s13, $0x4;
	_ =	swait.ge [sflag:s6], $0x2000  }
0x43: {  	s13 =	sadd.s32 s13, s3;
	[sflag:s6] =	ssyncset.done $0x0  }
0x44: {  	s17 =	sadd.s32 $0x0, s13;
	s16 =	simm.s32 $0x80;
	[sflag:s6] =	ssyncadd.s32 $0xFFFFE000  }
.LBB2_5:
0x45: {  	[hbm:s17] =	stream.linear.scatter [tilespmem:s14], [sflag:$0x3], $0x400, $0x38;
	[tilespmem:$0x4080] =	vst v63  }
0x46: {  	s17 =	smov.u32 s16;
	s14 =	smov.u32 s15;
	p1 =	sne.s32 s16, $0x380  }
.Ltmp4:
0x47: {  	s16 =	sadd.s32 $0x80, s16;
	(pc) =	sbr.rel @p1 .LBB2_5-.Ltmp4, $2  }
0x48: {  	_ =	sdelay $0x2  }
0x49: {  	s15 =	sadd.s32 $0x400, s15;
	s17 =	sadd.s32 s17, s13  }
.Ltmp5:
0x4a: {  	_ = 	snop;
	(pc) =	sbr.rel .LBB2_6-.Ltmp5, $1  }
0x4b: {  	_ =	sdelay $0x3  }
.LBB2_8:
0x4c: {  	_ =	sfence.sel $0x180000  }
0x4d: {  	s2 =	simm.s32 $0x2;
	[bflag:$0x0] =	sbarrier.arrive $0xFFFF  }
0x4e: {  	s30 =	simm.s32 $0x3;
	[sflag:s2] =	ssyncpa.u1 $0x1  }
0x4f: {  	s31 =	simm.s32 $0x1;
	[sflag:s30] =	ssyncpa.u1 $0x1  }
0x50: {  	[sflag:s31] =	ssyncpa.u1 $0x1  }
0x51: {  	p0 =	sne.s32 s0, $0x0;
	_ =	strace $0x9000004A  }
0x52: {  	s0 =	sadd.s32 @!p0 $0x100000, s1;
	[bflag:$0x2] =	sbarrier.arrive $0xFFFF  }
0x53: {  	[sflag:s0] =	ssyncadd.tile.s32 @!p0 $0x1;
	_ =	shalt  }
.Lfunc_end2:
_tile_overlayer_lowered:
.L_overlay_start_2:
0x54: {  	(tag) =	ssettag $0x2  }
0x55: {  	s0 =	rddreg [dreg:$0x0];
	s2 =	stileid.u32  }
0x56: {  	s1 =	rddreg [dreg:$0x1];
	p0 =	sne.s32 s2, $0x0  }
0x57: {  	s3 =	rddreg [dreg:$0x2];
	[bflag:$0x3] =	sbarrier.arrive $0xFFFF;
	s2 =	simm.s32 @!p0 $0x1C01  }
0x58: {  	[timem:s3], [sflag:s2] =	dma.local @!p0 [hbm:s0], s1  }
0x59: {  	s0 =	simm.s32 @!p0 $0x1  }
0x5a: {  	_ =	swait.ge @!p0 [sflag:s0], s1  }
0x5b: {  	s1 =	ssub.s32 @!p0 $0x0, s1;
	[sflag:s0] =	ssyncset.done @!p0 $0x0  }
0x5c: {  	[sflag:s0] =	ssyncadd.s32 @!p0 s1  }
0x5d: {  	[bflag:$0x3] =	sbarrier.arrive $0xFFFF  }
0x5e: {  	_ =	shalt  }

// kernel: gather_offload_async_start.2
scs
__scs_entry_jumppad:
0x0: {  	(pc) =	sbr.rel $0x88, $3  }
0x1: {  	(tag) =	ssettag $0x0;
	lr =	simm.s32 $0x1  }
0x2: {  	[smem:$0x3F96] =	sst lr;
	_ =	strace $0xD0000000  }
0x3: {  	_ = 	snop  }
0x4: {  	_ = 	snop  }
0x5: {  	_ = 	snop  }
0x6: {  	_ = 	snop  }
0x7: {  	_ = 	snop  }
__scs_overlays_trampoline_lowered:
0x8: {  	[smem:$0x3FA5] =	sst s0  }
0x9: {  	[smem:$0x3FA6] =	sst s1  }
0xa: {  	[smem:$0x3FA7] =	sst s2  }
0xb: {  	[smem:$0x3FA8] =	sst s3  }
0xc: {  	[smem:$0x3FA9] =	sst s4  }
0xd: {  	[smem:$0x3FAA] =	sst s5  }
0xe: {  	[smem:$0x3FAB] =	sst s6  }
0xf: {  	[smem:$0x3FAC] =	sst s7  }
0x10: {  	[smem:$0x3FAD] =	sst s8  }
0x11: {  	[smem:$0x3FAE] =	sst s9;
	s0 =	simm.s32 @!p0 $0x0  }
0x12: {  	s1 =	sld [smem:$0x3F94];
	s0 =	simm.s32 @p0 $0x1  }
0x13: {  	[smem:$0x3FAF] =	sst s0;
	s0 =	simm.s32 @!p1 $0x0  }
0x14: {  	s2 =	sld [smem:$0x3F93];
	s0 =	simm.s32 @p1 $0x1  }
0x15: {  	[smem:$0x3FB0] =	sst s0;
	s0 =	simm.s32 @!p2 $0x0  }
0x16: {  	s3 =	sld [smem:$0x3FDB];
	s0 =	simm.s32 @p2 $0x1  }
0x17: {  	s4 =	simm.s32 $0x1BF5;
	[smem:$0x3FB2] =	sst s0  }
0x18: {  	s0 =	sld [smem:$0x3F95];
	_ =	swait.ge [sflag:s4], $0x0  }
0x19: {  	s7 =	sld [smem:$0x3F96]  }
0x1a: {  	s8 =	sadd.s32 $0xFFFFE003, lr  }
0x1b: {  	s9 =	sadd.s32 $0xFFFFFEF7, lr;
	s5 =	simm.s32 $0xFFFFFFFF;
	p2 =	slt.u32 s8, $0xFFFFF086  }
0x1c: {  	p1 =	slt.u32 s9, $0xF7A;
	s5 =	simm.s32 @!p2 $0x0  }
0x1d: {  	s5 =	simm.s32 @p1 $0x1;
	p0 =	seq.s32 s7, s2  }
0x1e: {  	s7 =	smul.u32 @!p0 $0xF7A, s2;
	p2 =	seq.s32 @!p0 s5, $0x0  }
0x1f: {  	s9 =	smul.u32 $0xF7A, s1;
	s8 =	simm.s32 @!p0 $0x1BF5;
	p2 =	por !p2, p0  }
0x20: {  	[sflag:s8] =	ssyncset.s32 @!p0 $0xFFFFF086;
	s6 =	sadd.s32 @!p0 s3, s7;
	s7 =	simm.s32 @!p0 $0x108  }
0x21: {  	s3 =	sadd.s32 s3, s9;
	s6 =	sadd.s32 @!p0 $0x88, s6;
	s7 =	simm.s32 @p2 $0x1082  }
0x22: {  	[simem:s7], [sflag:s8] =	dma.local @!p0 [hbm:s6], $0xF7A  }
0x23: {  	s9 =	sor.u32 $0xD0000000, s2;
	s6 =	simm.s32 $0x108;
	_ =	swait.ge @!p0 [sflag:s8], $0x0  }
0x24: {  	s3 =	sadd.s32 $0x88, s3;
	s6 =	simm.s32 @!p1 $0x1082;
	[sflag:s4] =	ssyncset.s32 $0xFFFFF086  }
0x25: {  	[simem:s6], [sflag:s4] =	dma.local [hbm:s3], $0xF7A  }
0x26: {  	[smem:$0x3F96] =	sst s1;
	(tag) =	ssettag s2;
	_ =	strace s9  }
0x27: {  	s1 =	sld [smem:$0x3FA6]  }
0x28: {  	s2 =	sld [smem:$0x3FA7]  }
0x29: {  	s4 =	sld [smem:$0x3FA9]  }
0x2a: {  	p0 =	seq.s32 s5, $0x0;
	s5 =	sld [smem:$0x3FAA]  }
0x2b: {  	s6 =	sld [smem:$0x3FAB]  }
0x2c: {  	s7 =	sld [smem:$0x3FAC]  }
0x2d: {  	s3 =	simm.s32 $0x108;
	s8 =	sld [smem:$0x3FAD]  }
0x2e: {  	s3 =	simm.s32 @!p0 $0x1082;
	s9 =	sld [smem:$0x3FAE]  }
0x2f: {  	lr =	sadd.s32 s0, s3;
	s0 =	sld [smem:$0x3FA5]  }
0x30: {  	s3 =	sld [smem:$0x3FA8]  }
0x31: {  	[smem:$0x3FB1] =	sst s10  }
0x32: {  	s10 =	sld [smem:$0x3FAF];
	_ =	sdelay $0x3  }
0x33: {  	p0 =	seq.s32 s10, $0x1;
	s10 =	sld [smem:$0x3FB1];
	_ =	sdelay $0x3  }
0x34: {  	[smem:$0x3FB1] =	sst s10  }
0x35: {  	s10 =	sld [smem:$0x3FB0];
	_ =	sdelay $0x3  }
0x36: {  	p1 =	seq.s32 s10, $0x1;
	s10 =	sld [smem:$0x3FB1];
	_ =	sdelay $0x3  }
0x37: {  	[smem:$0x3FB1] =	sst s10  }
0x38: {  	s10 =	sld [smem:$0x3FB2]  }
0x39: {  	_ = 	snop;
	(pc) =	sbr.ind lr, $3  }
0x3a: {  	_ = 	snop  }
0x3b: {  	_ = 	snop  }
0x3c: {  	p2 =	seq.s32 s10, $0x1;
	s10 =	sld [smem:$0x3FB1]  }
0x3d: {  	_ =	shalt  }
0x3e: {  	_ =	shalt  }
0x3f: {  	_ =	shalt  }
0x40: {  	_ =	shalt  }
0x41: {  	_ =	shalt  }
0x42: {  	_ =	shalt  }
0x43: {  	_ =	shalt  }
0x44: {  	_ =	shalt  }
0x45: {  	_ =	shalt  }
0x46: {  	_ =	shalt  }
0x47: {  	_ =	shalt  }
0x48: {  	_ =	shalt  }
0x49: {  	_ =	shalt  }
0x4a: {  	_ =	shalt  }
0x4b: {  	_ =	shalt  }
0x4c: {  	_ =	shalt  }
0x4d: {  	_ =	shalt  }
0x4e: {  	_ =	shalt  }
0x4f: {  	_ =	shalt  }
0x50: {  	_ =	shalt  }
0x51: {  	_ =	shalt  }
0x52: {  	_ =	shalt  }
0x53: {  	_ =	shalt  }
0x54: {  	_ =	shalt  }
0x55: {  	_ =	shalt  }
0x56: {  	_ =	shalt  }
0x57: {  	_ =	shalt  }
0x58: {  	_ =	shalt  }
0x59: {  	_ =	shalt  }
0x5a: {  	_ =	shalt  }
0x5b: {  	_ =	shalt  }
0x5c: {  	_ =	shalt  }
0x5d: {  	_ =	shalt  }
0x5e: {  	_ =	shalt  }
0x5f: {  	_ =	shalt  }
0x60: {  	_ =	shalt  }
0x61: {  	_ =	shalt  }
0x62: {  	_ =	shalt  }
0x63: {  	_ =	shalt  }
0x64: {  	_ =	shalt  }
0x65: {  	_ =	shalt  }
0x66: {  	_ =	shalt  }
0x67: {  	_ =	shalt  }
0x68: {  	_ =	shalt  }
0x69: {  	_ =	shalt  }
0x6a: {  	_ =	shalt  }
0x6b: {  	_ =	shalt  }
0x6c: {  	_ =	shalt  }
0x6d: {  	_ =	shalt  }
0x6e: {  	_ =	shalt  }
0x6f: {  	_ =	shalt  }
0x70: {  	_ =	shalt  }
0x71: {  	_ =	shalt  }
0x72: {  	_ =	shalt  }
0x73: {  	_ =	shalt  }
0x74: {  	_ =	shalt  }
0x75: {  	_ =	shalt  }
0x76: {  	_ =	shalt  }
0x77: {  	_ =	shalt  }
0x78: {  	_ =	shalt  }
0x79: {  	_ =	shalt  }
0x7a: {  	_ =	shalt  }
0x7b: {  	_ =	shalt  }
0x7c: {  	_ =	shalt  }
0x7d: {  	_ =	shalt  }
0x7e: {  	_ =	shalt  }
0x7f: {  	_ =	shalt  }
0x80: {  	_ =	shalt  }
0x81: {  	_ =	shalt  }
0x82: {  	_ =	shalt  }
0x83: {  	_ =	shalt  }
0x84: {  	_ =	shalt  }
0x85: {  	_ =	shalt  }
0x86: {  	_ =	shalt  }
0x87: {  	_ =	shalt  }
.Lfunc_end0:
.L_simem_size_0:
called_computation.2_lowered:
.L_overlay_start_0:
0x88: {  	s2 =	sld [smem:$0x3FD9]  }
0x89: {  	s3 =	sld [smem:$0x3FFE];
	_ =	sdelay $0x1  }
0x8a: {  	s1 =	srdreg.scid  }
0x8b: {  	s0 =	sand.u32 $0x1, s1  }
0x8c: {  	s16 =	sshll.u32 s0, $0xA;
	s2 =	sadd.s32 s3, s2  }
0x8d: {  	s2 =	sadd.s32 s2, s16  }
0x8e: {  	[smem:$0x3FBD] =	sst s2  }
0x8f: {  	_ = 	snop  }
0x90: {  	(tm) =	ssettm $0x1  }
0x91: {  	s17 =	sld [smem:$0x3FFB];
	_ =	sdelay $0x3  }
0x92: {  	_ =	strace s17  }
0x93: {  	s2 =	sld [smem:$0x3FFC];
	_ =	sdelay $0x3  }
0x94: {  	_ =	strace s2  }
0x95: {  	s2 =	sld [smem:$0x3FFD];
	_ =	sdelay $0x3  }
0x96: {  	_ =	strace s2  }
0x97: {  	_ =	strace $0x8FFFFFFF  }
0x98: {  	s18 =	sld [smem:$0x3FDB];
	_ =	sdelay $0x1  }
0x99: {  	s19 =	simm.s32 $_scs_section_size  }
0x9a: {  	s4 =	simm.s32 $_size__tile_overlayer_lowered;
	s5 =	simm.s32 $_tile_overlayer_lowered  }
0x9b: {  	s22 =	simm.s32 $0x1BFF;
	s21 =	sshll.u32 s5, $0x1;
	s2 =	sadd.s32 s19, s18  }
0x9c: {  	s6 =	simm.s32 $0x0;
	s20 =	sshll.u32 s4, $0x1;
	s4 =	sadd.s32 s21, s2  }
0x9d: {  	[timem:s6], [sflag:s22] =	dma.local [hbm:s4], s20  }
0x9e: {  	_ =	swait.ge [sflag:s22], s20  }
0x9f: {  	s3 =	ssub.s32 $0x0, s20;
	[sflag:s22] =	ssyncset.done $0x0  }
0xa0: {  	[sflag:s22] =	ssyncadd.s32 s3;
	_ =	sdelay $0x1  }
0xa1: {  	s23 =	simm.s32 $0x1B8B  }
0xa2: {  	_ =	swait.ge [sflag:s23], $0x1  }
0xa3: {  	[sflag:s23] =	ssyncset.done $0x0  }
0xa4: {  	s25 =	simm.s32 $0x1B8E;
	s24 =	sld [smem:$0x3FFE];
	[sflag:s23] =	ssyncadd.s32 $0xFFFFFFFF  }
0xa5: {  	s26 =	simm.s32 $execute0_lowered;
	[smem:$0x3FD2] =	sst s25  }
0xa6: {  	s4 =	sshll.u32 s26, $0x1;
	_ =	strace $0x80000046;
	[dreg:$0x1] =	wrdreg $0xFFFFFFFF  }
0xa7: {  	s28 =	simm.s32 $_size_execute0_lowered;
	s2 =	sadd.s32 s2, s4;
	[dreg:$0x0] =	wrdreg $0x0  }
0xa8: {  	s4 =	sshll.u32 s28, $0x1;
	[dreg:$0x2] =	wrdreg s2  }
0xa9: {  	[dreg:$0x3] =	wrdreg s4  }
0xaa: {  	[dreg:$0x4] =	wrdreg $0xC0  }
0xab: {  	_ =	task [dreg:s6], $0x5FFFF  }
0xac: {  	[dreg:$0x1] =	wrdreg $0xFFFFFFFF  }
0xad: {  	[dreg:$0x0] =	wrdreg $0x60  }
0xae: {  	[dreg:$0x2] =	wrdreg s24  }
0xaf: {  	[dreg:$0x3] =	wrdreg $0xB  }
0xb0: {  	_ =	task.clear_ibuf [dreg:s6], $0x4FFFF;
	_ =	strace $0x90000046  }
0xb1: {  	s29 =	simm.s32 $0xB;
	_ =	strace $0x80000048  }
0xb2: {  	_ =	swait.ge [sflag:s29], $0x1  }
0xb3: {  	[sflag:s29] =	ssyncadd.s32 $0xFFFFFFFF  }
0xb4: {  	_ =	strace $0x90000048  }
0xb5: {  	_ =	sfence  }
0xb6: {  	s30 =	sld [smem:$0x0];
	_ =	sdelay $0x2  }
0xb7: {  	s31 =	sshll.u32 s1, $0xD;
	s1 =	sshrl.u32 s1, $0x2  }
0xb8: {  	s3 =	sand.u32 $0x4000, s31;
	s1 =	sadd.s32 s1, s30  }
0xb9: {  	s0 =	sor.u32 s3, s0;
	s1 =	sshll.u32 s1, $0x11  }
0xba: {  	s0 =	sor.u32 s1, s0  }
0xbb: {  	s0 =	sadd.s32 $0x8F2B, s0  }
0xbc: {  	[sflag:s0] =	ssyncadd.remote.s32 $0x1  }
0xbd: {  	_ =	sfence.sel $0xFFFF  }
0xbe: {  	[dreg:$0x0] =	wrdreg $0xFFFFFFFF;
	(pc) =	sbr.abs _section_cstart, $3  }
0xbf: {  	[dreg:$0x1] =	wrdreg $0xFFFFFFFF  }
0xc0: {  	_ =	task.clear_ibuf [dreg:s6], $0x2FFFF;
	_ =	strace $0x9FFFFFFF  }
0xc1: {  	(tm) =	ssettm $0x7FFFFFFF  }
tec
execute0_lowered:
.L_overlay_start_1:
0x0: {  	(tag) =	ssettag $0x1  }
0x1: {  	s0 =	srdreg.scid  }
0x2: {  	s1 =	sshll.u32 s0, $0x4  }
0x3: {  	s0 =	stileid.u32;
	s1 =	sand.u32 $0x10, s1  }
0x4: {  	s1 =	sor.u32 s0, s1  }
0x5: {  	s9 =	rddreg [dreg:$0x0];
	s6 =	simm.s32 $0x1;
	s2 =	smin.u32 s1, $0x8  }
0x6: {  	p0 =	slt.u32 s1, $0x8;
	s2 =	sadd.s32 s1, s2;
	s1 =	simm.s32 $0x80  }
0x7: {  	s7 =	simm.s32 $0x2;
	s2 =	sshll.u32 s2, $0x6;
	s1 =	simm.s32 @!p0 $0x40  }
0x8: {  	s10 =	simm.s32 $0x3;
	s13 =	simm.s32 $0x0;
	s3 =	sadd.s32 s1, s2  }
0x9: {  	s12 =	simm.s32 $0x0;
	s4 =	sadd.s32 $0x6000, s9;
	s3 =	smin.u32 s3, $0xA00  }
.Ltmp0:
0xa: {  	s5 =	sadd.s32 $0x5E00, s9;
	s8 =	ssub.s32 s3, s2;
	(pc) =	sbr.rel .LBB2_1-.Ltmp0, $4  }
0xb: {  	s1 =	rddreg [dreg:$0x1];
	_ =	strace $0x80000047;
	p0 =	sgt.s32 s8, $0x0  }
0xc: {  	s9 =	sadd.s32 $0x19A00, s9;
	[sflag:s6] =	ssyncpa.u1 $0x0;
	s8 =	simm.s32 @!p0 $0x0  }
0xd: {  	s11 =	smov.u32 s2;
	[sflag:s7] =	ssyncpa.u1 $0x0;
	s8 =	sshrl.u32 s8, $0x6  }
0xe: {  	vm0 =	vmmov $0xff;
	vm1 =	vcmask $0x3F20;
	[sflag:s10] =	ssyncpa.u1 $0x0;
	p0 =	por $0x0, $0x0;
	s10 =	sadd.s32 $0x1, s8  }
.LBB2_6:
0xf: {  	[hbm:s17] =	stream.linear.scatter [tilespmem:s14], [sflag:$0x3], $0x400, $0x38;
	[tilespmem:$0x4080] =	vst v63  }
.LBB2_7:
0x10: {  	s13 =	sadd.s32 $0x40, s11  }
0x11: {  	s15 =	smov.u32 s2;
	p2 =	slt.s32 s13, s3  }
0x12: {  	s15 =	smov.u32 @p2 s13;
	p2 =	sne.s32 s12, s10  }
.Ltmp1:
0x13: {  	p1 =	slt.u32 s12, $0x2;
	(pc) =	sbr.rel @!p2 .LBB2_8-.Ltmp1, $4  }
0x14: {  	s14 =	simm.s32 @!p1 $0x3  }
0x15: {  	s16 =	sadd.s32 $0x1, s12;
	_ =	swait.ge @!p1 [sflag:s14], $0x2000  }
0x16: {  	p0 =	por !p0, !p0;
	s13 =	smov.u32 s11;
	[sflag:s14] =	ssyncset.done @!p1 $0x0  }
0x17: {  	s12 =	smov.u32 s16;
	s11 =	smov.u32 s15;
	[sflag:s14] =	ssyncadd.s32 @!p1 $0xFFFFE000  }
.LBB2_1:
0x18: {  	p1 =	sge.u32 s12, s8  }
0x19: {  	s14 =	sxor.u32 @!p1 $0xFFFFFFFF, s12  }
0x1a: {  	s31 =	sadd.s32 $0xFFFFFFFF, s12;
	s15 =	sshrl.u32 @!p1 s11, $0x3;
	s14 =	sshll.u32 @!p1 s14, $0x6  }
0x1b: {  	s16 =	sand.u32 @!p1 $0x7, s11;
	s15 =	sadd.s32 @!p1 s5, s15;
	s14 =	sand.u32 @!p1 $0x40, s14  }
0x1c: {  	[tilespmem:s14], [sflag:$0x2] =	stream.linear.gather @!p1 [hbm4b:s15+s16], $0x40, $0x38;
	[tilespmem:$0x4080] =	vst v63  }
0x1d: {  	p1 =	sge.u32 s31, s8  }
.Ltmp2:
0x1e: {  	_ = 	snop;
	(pc) =	sbr.rel @p1 .LBB2_7-.Ltmp2, $1  }
0x1f: {  	_ =	sdelay $0x3  }
0x20: {  	s14 =	simm.s32 $0x1  }
0x21: {  	_ =	swait.ge [sflag:s7], $0x40;
	s14 =	simm.s32 @!p0 $0x0  }
0x22: {  	[sflag:s7] =	ssyncset.done $0x0;
	s16 =	sshll.u32 s14, $0x6  }
0x23: {  	[sflag:s7] =	ssyncadd.s32 $0xFFFFFFC0;
	s15 =	sadd.s32 $0x0, s16  }
0x24: {  	v0 =	vld.msk [tilespmem:s15+$0x0 ss:$0x1], $0xffff;
	_ =	sdelay $0x4  }
0x25: {  	vm2 =	vgt.s32 v0, $0x0  }
0x26: {  	v0 =	vnsel vm2, $0x0, v0  }
0x27: {  	v0 =	vmin.u32 v0, $0x1387  }
0x28: {  	v0 =	vshll.u32 v0, $0x4;
	_ =	sdelay $0x2  }
0x29: {  	s14 =	sshll.u32 s14, $0xD  }
0x2a: {  	s14 =	sor.u32 $0x80, s14  }
0x2b: {  	[tilespmem:s14], [sflag:$0x1] =	stream.indirect_vreg.gather [hbm:s4], $0x80, v0, vm0, $0x38;
	[tilespmem:$0x4080] =	vst v63  }
0x2c: {  	s17 =	sadd.s32 $0x10, s16;
	s15 =	sadd.s32 $0x400, s14  }
0x2d: {  	[tilespmem:s15], [sflag:$0x1] =	stream.indirect_vreg.gather [hbm:s4], $0x80, v0, vm1, $0x38;
	[tilespmem:$0x4080] =	vst v63  }
0x2e: {  	s18 =	simm.s32 $0x80;
	v0 =	vld.msk [tilespmem:s17+$0x0 ss:$0x1], $0xffff;
	s17 =	smov.u32 s14  }
.LBB2_3:
0x2f: {  	p1 =	sne.s32 s18, $0xC0;
	_ =	sdelay $0x4  }
0x30: {  	vm2 =	vgt.s32 v0, $0x0  }
0x31: {  	v0 =	vnsel vm2, $0x0, v0  }
0x32: {  	v0 =	vmin.u32 v0, $0x1387  }
0x33: {  	v0 =	vshll.u32 v0, $0x4;
	_ =	sdelay $0x3  }
.Ltmp3:
0x34: {  	s19 =	sshra.s32 s18, $0x2;
	s17 =	sadd.s32 $0x800, s17;
	(pc) =	sbr.rel @p1 .LBB2_3-.Ltmp3, $4  }
0x35: {  	[tilespmem:s17], [sflag:$0x1] =	stream.indirect_vreg.gather [hbm:s4], $0x80, v0, vm0, $0x38;
	[tilespmem:$0x4080] =	vst v63  }
0x36: {  	s19 =	sadd.s32 s19, s16;
	s20 =	sadd.s32 $0x400, s17  }
0x37: {  	[tilespmem:s20], [sflag:$0x1] =	stream.indirect_vreg.gather [hbm:s4], $0x80, v0, vm1, $0x38;
	[tilespmem:$0x4080] =	vst v63  }
0x38: {  	s18 =	sadd.s32 $0x40, s18;
	v0 =	vld.msk [tilespmem:s19+$0x0 ss:$0x1], $0xffff  }
0x39: {  	_ =	sdelay $0x3  }
0x3a: {  	vm2 =	vgt.s32 v0, $0x0  }
0x3b: {  	v0 =	vnsel vm2, $0x0, v0  }
0x3c: {  	v0 =	vmin.u32 v0, $0x1387  }
0x3d: {  	v0 =	vshll.u32 v0, $0x4;
	_ =	sdelay $0x3  }
0x3e: {  	s16 =	sadd.s32 $0x800, s17  }
0x3f: {  	[tilespmem:s16], [sflag:$0x1] =	stream.indirect_vreg.gather [hbm:s4], $0x80, v0, vm0, $0x38;
	[tilespmem:$0x4080] =	vst v63  }
0x40: {  	s16 =	sadd.s32 $0x400, s16  }
0x41: {  	[tilespmem:s16], [sflag:$0x1] =	stream.indirect_vreg.gather [hbm:s4], $0x80, v0, vm1, $0x38;
	[tilespmem:$0x4080] =	vst v63  }
0x42: {  	s13 =	sshll.u32 s13, $0x4;
	_ =	swait.ge [sflag:s6], $0x2000  }
0x43: {  	s13 =	sadd.s32 s13, s9;
	[sflag:s6] =	ssyncset.done $0x0  }
0x44: {  	s17 =	sadd.s32 $0x0, s13;
	s16 =	simm.s32 $0x80;
	[sflag:s6] =	ssyncadd.s32 $0xFFFFE000  }
.LBB2_5:
0x45: {  	[hbm:s17] =	stream.linear.scatter [tilespmem:s14], [sflag:$0x3], $0x400, $0x38;
	[tilespmem:$0x4080] =	vst v63  }
0x46: {  	s17 =	smov.u32 s16;
	s14 =	smov.u32 s15;
	p1 =	sne.s32 s16, $0x380  }
.Ltmp4:
0x47: {  	s16 =	sadd.s32 $0x80, s16;
	(pc) =	sbr.rel @p1 .LBB2_5-.Ltmp4, $2  }
0x48: {  	_ =	sdelay $0x2  }
0x49: {  	s15 =	sadd.s32 $0x400, s15;
	s17 =	sadd.s32 s17, s13  }
.Ltmp5:
0x4a: {  	_ = 	snop;
	(pc) =	sbr.rel .LBB2_6-.Ltmp5, $1  }
0x4b: {  	_ =	sdelay $0x3  }
.LBB2_8:
0x4c: {  	_ =	sfence.sel $0x180000  }
0x4d: {  	s2 =	simm.s32 $0x2;
	[bflag:$0x0] =	sbarrier.arrive $0xFFFF  }
0x4e: {  	s30 =	simm.s32 $0x3;
	[sflag:s2] =	ssyncpa.u1 $0x1  }
0x4f: {  	s31 =	simm.s32 $0x1;
	[sflag:s30] =	ssyncpa.u1 $0x1  }
0x50: {  	[sflag:s31] =	ssyncpa.u1 $0x1  }
0x51: {  	p0 =	sne.s32 s0, $0x0;
	_ =	strace $0x90000047  }
0x52: {  	s0 =	sadd.s32 @!p0 $0x100000, s1;
	[bflag:$0x2] =	sbarrier.arrive $0xFFFF  }
0x53: {  	[sflag:s0] =	ssyncadd.tile.s32 @!p0 $0x1;
	_ =	shalt  }
.Lfunc_end2:
_tile_overlayer_lowered:
.L_overlay_start_2:
0x54: {  	(tag) =	ssettag $0x2  }
0x55: {  	s0 =	rddreg [dreg:$0x0];
	s2 =	stileid.u32  }
0x56: {  	s1 =	rddreg [dreg:$0x1];
	p0 =	sne.s32 s2, $0x0  }
0x57: {  	s3 =	rddreg [dreg:$0x2];
	[bflag:$0x3] =	sbarrier.arrive $0xFFFF;
	s2 =	simm.s32 @!p0 $0x1C01  }
0x58: {  	[timem:s3], [sflag:s2] =	dma.local @!p0 [hbm:s0], s1  }
0x59: {  	s0 =	simm.s32 @!p0 $0x1  }
0x5a: {  	_ =	swait.ge @!p0 [sflag:s0], s1  }
0x5b: {  	s1 =	ssub.s32 @!p0 $0x0, s1;
	[sflag:s0] =	ssyncset.done @!p0 $0x0  }
0x5c: {  	[sflag:s0] =	ssyncadd.s32 @!p0 s1  }
0x5d: {  	[bflag:$0x3] =	sbarrier.arrive $0xFFFF  }
0x5e: {  	_ =	shalt  }

// kernel: gather_offload_async_start
scs
__scs_entry_jumppad:
0x0: {  	(pc) =	sbr.rel $0x88, $3  }
0x1: {  	(tag) =	ssettag $0x0;
	lr =	simm.s32 $0x1  }
0x2: {  	[smem:$0x3F96] =	sst lr;
	_ =	strace $0xD0000000  }
0x3: {  	_ = 	snop  }
0x4: {  	_ = 	snop  }
0x5: {  	_ = 	snop  }
0x6: {  	_ = 	snop  }
0x7: {  	_ = 	snop  }
__scs_overlays_trampoline_lowered:
0x8: {  	[smem:$0x3FA5] =	sst s0  }
0x9: {  	[smem:$0x3FA6] =	sst s1  }
0xa: {  	[smem:$0x3FA7] =	sst s2  }
0xb: {  	[smem:$0x3FA8] =	sst s3  }
0xc: {  	[smem:$0x3FA9] =	sst s4  }
0xd: {  	[smem:$0x3FAA] =	sst s5  }
0xe: {  	[smem:$0x3FAB] =	sst s6  }
0xf: {  	[smem:$0x3FAC] =	sst s7  }
0x10: {  	[smem:$0x3FAD] =	sst s8  }
0x11: {  	[smem:$0x3FAE] =	sst s9;
	s0 =	simm.s32 @!p0 $0x0  }
0x12: {  	s1 =	sld [smem:$0x3F94];
	s0 =	simm.s32 @p0 $0x1  }
0x13: {  	[smem:$0x3FAF] =	sst s0;
	s0 =	simm.s32 @!p1 $0x0  }
0x14: {  	s2 =	sld [smem:$0x3F93];
	s0 =	simm.s32 @p1 $0x1  }
0x15: {  	[smem:$0x3FB0] =	sst s0;
	s0 =	simm.s32 @!p2 $0x0  }
0x16: {  	s3 =	sld [smem:$0x3FDB];
	s0 =	simm.s32 @p2 $0x1  }
0x17: {  	s4 =	simm.s32 $0x1BF5;
	[smem:$0x3FB2] =	sst s0  }
0x18: {  	s0 =	sld [smem:$0x3F95];
	_ =	swait.ge [sflag:s4], $0x0  }
0x19: {  	s7 =	sld [smem:$0x3F96]  }
0x1a: {  	s8 =	sadd.s32 $0xFFFFE003, lr  }
0x1b: {  	s9 =	sadd.s32 $0xFFFFFEF7, lr;
	s5 =	simm.s32 $0xFFFFFFFF;
	p2 =	slt.u32 s8, $0xFFFFF086  }
0x1c: {  	p1 =	slt.u32 s9, $0xF7A;
	s5 =	simm.s32 @!p2 $0x0  }
0x1d: {  	s5 =	simm.s32 @p1 $0x1;
	p0 =	seq.s32 s7, s2  }
0x1e: {  	s7 =	smul.u32 @!p0 $0xF7A, s2;
	p2 =	seq.s32 @!p0 s5, $0x0  }
0x1f: {  	s9 =	smul.u32 $0xF7A, s1;
	s8 =	simm.s32 @!p0 $0x1BF5;
	p2 =	por !p2, p0  }
0x20: {  	[sflag:s8] =	ssyncset.s32 @!p0 $0xFFFFF086;
	s6 =	sadd.s32 @!p0 s3, s7;
	s7 =	simm.s32 @!p0 $0x108  }
0x21: {  	s3 =	sadd.s32 s3, s9;
	s6 =	sadd.s32 @!p0 $0x88, s6;
	s7 =	simm.s32 @p2 $0x1082  }
0x22: {  	[simem:s7], [sflag:s8] =	dma.local @!p0 [hbm:s6], $0xF7A  }
0x23: {  	s9 =	sor.u32 $0xD0000000, s2;
	s6 =	simm.s32 $0x108;
	_ =	swait.ge @!p0 [sflag:s8], $0x0  }
0x24: {  	s3 =	sadd.s32 $0x88, s3;
	s6 =	simm.s32 @!p1 $0x1082;
	[sflag:s4] =	ssyncset.s32 $0xFFFFF086  }
0x25: {  	[simem:s6], [sflag:s4] =	dma.local [hbm:s3], $0xF7A  }
0x26: {  	[smem:$0x3F96] =	sst s1;
	(tag) =	ssettag s2;
	_ =	strace s9  }
0x27: {  	s1 =	sld [smem:$0x3FA6]  }
0x28: {  	s2 =	sld [smem:$0x3FA7]  }
0x29: {  	s4 =	sld [smem:$0x3FA9]  }
0x2a: {  	p0 =	seq.s32 s5, $0x0;
	s5 =	sld [smem:$0x3FAA]  }
0x2b: {  	s6 =	sld [smem:$0x3FAB]  }
0x2c: {  	s7 =	sld [smem:$0x3FAC]  }
0x2d: {  	s3 =	simm.s32 $0x108;
	s8 =	sld [smem:$0x3FAD]  }
0x2e: {  	s3 =	simm.s32 @!p0 $0x1082;
	s9 =	sld [smem:$0x3FAE]  }
0x2f: {  	lr =	sadd.s32 s0, s3;
	s0 =	sld [smem:$0x3FA5]  }
0x30: {  	s3 =	sld [smem:$0x3FA8]  }
0x31: {  	[smem:$0x3FB1] =	sst s10  }
0x32: {  	s10 =	sld [smem:$0x3FAF];
	_ =	sdelay $0x3  }
0x33: {  	p0 =	seq.s32 s10, $0x1;
	s10 =	sld [smem:$0x3FB1];
	_ =	sdelay $0x3  }
0x34: {  	[smem:$0x3FB1] =	sst s10  }
0x35: {  	s10 =	sld [smem:$0x3FB0];
	_ =	sdelay $0x3  }
0x36: {  	p1 =	seq.s32 s10, $0x1;
	s10 =	sld [smem:$0x3FB1];
	_ =	sdelay $0x3  }
0x37: {  	[smem:$0x3FB1] =	sst s10  }
0x38: {  	s10 =	sld [smem:$0x3FB2]  }
0x39: {  	_ = 	snop;
	(pc) =	sbr.ind lr, $3  }
0x3a: {  	_ = 	snop  }
0x3b: {  	_ = 	snop  }
0x3c: {  	p2 =	seq.s32 s10, $0x1;
	s10 =	sld [smem:$0x3FB1]  }
0x3d: {  	_ =	shalt  }
0x3e: {  	_ =	shalt  }
0x3f: {  	_ =	shalt  }
0x40: {  	_ =	shalt  }
0x41: {  	_ =	shalt  }
0x42: {  	_ =	shalt  }
0x43: {  	_ =	shalt  }
0x44: {  	_ =	shalt  }
0x45: {  	_ =	shalt  }
0x46: {  	_ =	shalt  }
0x47: {  	_ =	shalt  }
0x48: {  	_ =	shalt  }
0x49: {  	_ =	shalt  }
0x4a: {  	_ =	shalt  }
0x4b: {  	_ =	shalt  }
0x4c: {  	_ =	shalt  }
0x4d: {  	_ =	shalt  }
0x4e: {  	_ =	shalt  }
0x4f: {  	_ =	shalt  }
0x50: {  	_ =	shalt  }
0x51: {  	_ =	shalt  }
0x52: {  	_ =	shalt  }
0x53: {  	_ =	shalt  }
0x54: {  	_ =	shalt  }
0x55: {  	_ =	shalt  }
0x56: {  	_ =	shalt  }
0x57: {  	_ =	shalt  }
0x58: {  	_ =	shalt  }
0x59: {  	_ =	shalt  }
0x5a: {  	_ =	shalt  }
0x5b: {  	_ =	shalt  }
0x5c: {  	_ =	shalt  }
0x5d: {  	_ =	shalt  }
0x5e: {  	_ =	shalt  }
0x5f: {  	_ =	shalt  }
0x60: {  	_ =	shalt  }
0x61: {  	_ =	shalt  }
0x62: {  	_ =	shalt  }
0x63: {  	_ =	shalt  }
0x64: {  	_ =	shalt  }
0x65: {  	_ =	shalt  }
0x66: {  	_ =	shalt  }
0x67: {  	_ =	shalt  }
0x68: {  	_ =	shalt  }
0x69: {  	_ =	shalt  }
0x6a: {  	_ =	shalt  }
0x6b: {  	_ =	shalt  }
0x6c: {  	_ =	shalt  }
0x6d: {  	_ =	shalt  }
0x6e: {  	_ =	shalt  }
0x6f: {  	_ =	shalt  }
0x70: {  	_ =	shalt  }
0x71: {  	_ =	shalt  }
0x72: {  	_ =	shalt  }
0x73: {  	_ =	shalt  }
0x74: {  	_ =	shalt  }
0x75: {  	_ =	shalt  }
0x76: {  	_ =	shalt  }
0x77: {  	_ =	shalt  }
0x78: {  	_ =	shalt  }
0x79: {  	_ =	shalt  }
0x7a: {  	_ =	shalt  }
0x7b: {  	_ =	shalt  }
0x7c: {  	_ =	shalt  }
0x7d: {  	_ =	shalt  }
0x7e: {  	_ =	shalt  }
0x7f: {  	_ =	shalt  }
0x80: {  	_ =	shalt  }
0x81: {  	_ =	shalt  }
0x82: {  	_ =	shalt  }
0x83: {  	_ =	shalt  }
0x84: {  	_ =	shalt  }
0x85: {  	_ =	shalt  }
0x86: {  	_ =	shalt  }
0x87: {  	_ =	shalt  }
.Lfunc_end0:
.L_simem_size_0:
called_computation_lowered:
.L_overlay_start_0:
0x88: {  	s2 =	sld [smem:$0x3FD9]  }
0x89: {  	s3 =	sld [smem:$0x3FFE];
	_ =	sdelay $0x1  }
0x8a: {  	s1 =	srdreg.scid  }
0x8b: {  	s0 =	sand.u32 $0x1, s1  }
0x8c: {  	s17 =	sshll.u32 s0, $0xA;
	s2 =	sadd.s32 s3, s2  }
0x8d: {  	s2 =	sadd.s32 s2, s17  }
0x8e: {  	[smem:$0x3FBD] =	sst s2  }
0x8f: {  	_ = 	snop  }
0x90: {  	(tm) =	ssettm $0x1  }
0x91: {  	s18 =	sld [smem:$0x3FFB];
	_ =	sdelay $0x3  }
0x92: {  	_ =	strace s18  }
0x93: {  	s2 =	sld [smem:$0x3FFC];
	_ =	sdelay $0x3  }
0x94: {  	_ =	strace s2  }
0x95: {  	s2 =	sld [smem:$0x3FFD];
	_ =	sdelay $0x3  }
0x96: {  	_ =	strace s2  }
0x97: {  	_ =	strace $0x8FFFFFFF  }
0x98: {  	s19 =	sld [smem:$0x3FDB];
	_ =	sdelay $0x1  }
0x99: {  	s20 =	simm.s32 $_scs_section_size  }
0x9a: {  	s4 =	simm.s32 $_size__tile_overlayer_lowered;
	s5 =	simm.s32 $_tile_overlayer_lowered  }
0x9b: {  	s6 =	simm.s32 $0x1BFF;
	s21 =	sshll.u32 s5, $0x1;
	s3 =	sadd.s32 s20, s19  }
0x9c: {  	s22 =	simm.s32 $0x0;
	s4 =	sshll.u32 s4, $0x1;
	s5 =	sadd.s32 s21, s3  }
0x9d: {  	[timem:s22], [sflag:s6] =	dma.local [hbm:s5], s4  }
0x9e: {  	_ =	swait.ge [sflag:s6], s4  }
0x9f: {  	s4 =	ssub.s32 $0x0, s4;
	[sflag:s6] =	ssyncset.done $0x0  }
0xa0: {  	[sflag:s6] =	ssyncadd.s32 s4;
	_ =	sdelay $0x1  }
0xa1: {  	s23 =	simm.s32 $0x1B8B  }
0xa2: {  	_ =	swait.ge [sflag:s23], $0x1  }
0xa3: {  	[sflag:s23] =	ssyncset.done $0x0  }
0xa4: {  	[sflag:s23] =	ssyncadd.s32 $0xFFFFFFFF  }
0xa5: {  	s4 =	sld [smem:$0x0]  }
0xa6: {  	s5 =	sand.u32 $0xFFFFFFFE, s1  }
0xa7: {  	p0 =	sne.s32 s1, s5  }
0xa8: {  	s5 =	sshll.u32 @p0 s5, $0xE  }
0xa9: {  	s5 =	sadd.s32 @p0 $0x11B8D, s5;
	s6 =	sshll.u32 @p0 s4, $0x11  }
0xaa: {  	s5 =	sor.u32 @p0 s6, s5  }
0xab: {  	[sflag:s5] =	ssyncadd.remote.s32 @p0 $0x1;
	_ =	sdelay $0x1  }
0xac: {  	s5 =	simm.s32 @p0 $0x1B8D  }
0xad: {  	_ =	swait.eq @p0 [sflag:s5], $0x1  }
0xae: {  	[sflag:s5] =	ssyncadd.s32 @p0 $0xFFFFFFFF  }
0xaf: {  	s6 =	sshll.u32 @!p0 s1, $0xE  }
0xb0: {  	s6 =	sor.u32 @!p0 $0x4000, s6;
	s5 =	simm.s32 @!p0 $0x1B8D  }
0xb1: {  	s4 =	sshll.u32 @!p0 s4, $0x11;
	s6 =	sadd.s32 @!p0 $0x11B8D, s6;
	_ =	swait.eq @!p0 [sflag:s5], $0x1  }
0xb2: {  	s4 =	sor.u32 @!p0 s4, s6;
	[sflag:s5] =	ssyncadd.s32 @!p0 $0xFFFFFFFF  }
0xb3: {  	s25 =	simm.s32 $0x1B8E;
	s24 =	sld [smem:$0x3FFE];
	[sflag:s4] =	ssyncadd.remote.s32 @!p0 $0x1  }
0xb4: {  	s26 =	simm.s32 $execute0_lowered;
	[smem:$0x3FD2] =	sst s25  }
0xb5: {  	s5 =	sshll.u32 s26, $0x1;
	_ =	strace $0x8000004C;
	[dreg:$0x1] =	wrdreg $0xFFFFFFFF  }
0xb6: {  	s28 =	simm.s32 $_size_execute0_lowered;
	s3 =	sadd.s32 s3, s5;
	[dreg:$0x0] =	wrdreg $0x0  }
0xb7: {  	s5 =	sshll.u32 s28, $0x1;
	[dreg:$0x2] =	wrdreg s3  }
0xb8: {  	[dreg:$0x3] =	wrdreg s5  }
0xb9: {  	[dreg:$0x4] =	wrdreg $0xC0  }
0xba: {  	_ =	task [dreg:s22], $0x5FFFF  }
0xbb: {  	[dreg:$0x1] =	wrdreg $0xFFFFFFFF  }
0xbc: {  	[dreg:$0x0] =	wrdreg $0x60  }
0xbd: {  	[dreg:$0x2] =	wrdreg s24  }
0xbe: {  	[dreg:$0x3] =	wrdreg $0x9  }
0xbf: {  	_ =	task.clear_ibuf [dreg:s22], $0x4FFFF;
	_ =	strace $0x9000004C  }
0xc0: {  	s29 =	simm.s32 $0x9;
	_ =	strace $0x8000004E  }
0xc1: {  	_ =	swait.ge [sflag:s29], $0x1  }
0xc2: {  	[sflag:s29] =	ssyncadd.s32 $0xFFFFFFFF  }
0xc3: {  	_ =	strace $0x9000004E  }
0xc4: {  	_ =	sfence  }
0xc5: {  	s30 =	sld [smem:$0x0];
	_ =	sdelay $0x2  }
0xc6: {  	s31 =	sshll.u32 s1, $0xD;
	s1 =	sshrl.u32 s1, $0x2  }
0xc7: {  	s4 =	sand.u32 $0x4000, s31;
	s1 =	sadd.s32 s1, s30  }
0xc8: {  	s0 =	sor.u32 s4, s0;
	s1 =	sshll.u32 s1, $0x11  }
0xc9: {  	s0 =	sor.u32 s1, s0  }
0xca: {  	s0 =	sadd.s32 $0x8F2B, s0  }
0xcb: {  	[sflag:s0] =	ssyncadd.remote.s32 $0x1  }
0xcc: {  	_ =	sfence.sel $0xFFFF  }
0xcd: {  	[dreg:$0x0] =	wrdreg $0xFFFFFFFF;
	(pc) =	sbr.abs _section_cstart, $3  }
0xce: {  	[dreg:$0x1] =	wrdreg $0xFFFFFFFF  }
0xcf: {  	_ =	task.clear_ibuf [dreg:s22], $0x2FFFF;
	_ =	strace $0x9FFFFFFF  }
0xd0: {  	(tm) =	ssettm $0x7FFFFFFF  }
0xd1: {  	_ =	shalt  }
tec
execute0_lowered:
.L_overlay_start_1:
0x0: {  	(tag) =	ssettag $0x1  }
0x1: {  	s0 =	srdreg.scid  }
0x2: {  	s1 =	sshll.u32 s0, $0x4  }
0x3: {  	s0 =	stileid.u32;
	s1 =	sand.u32 $0x10, s1  }
0x4: {  	s1 =	sor.u32 s0, s1  }
0x5: {  	s7 =	rddreg [dreg:$0x0];
	s2 =	smin.u32 s1, $0x1E;
	s3 =	sshll.u32 s1, $0x6  }
0x6: {  	p0 =	slt.u32 s1, $0x1E;
	s1 =	simm.s32 $0x50;
	s2 =	sshll.u32 s2, $0x4  }
0x7: {  	s8 =	simm.s32 $0x1;
	s1 =	simm.s32 @!p0 $0x40;
	s2 =	sadd.s32 s3, s2  }
0x8: {  	s30 =	simm.s32 $0x2;
	s31 =	simm.s32 $0x3;
	s3 =	sadd.s32 s1, s2  }
0x9: {  	s12 =	simm.s32 $0x0;
	s9 =	simm.s32 $0x0;
	s3 =	smin.u32 s3, $0x9E0  }
0xa: {  	s10 =	simm.s32 $0x0;
	s4 =	sadd.s32 $0x6000, s7;
	s6 =	ssub.s32 s3, s2  }
0xb: {  	s1 =	rddreg [dreg:$0x1];
	_ =	strace $0x8000004D;
	p0 =	sgt.s32 s6, $0x0  }
0xc: {  	s5 =	sadd.s32 $0x72800, s7;
	[sflag:s8] =	ssyncpa.u1 $0x0;
	s6 =	simm.s32 @!p0 $0x0  }
0xd: {  	s7 =	sadd.s32 $0x72A00, s7;
	[sflag:s30] =	ssyncpa.u1 $0x0;
	s6 =	sshrl.u32 s6, $0x4  }
0xe: {  	s11 =	smov.u32 s2;
	[sflag:s31] =	ssyncpa.u1 $0x0;
	s8 =	sadd.s32 $0x1, s6  }
.LBB2_1:
0xf: {  	p0 =	sge.u32 s10, s6  }
0x10: {  	s31 =	sadd.s32 $0xFFFFFFFF, s10;
	s13 =	sxor.u32 @!p0 $0xFFFFFFFF, s9;
	s14 =	sshrl.u32 @!p0 s11, $0x3  }
0x11: {  	s15 =	sand.u32 @!p0 $0x7, s11;
	s13 =	sand.u32 @!p0 $0x10, s13;
	s14 =	sadd.s32 @!p0 s5, s14  }
0x12: {  	[tilespmem:s13], [sflag:$0x2] =	stream.linear.gather @!p0 [hbm4b:s14+s15], $0x10, $0x38;
	[tilespmem:$0x1020] =	vst v63  }
0x13: {  	p0 =	sge.u32 s31, s6  }
0x14: {  	s13 =	simm.s32 @!p0 $0x2  }
0x15: {  	_ =	swait.ge @!p0 [sflag:s13], $0x10  }
0x16: {  	s14 =	sand.u32 @!p0 $0x1, s10;
	[sflag:s13] =	ssyncset.done @!p0 $0x0  }
0x17: {  	[sflag:s13] =	ssyncadd.s32 @!p0 $0xFFFFFFF0;
	s13 =	sshll.u32 @!p0 s14, $0x4  }
0x18: {  	v0 =	vld.msk @!p0 [tilespmem:s13+$0x0 ss:$0x1], $0xffff;
	_ =	sdelay $0x4  }
0x19: {  	vm0 =	vgt.s32 @!p0 v0, $0x0  }
0x1a: {  	v0 =	vnsel @!p0 vm0, $0x0, v0  }
0x1b: {  	v0 =	vmin.u32 @!p0 v0, $0x1387  }
0x1c: {  	v0 =	vshll.u32 @!p0 v0, $0x4;
	_ =	sdelay $0x2  }
0x1d: {  	s13 =	sshll.u32 @!p0 s14, $0xB  }
0x1e: {  	s14 =	sor.u32 @!p0 $0x20, s13;
	vm0 =	vmmov @!p0 $0xff  }
0x1f: {  	[tilespmem:s14], [sflag:$0x1] =	stream.indirect_vreg.gather @!p0 [hbm:s4], $0x80, v0, vm0, $0x38;
	[tilespmem:$0x1020] =	vst v63  }
0x20: {  	s15 =	simm.s32 @!p0 $0x1;
	s13 =	sor.u32 @!p0 $0x420, s13;
	vm0 =	vcmask @!p0 $0x3F20  }
0x21: {  	[tilespmem:s13], [sflag:$0x1] =	stream.indirect_vreg.gather @!p0 [hbm:s4], $0x80, v0, vm0, $0x38;
	[tilespmem:$0x1020] =	vst v63  }
0x22: {  	_ =	swait.ge @!p0 [sflag:s15], $0x800  }
0x23: {  	s12 =	sshll.u32 @!p0 s12, $0x4;
	[sflag:s15] =	ssyncset.done @!p0 $0x0  }
0x24: {  	s12 =	sadd.s32 @!p0 s7, s12;
	[sflag:s15] =	ssyncadd.s32 @!p0 $0xFFFFF800  }
0x25: {  	[hbm:s12] =	stream.linear.scatter @!p0 [tilespmem:s14], [sflag:$0x3], $0x400, $0x38;
	[tilespmem:$0x1020] =	vst v63  }
0x26: {  	s12 =	sadd.s32 @!p0 $0x80, s12  }
0x27: {  	[hbm:s12] =	stream.linear.scatter @!p0 [tilespmem:s13], [sflag:$0x3], $0x400, $0x38;
	[tilespmem:$0x1020] =	vst v63  }
0x28: {  	s12 =	sadd.s32 $0x10, s11  }
0x29: {  	s14 =	smov.u32 s2;
	p1 =	slt.s32 s12, s3  }
0x2a: {  	s14 =	smov.u32 @p1 s12;
	p1 =	sne.s32 s10, s8  }
.Ltmp0:
0x2b: {  	p0 =	slt.u32 s10, $0x2;
	(pc) =	sbr.rel @p1 .LBB2_1-.Ltmp0, $4  }
0x2c: {  	s13 =	simm.s32 @!p0 $0x3  }
0x2d: {  	_ =	swait.ge @!p0 [sflag:s13], $0x800  }
0x2e: {  	s9 =	sadd.s32 $0x10, s9;
	s12 =	smov.u32 s11;
	[sflag:s13] =	ssyncset.done @!p0 $0x0  }
0x2f: {  	s10 =	sadd.s32 $0x1, s10;
	s11 =	smov.u32 s14;
	[sflag:s13] =	ssyncadd.s32 @!p0 $0xFFFFF800  }
0x30: {  	_ =	sfence.sel $0x180000  }
0x31: {  	s2 =	simm.s32 $0x2;
	[bflag:$0x0] =	sbarrier.arrive $0xFFFF  }
0x32: {  	s30 =	simm.s32 $0x3;
	[sflag:s2] =	ssyncpa.u1 $0x1  }
0x33: {  	s31 =	simm.s32 $0x1;
	[sflag:s30] =	ssyncpa.u1 $0x1  }
0x34: {  	[sflag:s31] =	ssyncpa.u1 $0x1  }
0x35: {  	p0 =	sne.s32 s0, $0x0;
	_ =	strace $0x9000004D  }
0x36: {  	s0 =	sadd.s32 @!p0 $0x100000, s1;
	[bflag:$0x2] =	sbarrier.arrive $0xFFFF  }
0x37: {  	[sflag:s0] =	ssyncadd.tile.s32 @!p0 $0x1;
	_ =	shalt  }
.Lfunc_end2:
_tile_overlayer_lowered:
.L_overlay_start_2:
0x38: {  	(tag) =	ssettag $0x2  }
0x39: {  	s0 =	rddreg [dreg:$0x0];
	s2 =	stileid.u32  }
0x3a: {  	s1 =	rddreg [dreg:$0x1];
	p0 =	sne.s32 s2, $0x0  }
0x3b: {  	s3 =	rddreg [dreg:$0x2];
	[bflag:$0x3] =	sbarrier.arrive $0xFFFF;
	s2 =	simm.s32 @!p0 $0x1C01  }
0x3c: {  	[timem:s3], [sflag:s2] =	dma.local @!p0 [hbm:s0], s1  }
0x3d: {  	s0 =	simm.s32 @!p0 $0x1  }
0x3e: {  	_ =	swait.ge @!p0 [sflag:s0], s1  }
0x3f: {  	s1 =	ssub.s32 @!p0 $0x0, s1;
	[sflag:s0] =	ssyncset.done @!p0 $0x0  }
0x40: {  	[sflag:s0] =	ssyncadd.s32 @!p0 s1  }
0x41: {  	[bflag:$0x3] =	sbarrier.arrive $0xFFFF  }
0x42: {  	_ =	shalt  }

// kernel: kernel.13.cloned.1.call-start
scs
__scs_entry_jumppad:
0x0: {  	(pc) =	sbr.rel $0x88, $3  }
0x1: {  	(tag) =	ssettag $0x0;
	lr =	simm.s32 $0x1  }
0x2: {  	[smem:$0x3F96] =	sst lr;
	_ =	strace $0xD0000000  }
0x3: {  	_ = 	snop  }
0x4: {  	_ = 	snop  }
0x5: {  	_ = 	snop  }
0x6: {  	_ = 	snop  }
0x7: {  	_ = 	snop  }
__scs_overlays_trampoline_lowered:
0x8: {  	[smem:$0x3FA5] =	sst s0  }
0x9: {  	[smem:$0x3FA6] =	sst s1  }
0xa: {  	[smem:$0x3FA7] =	sst s2  }
0xb: {  	[smem:$0x3FA8] =	sst s3  }
0xc: {  	[smem:$0x3FA9] =	sst s4  }
0xd: {  	[smem:$0x3FAA] =	sst s5  }
0xe: {  	[smem:$0x3FAB] =	sst s6  }
0xf: {  	[smem:$0x3FAC] =	sst s7  }
0x10: {  	[smem:$0x3FAD] =	sst s8  }
0x11: {  	[smem:$0x3FAE] =	sst s9;
	s0 =	simm.s32 @!p0 $0x0  }
0x12: {  	s1 =	sld [smem:$0x3F94];
	s0 =	simm.s32 @p0 $0x1  }
0x13: {  	[smem:$0x3FAF] =	sst s0;
	s0 =	simm.s32 @!p1 $0x0  }
0x14: {  	s2 =	sld [smem:$0x3F93];
	s0 =	simm.s32 @p1 $0x1  }
0x15: {  	[smem:$0x3FB0] =	sst s0;
	s0 =	simm.s32 @!p2 $0x0  }
0x16: {  	s3 =	sld [smem:$0x3FDB];
	s0 =	simm.s32 @p2 $0x1  }
0x17: {  	s4 =	simm.s32 $0x1BF5;
	[smem:$0x3FB2] =	sst s0  }
0x18: {  	s0 =	sld [smem:$0x3F95];
	_ =	swait.ge [sflag:s4], $0x0  }
0x19: {  	s7 =	sld [smem:$0x3F96]  }
0x1a: {  	s8 =	sadd.s32 $0xFFFFE003, lr  }
0x1b: {  	s9 =	sadd.s32 $0xFFFFFEF7, lr;
	s5 =	simm.s32 $0xFFFFFFFF;
	p2 =	slt.u32 s8, $0xFFFFF086  }
0x1c: {  	p1 =	slt.u32 s9, $0xF7A;
	s5 =	simm.s32 @!p2 $0x0  }
0x1d: {  	s5 =	simm.s32 @p1 $0x1;
	p0 =	seq.s32 s7, s2  }
0x1e: {  	s7 =	smul.u32 @!p0 $0xF7A, s2;
	p2 =	seq.s32 @!p0 s5, $0x0  }
0x1f: {  	s9 =	smul.u32 $0xF7A, s1;
	s8 =	simm.s32 @!p0 $0x1BF5;
	p2 =	por !p2, p0  }
0x20: {  	[sflag:s8] =	ssyncset.s32 @!p0 $0xFFFFF086;
	s6 =	sadd.s32 @!p0 s3, s7;
	s7 =	simm.s32 @!p0 $0x108  }
0x21: {  	s3 =	sadd.s32 s3, s9;
	s6 =	sadd.s32 @!p0 $0x88, s6;
	s7 =	simm.s32 @p2 $0x1082  }
0x22: {  	[simem:s7], [sflag:s8] =	dma.local @!p0 [hbm:s6], $0xF7A  }
0x23: {  	s9 =	sor.u32 $0xD0000000, s2;
	s6 =	simm.s32 $0x108;
	_ =	swait.ge @!p0 [sflag:s8], $0x0  }
0x24: {  	s3 =	sadd.s32 $0x88, s3;
	s6 =	simm.s32 @!p1 $0x1082;
	[sflag:s4] =	ssyncset.s32 $0xFFFFF086  }
0x25: {  	[simem:s6], [sflag:s4] =	dma.local [hbm:s3], $0xF7A  }
0x26: {  	[smem:$0x3F96] =	sst s1;
	(tag) =	ssettag s2;
	_ =	strace s9  }
0x27: {  	s1 =	sld [smem:$0x3FA6]  }
0x28: {  	s2 =	sld [smem:$0x3FA7]  }
0x29: {  	s4 =	sld [smem:$0x3FA9]  }
0x2a: {  	p0 =	seq.s32 s5, $0x0;
	s5 =	sld [smem:$0x3FAA]  }
0x2b: {  	s6 =	sld [smem:$0x3FAB]  }
0x2c: {  	s7 =	sld [smem:$0x3FAC]  }
0x2d: {  	s3 =	simm.s32 $0x108;
	s8 =	sld [smem:$0x3FAD]  }
0x2e: {  	s3 =	simm.s32 @!p0 $0x1082;
	s9 =	sld [smem:$0x3FAE]  }
0x2f: {  	lr =	sadd.s32 s0, s3;
	s0 =	sld [smem:$0x3FA5]  }
0x30: {  	s3 =	sld [smem:$0x3FA8]  }
0x31: {  	[smem:$0x3FB1] =	sst s10  }
0x32: {  	s10 =	sld [smem:$0x3FAF];
	_ =	sdelay $0x3  }
0x33: {  	p0 =	seq.s32 s10, $0x1;
	s10 =	sld [smem:$0x3FB1];
	_ =	sdelay $0x3  }
0x34: {  	[smem:$0x3FB1] =	sst s10  }
0x35: {  	s10 =	sld [smem:$0x3FB0];
	_ =	sdelay $0x3  }
0x36: {  	p1 =	seq.s32 s10, $0x1;
	s10 =	sld [smem:$0x3FB1];
	_ =	sdelay $0x3  }
0x37: {  	[smem:$0x3FB1] =	sst s10  }
0x38: {  	s10 =	sld [smem:$0x3FB2]  }
0x39: {  	_ = 	snop;
	(pc) =	sbr.ind lr, $3  }
0x3a: {  	_ = 	snop  }
0x3b: {  	_ = 	snop  }
0x3c: {  	p2 =	seq.s32 s10, $0x1;
	s10 =	sld [smem:$0x3FB1]  }
0x3d: {  	_ =	shalt  }
0x3e: {  	_ =	shalt  }
0x3f: {  	_ =	shalt  }
0x40: {  	_ =	shalt  }
0x41: {  	_ =	shalt  }
0x42: {  	_ =	shalt  }
0x43: {  	_ =	shalt  }
0x44: {  	_ =	shalt  }
0x45: {  	_ =	shalt  }
0x46: {  	_ =	shalt  }
0x47: {  	_ =	shalt  }
0x48: {  	_ =	shalt  }
0x49: {  	_ =	shalt  }
0x4a: {  	_ =	shalt  }
0x4b: {  	_ =	shalt  }
0x4c: {  	_ =	shalt  }
0x4d: {  	_ =	shalt  }
0x4e: {  	_ =	shalt  }
0x4f: {  	_ =	shalt  }
0x50: {  	_ =	shalt  }
0x51: {  	_ =	shalt  }
0x52: {  	_ =	shalt  }
0x53: {  	_ =	shalt  }
0x54: {  	_ =	shalt  }
0x55: {  	_ =	shalt  }
0x56: {  	_ =	shalt  }
0x57: {  	_ =	shalt  }
0x58: {  	_ =	shalt  }
0x59: {  	_ =	shalt  }
0x5a: {  	_ =	shalt  }
0x5b: {  	_ =	shalt  }
0x5c: {  	_ =	shalt  }
0x5d: {  	_ =	shalt  }
0x5e: {  	_ =	shalt  }
0x5f: {  	_ =	shalt  }
0x60: {  	_ =	shalt  }
0x61: {  	_ =	shalt  }
0x62: {  	_ =	shalt  }
0x63: {  	_ =	shalt  }
0x64: {  	_ =	shalt  }
0x65: {  	_ =	shalt  }
0x66: {  	_ =	shalt  }
0x67: {  	_ =	shalt  }
0x68: {  	_ =	shalt  }
0x69: {  	_ =	shalt  }
0x6a: {  	_ =	shalt  }
0x6b: {  	_ =	shalt  }
0x6c: {  	_ =	shalt  }
0x6d: {  	_ =	shalt  }
0x6e: {  	_ =	shalt  }
0x6f: {  	_ =	shalt  }
0x70: {  	_ =	shalt  }
0x71: {  	_ =	shalt  }
0x72: {  	_ =	shalt  }
0x73: {  	_ =	shalt  }
0x74: {  	_ =	shalt  }
0x75: {  	_ =	shalt  }
0x76: {  	_ =	shalt  }
0x77: {  	_ =	shalt  }
0x78: {  	_ =	shalt  }
0x79: {  	_ =	shalt  }
0x7a: {  	_ =	shalt  }
0x7b: {  	_ =	shalt  }
0x7c: {  	_ =	shalt  }
0x7d: {  	_ =	shalt  }
0x7e: {  	_ =	shalt  }
0x7f: {  	_ =	shalt  }
0x80: {  	_ =	shalt  }
0x81: {  	_ =	shalt  }
0x82: {  	_ =	shalt  }
0x83: {  	_ =	shalt  }
0x84: {  	_ =	shalt  }
0x85: {  	_ =	shalt  }
0x86: {  	_ =	shalt  }
0x87: {  	_ =	shalt  }
.Lfunc_end0:
.L_simem_size_0:
called_computation.3_lowered:
.L_overlay_start_0:
0x88: {  	s2 =	sld [smem:$0x3FD9]  }
0x89: {  	s3 =	sld [smem:$0x3FFE];
	_ =	sdelay $0x1  }
0x8a: {  	s1 =	srdreg.scid  }
0x8b: {  	s0 =	sand.u32 $0x1, s1  }
0x8c: {  	s15 =	sshll.u32 s0, $0xA;
	s2 =	sadd.s32 s3, s2  }
0x8d: {  	s2 =	sadd.s32 s2, s15  }
0x8e: {  	[smem:$0x3FBD] =	sst s2  }
0x8f: {  	_ = 	snop  }
0x90: {  	s2 =	sld [smem:$0x3FD0];
	_ =	sdelay $0x2  }
0x91: {  	s16 =	simm.s32 $0xE;
	s4 =	simm.s32 $0x10  }
0x92: {  	[smem:s4], [sflag:s16] =	dma.local [hbm:s2], $0x1  }
0x93: {  	_ =	swait.eq [sflag:s16], $0x1  }
0x94: {  	[sflag:s16] =	ssyncset.done $0x0  }
0x95: {  	[sflag:s16] =	ssyncadd.s32 $0xFFFFFFFF  }
0x96: {  	s17 =	sld [smem:$0x11];
	(tm) =	ssettm $0x1  }
0x97: {  	s18 =	sld [smem:$0x3FFB];
	_ =	sdelay $0x3  }
0x98: {  	_ =	strace s18  }
0x99: {  	s2 =	sld [smem:$0x3FFC];
	_ =	sdelay $0x3  }
0x9a: {  	_ =	strace s2  }
0x9b: {  	s2 =	sld [smem:$0x3FFD];
	_ =	sdelay $0x3  }
0x9c: {  	_ =	strace s2  }
0x9d: {  	_ =	strace $0x8FFFFFFF  }
0x9e: {  	s19 =	sld [smem:$0x3FDB];
	_ =	sdelay $0x1  }
0x9f: {  	s20 =	simm.s32 $_scs_section_size  }
0xa0: {  	s5 =	simm.s32 $_size__tile_overlayer_lowered;
	s6 =	simm.s32 $_tile_overlayer_lowered  }
0xa1: {  	s7 =	simm.s32 $0x1BFF;
	s21 =	sshll.u32 s6, $0x1;
	s4 =	sadd.s32 s20, s19  }
0xa2: {  	s22 =	simm.s32 $0x0;
	s5 =	sshll.u32 s5, $0x1;
	s6 =	sadd.s32 s21, s4  }
0xa3: {  	[timem:s22], [sflag:s7] =	dma.local [hbm:s6], s5  }
0xa4: {  	_ =	swait.ge [sflag:s7], s5  }
0xa5: {  	s5 =	ssub.s32 $0x0, s5;
	[sflag:s7] =	ssyncset.done $0x0  }
0xa6: {  	[sflag:s7] =	ssyncadd.s32 s5;
	_ =	sdelay $0x1  }
0xa7: {  	s23 =	simm.s32 $0x1B8B  }
0xa8: {  	_ =	swait.ge [sflag:s23], $0x1  }
0xa9: {  	[sflag:s23] =	ssyncset.done $0x0  }
0xaa: {  	[sflag:s23] =	ssyncadd.s32 $0xFFFFFFFF  }
0xab: {  	s5 =	sld [smem:$0x0]  }
0xac: {  	s6 =	sand.u32 $0xFFFFFFFE, s1  }
0xad: {  	p0 =	sne.s32 s1, s6  }
0xae: {  	s6 =	sshll.u32 @p0 s6, $0xE  }
0xaf: {  	s6 =	sadd.s32 @p0 $0x11B8D, s6;
	s7 =	sshll.u32 @p0 s5, $0x11  }
0xb0: {  	s6 =	sor.u32 @p0 s7, s6  }
0xb1: {  	[sflag:s6] =	ssyncadd.remote.s32 @p0 $0x1;
	_ =	sdelay $0x1  }
0xb2: {  	s6 =	simm.s32 @p0 $0x1B8D  }
0xb3: {  	_ =	swait.eq @p0 [sflag:s6], $0x1  }
0xb4: {  	[sflag:s6] =	ssyncadd.s32 @p0 $0xFFFFFFFF  }
0xb5: {  	s7 =	sshll.u32 @!p0 s1, $0xE  }
0xb6: {  	s7 =	sor.u32 @!p0 $0x4000, s7;
	s6 =	simm.s32 @!p0 $0x1B8D  }
0xb7: {  	s5 =	sshll.u32 @!p0 s5, $0x11;
	s7 =	sadd.s32 @!p0 $0x11B8D, s7;
	_ =	swait.eq @!p0 [sflag:s6], $0x1  }
0xb8: {  	s5 =	sor.u32 @!p0 s5, s7;
	[sflag:s6] =	ssyncadd.s32 @!p0 $0xFFFFFFFF  }
0xb9: {  	s25 =	simm.s32 $0x1B8E;
	s24 =	sld [smem:$0x3FFE];
	[sflag:s5] =	ssyncadd.remote.s32 @!p0 $0x1  }
0xba: {  	s26 =	simm.s32 $execute0_lowered;
	[smem:$0x3FD2] =	sst s25  }
0xbb: {  	s6 =	sshll.u32 s26, $0x1;
	_ =	strace $0x80000058;
	[dreg:$0x1] =	wrdreg $0xFFFFFFFF  }
0xbc: {  	s28 =	simm.s32 $_size_execute0_lowered;
	s4 =	sadd.s32 s4, s6;
	[dreg:$0x0] =	wrdreg $0x0  }
0xbd: {  	s6 =	sshll.u32 s28, $0x1;
	[dreg:$0x2] =	wrdreg s4  }
0xbe: {  	[dreg:$0x3] =	wrdreg s6  }
0xbf: {  	[dreg:$0x4] =	wrdreg $0xC0  }
0xc0: {  	_ =	task [dreg:s22], $0x5FFFF  }
0xc1: {  	[dreg:$0x1] =	wrdreg $0xFFFFFFFF  }
0xc2: {  	[dreg:$0x0] =	wrdreg $0x60  }
0xc3: {  	[dreg:$0x2] =	wrdreg s24  }
0xc4: {  	[dreg:$0x3] =	wrdreg s17  }
0xc5: {  	[dreg:$0x4] =	wrdreg $0x118800  }
0xc6: {  	[dreg:$0x5] =	wrdreg $0x158800  }
0xc7: {  	[dreg:$0x6] =	wrdreg $0xA  }
0xc8: {  	_ =	task.clear_ibuf [dreg:s22], $0x7FFFF;
	_ =	strace $0x90000058  }
0xc9: {  	s29 =	simm.s32 $0xA;
	_ =	strace $0x8000005A  }
0xca: {  	_ =	swait.ge [sflag:s29], $0x1  }
0xcb: {  	[sflag:s29] =	ssyncadd.s32 $0xFFFFFFFF  }
0xcc: {  	_ =	strace $0x9000005A  }
0xcd: {  	_ =	sfence  }
0xce: {  	s30 =	sld [smem:$0x0];
	_ =	sdelay $0x2  }
0xcf: {  	s31 =	sshll.u32 s1, $0xD;
	s1 =	sshrl.u32 s1, $0x2  }
0xd0: {  	s4 =	sand.u32 $0x4000, s31;
	s1 =	sadd.s32 s1, s30  }
0xd1: {  	s0 =	sor.u32 s4, s0;
	s1 =	sshll.u32 s1, $0x11  }
0xd2: {  	s0 =	sor.u32 s1, s0  }
0xd3: {  	s0 =	sadd.s32 $0x8F2B, s0  }
0xd4: {  	[sflag:s0] =	ssyncadd.remote.s32 $0x1  }
0xd5: {  	_ =	sfence.sel $0xFFFF  }
0xd6: {  	[dreg:$0x0] =	wrdreg $0xFFFFFFFF;
	(pc) =	sbr.abs _section_cstart, $3  }
0xd7: {  	[dreg:$0x1] =	wrdreg $0xFFFFFFFF  }
0xd8: {  	_ =	task.clear_ibuf [dreg:s22], $0x2FFFF;
	_ =	strace $0x9FFFFFFF  }
0xd9: {  	(tm) =	ssettm $0x7FFFFFFF  }
tec
execute0_lowered:
.L_overlay_start_1:
0x0: {  	(tag) =	ssettag $0x1  }
0x1: {  	s1 =	rddreg [dreg:$0x0]  }
0x2: {  	s8 =	rddreg [dreg:$0x1]  }
0x3: {  	s2 =	rddreg [dreg:$0x2];
	s4 =	srdreg.scid  }
0x4: {  	s0 =	stileid.u32;
	s3 =	rddreg [dreg:$0x3];
	s16 =	simm.s32 $0x5  }
0x5: {  	s22 =	simm.s32 $0x3;
	s23 =	simm.s32 $0x4;
	s24 =	simm.s32 $0x0  }
0x6: {  	s7 =	sand.u32 $0x1, s4;
	s5 =	sshll.u32 s0, $0x1;
	s4 =	simm.s32 $0x0  }
0x7: {  	s6 =	sadd.s32 $0x24200, s1;
	s12 =	smul.u32 $0x26, s0;
	s13 =	sshll.u32 s0, $0x4  }
0x8: {  	s31 =	sshll.u32 s0, $0xE;
	s9 =	sor.u32 s7, s5;
	[smem:$0x7FF] =	sst s4  }
0x9: {  	s5 =	sadd.s32 $0x4B400, s1;
	s11 =	ssub.s32 $0x2, s7;
	s15 =	smul.u32 $0x13, s7  }
0xa: {  	s7 =	simm.s32 $0x14;
	s10 =	smul.u32 $0x180, s9;
	_ =	strace $0x80000059  }
0xb: {  	s14 =	sshrl.u32 s11, $0x1;
	p0 =	slt.u32 s9, $0x11;
	s9 =	smin.u32 s9, $0x11  }
0xc: {  	s14 =	ssub.s32 s11, s14;
	s29 =	sadd.s32 s15, s12;
	s7 =	simm.s32 @!p0 $0x13  }
0xd: {  	s11 =	sadd.s32 s31, s2;
	s10 =	sadd.s32 s10, s1;
	s1 =	sadd.s32 s13, s1  }
0xe: {  	s9 =	sadd.s32 s9, s29;
	s13 =	sadd.s32 s31, s3;
	s30 =	sadd.s32 $0x88A00, s10  }
0xf: {  	s10 =	sadd.s32 $0x7CA00, s10;
	s9 =	sshll.u32 s9, $0xB;
	[dreg:$0x5] =	wrdreg s30  }
0x10: {  	s1 =	sadd.s32 $0x7C800, s1;
	[dreg:$0x6] =	wrdreg s10;
	s12 =	sadd.s32 s9, s8  }
0x11: {  	s14 =	smax.u32 s14, $0x1;
	[dreg:$0x7] =	wrdreg s1;
	s18 =	sadd.s32 $0x800, s12  }
.LBB2_1:
0x12: {  	s1 =	rddreg [dreg:$0x5]  }
0x13: {  	[tilespmem:s4], [sflag:$0x5] =	stream.linear.gather [hbm4b:s1+s4], $0xA00, $0x38;
	[tilespmem:$0x19880] =	vst v63  }
0x14: {  	_ =	swait.ge [sflag:s16], $0xA00  }
0x15: {  	[sflag:s16] =	ssyncset.done $0x0  }
0x16: {  	s8 =	simm.s32 $0xC00;
	s19 =	rddreg [dreg:$0x6];
	[sflag:s16] =	ssyncadd.s32 $0xFFFFF600  }
0x17: {  	[tilespmem:s8], [sflag:$0x5] =	stream.linear.gather [hbm4b:s19+s4], $0xA00, $0x38;
	[tilespmem:$0x19880] =	vst v63  }
0x18: {  	_ =	swait.ge [sflag:s16], $0xA00  }
0x19: {  	[sflag:s16] =	ssyncset.done $0x0  }
0x1a: {  	s9 =	simm.s32 $0x1800;
	s20 =	rddreg [dreg:$0x7];
	[sflag:s16] =	ssyncadd.s32 $0xFFFFF600  }
0x1b: {  	[tilespmem:s9], [sflag:$0x5] =	stream.linear.gather [hbm4b:s20+s4], $0x80, $0x38;
	[tilespmem:$0x19880] =	vst v63  }
0x1c: {  	_ =	swait.ge [sflag:s16], $0x80  }
0x1d: {  	s21 =	simm.s32 $0x80;
	p1 =	sle.u32 s7, $0x0;
	[sflag:s16] =	ssyncset.done $0x0  }
0x1e: {  	s25 =	simm.s32 $0x1880;
	p0 =	por p1, p1;
	[sflag:s16] =	ssyncadd.s32 $0xFFFFFF80  }
0x1f: {  	[tilespmem:s25], [sflag:$0x1] =	stream.indirect.gather [hbm4b:s5+s21], $0x80, s4, s21, $0xb8;
	[tilespmem:$0x19880] =	vst v63  }
0x20: {  	s26 =	simm.s32 $0x5880;
	s1 =	simm.s32 @!p0 $0x1  }
0x21: {  	[tilespmem:s26], [sflag:$0x1] =	stream.indirect.gather [hbm4b:s6+s21], $0x80, s8, s21, $0xb8;
	[tilespmem:$0x19880] =	vst v63  }
0x22: {  	_ =	swait.ge @!p0 [sflag:s1], $0x4000  }
0x23: {  	p2 =	sle.u32 @!p1 s7, $0x1;
	[sflag:s1] =	ssyncset.done @!p0 $0x0  }
0x24: {  	p2 =	por p2, p2;
	[sflag:s1] =	ssyncadd.s32 @!p0 $0xFFFFC000  }
0x25: {  	p3 =	por @!p1 $0x1, $0x1;
	p2 =	por p2, p0;
	_ =	swait.ge @!p0 [sflag:s1], $0x4000  }
0x26: {  	p3 =	por p3, p3;
	s15 =	simm.s32 @!p2 $0x80;
	[sflag:s1] =	ssyncset.done @!p0 $0x0  }
0x27: {  	s9 =	simm.s32 @!p2 $0x80;
	s8 =	simm.s32 @!p2 $0x9880;
	[sflag:s1] =	ssyncadd.s32 @!p0 $0xFFFFC000  }
0x28: {  	[tilespmem:s8], [sflag:$0x2] =	stream.indirect.gather @!p2 [hbm4b:s5+s15], $0x80, s9, s15, $0xb8;
	[tilespmem:$0x19880] =	vst v63  }
0x29: {  	p3 =	por p3, p0;
	s1 =	simm.s32 @!p2 $0xC80;
	s8 =	simm.s32 @!p2 $0xD880  }
0x2a: {  	[tilespmem:s8], [sflag:$0x2] =	stream.indirect.gather @!p2 [hbm4b:s6+s15], $0x80, s1, s15, $0xb8;
	[tilespmem:$0x19880] =	vst v63  }
0x2b: {  	s1 =	simm.s32 @!p3 $0x3  }
0x2c: {  	_ =	swait.ge @!p3 [sflag:s1], $0x800  }
0x2d: {  	[sflag:s1] =	ssyncset.done @!p3 $0x0  }
0x2e: {  	s9 =	simm.s32 @!p0 $0x5;
	s8 =	simm.s32 @!p0 $0x1880;
	[sflag:s1] =	ssyncadd.s32 @!p3 $0xFFFFF800  }
0x2f: {  	[spmem:s11] =	stream.linear.scatter @!p0 [tilespmem:s8], [sflag:$0x5], $0x4000, $0x38;
	[tilespmem:$0x19880] =	vst v63  }
0x30: {  	_ =	swait.ge @!p0 [sflag:s9], $0x4000  }
0x31: {  	s15 =	simm.s32 @!p0 $0x5880;
	[sflag:s9] =	ssyncset.done @!p0 $0x0  }
0x32: {  	s1 =	simm.s32 @!p0 $0x80;
	s8 =	simm.s32 @!p0 $0x1800;
	[sflag:s9] =	ssyncadd.s32 @!p0 $0xFFFFC000  }
0x33: {  	[spmem:s2] =	stream.indirect.scatter.add.f32 @!p0 [tilespmem:s15], [sflag:$0x5], $0x80, s8, s1, $0xb8;
	[tilespmem:$0x19880] =	vst v63  }
0x34: {  	s28 =	simm.s32 $0x2;
	p3 =	sle.u32 s7, $0x1;
	_ =	swait.ge @!p0 [sflag:s9], $0x4000  }
0x35: {  	s1 =	sshll.u32 @!p1 s0, $0x6;
	s8 =	sshrl.u32 @!p0 s11, $0x3;
	[sflag:s9] =	ssyncset.done @!p0 $0x0  }
0x36: {  	s15 =	simm.s32 @!p3 $0x2;
	s1 =	sor.u32 @!p1 $0x1C03, s1;
	[sflag:s9] =	ssyncadd.s32 @!p0 $0xFFFFC000  }
0x37: {  	[hbm:s12], [sflag:s1] =	dma.local @!p0 [spmem:s8], $0x800  }
0x38: {  	s31 =	simm.s32 $0x800;
	s30 =	sadd.s32 $0x1000, s12;
	_ =	swait.ge @!p3 [sflag:s15], $0x4000  }
0x39: {  	s25 =	simm.s32 $0x400;
	s26 =	sadd.s32 $0x1000, s18;
	[sflag:s15] =	ssyncset.done @!p3 $0x0  }
0x3a: {  	p2 =	sle.u32 @!p3 s7, $0x2;
	p5 =	por @!p3 $0x1, $0x1;
	[sflag:s15] =	ssyncadd.s32 @!p3 $0xFFFFC000  }
0x3b: {  	p4 =	por p2, p3;
	p5 =	por p5, p3;
	_ =	swait.ge @!p3 [sflag:s15], $0x4000  }
0x3c: {  	p1 =	sle.u32 s7, $0x2;
	s9 =	simm.s32 @!p4 $0x100;
	[sflag:s15] =	ssyncset.done @!p3 $0x0  }
0x3d: {  	s1 =	simm.s32 @!p4 $0x1880;
	s8 =	simm.s32 @!p4 $0x80;
	[sflag:s15] =	ssyncadd.s32 @!p3 $0xFFFFC000  }
0x3e: {  	[tilespmem:s1], [sflag:$0x1] =	stream.indirect.gather @!p4 [hbm4b:s5+s8], $0x80, s9, s8, $0xb8;
	[tilespmem:$0x19880] =	vst v63  }
0x3f: {  	s15 =	simm.s32 @!p5 $0x4;
	s1 =	simm.s32 @!p4 $0x5880;
	s9 =	simm.s32 @!p4 $0xD00  }
0x40: {  	[tilespmem:s1], [sflag:$0x1] =	stream.indirect.gather @!p4 [hbm4b:s6+s8], $0x80, s9, s8, $0xb8;
	[tilespmem:$0x19880] =	vst v63  }
0x41: {  	p2 =	sle.u32 @!p1 s7, $0x3;
	p0 =	por @!p1 $0x0, $0x0;
	_ =	swait.ge @!p5 [sflag:s15], $0x800  }
0x42: {  	s1 =	sshll.u32 @!p1 s0, $0x6;
	s8 =	simm.s32 @!p3 $0x5;
	[sflag:s15] =	ssyncset.done @!p5 $0x0  }
0x43: {  	s29 =	sor.u32 @!p1 $0x1C03, s1;
	s1 =	simm.s32 @!p3 $0x9880;
	[sflag:s15] =	ssyncadd.s32 @!p5 $0xFFFFF800  }
0x44: {  	[spmem:s13] =	stream.linear.scatter @!p3 [tilespmem:s1], [sflag:$0x5], $0x4000, $0x38;
	[tilespmem:$0x19880] =	vst v63  }
0x45: {  	p4 =	por p0, p0;
	s9 =	simm.s32 @!p3 $0x1800;
	_ =	swait.ge @!p3 [sflag:s8], $0x4000  }
0x46: {  	s15 =	simm.s32 @!p3 $0xD880;
	s1 =	sshll.u32 @!p3 s0, $0x6;
	[sflag:s8] =	ssyncset.done @!p3 $0x0  }
0x47: {  	s21 =	sor.u32 @!p3 $0x1C04, s1;
	s1 =	simm.s32 @!p3 $0x80;
	[sflag:s8] =	ssyncadd.s32 @!p3 $0xFFFFC000  }
0x48: {  	[spmem:s3] =	stream.indirect.scatter.add.f32 @!p3 [tilespmem:s15], [sflag:$0x5], $0x80, s9, s1, $0xb8;
	[tilespmem:$0x19880] =	vst v63  }
0x49: {  	p0 =	por p2, p2;
	p1 =	por p1, p1;
	s1 =	simm.s32 $0x4  }
0x4a: {  	s9 =	sshrl.u32 @!p3 s13, $0x3;
	s15 =	smov.u32 s18;
	_ =	swait.ge @!p3 [sflag:s8], $0x4000  }
.LBB2_2:
0x4b: {  	p5 =	sge.u32 s1, s7;
	[sflag:s8] =	ssyncset.done @!p3 $0x0;
	s20 =	smov.u32 s31  }
0x4c: {  	p6 =	seq.s32 @!p5 s31, $0x0;
	[sflag:s8] =	ssyncadd.s32 @!p3 $0xFFFFC000;
	s31 =	sadd.s32 $0x400, s31  }
0x4d: {  	[hbm:s15], [sflag:s21] =	dma.local @!p3 [spmem:s9], $0x800  }
0x4e: {  	s10 =	simm.s32 @!p1 $0x1;
	p2 =	sne.s32 s31, $0x2C00  }
0x4f: {  	_ =	swait.ge @!p1 [sflag:s10], $0x4000;
	s9 =	simm.s32 @!p2 $0x0  }
0x50: {  	s9 =	simm.s32 @p2 $0x1;
	[sflag:s10] =	ssyncset.done @!p1 $0x0  }
0x51: {  	p0 =	por p0, p1;
	[smem:$0x7FD] =	sst s9;
	[sflag:s10] =	ssyncadd.s32 @!p1 $0xFFFFC000  }
0x52: {  	s17 =	sadd.s32 @!p5 $0x1, s1;
	s19 =	simm.s32 @!p0 $0x80;
	_ =	swait.ge @!p1 [sflag:s10], $0x4000  }
0x53: {  	p3 =	sge.u32 @!p5 s17, s7;
	s9 =	sshra.s32 @!p0 s25, $0x2;
	[sflag:s10] =	ssyncset.done @!p1 $0x0  }
0x54: {  	s17 =	simm.s32 @!p0 $0x9880;
	s21 =	sadd.s32 @!p0 $0x80, s9;
	[sflag:s10] =	ssyncadd.s32 @!p1 $0xFFFFC000  }
0x55: {  	[tilespmem:s17], [sflag:$0x2] =	stream.indirect.gather @!p0 [hbm4b:s5+s19], $0x80, s21, s19, $0xb8;
	[tilespmem:$0x19880] =	vst v63  }
0x56: {  	s9 =	sadd.s32 @!p0 $0xC80, s9;
	s10 =	simm.s32 @!p0 $0xD880  }
0x57: {  	[tilespmem:s10], [sflag:$0x2] =	stream.indirect.gather @!p0 [hbm4b:s6+s19], $0x80, s9, s19, $0xb8;
	[tilespmem:$0x19880] =	vst v63  }
0x58: {  	p0 =	por p3, p3  }
0x59: {  	s10 =	simm.s32 @!p0 $0x0  }
0x5a: {  	p4 =	por p4, p1;
	s10 =	simm.s32 @p0 $0x1  }
0x5b: {  	s9 =	simm.s32 @!p4 $0x3;
	[smem:$0x7FC] =	sst s10  }
0x5c: {  	_ =	swait.ge @!p4 [sflag:s9], $0x800  }
0x5d: {  	[sflag:s9] =	ssyncset.done @!p4 $0x0  }
0x5e: {  	s17 =	simm.s32 @!p1 $0x5;
	s10 =	simm.s32 @!p1 $0x1880;
	[sflag:s9] =	ssyncadd.s32 @!p4 $0xFFFFF800  }
0x5f: {  	[spmem:s11] =	stream.linear.scatter @!p1 [tilespmem:s10], [sflag:$0x5], $0x4000, $0x38;
	[tilespmem:$0x19880] =	vst v63  }
0x60: {  	_ =	swait.ge @!p1 [sflag:s17], $0x4000  }
0x61: {  	s8 =	sshll.u32 @!p5 s0, $0x6;
	s19 =	simm.s32 @!p1 $0x5880;
	[sflag:s17] =	ssyncset.done @!p1 $0x0  }
0x62: {  	s9 =	simm.s32 @!p1 $0x80;
	s10 =	simm.s32 @!p1 $0x1800;
	[sflag:s17] =	ssyncadd.s32 @!p1 $0xFFFFC000  }
0x63: {  	[spmem:s2] =	stream.indirect.scatter.add.f32 @!p1 [tilespmem:s19], [sflag:$0x5], $0x80, s10, s9, $0xb8;
	[tilespmem:$0x19880] =	vst v63  }
0x64: {  	s8 =	sor.u32 @!p5 $0x1C03, s8;
	s21 =	sadd.s32 $0x1, s28;
	_ =	swait.ge @!p1 [sflag:s17], $0x4000  }
0x65: {  	p3 =	sge.u32 s21, s7;
	s9 =	sshrl.u32 @!p1 s11, $0x3;
	[sflag:s17] =	ssyncset.done @!p1 $0x0  }
0x66: {  	s10 =	simm.s32 @!p3 $0x2;
	s19 =	sadd.s32 @!p3 $0x2, s28;
	[sflag:s17] =	ssyncadd.s32 @!p1 $0xFFFFC000  }
0x67: {  	[hbm:s30], [sflag:s29] =	dma.local @!p1 [spmem:s9], $0x800  }
0x68: {  	p2 =	por p6, p6;
	p0 =	sge.u32 @!p3 s19, s7;
	_ =	swait.ge @!p3 [sflag:s10], $0x4000  }
0x69: {  	p6 =	por p0, p3;
	p0 =	seq.s32 @!p3 s25, $0x0;
	[sflag:s10] =	ssyncset.done @!p3 $0x0  }
0x6a: {  	s17 =	sshll.u32 @!p3 s0, $0x6;
	s19 =	simm.s32 @!p6 $0x80;
	[sflag:s10] =	ssyncadd.s32 @!p3 $0xFFFFC000  }
0x6b: {  	p0 =	por p0, p3;
	s21 =	sor.u32 @!p3 $0x1C04, s17;
	_ =	swait.ge @!p3 [sflag:s10], $0x4000  }
0x6c: {  	s29 =	smov.u32 s8;
	s8 =	sshra.s32 @!p6 s25, $0x2;
	[sflag:s10] =	ssyncset.done @!p3 $0x0  }
0x6d: {  	s17 =	simm.s32 @!p6 $0x1880;
	[sflag:s10] =	ssyncadd.s32 @!p3 $0xFFFFC000;
	s10 =	sadd.s32 @!p6 $0x100, s8  }
0x6e: {  	[tilespmem:s17], [sflag:$0x1] =	stream.indirect.gather @!p6 [hbm4b:s5+s19], $0x80, s10, s19, $0xb8;
	[tilespmem:$0x19880] =	vst v63  }
0x6f: {  	s9 =	simm.s32 @!p6 $0x5880;
	s8 =	sadd.s32 @!p6 $0xD00, s8;
	s10 =	simm.s32 @!p0 $0x4  }
0x70: {  	[tilespmem:s9], [sflag:$0x1] =	stream.indirect.gather @!p6 [hbm4b:s6+s19], $0x80, s8, s19, $0xb8;
	[tilespmem:$0x19880] =	vst v63  }
0x71: {  	_ =	swait.ge @!p0 [sflag:s10], $0x800  }
0x72: {  	[sflag:s10] =	ssyncset.done @!p0 $0x0  }
0x73: {  	s9 =	simm.s32 @!p3 $0x9880;
	s8 =	simm.s32 @!p3 $0x5;
	[sflag:s10] =	ssyncadd.s32 @!p0 $0xFFFFF800  }
0x74: {  	[spmem:s13] =	stream.linear.scatter @!p3 [tilespmem:s9], [sflag:$0x5], $0x4000, $0x38;
	[tilespmem:$0x19880] =	vst v63  }
0x75: {  	s19 =	sld [smem:$0x7FC];
	_ =	swait.ge @!p3 [sflag:s8], $0x4000  }
0x76: {  	s17 =	simm.s32 @!p3 $0xD880;
	[sflag:s8] =	ssyncset.done @!p3 $0x0  }
0x77: {  	s10 =	simm.s32 @!p3 $0x1800;
	s9 =	simm.s32 @!p3 $0x80;
	[sflag:s8] =	ssyncadd.s32 @!p3 $0xFFFFC000  }
0x78: {  	[spmem:s3] =	stream.indirect.scatter.add.f32 @!p3 [tilespmem:s17], [sflag:$0x5], $0x80, s10, s9, $0xb8;
	[tilespmem:$0x19880] =	vst v63  }
0x79: {  	_ =	swait.ge @!p3 [sflag:s8], $0x4000  }
0x7a: {  	s25 =	smov.u32 s20;
	s20 =	sld [smem:$0x7FD];
	_ =	sdelay $0x2  }
0x7b: {  	p4 =	por p2, p2;
	p2 =	seq.s32 s20, $0x1  }
.Ltmp0:
0x7c: {  	_ = 	snop;
	(pc) =	sbr.rel @p2 .LBB2_2-.Ltmp0, $4  }
0x7d: {  	_ = 	snop  }
0x7e: {  	s15 =	smov.u32 s26;
	s26 =	sadd.s32 $0x1000, s26  }
0x7f: {  	s28 =	smov.u32 s1;
	s1 =	sadd.s32 $0x2, s1;
	p1 =	por p5, p5  }
0x80: {  	s30 =	sadd.s32 $0x1000, s30;
	p0 =	seq.s32 s19, $0x1;
	s9 =	sshrl.u32 @!p3 s13, $0x3  }
0x81: {  	[sflag:s8] =	ssyncset.done @!p3 $0x0  }
0x82: {  	s1 =	simm.s32 @!p1 $0x1;
	[sflag:s8] =	ssyncadd.s32 @!p3 $0xFFFFC000  }
0x83: {  	[hbm:s15], [sflag:s21] =	dma.local @!p3 [spmem:s9], $0x800  }
0x84: {  	_ =	swait.ge @!p1 [sflag:s1], $0x4000  }
0x85: {  	[sflag:s1] =	ssyncset.done @!p1 $0x0  }
0x86: {  	[sflag:s1] =	ssyncadd.s32 @!p1 $0xFFFFC000  }
0x87: {  	p0 =	por p0, p1;
	_ =	swait.ge @!p1 [sflag:s1], $0x4000  }
0x88: {  	s8 =	sshra.s32 @!p0 s25, $0x2;
	s9 =	simm.s32 @!p0 $0x9880;
	[sflag:s1] =	ssyncset.done @!p1 $0x0  }
0x89: {  	s10 =	sadd.s32 @!p0 $0x80, s8;
	s15 =	simm.s32 @!p0 $0x80;
	[sflag:s1] =	ssyncadd.s32 @!p1 $0xFFFFC000  }
0x8a: {  	[tilespmem:s9], [sflag:$0x2] =	stream.indirect.gather @!p0 [hbm4b:s5+s15], $0x80, s10, s15, $0xb8;
	[tilespmem:$0x19880] =	vst v63  }
0x8b: {  	p2 =	por p4, p1;
	s1 =	sadd.s32 @!p0 $0xC80, s8;
	s8 =	simm.s32 @!p0 $0xD880  }
0x8c: {  	[tilespmem:s8], [sflag:$0x2] =	stream.indirect.gather @!p0 [hbm4b:s6+s15], $0x80, s1, s15, $0xb8;
	[tilespmem:$0x19880] =	vst v63  }
0x8d: {  	s1 =	simm.s32 @!p2 $0x3  }
0x8e: {  	_ =	swait.ge @!p2 [sflag:s1], $0x800  }
0x8f: {  	[sflag:s1] =	ssyncset.done @!p2 $0x0  }
0x90: {  	s9 =	simm.s32 @!p1 $0x5;
	s8 =	simm.s32 @!p1 $0x1880;
	[sflag:s1] =	ssyncadd.s32 @!p2 $0xFFFFF800  }
0x91: {  	[spmem:s11] =	stream.linear.scatter @!p1 [tilespmem:s8], [sflag:$0x5], $0x4000, $0x38;
	[tilespmem:$0x19880] =	vst v63  }
0x92: {  	_ =	swait.ge @!p1 [sflag:s9], $0x4000  }
0x93: {  	s10 =	simm.s32 @!p1 $0x5880;
	[sflag:s9] =	ssyncset.done @!p1 $0x0  }
0x94: {  	s1 =	simm.s32 @!p1 $0x80;
	s8 =	simm.s32 @!p1 $0x1800;
	[sflag:s9] =	ssyncadd.s32 @!p1 $0xFFFFC000  }
0x95: {  	[spmem:s2] =	stream.indirect.scatter.add.f32 @!p1 [tilespmem:s10], [sflag:$0x5], $0x80, s8, s1, $0xb8;
	[tilespmem:$0x19880] =	vst v63  }
0x96: {  	s31 =	sadd.s32 $0x1, s28;
	_ =	swait.ge @!p1 [sflag:s9], $0x4000  }
0x97: {  	p0 =	sge.u32 s31, s7;
	[sflag:s9] =	ssyncset.done @!p1 $0x0  }
0x98: {  	s1 =	sshrl.u32 @!p1 s11, $0x3;
	s8 =	simm.s32 @!p0 $0x2;
	[sflag:s9] =	ssyncadd.s32 @!p1 $0xFFFFC000  }
0x99: {  	[hbm:s30], [sflag:s29] =	dma.local @!p1 [spmem:s1], $0x800  }
0x9a: {  	_ =	swait.ge @!p0 [sflag:s8], $0x4000  }
0x9b: {  	s1 =	sadd.s32 @!p0 $0x2, s28;
	[sflag:s8] =	ssyncset.done @!p0 $0x0  }
0x9c: {  	p2 =	seq.s32 @!p0 s25, $0x0;
	p1 =	sge.u32 @!p0 s1, s7;
	[sflag:s8] =	ssyncadd.s32 @!p0 $0xFFFFC000  }
0x9d: {  	p2 =	por p2, p0;
	p1 =	por p1, p0;
	_ =	swait.ge @!p0 [sflag:s8], $0x4000  }
0x9e: {  	s1 =	sshra.s32 @!p1 s25, $0x2;
	s9 =	simm.s32 @!p1 $0x1880;
	[sflag:s8] =	ssyncset.done @!p0 $0x0  }
0x9f: {  	s10 =	simm.s32 @!p1 $0x80;
	[sflag:s8] =	ssyncadd.s32 @!p0 $0xFFFFC000;
	s8 =	sadd.s32 @!p1 $0x100, s1  }
0xa0: {  	[tilespmem:s9], [sflag:$0x1] =	stream.indirect.gather @!p1 [hbm4b:s5+s10], $0x80, s8, s10, $0xb8;
	[tilespmem:$0x19880] =	vst v63  }
0xa1: {  	s1 =	sadd.s32 @!p1 $0xD00, s1;
	s8 =	simm.s32 @!p1 $0x5880;
	s9 =	simm.s32 @!p2 $0x4  }
0xa2: {  	[tilespmem:s8], [sflag:$0x1] =	stream.indirect.gather @!p1 [hbm4b:s6+s10], $0x80, s1, s10, $0xb8;
	[tilespmem:$0x19880] =	vst v63  }
0xa3: {  	_ =	swait.ge @!p2 [sflag:s9], $0x800  }
0xa4: {  	[sflag:s9] =	ssyncset.done @!p2 $0x0  }
0xa5: {  	s1 =	simm.s32 @!p0 $0x9880;
	s8 =	simm.s32 @!p0 $0x5;
	[sflag:s9] =	ssyncadd.s32 @!p2 $0xFFFFF800  }
0xa6: {  	[spmem:s13] =	stream.linear.scatter @!p0 [tilespmem:s1], [sflag:$0x5], $0x4000, $0x38;
	[tilespmem:$0x19880] =	vst v63  }
0xa7: {  	_ =	swait.ge @!p0 [sflag:s8], $0x4000  }
0xa8: {  	s10 =	simm.s32 @!p0 $0xD880;
	[sflag:s8] =	ssyncset.done @!p0 $0x0  }
0xa9: {  	s9 =	simm.s32 @!p0 $0x1800;
	s1 =	simm.s32 @!p0 $0x80;
	[sflag:s8] =	ssyncadd.s32 @!p0 $0xFFFFC000  }
0xaa: {  	[spmem:s3] =	stream.indirect.scatter.add.f32 @!p0 [tilespmem:s10], [sflag:$0x5], $0x80, s9, s1, $0xb8;
	[tilespmem:$0x19880] =	vst v63  }
0xab: {  	_ =	swait.ge @!p0 [sflag:s8], $0x4000  }
0xac: {  	s24 =	sadd.s32 $0x1, s24;
	s1 =	sshll.u32 @!p0 s0, $0x6;
	[sflag:s8] =	ssyncset.done @!p0 $0x0  }
0xad: {  	s9 =	sshrl.u32 @!p0 s13, $0x3;
	s1 =	sor.u32 @!p0 $0x1C04, s1;
	[sflag:s8] =	ssyncadd.s32 @!p0 $0xFFFFC000  }
0xae: {  	[hbm:s26], [sflag:s1] =	dma.local @!p0 [spmem:s9], $0x800  }
0xaf: {  	p0 =	sne.s32 s24, s14;
	_ =	swait.ge [sflag:s22], $0x800  }
.Ltmp1:
0xb0: {  	[sflag:s22] =	ssyncset.done $0x0;
	(pc) =	sbr.rel @p0 .LBB2_1-.Ltmp1, $4  }
0xb1: {  	[sflag:s22] =	ssyncadd.s32 $0xFFFFF800  }
0xb2: {  	_ =	swait.ge [sflag:s23], $0x800  }
0xb3: {  	[sflag:s23] =	ssyncset.done $0x0  }
0xb4: {  	[sflag:s23] =	ssyncadd.s32 $0xFFFFF800  }
0xb5: {  	_ =	sfence.sel $0x180000  }
0xb6: {  	[bflag:$0x0] =	sbarrier.arrive $0xFFFF  }
0xb7: {  	_ =	strace $0x90000059  }
0xb8: {  	[bflag:$0x2] =	sbarrier.arrive $0xFFFF  }
0xb9: {  	p0 =	sne.s32 s0, $0x0;
	s0 =	rddreg [dreg:$0x4]  }
0xba: {  	s0 =	sadd.s32 @!p0 $0x100000, s0  }
0xbb: {  	[sflag:s0] =	ssyncadd.tile.s32 @!p0 $0x1;
	_ =	shalt  }
.Lfunc_end2:
_tile_overlayer_lowered:
.L_overlay_start_2:
0xbc: {  	(tag) =	ssettag $0x2  }
0xbd: {  	s0 =	rddreg [dreg:$0x0];
	s2 =	stileid.u32  }
0xbe: {  	s1 =	rddreg [dreg:$0x1];
	p0 =	sne.s32 s2, $0x0  }
0xbf: {  	s3 =	rddreg [dreg:$0x2];
	[bflag:$0x3] =	sbarrier.arrive $0xFFFF;
	s2 =	simm.s32 @!p0 $0x1C05  }
0xc0: {  	[timem:s3], [sflag:s2] =	dma.local @!p0 [hbm:s0], s1  }
0xc1: {  	s0 =	simm.s32 @!p0 $0x5  }
0xc2: {  	_ =	swait.ge @!p0 [sflag:s0], s1  }
0xc3: {  	s1 =	ssub.s32 @!p0 $0x0, s1;
	[sflag:s0] =	ssyncset.done @!p0 $0x0  }
0xc4: {  	[sflag:s0] =	ssyncadd.s32 @!p0 s1  }
0xc5: {  	[bflag:$0x3] =	sbarrier.arrive $0xFFFF  }
0xc6: {  	_ =	shalt  }

// kernel: kernel.16.cloned.1.call-start
scs
__scs_entry_jumppad:
0x0: {  	(pc) =	sbr.rel $0x88, $3  }
0x1: {  	(tag) =	ssettag $0x0;
	lr =	simm.s32 $0x1  }
0x2: {  	[smem:$0x3F96] =	sst lr;
	_ =	strace $0xD0000000  }
0x3: {  	_ = 	snop  }
0x4: {  	_ = 	snop  }
0x5: {  	_ = 	snop  }
0x6: {  	_ = 	snop  }
0x7: {  	_ = 	snop  }
__scs_overlays_trampoline_lowered:
0x8: {  	[smem:$0x3FA5] =	sst s0  }
0x9: {  	[smem:$0x3FA6] =	sst s1  }
0xa: {  	[smem:$0x3FA7] =	sst s2  }
0xb: {  	[smem:$0x3FA8] =	sst s3  }
0xc: {  	[smem:$0x3FA9] =	sst s4  }
0xd: {  	[smem:$0x3FAA] =	sst s5  }
0xe: {  	[smem:$0x3FAB] =	sst s6  }
0xf: {  	[smem:$0x3FAC] =	sst s7  }
0x10: {  	[smem:$0x3FAD] =	sst s8  }
0x11: {  	[smem:$0x3FAE] =	sst s9;
	s0 =	simm.s32 @!p0 $0x0  }
0x12: {  	s1 =	sld [smem:$0x3F94];
	s0 =	simm.s32 @p0 $0x1  }
0x13: {  	[smem:$0x3FAF] =	sst s0;
	s0 =	simm.s32 @!p1 $0x0  }
0x14: {  	s2 =	sld [smem:$0x3F93];
	s0 =	simm.s32 @p1 $0x1  }
0x15: {  	[smem:$0x3FB0] =	sst s0;
	s0 =	simm.s32 @!p2 $0x0  }
0x16: {  	s3 =	sld [smem:$0x3FDB];
	s0 =	simm.s32 @p2 $0x1  }
0x17: {  	s4 =	simm.s32 $0x1BF5;
	[smem:$0x3FB2] =	sst s0  }
0x18: {  	s0 =	sld [smem:$0x3F95];
	_ =	swait.ge [sflag:s4], $0x0  }
0x19: {  	s7 =	sld [smem:$0x3F96]  }
0x1a: {  	s8 =	sadd.s32 $0xFFFFE003, lr  }
0x1b: {  	s9 =	sadd.s32 $0xFFFFFEF7, lr;
	s5 =	simm.s32 $0xFFFFFFFF;
	p2 =	slt.u32 s8, $0xFFFFF086  }
0x1c: {  	p1 =	slt.u32 s9, $0xF7A;
	s5 =	simm.s32 @!p2 $0x0  }
0x1d: {  	s5 =	simm.s32 @p1 $0x1;
	p0 =	seq.s32 s7, s2  }
0x1e: {  	s7 =	smul.u32 @!p0 $0xF7A, s2;
	p2 =	seq.s32 @!p0 s5, $0x0  }
0x1f: {  	s9 =	smul.u32 $0xF7A, s1;
	s8 =	simm.s32 @!p0 $0x1BF5;
	p2 =	por !p2, p0  }
0x20: {  	[sflag:s8] =	ssyncset.s32 @!p0 $0xFFFFF086;
	s6 =	sadd.s32 @!p0 s3, s7;
	s7 =	simm.s32 @!p0 $0x108  }
0x21: {  	s3 =	sadd.s32 s3, s9;
	s6 =	sadd.s32 @!p0 $0x88, s6;
	s7 =	simm.s32 @p2 $0x1082  }
0x22: {  	[simem:s7], [sflag:s8] =	dma.local @!p0 [hbm:s6], $0xF7A  }
0x23: {  	s9 =	sor.u32 $0xD0000000, s2;
	s6 =	simm.s32 $0x108;
	_ =	swait.ge @!p0 [sflag:s8], $0x0  }
0x24: {  	s3 =	sadd.s32 $0x88, s3;
	s6 =	simm.s32 @!p1 $0x1082;
	[sflag:s4] =	ssyncset.s32 $0xFFFFF086  }
0x25: {  	[simem:s6], [sflag:s4] =	dma.local [hbm:s3], $0xF7A  }
0x26: {  	[smem:$0x3F96] =	sst s1;
	(tag) =	ssettag s2;
	_ =	strace s9  }
0x27: {  	s1 =	sld [smem:$0x3FA6]  }
0x28: {  	s2 =	sld [smem:$0x3FA7]  }
0x29: {  	s4 =	sld [smem:$0x3FA9]  }
0x2a: {  	p0 =	seq.s32 s5, $0x0;
	s5 =	sld [smem:$0x3FAA]  }
0x2b: {  	s6 =	sld [smem:$0x3FAB]  }
0x2c: {  	s7 =	sld [smem:$0x3FAC]  }
0x2d: {  	s3 =	simm.s32 $0x108;
	s8 =	sld [smem:$0x3FAD]  }
0x2e: {  	s3 =	simm.s32 @!p0 $0x1082;
	s9 =	sld [smem:$0x3FAE]  }
0x2f: {  	lr =	sadd.s32 s0, s3;
	s0 =	sld [smem:$0x3FA5]  }
0x30: {  	s3 =	sld [smem:$0x3FA8]  }
0x31: {  	[smem:$0x3FB1] =	sst s10  }
0x32: {  	s10 =	sld [smem:$0x3FAF];
	_ =	sdelay $0x3  }
0x33: {  	p0 =	seq.s32 s10, $0x1;
	s10 =	sld [smem:$0x3FB1];
	_ =	sdelay $0x3  }
0x34: {  	[smem:$0x3FB1] =	sst s10  }
0x35: {  	s10 =	sld [smem:$0x3FB0];
	_ =	sdelay $0x3  }
0x36: {  	p1 =	seq.s32 s10, $0x1;
	s10 =	sld [smem:$0x3FB1];
	_ =	sdelay $0x3  }
0x37: {  	[smem:$0x3FB1] =	sst s10  }
0x38: {  	s10 =	sld [smem:$0x3FB2]  }
0x39: {  	_ = 	snop;
	(pc) =	sbr.ind lr, $3  }
0x3a: {  	_ = 	snop  }
0x3b: {  	_ = 	snop  }
0x3c: {  	p2 =	seq.s32 s10, $0x1;
	s10 =	sld [smem:$0x3FB1]  }
0x3d: {  	_ =	shalt  }
0x3e: {  	_ =	shalt  }
0x3f: {  	_ =	shalt  }
0x40: {  	_ =	shalt  }
0x41: {  	_ =	shalt  }
0x42: {  	_ =	shalt  }
0x43: {  	_ =	shalt  }
0x44: {  	_ =	shalt  }
0x45: {  	_ =	shalt  }
0x46: {  	_ =	shalt  }
0x47: {  	_ =	shalt  }
0x48: {  	_ =	shalt  }
0x49: {  	_ =	shalt  }
0x4a: {  	_ =	shalt  }
0x4b: {  	_ =	shalt  }
0x4c: {  	_ =	shalt  }
0x4d: {  	_ =	shalt  }
0x4e: {  	_ =	shalt  }
0x4f: {  	_ =	shalt  }
0x50: {  	_ =	shalt  }
0x51: {  	_ =	shalt  }
0x52: {  	_ =	shalt  }
0x53: {  	_ =	shalt  }
0x54: {  	_ =	shalt  }
0x55: {  	_ =	shalt  }
0x56: {  	_ =	shalt  }
0x57: {  	_ =	shalt  }
0x58: {  	_ =	shalt  }
0x59: {  	_ =	shalt  }
0x5a: {  	_ =	shalt  }
0x5b: {  	_ =	shalt  }
0x5c: {  	_ =	shalt  }
0x5d: {  	_ =	shalt  }
0x5e: {  	_ =	shalt  }
0x5f: {  	_ =	shalt  }
0x60: {  	_ =	shalt  }
0x61: {  	_ =	shalt  }
0x62: {  	_ =	shalt  }
0x63: {  	_ =	shalt  }
0x64: {  	_ =	shalt  }
0x65: {  	_ =	shalt  }
0x66: {  	_ =	shalt  }
0x67: {  	_ =	shalt  }
0x68: {  	_ =	shalt  }
0x69: {  	_ =	shalt  }
0x6a: {  	_ =	shalt  }
0x6b: {  	_ =	shalt  }
0x6c: {  	_ =	shalt  }
0x6d: {  	_ =	shalt  }
0x6e: {  	_ =	shalt  }
0x6f: {  	_ =	shalt  }
0x70: {  	_ =	shalt  }
0x71: {  	_ =	shalt  }
0x72: {  	_ =	shalt  }
0x73: {  	_ =	shalt  }
0x74: {  	_ =	shalt  }
0x75: {  	_ =	shalt  }
0x76: {  	_ =	shalt  }
0x77: {  	_ =	shalt  }
0x78: {  	_ =	shalt  }
0x79: {  	_ =	shalt  }
0x7a: {  	_ =	shalt  }
0x7b: {  	_ =	shalt  }
0x7c: {  	_ =	shalt  }
0x7d: {  	_ =	shalt  }
0x7e: {  	_ =	shalt  }
0x7f: {  	_ =	shalt  }
0x80: {  	_ =	shalt  }
0x81: {  	_ =	shalt  }
0x82: {  	_ =	shalt  }
0x83: {  	_ =	shalt  }
0x84: {  	_ =	shalt  }
0x85: {  	_ =	shalt  }
0x86: {  	_ =	shalt  }
0x87: {  	_ =	shalt  }
.Lfunc_end0:
.L_simem_size_0:
called_computation.4_lowered:
.L_overlay_start_0:
0x88: {  	s2 =	sld [smem:$0x3FD9]  }
0x89: {  	s3 =	sld [smem:$0x3FFE];
	_ =	sdelay $0x1  }
0x8a: {  	s1 =	srdreg.scid  }
0x8b: {  	s0 =	sand.u32 $0x1, s1  }
0x8c: {  	s17 =	sshll.u32 s0, $0xA;
	s2 =	sadd.s32 s3, s2  }
0x8d: {  	s2 =	sadd.s32 s2, s17  }
0x8e: {  	[smem:$0x3FBD] =	sst s2  }
0x8f: {  	_ = 	snop  }
0x90: {  	(tm) =	ssettm $0x1  }
0x91: {  	s18 =	sld [smem:$0x3FFB];
	_ =	sdelay $0x3  }
0x92: {  	_ =	strace s18  }
0x93: {  	s2 =	sld [smem:$0x3FFC];
	_ =	sdelay $0x3  }
0x94: {  	_ =	strace s2  }
0x95: {  	s2 =	sld [smem:$0x3FFD];
	_ =	sdelay $0x3  }
0x96: {  	_ =	strace s2  }
0x97: {  	_ =	strace $0x8FFFFFFF  }
0x98: {  	s19 =	sld [smem:$0x3FDB];
	_ =	sdelay $0x1  }
0x99: {  	s20 =	simm.s32 $_scs_section_size  }
0x9a: {  	s4 =	simm.s32 $_size__tile_overlayer_lowered;
	s5 =	simm.s32 $_tile_overlayer_lowered  }
0x9b: {  	s6 =	simm.s32 $0x1BFF;
	s21 =	sshll.u32 s5, $0x1;
	s3 =	sadd.s32 s20, s19  }
0x9c: {  	s22 =	simm.s32 $0x0;
	s4 =	sshll.u32 s4, $0x1;
	s5 =	sadd.s32 s21, s3  }
0x9d: {  	[timem:s22], [sflag:s6] =	dma.local [hbm:s5], s4  }
0x9e: {  	_ =	swait.ge [sflag:s6], s4  }
0x9f: {  	s4 =	ssub.s32 $0x0, s4;
	[sflag:s6] =	ssyncset.done $0x0  }
0xa0: {  	[sflag:s6] =	ssyncadd.s32 s4;
	_ =	sdelay $0x1  }
0xa1: {  	s23 =	simm.s32 $0x1B8B  }
0xa2: {  	_ =	swait.ge [sflag:s23], $0x1  }
0xa3: {  	[sflag:s23] =	ssyncset.done $0x0  }
0xa4: {  	[sflag:s23] =	ssyncadd.s32 $0xFFFFFFFF  }
0xa5: {  	s4 =	sld [smem:$0x0]  }
0xa6: {  	s5 =	sand.u32 $0xFFFFFFFE, s1  }
0xa7: {  	p0 =	sne.s32 s1, s5  }
0xa8: {  	s5 =	sshll.u32 @p0 s5, $0xE  }
0xa9: {  	s5 =	sadd.s32 @p0 $0x11B8D, s5;
	s6 =	sshll.u32 @p0 s4, $0x11  }
0xaa: {  	s5 =	sor.u32 @p0 s6, s5  }
0xab: {  	[sflag:s5] =	ssyncadd.remote.s32 @p0 $0x1;
	_ =	sdelay $0x1  }
0xac: {  	s5 =	simm.s32 @p0 $0x1B8D  }
0xad: {  	_ =	swait.eq @p0 [sflag:s5], $0x1  }
0xae: {  	[sflag:s5] =	ssyncadd.s32 @p0 $0xFFFFFFFF  }
0xaf: {  	s6 =	sshll.u32 @!p0 s1, $0xE  }
0xb0: {  	s6 =	sor.u32 @!p0 $0x4000, s6;
	s5 =	simm.s32 @!p0 $0x1B8D  }
0xb1: {  	s4 =	sshll.u32 @!p0 s4, $0x11;
	s6 =	sadd.s32 @!p0 $0x11B8D, s6;
	_ =	swait.eq @!p0 [sflag:s5], $0x1  }
0xb2: {  	s4 =	sor.u32 @!p0 s4, s6;
	[sflag:s5] =	ssyncadd.s32 @!p0 $0xFFFFFFFF  }
0xb3: {  	s25 =	simm.s32 $0x1B8E;
	s24 =	sld [smem:$0x3FFE];
	[sflag:s4] =	ssyncadd.remote.s32 @!p0 $0x1  }
0xb4: {  	s26 =	simm.s32 $execute0_lowered;
	[smem:$0x3FD2] =	sst s25  }
0xb5: {  	s5 =	sshll.u32 s26, $0x1;
	_ =	strace $0x80000055;
	[dreg:$0x1] =	wrdreg $0xFFFFFFFF  }
0xb6: {  	s28 =	simm.s32 $_size_execute0_lowered;
	s3 =	sadd.s32 s3, s5;
	[dreg:$0x0] =	wrdreg $0x0  }
0xb7: {  	s5 =	sshll.u32 s28, $0x1;
	[dreg:$0x2] =	wrdreg s3  }
0xb8: {  	[dreg:$0x3] =	wrdreg s5  }
0xb9: {  	[dreg:$0x4] =	wrdreg $0xC0  }
0xba: {  	_ =	task [dreg:s22], $0x5FFFF  }
0xbb: {  	[dreg:$0x1] =	wrdreg $0xFFFFFFFF  }
0xbc: {  	[dreg:$0x0] =	wrdreg $0x60  }
0xbd: {  	[dreg:$0x2] =	wrdreg s24  }
0xbe: {  	[dreg:$0x3] =	wrdreg $0x118800  }
0xbf: {  	[dreg:$0x4] =	wrdreg $0x158800  }
0xc0: {  	[dreg:$0x5] =	wrdreg $0xB  }
0xc1: {  	_ =	task.clear_ibuf [dreg:s22], $0x6FFFF;
	_ =	strace $0x90000055  }
0xc2: {  	s29 =	simm.s32 $0xB;
	_ =	strace $0x80000057  }
0xc3: {  	_ =	swait.ge [sflag:s29], $0x1  }
0xc4: {  	[sflag:s29] =	ssyncadd.s32 $0xFFFFFFFF  }
0xc5: {  	_ =	strace $0x90000057  }
0xc6: {  	_ =	sfence  }
0xc7: {  	s30 =	sld [smem:$0x0];
	_ =	sdelay $0x2  }
0xc8: {  	s31 =	sshll.u32 s1, $0xD;
	s1 =	sshrl.u32 s1, $0x2  }
0xc9: {  	s4 =	sand.u32 $0x4000, s31;
	s1 =	sadd.s32 s1, s30  }
0xca: {  	s0 =	sor.u32 s4, s0;
	s1 =	sshll.u32 s1, $0x11  }
0xcb: {  	s0 =	sor.u32 s1, s0  }
0xcc: {  	s0 =	sadd.s32 $0x8F2B, s0  }
0xcd: {  	[sflag:s0] =	ssyncadd.remote.s32 $0x1  }
0xce: {  	_ =	sfence.sel $0xFFFF  }
0xcf: {  	[dreg:$0x0] =	wrdreg $0xFFFFFFFF;
	(pc) =	sbr.abs _section_cstart, $3  }
0xd0: {  	[dreg:$0x1] =	wrdreg $0xFFFFFFFF  }
0xd1: {  	_ =	task.clear_ibuf [dreg:s22], $0x2FFFF;
	_ =	strace $0x9FFFFFFF  }
0xd2: {  	(tm) =	ssettm $0x7FFFFFFF  }
0xd3: {  	_ =	shalt  }
tec
execute0_lowered:
.L_overlay_start_1:
0x0: {  	(tag) =	ssettag $0x1  }
0x1: {  	s0 =	rddreg [dreg:$0x0]  }
0x2: {  	s2 =	rddreg [dreg:$0x1]  }
0x3: {  	s3 =	rddreg [dreg:$0x2];
	s1 =	stileid.u32  }
0x4: {  	s5 =	srdreg.scid;
	s4 =	simm.s32 $0x0;
	s16 =	simm.s32 $0x5  }
0x5: {  	s19 =	simm.s32 $0x80;
	s22 =	simm.s32 $0x3;
	s23 =	simm.s32 $0x4  }
0x6: {  	s24 =	simm.s32 $0x0;
	s7 =	sand.u32 $0x1, s5;
	s6 =	smul.u32 $0x26, s1  }
0x7: {  	[smem:$0x7FF] =	sst s4;
	s25 =	sshll.u32 s1, $0x1;
	s5 =	sadd.s32 $0x4B400, s0  }
0x8: {  	s11 =	sshll.u32 s1, $0x4;
	s29 =	sshll.u32 s1, $0xE;
	s8 =	smul.u32 $0x13, s7  }
0x9: {  	_ =	strace $0x80000056;
	s9 =	sor.u32 s7, s25;
	s26 =	ssub.s32 $0x2, s7  }
0xa: {  	s11 =	sadd.s32 s11, s0;
	s7 =	simm.s32 $0x14;
	s10 =	smin.u32 s9, $0x11  }
0xb: {  	s12 =	smul.u32 $0xC00, s9;
	s13 =	sshrl.u32 s26, $0x1;
	p0 =	slt.u32 s9, $0x11  }
0xc: {  	s30 =	sadd.s32 $0x7C800, s11;
	s11 =	sadd.s32 s29, s2;
	s8 =	sadd.s32 s8, s6  }
0xd: {  	s6 =	sadd.s32 $0x24200, s0;
	s13 =	ssub.s32 s26, s13;
	s8 =	sadd.s32 s10, s8  }
0xe: {  	[dreg:$0x6] =	wrdreg s30;
	s28 =	sshrl.u32 s12, $0x3;
	s8 =	sshll.u32 s8, $0xB  }
0xf: {  	s31 =	smax.u32 s13, $0x1;
	s8 =	sadd.s32 s8, s0;
	s0 =	sadd.s32 s0, s28  }
0x10: {  	s7 =	simm.s32 @!p0 $0x13;
	[dreg:$0x7] =	wrdreg s31;
	s9 =	sadd.s32 $0x8BA00, s0  }
0x11: {  	s12 =	sadd.s32 s29, s3;
	s0 =	sadd.s32 $0x7FA00, s0;
	[dreg:$0x4] =	wrdreg s9  }
0x12: {  	s18 =	sadd.s32 $0x306200, s8;
	s15 =	sadd.s32 $0x305A00, s8;
	[dreg:$0x5] =	wrdreg s0  }
.LBB2_1:
0x13: {  	s0 =	rddreg [dreg:$0x4]  }
0x14: {  	[tilespmem:s4], [sflag:$0x5] =	stream.linear.gather [hbm4b:s0+s4], $0xA00, $0x38;
	[tilespmem:$0x19880] =	vst v63  }
0x15: {  	_ =	swait.ge [sflag:s16], $0xA00  }
0x16: {  	[sflag:s16] =	ssyncset.done $0x0  }
0x17: {  	s8 =	simm.s32 $0xC00;
	s20 =	rddreg [dreg:$0x5];
	[sflag:s16] =	ssyncadd.s32 $0xFFFFF600  }
0x18: {  	[tilespmem:s8], [sflag:$0x5] =	stream.linear.gather [hbm4b:s20+s4], $0xA00, $0x38;
	[tilespmem:$0x19880] =	vst v63  }
0x19: {  	_ =	swait.ge [sflag:s16], $0xA00  }
0x1a: {  	[sflag:s16] =	ssyncset.done $0x0  }
0x1b: {  	s9 =	simm.s32 $0x1800;
	s21 =	rddreg [dreg:$0x6];
	[sflag:s16] =	ssyncadd.s32 $0xFFFFF600  }
0x1c: {  	[tilespmem:s9], [sflag:$0x5] =	stream.linear.gather [hbm4b:s21+s4], $0x80, $0x38;
	[tilespmem:$0x19880] =	vst v63  }
0x1d: {  	_ =	swait.ge [sflag:s16], $0x80  }
0x1e: {  	p1 =	sle.u32 s7, $0x0;
	[sflag:s16] =	ssyncset.done $0x0  }
0x1f: {  	s25 =	simm.s32 $0x1880;
	p0 =	por p1, p1;
	[sflag:s16] =	ssyncadd.s32 $0xFFFFFF80  }
0x20: {  	[tilespmem:s25], [sflag:$0x1] =	stream.indirect.gather [hbm4b:s5+s19], $0x80, s4, s19, $0xb8;
	[tilespmem:$0x19880] =	vst v63  }
0x21: {  	s26 =	simm.s32 $0x5880;
	s0 =	simm.s32 @!p0 $0x1  }
0x22: {  	[tilespmem:s26], [sflag:$0x1] =	stream.indirect.gather [hbm4b:s6+s19], $0x80, s8, s19, $0xb8;
	[tilespmem:$0x19880] =	vst v63  }
0x23: {  	_ =	swait.ge @!p0 [sflag:s0], $0x4000  }
0x24: {  	p2 =	sle.u32 @!p1 s7, $0x1;
	[sflag:s0] =	ssyncset.done @!p0 $0x0  }
0x25: {  	p2 =	por p2, p2;
	[sflag:s0] =	ssyncadd.s32 @!p0 $0xFFFFC000  }
0x26: {  	p3 =	por @!p1 $0x1, $0x1;
	p2 =	por p2, p0;
	_ =	swait.ge @!p0 [sflag:s0], $0x4000  }
0x27: {  	p3 =	por p3, p3;
	s14 =	simm.s32 @!p2 $0x80;
	[sflag:s0] =	ssyncset.done @!p0 $0x0  }
0x28: {  	s9 =	simm.s32 @!p2 $0x80;
	s8 =	simm.s32 @!p2 $0x9880;
	[sflag:s0] =	ssyncadd.s32 @!p0 $0xFFFFC000  }
0x29: {  	[tilespmem:s8], [sflag:$0x2] =	stream.indirect.gather @!p2 [hbm4b:s5+s14], $0x80, s9, s14, $0xb8;
	[tilespmem:$0x19880] =	vst v63  }
0x2a: {  	p3 =	por p3, p0;
	s0 =	simm.s32 @!p2 $0xC80;
	s8 =	simm.s32 @!p2 $0xD880  }
0x2b: {  	[tilespmem:s8], [sflag:$0x2] =	stream.indirect.gather @!p2 [hbm4b:s6+s14], $0x80, s0, s14, $0xb8;
	[tilespmem:$0x19880] =	vst v63  }
0x2c: {  	s0 =	simm.s32 @!p3 $0x3  }
0x2d: {  	_ =	swait.ge @!p3 [sflag:s0], $0x800  }
0x2e: {  	[sflag:s0] =	ssyncset.done @!p3 $0x0  }
0x2f: {  	s9 =	simm.s32 @!p0 $0x5;
	s8 =	simm.s32 @!p0 $0x1880;
	[sflag:s0] =	ssyncadd.s32 @!p3 $0xFFFFF800  }
0x30: {  	[spmem:s11] =	stream.linear.scatter @!p0 [tilespmem:s8], [sflag:$0x5], $0x4000, $0x38;
	[tilespmem:$0x19880] =	vst v63  }
0x31: {  	_ =	swait.ge @!p0 [sflag:s9], $0x4000  }
0x32: {  	s14 =	simm.s32 @!p0 $0x5880;
	[sflag:s9] =	ssyncset.done @!p0 $0x0  }
0x33: {  	s0 =	simm.s32 @!p0 $0x80;
	s8 =	simm.s32 @!p0 $0x1800;
	[sflag:s9] =	ssyncadd.s32 @!p0 $0xFFFFC000  }
0x34: {  	[spmem:s2] =	stream.indirect.scatter.add.f32 @!p0 [tilespmem:s14], [sflag:$0x5], $0x80, s8, s0, $0xb8;
	[tilespmem:$0x19880] =	vst v63  }
0x35: {  	s28 =	simm.s32 $0x2;
	p3 =	sle.u32 s7, $0x1;
	_ =	swait.ge @!p0 [sflag:s9], $0x4000  }
0x36: {  	s0 =	sshll.u32 @!p1 s1, $0x6;
	s8 =	sshrl.u32 @!p0 s11, $0x3;
	[sflag:s9] =	ssyncset.done @!p0 $0x0  }
0x37: {  	s14 =	simm.s32 @!p3 $0x2;
	s0 =	sor.u32 @!p1 $0x1C03, s0;
	[sflag:s9] =	ssyncadd.s32 @!p0 $0xFFFFC000  }
0x38: {  	[hbm:s15], [sflag:s0] =	dma.local @!p0 [spmem:s8], $0x800  }
0x39: {  	s31 =	simm.s32 $0x800;
	s30 =	sadd.s32 $0x1000, s15;
	_ =	swait.ge @!p3 [sflag:s14], $0x4000  }
0x3a: {  	s25 =	simm.s32 $0x400;
	s26 =	sadd.s32 $0x1000, s18;
	[sflag:s14] =	ssyncset.done @!p3 $0x0  }
0x3b: {  	p2 =	sle.u32 @!p3 s7, $0x2;
	p5 =	por @!p3 $0x1, $0x1;
	[sflag:s14] =	ssyncadd.s32 @!p3 $0xFFFFC000  }
0x3c: {  	p4 =	por p2, p3;
	p5 =	por p5, p3;
	_ =	swait.ge @!p3 [sflag:s14], $0x4000  }
0x3d: {  	p1 =	sle.u32 s7, $0x2;
	s9 =	simm.s32 @!p4 $0x100;
	[sflag:s14] =	ssyncset.done @!p3 $0x0  }
0x3e: {  	s0 =	simm.s32 @!p4 $0x1880;
	s8 =	simm.s32 @!p4 $0x80;
	[sflag:s14] =	ssyncadd.s32 @!p3 $0xFFFFC000  }
0x3f: {  	[tilespmem:s0], [sflag:$0x1] =	stream.indirect.gather @!p4 [hbm4b:s5+s8], $0x80, s9, s8, $0xb8;
	[tilespmem:$0x19880] =	vst v63  }
0x40: {  	s14 =	simm.s32 @!p5 $0x4;
	s0 =	simm.s32 @!p4 $0x5880;
	s9 =	simm.s32 @!p4 $0xD00  }
0x41: {  	[tilespmem:s0], [sflag:$0x1] =	stream.indirect.gather @!p4 [hbm4b:s6+s8], $0x80, s9, s8, $0xb8;
	[tilespmem:$0x19880] =	vst v63  }
0x42: {  	p2 =	sle.u32 @!p1 s7, $0x3;
	p0 =	por @!p1 $0x0, $0x0;
	_ =	swait.ge @!p5 [sflag:s14], $0x800  }
0x43: {  	s0 =	sshll.u32 @!p1 s1, $0x6;
	s8 =	simm.s32 @!p3 $0x5;
	[sflag:s14] =	ssyncset.done @!p5 $0x0  }
0x44: {  	s29 =	sor.u32 @!p1 $0x1C03, s0;
	s0 =	simm.s32 @!p3 $0x9880;
	[sflag:s14] =	ssyncadd.s32 @!p5 $0xFFFFF800  }
0x45: {  	[spmem:s12] =	stream.linear.scatter @!p3 [tilespmem:s0], [sflag:$0x5], $0x4000, $0x38;
	[tilespmem:$0x19880] =	vst v63  }
0x46: {  	p4 =	por p0, p0;
	s9 =	simm.s32 @!p3 $0x1800;
	_ =	swait.ge @!p3 [sflag:s8], $0x4000  }
0x47: {  	s14 =	simm.s32 @!p3 $0xD880;
	s0 =	sshll.u32 @!p3 s1, $0x6;
	[sflag:s8] =	ssyncset.done @!p3 $0x0  }
0x48: {  	s21 =	sor.u32 @!p3 $0x1C04, s0;
	s0 =	simm.s32 @!p3 $0x80;
	[sflag:s8] =	ssyncadd.s32 @!p3 $0xFFFFC000  }
0x49: {  	[spmem:s3] =	stream.indirect.scatter.add.f32 @!p3 [tilespmem:s14], [sflag:$0x5], $0x80, s9, s0, $0xb8;
	[tilespmem:$0x19880] =	vst v63  }
0x4a: {  	p0 =	por p2, p2;
	p1 =	por p1, p1;
	s0 =	simm.s32 $0x4  }
0x4b: {  	s9 =	sshrl.u32 @!p3 s12, $0x3;
	s14 =	smov.u32 s18;
	_ =	swait.ge @!p3 [sflag:s8], $0x4000  }
.LBB2_2:
0x4c: {  	p5 =	sge.u32 s0, s7;
	[sflag:s8] =	ssyncset.done @!p3 $0x0;
	s20 =	smov.u32 s31  }
0x4d: {  	p6 =	seq.s32 @!p5 s31, $0x0;
	[sflag:s8] =	ssyncadd.s32 @!p3 $0xFFFFC000;
	s31 =	sadd.s32 $0x400, s31  }
0x4e: {  	[hbm:s14], [sflag:s21] =	dma.local @!p3 [spmem:s9], $0x800  }
0x4f: {  	s10 =	simm.s32 @!p1 $0x1;
	p2 =	sne.s32 s31, $0x2C00  }
0x50: {  	_ =	swait.ge @!p1 [sflag:s10], $0x4000;
	s9 =	simm.s32 @!p2 $0x0  }
0x51: {  	s9 =	simm.s32 @p2 $0x1;
	[sflag:s10] =	ssyncset.done @!p1 $0x0  }
0x52: {  	p0 =	por p0, p1;
	[smem:$0x7FD] =	sst s9;
	[sflag:s10] =	ssyncadd.s32 @!p1 $0xFFFFC000  }
0x53: {  	s17 =	sadd.s32 @!p5 $0x1, s0;
	s13 =	simm.s32 @!p0 $0x80;
	_ =	swait.ge @!p1 [sflag:s10], $0x4000  }
0x54: {  	p3 =	sge.u32 @!p5 s17, s7;
	s9 =	sshra.s32 @!p0 s25, $0x2;
	[sflag:s10] =	ssyncset.done @!p1 $0x0  }
0x55: {  	s17 =	simm.s32 @!p0 $0x9880;
	s21 =	sadd.s32 @!p0 $0x80, s9;
	[sflag:s10] =	ssyncadd.s32 @!p1 $0xFFFFC000  }
0x56: {  	[tilespmem:s17], [sflag:$0x2] =	stream.indirect.gather @!p0 [hbm4b:s5+s13], $0x80, s21, s13, $0xb8;
	[tilespmem:$0x19880] =	vst v63  }
0x57: {  	s9 =	sadd.s32 @!p0 $0xC80, s9;
	s10 =	simm.s32 @!p0 $0xD880  }
0x58: {  	[tilespmem:s10], [sflag:$0x2] =	stream.indirect.gather @!p0 [hbm4b:s6+s13], $0x80, s9, s13, $0xb8;
	[tilespmem:$0x19880] =	vst v63  }
0x59: {  	p0 =	por p3, p3  }
0x5a: {  	s10 =	simm.s32 @!p0 $0x0  }
0x5b: {  	p4 =	por p4, p1;
	s10 =	simm.s32 @p0 $0x1  }
0x5c: {  	s9 =	simm.s32 @!p4 $0x3;
	[smem:$0x7FC] =	sst s10  }
0x5d: {  	_ =	swait.ge @!p4 [sflag:s9], $0x800  }
0x5e: {  	[sflag:s9] =	ssyncset.done @!p4 $0x0  }
0x5f: {  	s13 =	simm.s32 @!p1 $0x5;
	s10 =	simm.s32 @!p1 $0x1880;
	[sflag:s9] =	ssyncadd.s32 @!p4 $0xFFFFF800  }
0x60: {  	[spmem:s11] =	stream.linear.scatter @!p1 [tilespmem:s10], [sflag:$0x5], $0x4000, $0x38;
	[tilespmem:$0x19880] =	vst v63  }
0x61: {  	_ =	swait.ge @!p1 [sflag:s13], $0x4000  }
0x62: {  	s8 =	sshll.u32 @!p5 s1, $0x6;
	s17 =	simm.s32 @!p1 $0x5880;
	[sflag:s13] =	ssyncset.done @!p1 $0x0  }
0x63: {  	s9 =	simm.s32 @!p1 $0x80;
	s10 =	simm.s32 @!p1 $0x1800;
	[sflag:s13] =	ssyncadd.s32 @!p1 $0xFFFFC000  }
0x64: {  	[spmem:s2] =	stream.indirect.scatter.add.f32 @!p1 [tilespmem:s17], [sflag:$0x5], $0x80, s10, s9, $0xb8;
	[tilespmem:$0x19880] =	vst v63  }
0x65: {  	s8 =	sor.u32 @!p5 $0x1C03, s8;
	s21 =	sadd.s32 $0x1, s28;
	_ =	swait.ge @!p1 [sflag:s13], $0x4000  }
0x66: {  	p3 =	sge.u32 s21, s7;
	s9 =	sshrl.u32 @!p1 s11, $0x3;
	[sflag:s13] =	ssyncset.done @!p1 $0x0  }
0x67: {  	s10 =	simm.s32 @!p3 $0x2;
	s17 =	sadd.s32 @!p3 $0x2, s28;
	[sflag:s13] =	ssyncadd.s32 @!p1 $0xFFFFC000  }
0x68: {  	[hbm:s30], [sflag:s29] =	dma.local @!p1 [spmem:s9], $0x800  }
0x69: {  	p2 =	por p6, p6;
	p0 =	sge.u32 @!p3 s17, s7;
	_ =	swait.ge @!p3 [sflag:s10], $0x4000  }
0x6a: {  	p6 =	por p0, p3;
	p0 =	seq.s32 @!p3 s25, $0x0;
	[sflag:s10] =	ssyncset.done @!p3 $0x0  }
0x6b: {  	s13 =	sshll.u32 @!p3 s1, $0x6;
	s17 =	simm.s32 @!p6 $0x80;
	[sflag:s10] =	ssyncadd.s32 @!p3 $0xFFFFC000  }
0x6c: {  	p0 =	por p0, p3;
	s21 =	sor.u32 @!p3 $0x1C04, s13;
	_ =	swait.ge @!p3 [sflag:s10], $0x4000  }
0x6d: {  	s29 =	smov.u32 s8;
	s8 =	sshra.s32 @!p6 s25, $0x2;
	[sflag:s10] =	ssyncset.done @!p3 $0x0  }
0x6e: {  	s13 =	simm.s32 @!p6 $0x1880;
	[sflag:s10] =	ssyncadd.s32 @!p3 $0xFFFFC000;
	s10 =	sadd.s32 @!p6 $0x100, s8  }
0x6f: {  	[tilespmem:s13], [sflag:$0x1] =	stream.indirect.gather @!p6 [hbm4b:s5+s17], $0x80, s10, s17, $0xb8;
	[tilespmem:$0x19880] =	vst v63  }
0x70: {  	s9 =	simm.s32 @!p6 $0x5880;
	s8 =	sadd.s32 @!p6 $0xD00, s8;
	s10 =	simm.s32 @!p0 $0x4  }
0x71: {  	[tilespmem:s9], [sflag:$0x1] =	stream.indirect.gather @!p6 [hbm4b:s6+s17], $0x80, s8, s17, $0xb8;
	[tilespmem:$0x19880] =	vst v63  }
0x72: {  	_ =	swait.ge @!p0 [sflag:s10], $0x800  }
0x73: {  	[sflag:s10] =	ssyncset.done @!p0 $0x0  }
0x74: {  	s9 =	simm.s32 @!p3 $0x9880;
	s8 =	simm.s32 @!p3 $0x5;
	[sflag:s10] =	ssyncadd.s32 @!p0 $0xFFFFF800  }
0x75: {  	[spmem:s12] =	stream.linear.scatter @!p3 [tilespmem:s9], [sflag:$0x5], $0x4000, $0x38;
	[tilespmem:$0x19880] =	vst v63  }
0x76: {  	s17 =	sld [smem:$0x7FC];
	_ =	swait.ge @!p3 [sflag:s8], $0x4000  }
0x77: {  	s13 =	simm.s32 @!p3 $0xD880;
	[sflag:s8] =	ssyncset.done @!p3 $0x0  }
0x78: {  	s10 =	simm.s32 @!p3 $0x1800;
	s9 =	simm.s32 @!p3 $0x80;
	[sflag:s8] =	ssyncadd.s32 @!p3 $0xFFFFC000  }
0x79: {  	[spmem:s3] =	stream.indirect.scatter.add.f32 @!p3 [tilespmem:s13], [sflag:$0x5], $0x80, s10, s9, $0xb8;
	[tilespmem:$0x19880] =	vst v63  }
0x7a: {  	_ =	swait.ge @!p3 [sflag:s8], $0x4000  }
0x7b: {  	s25 =	smov.u32 s20;
	s20 =	sld [smem:$0x7FD];
	_ =	sdelay $0x2  }
0x7c: {  	p4 =	por p2, p2;
	p2 =	seq.s32 s20, $0x1  }
.Ltmp0:
0x7d: {  	_ = 	snop;
	(pc) =	sbr.rel @p2 .LBB2_2-.Ltmp0, $4  }
0x7e: {  	_ = 	snop  }
0x7f: {  	s14 =	smov.u32 s26;
	s26 =	sadd.s32 $0x1000, s26  }
0x80: {  	s28 =	smov.u32 s0;
	s0 =	sadd.s32 $0x2, s0;
	p1 =	por p5, p5  }
0x81: {  	s30 =	sadd.s32 $0x1000, s30;
	p0 =	seq.s32 s17, $0x1;
	s9 =	sshrl.u32 @!p3 s12, $0x3  }
0x82: {  	[sflag:s8] =	ssyncset.done @!p3 $0x0  }
0x83: {  	s0 =	simm.s32 @!p1 $0x1;
	[sflag:s8] =	ssyncadd.s32 @!p3 $0xFFFFC000  }
0x84: {  	[hbm:s14], [sflag:s21] =	dma.local @!p3 [spmem:s9], $0x800  }
0x85: {  	_ =	swait.ge @!p1 [sflag:s0], $0x4000  }
0x86: {  	[sflag:s0] =	ssyncset.done @!p1 $0x0  }
0x87: {  	[sflag:s0] =	ssyncadd.s32 @!p1 $0xFFFFC000  }
0x88: {  	p0 =	por p0, p1;
	_ =	swait.ge @!p1 [sflag:s0], $0x4000  }
0x89: {  	s8 =	sshra.s32 @!p0 s25, $0x2;
	s13 =	simm.s32 @!p0 $0x80;
	[sflag:s0] =	ssyncset.done @!p1 $0x0  }
0x8a: {  	s9 =	simm.s32 @!p0 $0x9880;
	s10 =	sadd.s32 @!p0 $0x80, s8;
	[sflag:s0] =	ssyncadd.s32 @!p1 $0xFFFFC000  }
0x8b: {  	[tilespmem:s9], [sflag:$0x2] =	stream.indirect.gather @!p0 [hbm4b:s5+s13], $0x80, s10, s13, $0xb8;
	[tilespmem:$0x19880] =	vst v63  }
0x8c: {  	p2 =	por p4, p1;
	s0 =	sadd.s32 @!p0 $0xC80, s8;
	s8 =	simm.s32 @!p0 $0xD880  }
0x8d: {  	[tilespmem:s8], [sflag:$0x2] =	stream.indirect.gather @!p0 [hbm4b:s6+s13], $0x80, s0, s13, $0xb8;
	[tilespmem:$0x19880] =	vst v63  }
0x8e: {  	s0 =	simm.s32 @!p2 $0x3  }
0x8f: {  	_ =	swait.ge @!p2 [sflag:s0], $0x800  }
0x90: {  	[sflag:s0] =	ssyncset.done @!p2 $0x0  }
0x91: {  	s9 =	simm.s32 @!p1 $0x5;
	s8 =	simm.s32 @!p1 $0x1880;
	[sflag:s0] =	ssyncadd.s32 @!p2 $0xFFFFF800  }
0x92: {  	[spmem:s11] =	stream.linear.scatter @!p1 [tilespmem:s8], [sflag:$0x5], $0x4000, $0x38;
	[tilespmem:$0x19880] =	vst v63  }
0x93: {  	_ =	swait.ge @!p1 [sflag:s9], $0x4000  }
0x94: {  	s10 =	simm.s32 @!p1 $0x5880;
	[sflag:s9] =	ssyncset.done @!p1 $0x0  }
0x95: {  	s0 =	simm.s32 @!p1 $0x80;
	s8 =	simm.s32 @!p1 $0x1800;
	[sflag:s9] =	ssyncadd.s32 @!p1 $0xFFFFC000  }
0x96: {  	[spmem:s2] =	stream.indirect.scatter.add.f32 @!p1 [tilespmem:s10], [sflag:$0x5], $0x80, s8, s0, $0xb8;
	[tilespmem:$0x19880] =	vst v63  }
0x97: {  	s21 =	sadd.s32 $0x1, s28;
	_ =	swait.ge @!p1 [sflag:s9], $0x4000  }
0x98: {  	p0 =	sge.u32 s21, s7;
	[sflag:s9] =	ssyncset.done @!p1 $0x0  }
0x99: {  	s0 =	sshrl.u32 @!p1 s11, $0x3;
	s8 =	simm.s32 @!p0 $0x2;
	[sflag:s9] =	ssyncadd.s32 @!p1 $0xFFFFC000  }
0x9a: {  	[hbm:s30], [sflag:s29] =	dma.local @!p1 [spmem:s0], $0x800  }
0x9b: {  	_ =	swait.ge @!p0 [sflag:s8], $0x4000  }
0x9c: {  	s0 =	sadd.s32 @!p0 $0x2, s28;
	[sflag:s8] =	ssyncset.done @!p0 $0x0  }
0x9d: {  	p2 =	seq.s32 @!p0 s25, $0x0;
	p1 =	sge.u32 @!p0 s0, s7;
	[sflag:s8] =	ssyncadd.s32 @!p0 $0xFFFFC000  }
0x9e: {  	p2 =	por p2, p0;
	p1 =	por p1, p0;
	_ =	swait.ge @!p0 [sflag:s8], $0x4000  }
0x9f: {  	s0 =	sshra.s32 @!p1 s25, $0x2;
	s9 =	simm.s32 @!p1 $0x1880;
	[sflag:s8] =	ssyncset.done @!p0 $0x0  }
0xa0: {  	s10 =	simm.s32 @!p1 $0x80;
	[sflag:s8] =	ssyncadd.s32 @!p0 $0xFFFFC000;
	s8 =	sadd.s32 @!p1 $0x100, s0  }
0xa1: {  	[tilespmem:s9], [sflag:$0x1] =	stream.indirect.gather @!p1 [hbm4b:s5+s10], $0x80, s8, s10, $0xb8;
	[tilespmem:$0x19880] =	vst v63  }
0xa2: {  	s0 =	sadd.s32 @!p1 $0xD00, s0;
	s8 =	simm.s32 @!p1 $0x5880;
	s9 =	simm.s32 @!p2 $0x4  }
0xa3: {  	[tilespmem:s8], [sflag:$0x1] =	stream.indirect.gather @!p1 [hbm4b:s6+s10], $0x80, s0, s10, $0xb8;
	[tilespmem:$0x19880] =	vst v63  }
0xa4: {  	_ =	swait.ge @!p2 [sflag:s9], $0x800  }
0xa5: {  	[sflag:s9] =	ssyncset.done @!p2 $0x0  }
0xa6: {  	s0 =	simm.s32 @!p0 $0x9880;
	s8 =	simm.s32 @!p0 $0x5;
	[sflag:s9] =	ssyncadd.s32 @!p2 $0xFFFFF800  }
0xa7: {  	[spmem:s12] =	stream.linear.scatter @!p0 [tilespmem:s0], [sflag:$0x5], $0x4000, $0x38;
	[tilespmem:$0x19880] =	vst v63  }
0xa8: {  	_ =	swait.ge @!p0 [sflag:s8], $0x4000  }
0xa9: {  	s10 =	simm.s32 @!p0 $0xD880;
	[sflag:s8] =	ssyncset.done @!p0 $0x0  }
0xaa: {  	s9 =	simm.s32 @!p0 $0x1800;
	s0 =	simm.s32 @!p0 $0x80;
	[sflag:s8] =	ssyncadd.s32 @!p0 $0xFFFFC000  }
0xab: {  	[spmem:s3] =	stream.indirect.scatter.add.f32 @!p0 [tilespmem:s10], [sflag:$0x5], $0x80, s9, s0, $0xb8;
	[tilespmem:$0x19880] =	vst v63  }
0xac: {  	_ =	swait.ge @!p0 [sflag:s8], $0x4000  }
0xad: {  	s0 =	sshll.u32 @!p0 s1, $0x6;
	[sflag:s8] =	ssyncset.done @!p0 $0x0  }
0xae: {  	s9 =	sshrl.u32 @!p0 s12, $0x3;
	s0 =	sor.u32 @!p0 $0x1C04, s0;
	[sflag:s8] =	ssyncadd.s32 @!p0 $0xFFFFC000  }
0xaf: {  	[hbm:s26], [sflag:s0] =	dma.local @!p0 [spmem:s9], $0x800  }
0xb0: {  	_ =	swait.ge [sflag:s22], $0x800  }
0xb1: {  	[sflag:s22] =	ssyncset.done $0x0  }
0xb2: {  	[sflag:s22] =	ssyncadd.s32 $0xFFFFF800  }
0xb3: {  	_ =	swait.ge [sflag:s23], $0x800  }
0xb4: {  	s24 =	sadd.s32 $0x1, s24;
	s31 =	rddreg [dreg:$0x7]  }
0xb5: {  	p0 =	sne.s32 s24, s31  }
.Ltmp1:
0xb6: {  	_ = 	snop;
	(pc) =	sbr.rel @p0 .LBB2_1-.Ltmp1, $3  }
0xb7: {  	_ =	sdelay $0x1  }
0xb8: {  	[sflag:s23] =	ssyncset.done $0x0  }
0xb9: {  	[sflag:s23] =	ssyncadd.s32 $0xFFFFF800  }
0xba: {  	_ =	sfence.sel $0x180000  }
0xbb: {  	[bflag:$0x0] =	sbarrier.arrive $0xFFFF  }
0xbc: {  	_ =	strace $0x90000056  }
0xbd: {  	[bflag:$0x2] =	sbarrier.arrive $0xFFFF  }
0xbe: {  	p0 =	sne.s32 s1, $0x0;
	s0 =	rddreg [dreg:$0x3]  }
0xbf: {  	s0 =	sadd.s32 @!p0 $0x100000, s0  }
0xc0: {  	[sflag:s0] =	ssyncadd.tile.s32 @!p0 $0x1;
	_ =	shalt  }
.Lfunc_end2:
_tile_overlayer_lowered:
.L_overlay_start_2:
0xc1: {  	(tag) =	ssettag $0x2  }
0xc2: {  	s0 =	rddreg [dreg:$0x0];
	s2 =	stileid.u32  }
0xc3: {  	s1 =	rddreg [dreg:$0x1];
	p0 =	sne.s32 s2, $0x0  }
0xc4: {  	s3 =	rddreg [dreg:$0x2];
	[bflag:$0x3] =	sbarrier.arrive $0xFFFF;
	s2 =	simm.s32 @!p0 $0x1C05  }
0xc5: {  	[timem:s3], [sflag:s2] =	dma.local @!p0 [hbm:s0], s1  }
0xc6: {  	s0 =	simm.s32 @!p0 $0x5  }
0xc7: {  	_ =	swait.ge @!p0 [sflag:s0], s1  }
0xc8: {  	s1 =	ssub.s32 @!p0 $0x0, s1;
	[sflag:s0] =	ssyncset.done @!p0 $0x0  }
0xc9: {  	[sflag:s0] =	ssyncadd.s32 @!p0 s1  }
0xca: {  	[bflag:$0x3] =	sbarrier.arrive $0xFFFF  }
0xcb: {  	_ =	shalt  }

// kernel: kernel.19.cloned.1.call-start
scs
__scs_entry_jumppad:
0x0: {  	(pc) =	sbr.rel $0x88, $3  }
0x1: {  	(tag) =	ssettag $0x0;
	lr =	simm.s32 $0x1  }
0x2: {  	[smem:$0x3F96] =	sst lr;
	_ =	strace $0xD0000000  }
0x3: {  	_ = 	snop  }
0x4: {  	_ = 	snop  }
0x5: {  	_ = 	snop  }
0x6: {  	_ = 	snop  }
0x7: {  	_ = 	snop  }
__scs_overlays_trampoline_lowered:
0x8: {  	[smem:$0x3FA5] =	sst s0  }
0x9: {  	[smem:$0x3FA6] =	sst s1  }
0xa: {  	[smem:$0x3FA7] =	sst s2  }
0xb: {  	[smem:$0x3FA8] =	sst s3  }
0xc: {  	[smem:$0x3FA9] =	sst s4  }
0xd: {  	[smem:$0x3FAA] =	sst s5  }
0xe: {  	[smem:$0x3FAB] =	sst s6  }
0xf: {  	[smem:$0x3FAC] =	sst s7  }
0x10: {  	[smem:$0x3FAD] =	sst s8  }
0x11: {  	[smem:$0x3FAE] =	sst s9;
	s0 =	simm.s32 @!p0 $0x0  }
0x12: {  	s1 =	sld [smem:$0x3F94];
	s0 =	simm.s32 @p0 $0x1  }
0x13: {  	[smem:$0x3FAF] =	sst s0;
	s0 =	simm.s32 @!p1 $0x0  }
0x14: {  	s2 =	sld [smem:$0x3F93];
	s0 =	simm.s32 @p1 $0x1  }
0x15: {  	[smem:$0x3FB0] =	sst s0;
	s0 =	simm.s32 @!p2 $0x0  }
0x16: {  	s3 =	sld [smem:$0x3FDB];
	s0 =	simm.s32 @p2 $0x1  }
0x17: {  	s4 =	simm.s32 $0x1BF5;
	[smem:$0x3FB2] =	sst s0  }
0x18: {  	s0 =	sld [smem:$0x3F95];
	_ =	swait.ge [sflag:s4], $0x0  }
0x19: {  	s7 =	sld [smem:$0x3F96]  }
0x1a: {  	s8 =	sadd.s32 $0xFFFFE003, lr  }
0x1b: {  	s9 =	sadd.s32 $0xFFFFFEF7, lr;
	s5 =	simm.s32 $0xFFFFFFFF;
	p2 =	slt.u32 s8, $0xFFFFF086  }
0x1c: {  	p1 =	slt.u32 s9, $0xF7A;
	s5 =	simm.s32 @!p2 $0x0  }
0x1d: {  	s5 =	simm.s32 @p1 $0x1;
	p0 =	seq.s32 s7, s2  }
0x1e: {  	s7 =	smul.u32 @!p0 $0xF7A, s2;
	p2 =	seq.s32 @!p0 s5, $0x0  }
0x1f: {  	s9 =	smul.u32 $0xF7A, s1;
	s8 =	simm.s32 @!p0 $0x1BF5;
	p2 =	por !p2, p0  }
0x20: {  	[sflag:s8] =	ssyncset.s32 @!p0 $0xFFFFF086;
	s6 =	sadd.s32 @!p0 s3, s7;
	s7 =	simm.s32 @!p0 $0x108  }
0x21: {  	s3 =	sadd.s32 s3, s9;
	s6 =	sadd.s32 @!p0 $0x88, s6;
	s7 =	simm.s32 @p2 $0x1082  }
0x22: {  	[simem:s7], [sflag:s8] =	dma.local @!p0 [hbm:s6], $0xF7A  }
0x23: {  	s9 =	sor.u32 $0xD0000000, s2;
	s6 =	simm.s32 $0x108;
	_ =	swait.ge @!p0 [sflag:s8], $0x0  }
0x24: {  	s3 =	sadd.s32 $0x88, s3;
	s6 =	simm.s32 @!p1 $0x1082;
	[sflag:s4] =	ssyncset.s32 $0xFFFFF086  }
0x25: {  	[simem:s6], [sflag:s4] =	dma.local [hbm:s3], $0xF7A  }
0x26: {  	[smem:$0x3F96] =	sst s1;
	(tag) =	ssettag s2;
	_ =	strace s9  }
0x27: {  	s1 =	sld [smem:$0x3FA6]  }
0x28: {  	s2 =	sld [smem:$0x3FA7]  }
0x29: {  	s4 =	sld [smem:$0x3FA9]  }
0x2a: {  	p0 =	seq.s32 s5, $0x0;
	s5 =	sld [smem:$0x3FAA]  }
0x2b: {  	s6 =	sld [smem:$0x3FAB]  }
0x2c: {  	s7 =	sld [smem:$0x3FAC]  }
0x2d: {  	s3 =	simm.s32 $0x108;
	s8 =	sld [smem:$0x3FAD]  }
0x2e: {  	s3 =	simm.s32 @!p0 $0x1082;
	s9 =	sld [smem:$0x3FAE]  }
0x2f: {  	lr =	sadd.s32 s0, s3;
	s0 =	sld [smem:$0x3FA5]  }
0x30: {  	s3 =	sld [smem:$0x3FA8]  }
0x31: {  	[smem:$0x3FB1] =	sst s10  }
0x32: {  	s10 =	sld [smem:$0x3FAF];
	_ =	sdelay $0x3  }
0x33: {  	p0 =	seq.s32 s10, $0x1;
	s10 =	sld [smem:$0x3FB1];
	_ =	sdelay $0x3  }
0x34: {  	[smem:$0x3FB1] =	sst s10  }
0x35: {  	s10 =	sld [smem:$0x3FB0];
	_ =	sdelay $0x3  }
0x36: {  	p1 =	seq.s32 s10, $0x1;
	s10 =	sld [smem:$0x3FB1];
	_ =	sdelay $0x3  }
0x37: {  	[smem:$0x3FB1] =	sst s10  }
0x38: {  	s10 =	sld [smem:$0x3FB2]  }
0x39: {  	_ = 	snop;
	(pc) =	sbr.ind lr, $3  }
0x3a: {  	_ = 	snop  }
0x3b: {  	_ = 	snop  }
0x3c: {  	p2 =	seq.s32 s10, $0x1;
	s10 =	sld [smem:$0x3FB1]  }
0x3d: {  	_ =	shalt  }
0x3e: {  	_ =	shalt  }
0x3f: {  	_ =	shalt  }
0x40: {  	_ =	shalt  }
0x41: {  	_ =	shalt  }
0x42: {  	_ =	shalt  }
0x43: {  	_ =	shalt  }
0x44: {  	_ =	shalt  }
0x45: {  	_ =	shalt  }
0x46: {  	_ =	shalt  }
0x47: {  	_ =	shalt  }
0x48: {  	_ =	shalt  }
0x49: {  	_ =	shalt  }
0x4a: {  	_ =	shalt  }
0x4b: {  	_ =	shalt  }
0x4c: {  	_ =	shalt  }
0x4d: {  	_ =	shalt  }
0x4e: {  	_ =	shalt  }
0x4f: {  	_ =	shalt  }
0x50: {  	_ =	shalt  }
0x51: {  	_ =	shalt  }
0x52: {  	_ =	shalt  }
0x53: {  	_ =	shalt  }
0x54: {  	_ =	shalt  }
0x55: {  	_ =	shalt  }
0x56: {  	_ =	shalt  }
0x57: {  	_ =	shalt  }
0x58: {  	_ =	shalt  }
0x59: {  	_ =	shalt  }
0x5a: {  	_ =	shalt  }
0x5b: {  	_ =	shalt  }
0x5c: {  	_ =	shalt  }
0x5d: {  	_ =	shalt  }
0x5e: {  	_ =	shalt  }
0x5f: {  	_ =	shalt  }
0x60: {  	_ =	shalt  }
0x61: {  	_ =	shalt  }
0x62: {  	_ =	shalt  }
0x63: {  	_ =	shalt  }
0x64: {  	_ =	shalt  }
0x65: {  	_ =	shalt  }
0x66: {  	_ =	shalt  }
0x67: {  	_ =	shalt  }
0x68: {  	_ =	shalt  }
0x69: {  	_ =	shalt  }
0x6a: {  	_ =	shalt  }
0x6b: {  	_ =	shalt  }
0x6c: {  	_ =	shalt  }
0x6d: {  	_ =	shalt  }
0x6e: {  	_ =	shalt  }
0x6f: {  	_ =	shalt  }
0x70: {  	_ =	shalt  }
0x71: {  	_ =	shalt  }
0x72: {  	_ =	shalt  }
0x73: {  	_ =	shalt  }
0x74: {  	_ =	shalt  }
0x75: {  	_ =	shalt  }
0x76: {  	_ =	shalt  }
0x77: {  	_ =	shalt  }
0x78: {  	_ =	shalt  }
0x79: {  	_ =	shalt  }
0x7a: {  	_ =	shalt  }
0x7b: {  	_ =	shalt  }
0x7c: {  	_ =	shalt  }
0x7d: {  	_ =	shalt  }
0x7e: {  	_ =	shalt  }
0x7f: {  	_ =	shalt  }
0x80: {  	_ =	shalt  }
0x81: {  	_ =	shalt  }
0x82: {  	_ =	shalt  }
0x83: {  	_ =	shalt  }
0x84: {  	_ =	shalt  }
0x85: {  	_ =	shalt  }
0x86: {  	_ =	shalt  }
0x87: {  	_ =	shalt  }
.Lfunc_end0:
.L_simem_size_0:
called_computation.5_lowered:
.L_overlay_start_0:
0x88: {  	s2 =	sld [smem:$0x3FD9]  }
0x89: {  	s3 =	sld [smem:$0x3FFE];
	_ =	sdelay $0x1  }
0x8a: {  	s1 =	srdreg.scid  }
0x8b: {  	s0 =	sand.u32 $0x1, s1  }
0x8c: {  	s17 =	sshll.u32 s0, $0xA;
	s2 =	sadd.s32 s3, s2  }
0x8d: {  	s2 =	sadd.s32 s2, s17  }
0x8e: {  	[smem:$0x3FBD] =	sst s2  }
0x8f: {  	_ = 	snop  }
0x90: {  	(tm) =	ssettm $0x1  }
0x91: {  	s18 =	sld [smem:$0x3FFB];
	_ =	sdelay $0x3  }
0x92: {  	_ =	strace s18  }
0x93: {  	s2 =	sld [smem:$0x3FFC];
	_ =	sdelay $0x3  }
0x94: {  	_ =	strace s2  }
0x95: {  	s2 =	sld [smem:$0x3FFD];
	_ =	sdelay $0x3  }
0x96: {  	_ =	strace s2  }
0x97: {  	_ =	strace $0x8FFFFFFF  }
0x98: {  	s19 =	sld [smem:$0x3FDB];
	_ =	sdelay $0x1  }
0x99: {  	s20 =	simm.s32 $_scs_section_size  }
0x9a: {  	s4 =	simm.s32 $_size__tile_overlayer_lowered;
	s5 =	simm.s32 $_tile_overlayer_lowered  }
0x9b: {  	s6 =	simm.s32 $0x1BFF;
	s21 =	sshll.u32 s5, $0x1;
	s3 =	sadd.s32 s20, s19  }
0x9c: {  	s22 =	simm.s32 $0x0;
	s4 =	sshll.u32 s4, $0x1;
	s5 =	sadd.s32 s21, s3  }
0x9d: {  	[timem:s22], [sflag:s6] =	dma.local [hbm:s5], s4  }
0x9e: {  	_ =	swait.ge [sflag:s6], s4  }
0x9f: {  	s4 =	ssub.s32 $0x0, s4;
	[sflag:s6] =	ssyncset.done $0x0  }
0xa0: {  	[sflag:s6] =	ssyncadd.s32 s4;
	_ =	sdelay $0x1  }
0xa1: {  	s23 =	simm.s32 $0x1B8B  }
0xa2: {  	_ =	swait.ge [sflag:s23], $0x1  }
0xa3: {  	[sflag:s23] =	ssyncset.done $0x0  }
0xa4: {  	[sflag:s23] =	ssyncadd.s32 $0xFFFFFFFF  }
0xa5: {  	s4 =	sld [smem:$0x0]  }
0xa6: {  	s5 =	sand.u32 $0xFFFFFFFE, s1  }
0xa7: {  	p0 =	sne.s32 s1, s5  }
0xa8: {  	s5 =	sshll.u32 @p0 s5, $0xE  }
0xa9: {  	s5 =	sadd.s32 @p0 $0x11B8D, s5;
	s6 =	sshll.u32 @p0 s4, $0x11  }
0xaa: {  	s5 =	sor.u32 @p0 s6, s5  }
0xab: {  	[sflag:s5] =	ssyncadd.remote.s32 @p0 $0x1;
	_ =	sdelay $0x1  }
0xac: {  	s5 =	simm.s32 @p0 $0x1B8D  }
0xad: {  	_ =	swait.eq @p0 [sflag:s5], $0x1  }
0xae: {  	[sflag:s5] =	ssyncadd.s32 @p0 $0xFFFFFFFF  }
0xaf: {  	s6 =	sshll.u32 @!p0 s1, $0xE  }
0xb0: {  	s6 =	sor.u32 @!p0 $0x4000, s6;
	s5 =	simm.s32 @!p0 $0x1B8D  }
0xb1: {  	s4 =	sshll.u32 @!p0 s4, $0x11;
	s6 =	sadd.s32 @!p0 $0x11B8D, s6;
	_ =	swait.eq @!p0 [sflag:s5], $0x1  }
0xb2: {  	s4 =	sor.u32 @!p0 s4, s6;
	[sflag:s5] =	ssyncadd.s32 @!p0 $0xFFFFFFFF  }
0xb3: {  	s25 =	simm.s32 $0x1B8E;
	s24 =	sld [smem:$0x3FFE];
	[sflag:s4] =	ssyncadd.remote.s32 @!p0 $0x1  }
0xb4: {  	s26 =	simm.s32 $execute0_lowered;
	[smem:$0x3FD2] =	sst s25  }
0xb5: {  	s5 =	sshll.u32 s26, $0x1;
	_ =	strace $0x80000052;
	[dreg:$0x1] =	wrdreg $0xFFFFFFFF  }
0xb6: {  	s28 =	simm.s32 $_size_execute0_lowered;
	s3 =	sadd.s32 s3, s5;
	[dreg:$0x0] =	wrdreg $0x0  }
0xb7: {  	s5 =	sshll.u32 s28, $0x1;
	[dreg:$0x2] =	wrdreg s3  }
0xb8: {  	[dreg:$0x3] =	wrdreg s5  }
0xb9: {  	[dreg:$0x4] =	wrdreg $0xC0  }
0xba: {  	_ =	task [dreg:s22], $0x5FFFF  }
0xbb: {  	[dreg:$0x1] =	wrdreg $0xFFFFFFFF  }
0xbc: {  	[dreg:$0x0] =	wrdreg $0x60  }
0xbd: {  	[dreg:$0x2] =	wrdreg s24  }
0xbe: {  	[dreg:$0x3] =	wrdreg $0x118800  }
0xbf: {  	[dreg:$0x4] =	wrdreg $0x158800  }
0xc0: {  	[dreg:$0x5] =	wrdreg $0xC  }
0xc1: {  	_ =	task.clear_ibuf [dreg:s22], $0x6FFFF;
	_ =	strace $0x90000052  }
0xc2: {  	s29 =	simm.s32 $0xC;
	_ =	strace $0x80000054  }
0xc3: {  	_ =	swait.ge [sflag:s29], $0x1  }
0xc4: {  	[sflag:s29] =	ssyncadd.s32 $0xFFFFFFFF  }
0xc5: {  	_ =	strace $0x90000054  }
0xc6: {  	_ =	sfence  }
0xc7: {  	s30 =	sld [smem:$0x0];
	_ =	sdelay $0x2  }
0xc8: {  	s31 =	sshll.u32 s1, $0xD;
	s1 =	sshrl.u32 s1, $0x2  }
0xc9: {  	s4 =	sand.u32 $0x4000, s31;
	s1 =	sadd.s32 s1, s30  }
0xca: {  	s0 =	sor.u32 s4, s0;
	s1 =	sshll.u32 s1, $0x11  }
0xcb: {  	s0 =	sor.u32 s1, s0  }
0xcc: {  	s0 =	sadd.s32 $0x8F2B, s0  }
0xcd: {  	[sflag:s0] =	ssyncadd.remote.s32 $0x1  }
0xce: {  	_ =	sfence.sel $0xFFFF  }
0xcf: {  	[dreg:$0x0] =	wrdreg $0xFFFFFFFF;
	(pc) =	sbr.abs _section_cstart, $3  }
0xd0: {  	[dreg:$0x1] =	wrdreg $0xFFFFFFFF  }
0xd1: {  	_ =	task.clear_ibuf [dreg:s22], $0x2FFFF;
	_ =	strace $0x9FFFFFFF  }
0xd2: {  	(tm) =	ssettm $0x7FFFFFFF  }
0xd3: {  	_ =	shalt  }
tec
execute0_lowered:
.L_overlay_start_1:
0x0: {  	(tag) =	ssettag $0x1  }
0x1: {  	s0 =	rddreg [dreg:$0x0]  }
0x2: {  	s2 =	rddreg [dreg:$0x1]  }
0x3: {  	s3 =	rddreg [dreg:$0x2];
	s1 =	stileid.u32  }
0x4: {  	s5 =	srdreg.scid;
	s4 =	simm.s32 $0x0;
	s16 =	simm.s32 $0x5  }
0x5: {  	s19 =	simm.s32 $0x80;
	s22 =	simm.s32 $0x3;
	s23 =	simm.s32 $0x4  }
0x6: {  	s24 =	simm.s32 $0x0;
	s7 =	sand.u32 $0x1, s5;
	s6 =	smul.u32 $0x26, s1  }
0x7: {  	[smem:$0x7FF] =	sst s4;
	s25 =	sshll.u32 s1, $0x1;
	s5 =	sadd.s32 $0x4B400, s0  }
0x8: {  	s11 =	sshll.u32 s1, $0x4;
	s29 =	sshll.u32 s1, $0xE;
	s8 =	smul.u32 $0x13, s7  }
0x9: {  	_ =	strace $0x80000053;
	s9 =	sor.u32 s7, s25;
	s26 =	ssub.s32 $0x2, s7  }
0xa: {  	s11 =	sadd.s32 s11, s0;
	s7 =	simm.s32 $0x14;
	s10 =	smin.u32 s9, $0x11  }
0xb: {  	s12 =	smul.u32 $0xC00, s9;
	s13 =	sshrl.u32 s26, $0x1;
	p0 =	slt.u32 s9, $0x11  }
0xc: {  	s30 =	sadd.s32 $0x7C800, s11;
	s11 =	sadd.s32 s29, s2;
	s8 =	sadd.s32 s8, s6  }
0xd: {  	s6 =	sadd.s32 $0x24200, s0;
	s13 =	ssub.s32 s26, s13;
	s8 =	sadd.s32 s10, s8  }
0xe: {  	[dreg:$0x6] =	wrdreg s30;
	s28 =	sshrl.u32 s12, $0x3;
	s8 =	sshll.u32 s8, $0xB  }
0xf: {  	s31 =	smax.u32 s13, $0x1;
	s8 =	sadd.s32 s8, s0;
	s0 =	sadd.s32 s0, s28  }
0x10: {  	s7 =	simm.s32 @!p0 $0x13;
	[dreg:$0x7] =	wrdreg s31;
	s9 =	sadd.s32 $0x8EA00, s0  }
0x11: {  	s12 =	sadd.s32 s29, s3;
	s0 =	sadd.s32 $0x82A00, s0;
	[dreg:$0x4] =	wrdreg s9  }
0x12: {  	s18 =	sadd.s32 $0x1CDA00, s8;
	s15 =	sadd.s32 $0x1CD200, s8;
	[dreg:$0x5] =	wrdreg s0  }
.LBB2_1:
0x13: {  	s0 =	rddreg [dreg:$0x4]  }
0x14: {  	[tilespmem:s4], [sflag:$0x5] =	stream.linear.gather [hbm4b:s0+s4], $0xA00, $0x38;
	[tilespmem:$0x19880] =	vst v63  }
0x15: {  	_ =	swait.ge [sflag:s16], $0xA00  }
0x16: {  	[sflag:s16] =	ssyncset.done $0x0  }
0x17: {  	s8 =	simm.s32 $0xC00;
	s20 =	rddreg [dreg:$0x5];
	[sflag:s16] =	ssyncadd.s32 $0xFFFFF600  }
0x18: {  	[tilespmem:s8], [sflag:$0x5] =	stream.linear.gather [hbm4b:s20+s4], $0xA00, $0x38;
	[tilespmem:$0x19880] =	vst v63  }
0x19: {  	_ =	swait.ge [sflag:s16], $0xA00  }
0x1a: {  	[sflag:s16] =	ssyncset.done $0x0  }
0x1b: {  	s9 =	simm.s32 $0x1800;
	s21 =	rddreg [dreg:$0x6];
	[sflag:s16] =	ssyncadd.s32 $0xFFFFF600  }
0x1c: {  	[tilespmem:s9], [sflag:$0x5] =	stream.linear.gather [hbm4b:s21+s4], $0x80, $0x38;
	[tilespmem:$0x19880] =	vst v63  }
0x1d: {  	_ =	swait.ge [sflag:s16], $0x80  }
0x1e: {  	p1 =	sle.u32 s7, $0x0;
	[sflag:s16] =	ssyncset.done $0x0  }
0x1f: {  	s25 =	simm.s32 $0x1880;
	p0 =	por p1, p1;
	[sflag:s16] =	ssyncadd.s32 $0xFFFFFF80  }
0x20: {  	[tilespmem:s25], [sflag:$0x1] =	stream.indirect.gather [hbm4b:s5+s19], $0x80, s4, s19, $0xb8;
	[tilespmem:$0x19880] =	vst v63  }
0x21: {  	s26 =	simm.s32 $0x5880;
	s0 =	simm.s32 @!p0 $0x1  }
0x22: {  	[tilespmem:s26], [sflag:$0x1] =	stream.indirect.gather [hbm4b:s6+s19], $0x80, s8, s19, $0xb8;
	[tilespmem:$0x19880] =	vst v63  }
0x23: {  	_ =	swait.ge @!p0 [sflag:s0], $0x4000  }
0x24: {  	p2 =	sle.u32 @!p1 s7, $0x1;
	[sflag:s0] =	ssyncset.done @!p0 $0x0  }
0x25: {  	p2 =	por p2, p2;
	[sflag:s0] =	ssyncadd.s32 @!p0 $0xFFFFC000  }
0x26: {  	p3 =	por @!p1 $0x1, $0x1;
	p2 =	por p2, p0;
	_ =	swait.ge @!p0 [sflag:s0], $0x4000  }
0x27: {  	p3 =	por p3, p3;
	s14 =	simm.s32 @!p2 $0x80;
	[sflag:s0] =	ssyncset.done @!p0 $0x0  }
0x28: {  	s9 =	simm.s32 @!p2 $0x80;
	s8 =	simm.s32 @!p2 $0x9880;
	[sflag:s0] =	ssyncadd.s32 @!p0 $0xFFFFC000  }
0x29: {  	[tilespmem:s8], [sflag:$0x2] =	stream.indirect.gather @!p2 [hbm4b:s5+s14], $0x80, s9, s14, $0xb8;
	[tilespmem:$0x19880] =	vst v63  }
0x2a: {  	p3 =	por p3, p0;
	s0 =	simm.s32 @!p2 $0xC80;
	s8 =	simm.s32 @!p2 $0xD880  }
0x2b: {  	[tilespmem:s8], [sflag:$0x2] =	stream.indirect.gather @!p2 [hbm4b:s6+s14], $0x80, s0, s14, $0xb8;
	[tilespmem:$0x19880] =	vst v63  }
0x2c: {  	s0 =	simm.s32 @!p3 $0x3  }
0x2d: {  	_ =	swait.ge @!p3 [sflag:s0], $0x800  }
0x2e: {  	[sflag:s0] =	ssyncset.done @!p3 $0x0  }
0x2f: {  	s9 =	simm.s32 @!p0 $0x5;
	s8 =	simm.s32 @!p0 $0x1880;
	[sflag:s0] =	ssyncadd.s32 @!p3 $0xFFFFF800  }
0x30: {  	[spmem:s11] =	stream.linear.scatter @!p0 [tilespmem:s8], [sflag:$0x5], $0x4000, $0x38;
	[tilespmem:$0x19880] =	vst v63  }
0x31: {  	_ =	swait.ge @!p0 [sflag:s9], $0x4000  }
0x32: {  	s14 =	simm.s32 @!p0 $0x5880;
	[sflag:s9] =	ssyncset.done @!p0 $0x0  }
0x33: {  	s0 =	simm.s32 @!p0 $0x80;
	s8 =	simm.s32 @!p0 $0x1800;
	[sflag:s9] =	ssyncadd.s32 @!p0 $0xFFFFC000  }
0x34: {  	[spmem:s2] =	stream.indirect.scatter.add.f32 @!p0 [tilespmem:s14], [sflag:$0x5], $0x80, s8, s0, $0xb8;
	[tilespmem:$0x19880] =	vst v63  }
0x35: {  	s28 =	simm.s32 $0x2;
	p3 =	sle.u32 s7, $0x1;
	_ =	swait.ge @!p0 [sflag:s9], $0x4000  }
0x36: {  	s0 =	sshll.u32 @!p1 s1, $0x6;
	s8 =	sshrl.u32 @!p0 s11, $0x3;
	[sflag:s9] =	ssyncset.done @!p0 $0x0  }
0x37: {  	s14 =	simm.s32 @!p3 $0x2;
	s0 =	sor.u32 @!p1 $0x1C03, s0;
	[sflag:s9] =	ssyncadd.s32 @!p0 $0xFFFFC000  }
0x38: {  	[hbm:s15], [sflag:s0] =	dma.local @!p0 [spmem:s8], $0x800  }
0x39: {  	s31 =	simm.s32 $0x800;
	s30 =	sadd.s32 $0x1000, s15;
	_ =	swait.ge @!p3 [sflag:s14], $0x4000  }
0x3a: {  	s25 =	simm.s32 $0x400;
	s26 =	sadd.s32 $0x1000, s18;
	[sflag:s14] =	ssyncset.done @!p3 $0x0  }
0x3b: {  	p2 =	sle.u32 @!p3 s7, $0x2;
	p5 =	por @!p3 $0x1, $0x1;
	[sflag:s14] =	ssyncadd.s32 @!p3 $0xFFFFC000  }
0x3c: {  	p4 =	por p2, p3;
	p5 =	por p5, p3;
	_ =	swait.ge @!p3 [sflag:s14], $0x4000  }
0x3d: {  	p1 =	sle.u32 s7, $0x2;
	s9 =	simm.s32 @!p4 $0x100;
	[sflag:s14] =	ssyncset.done @!p3 $0x0  }
0x3e: {  	s0 =	simm.s32 @!p4 $0x1880;
	s8 =	simm.s32 @!p4 $0x80;
	[sflag:s14] =	ssyncadd.s32 @!p3 $0xFFFFC000  }
0x3f: {  	[tilespmem:s0], [sflag:$0x1] =	stream.indirect.gather @!p4 [hbm4b:s5+s8], $0x80, s9, s8, $0xb8;
	[tilespmem:$0x19880] =	vst v63  }
0x40: {  	s14 =	simm.s32 @!p5 $0x4;
	s0 =	simm.s32 @!p4 $0x5880;
	s9 =	simm.s32 @!p4 $0xD00  }
0x41: {  	[tilespmem:s0], [sflag:$0x1] =	stream.indirect.gather @!p4 [hbm4b:s6+s8], $0x80, s9, s8, $0xb8;
	[tilespmem:$0x19880] =	vst v63  }
0x42: {  	p2 =	sle.u32 @!p1 s7, $0x3;
	p0 =	por @!p1 $0x0, $0x0;
	_ =	swait.ge @!p5 [sflag:s14], $0x800  }
0x43: {  	s0 =	sshll.u32 @!p1 s1, $0x6;
	s8 =	simm.s32 @!p3 $0x5;
	[sflag:s14] =	ssyncset.done @!p5 $0x0  }
0x44: {  	s29 =	sor.u32 @!p1 $0x1C03, s0;
	s0 =	simm.s32 @!p3 $0x9880;
	[sflag:s14] =	ssyncadd.s32 @!p5 $0xFFFFF800  }
0x45: {  	[spmem:s12] =	stream.linear.scatter @!p3 [tilespmem:s0], [sflag:$0x5], $0x4000, $0x38;
	[tilespmem:$0x19880] =	vst v63  }
0x46: {  	p4 =	por p0, p0;
	s9 =	simm.s32 @!p3 $0x1800;
	_ =	swait.ge @!p3 [sflag:s8], $0x4000  }
0x47: {  	s14 =	simm.s32 @!p3 $0xD880;
	s0 =	sshll.u32 @!p3 s1, $0x6;
	[sflag:s8] =	ssyncset.done @!p3 $0x0  }
0x48: {  	s21 =	sor.u32 @!p3 $0x1C04, s0;
	s0 =	simm.s32 @!p3 $0x80;
	[sflag:s8] =	ssyncadd.s32 @!p3 $0xFFFFC000  }
0x49: {  	[spmem:s3] =	stream.indirect.scatter.add.f32 @!p3 [tilespmem:s14], [sflag:$0x5], $0x80, s9, s0, $0xb8;
	[tilespmem:$0x19880] =	vst v63  }
0x4a: {  	p0 =	por p2, p2;
	p1 =	por p1, p1;
	s0 =	simm.s32 $0x4  }
0x4b: {  	s9 =	sshrl.u32 @!p3 s12, $0x3;
	s14 =	smov.u32 s18;
	_ =	swait.ge @!p3 [sflag:s8], $0x4000  }
.LBB2_2:
0x4c: {  	p5 =	sge.u32 s0, s7;
	[sflag:s8] =	ssyncset.done @!p3 $0x0;
	s20 =	smov.u32 s31  }
0x4d: {  	p6 =	seq.s32 @!p5 s31, $0x0;
	[sflag:s8] =	ssyncadd.s32 @!p3 $0xFFFFC000;
	s31 =	sadd.s32 $0x400, s31  }
0x4e: {  	[hbm:s14], [sflag:s21] =	dma.local @!p3 [spmem:s9], $0x800  }
0x4f: {  	s10 =	simm.s32 @!p1 $0x1;
	p2 =	sne.s32 s31, $0x2C00  }
0x50: {  	_ =	swait.ge @!p1 [sflag:s10], $0x4000;
	s9 =	simm.s32 @!p2 $0x0  }
0x51: {  	s9 =	simm.s32 @p2 $0x1;
	[sflag:s10] =	ssyncset.done @!p1 $0x0  }
0x52: {  	p0 =	por p0, p1;
	[smem:$0x7FD] =	sst s9;
	[sflag:s10] =	ssyncadd.s32 @!p1 $0xFFFFC000  }
0x53: {  	s17 =	sadd.s32 @!p5 $0x1, s0;
	s13 =	simm.s32 @!p0 $0x80;
	_ =	swait.ge @!p1 [sflag:s10], $0x4000  }
0x54: {  	p3 =	sge.u32 @!p5 s17, s7;
	s9 =	sshra.s32 @!p0 s25, $0x2;
	[sflag:s10] =	ssyncset.done @!p1 $0x0  }
0x55: {  	s17 =	simm.s32 @!p0 $0x9880;
	s21 =	sadd.s32 @!p0 $0x80, s9;
	[sflag:s10] =	ssyncadd.s32 @!p1 $0xFFFFC000  }
0x56: {  	[tilespmem:s17], [sflag:$0x2] =	stream.indirect.gather @!p0 [hbm4b:s5+s13], $0x80, s21, s13, $0xb8;
	[tilespmem:$0x19880] =	vst v63  }
0x57: {  	s9 =	sadd.s32 @!p0 $0xC80, s9;
	s10 =	simm.s32 @!p0 $0xD880  }
0x58: {  	[tilespmem:s10], [sflag:$0x2] =	stream.indirect.gather @!p0 [hbm4b:s6+s13], $0x80, s9, s13, $0xb8;
	[tilespmem:$0x19880] =	vst v63  }
0x59: {  	p0 =	por p3, p3  }
0x5a: {  	s10 =	simm.s32 @!p0 $0x0  }
0x5b: {  	p4 =	por p4, p1;
	s10 =	simm.s32 @p0 $0x1  }
0x5c: {  	s9 =	simm.s32 @!p4 $0x3;
	[smem:$0x7FC] =	sst s10  }
0x5d: {  	_ =	swait.ge @!p4 [sflag:s9], $0x800  }
0x5e: {  	[sflag:s9] =	ssyncset.done @!p4 $0x0  }
0x5f: {  	s13 =	simm.s32 @!p1 $0x5;
	s10 =	simm.s32 @!p1 $0x1880;
	[sflag:s9] =	ssyncadd.s32 @!p4 $0xFFFFF800  }
0x60: {  	[spmem:s11] =	stream.linear.scatter @!p1 [tilespmem:s10], [sflag:$0x5], $0x4000, $0x38;
	[tilespmem:$0x19880] =	vst v63  }
0x61: {  	_ =	swait.ge @!p1 [sflag:s13], $0x4000  }
0x62: {  	s8 =	sshll.u32 @!p5 s1, $0x6;
	s17 =	simm.s32 @!p1 $0x5880;
	[sflag:s13] =	ssyncset.done @!p1 $0x0  }
0x63: {  	s9 =	simm.s32 @!p1 $0x80;
	s10 =	simm.s32 @!p1 $0x1800;
	[sflag:s13] =	ssyncadd.s32 @!p1 $0xFFFFC000  }
0x64: {  	[spmem:s2] =	stream.indirect.scatter.add.f32 @!p1 [tilespmem:s17], [sflag:$0x5], $0x80, s10, s9, $0xb8;
	[tilespmem:$0x19880] =	vst v63  }
0x65: {  	s8 =	sor.u32 @!p5 $0x1C03, s8;
	s21 =	sadd.s32 $0x1, s28;
	_ =	swait.ge @!p1 [sflag:s13], $0x4000  }
0x66: {  	p3 =	sge.u32 s21, s7;
	s9 =	sshrl.u32 @!p1 s11, $0x3;
	[sflag:s13] =	ssyncset.done @!p1 $0x0  }
0x67: {  	s10 =	simm.s32 @!p3 $0x2;
	s17 =	sadd.s32 @!p3 $0x2, s28;
	[sflag:s13] =	ssyncadd.s32 @!p1 $0xFFFFC000  }
0x68: {  	[hbm:s30], [sflag:s29] =	dma.local @!p1 [spmem:s9], $0x800  }
0x69: {  	p2 =	por p6, p6;
	p0 =	sge.u32 @!p3 s17, s7;
	_ =	swait.ge @!p3 [sflag:s10], $0x4000  }
0x6a: {  	p6 =	por p0, p3;
	p0 =	seq.s32 @!p3 s25, $0x0;
	[sflag:s10] =	ssyncset.done @!p3 $0x0  }
0x6b: {  	s13 =	sshll.u32 @!p3 s1, $0x6;
	s17 =	simm.s32 @!p6 $0x80;
	[sflag:s10] =	ssyncadd.s32 @!p3 $0xFFFFC000  }
0x6c: {  	p0 =	por p0, p3;
	s21 =	sor.u32 @!p3 $0x1C04, s13;
	_ =	swait.ge @!p3 [sflag:s10], $0x4000  }
0x6d: {  	s29 =	smov.u32 s8;
	s8 =	sshra.s32 @!p6 s25, $0x2;
	[sflag:s10] =	ssyncset.done @!p3 $0x0  }
0x6e: {  	s13 =	simm.s32 @!p6 $0x1880;
	[sflag:s10] =	ssyncadd.s32 @!p3 $0xFFFFC000;
	s10 =	sadd.s32 @!p6 $0x100, s8  }
0x6f: {  	[tilespmem:s13], [sflag:$0x1] =	stream.indirect.gather @!p6 [hbm4b:s5+s17], $0x80, s10, s17, $0xb8;
	[tilespmem:$0x19880] =	vst v63  }
0x70: {  	s9 =	simm.s32 @!p6 $0x5880;
	s8 =	sadd.s32 @!p6 $0xD00, s8;
	s10 =	simm.s32 @!p0 $0x4  }
0x71: {  	[tilespmem:s9], [sflag:$0x1] =	stream.indirect.gather @!p6 [hbm4b:s6+s17], $0x80, s8, s17, $0xb8;
	[tilespmem:$0x19880] =	vst v63  }
0x72: {  	_ =	swait.ge @!p0 [sflag:s10], $0x800  }
0x73: {  	[sflag:s10] =	ssyncset.done @!p0 $0x0  }
0x74: {  	s9 =	simm.s32 @!p3 $0x9880;
	s8 =	simm.s32 @!p3 $0x5;
	[sflag:s10] =	ssyncadd.s32 @!p0 $0xFFFFF800  }
0x75: {  	[spmem:s12] =	stream.linear.scatter @!p3 [tilespmem:s9], [sflag:$0x5], $0x4000, $0x38;
	[tilespmem:$0x19880] =	vst v63  }
0x76: {  	s17 =	sld [smem:$0x7FC];
	_ =	swait.ge @!p3 [sflag:s8], $0x4000  }
0x77: {  	s13 =	simm.s32 @!p3 $0xD880;
	[sflag:s8] =	ssyncset.done @!p3 $0x0  }
0x78: {  	s10 =	simm.s32 @!p3 $0x1800;
	s9 =	simm.s32 @!p3 $0x80;
	[sflag:s8] =	ssyncadd.s32 @!p3 $0xFFFFC000  }
0x79: {  	[spmem:s3] =	stream.indirect.scatter.add.f32 @!p3 [tilespmem:s13], [sflag:$0x5], $0x80, s10, s9, $0xb8;
	[tilespmem:$0x19880] =	vst v63  }
0x7a: {  	_ =	swait.ge @!p3 [sflag:s8], $0x4000  }
0x7b: {  	s25 =	smov.u32 s20;
	s20 =	sld [smem:$0x7FD];
	_ =	sdelay $0x2  }
0x7c: {  	p4 =	por p2, p2;
	p2 =	seq.s32 s20, $0x1  }
.Ltmp0:
0x7d: {  	_ = 	snop;
	(pc) =	sbr.rel @p2 .LBB2_2-.Ltmp0, $4  }
0x7e: {  	_ = 	snop  }
0x7f: {  	s14 =	smov.u32 s26;
	s26 =	sadd.s32 $0x1000, s26  }
0x80: {  	s28 =	smov.u32 s0;
	s0 =	sadd.s32 $0x2, s0;
	p1 =	por p5, p5  }
0x81: {  	s30 =	sadd.s32 $0x1000, s30;
	p0 =	seq.s32 s17, $0x1;
	s9 =	sshrl.u32 @!p3 s12, $0x3  }
0x82: {  	[sflag:s8] =	ssyncset.done @!p3 $0x0  }
0x83: {  	s0 =	simm.s32 @!p1 $0x1;
	[sflag:s8] =	ssyncadd.s32 @!p3 $0xFFFFC000  }
0x84: {  	[hbm:s14], [sflag:s21] =	dma.local @!p3 [spmem:s9], $0x800  }
0x85: {  	_ =	swait.ge @!p1 [sflag:s0], $0x4000  }
0x86: {  	[sflag:s0] =	ssyncset.done @!p1 $0x0  }
0x87: {  	[sflag:s0] =	ssyncadd.s32 @!p1 $0xFFFFC000  }
0x88: {  	p0 =	por p0, p1;
	_ =	swait.ge @!p1 [sflag:s0], $0x4000  }
0x89: {  	s8 =	sshra.s32 @!p0 s25, $0x2;
	s13 =	simm.s32 @!p0 $0x80;
	[sflag:s0] =	ssyncset.done @!p1 $0x0  }
0x8a: {  	s9 =	simm.s32 @!p0 $0x9880;
	s10 =	sadd.s32 @!p0 $0x80, s8;
	[sflag:s0] =	ssyncadd.s32 @!p1 $0xFFFFC000  }
0x8b: {  	[tilespmem:s9], [sflag:$0x2] =	stream.indirect.gather @!p0 [hbm4b:s5+s13], $0x80, s10, s13, $0xb8;
	[tilespmem:$0x19880] =	vst v63  }
0x8c: {  	p2 =	por p4, p1;
	s0 =	sadd.s32 @!p0 $0xC80, s8;
	s8 =	simm.s32 @!p0 $0xD880  }
0x8d: {  	[tilespmem:s8], [sflag:$0x2] =	stream.indirect.gather @!p0 [hbm4b:s6+s13], $0x80, s0, s13, $0xb8;
	[tilespmem:$0x19880] =	vst v63  }
0x8e: {  	s0 =	simm.s32 @!p2 $0x3  }
0x8f: {  	_ =	swait.ge @!p2 [sflag:s0], $0x800  }
0x90: {  	[sflag:s0] =	ssyncset.done @!p2 $0x0  }
0x91: {  	s9 =	simm.s32 @!p1 $0x5;
	s8 =	simm.s32 @!p1 $0x1880;
	[sflag:s0] =	ssyncadd.s32 @!p2 $0xFFFFF800  }
0x92: {  	[spmem:s11] =	stream.linear.scatter @!p1 [tilespmem:s8], [sflag:$0x5], $0x4000, $0x38;
	[tilespmem:$0x19880] =	vst v63  }
0x93: {  	_ =	swait.ge @!p1 [sflag:s9], $0x4000  }
0x94: {  	s10 =	simm.s32 @!p1 $0x5880;
	[sflag:s9] =	ssyncset.done @!p1 $0x0  }
0x95: {  	s0 =	simm.s32 @!p1 $0x80;
	s8 =	simm.s32 @!p1 $0x1800;
	[sflag:s9] =	ssyncadd.s32 @!p1 $0xFFFFC000  }
0x96: {  	[spmem:s2] =	stream.indirect.scatter.add.f32 @!p1 [tilespmem:s10], [sflag:$0x5], $0x80, s8, s0, $0xb8;
	[tilespmem:$0x19880] =	vst v63  }
0x97: {  	s21 =	sadd.s32 $0x1, s28;
	_ =	swait.ge @!p1 [sflag:s9], $0x4000  }
0x98: {  	p0 =	sge.u32 s21, s7;
	[sflag:s9] =	ssyncset.done @!p1 $0x0  }
0x99: {  	s0 =	sshrl.u32 @!p1 s11, $0x3;
	s8 =	simm.s32 @!p0 $0x2;
	[sflag:s9] =	ssyncadd.s32 @!p1 $0xFFFFC000  }
0x9a: {  	[hbm:s30], [sflag:s29] =	dma.local @!p1 [spmem:s0], $0x800  }
0x9b: {  	_ =	swait.ge @!p0 [sflag:s8], $0x4000  }
0x9c: {  	s0 =	sadd.s32 @!p0 $0x2, s28;
	[sflag:s8] =	ssyncset.done @!p0 $0x0  }
0x9d: {  	p2 =	seq.s32 @!p0 s25, $0x0;
	p1 =	sge.u32 @!p0 s0, s7;
	[sflag:s8] =	ssyncadd.s32 @!p0 $0xFFFFC000  }
0x9e: {  	p2 =	por p2, p0;
	p1 =	por p1, p0;
	_ =	swait.ge @!p0 [sflag:s8], $0x4000  }
0x9f: {  	s0 =	sshra.s32 @!p1 s25, $0x2;
	s9 =	simm.s32 @!p1 $0x1880;
	[sflag:s8] =	ssyncset.done @!p0 $0x0  }
0xa0: {  	s10 =	simm.s32 @!p1 $0x80;
	[sflag:s8] =	ssyncadd.s32 @!p0 $0xFFFFC000;
	s8 =	sadd.s32 @!p1 $0x100, s0  }
0xa1: {  	[tilespmem:s9], [sflag:$0x1] =	stream.indirect.gather @!p1 [hbm4b:s5+s10], $0x80, s8, s10, $0xb8;
	[tilespmem:$0x19880] =	vst v63  }
0xa2: {  	s0 =	sadd.s32 @!p1 $0xD00, s0;
	s8 =	simm.s32 @!p1 $0x5880;
	s9 =	simm.s32 @!p2 $0x4  }
0xa3: {  	[tilespmem:s8], [sflag:$0x1] =	stream.indirect.gather @!p1 [hbm4b:s6+s10], $0x80, s0, s10, $0xb8;
	[tilespmem:$0x19880] =	vst v63  }
0xa4: {  	_ =	swait.ge @!p2 [sflag:s9], $0x800  }
0xa5: {  	[sflag:s9] =	ssyncset.done @!p2 $0x0  }
0xa6: {  	s0 =	simm.s32 @!p0 $0x9880;
	s8 =	simm.s32 @!p0 $0x5;
	[sflag:s9] =	ssyncadd.s32 @!p2 $0xFFFFF800  }
0xa7: {  	[spmem:s12] =	stream.linear.scatter @!p0 [tilespmem:s0], [sflag:$0x5], $0x4000, $0x38;
	[tilespmem:$0x19880] =	vst v63  }
0xa8: {  	_ =	swait.ge @!p0 [sflag:s8], $0x4000  }
0xa9: {  	s10 =	simm.s32 @!p0 $0xD880;
	[sflag:s8] =	ssyncset.done @!p0 $0x0  }
0xaa: {  	s9 =	simm.s32 @!p0 $0x1800;
	s0 =	simm.s32 @!p0 $0x80;
	[sflag:s8] =	ssyncadd.s32 @!p0 $0xFFFFC000  }
0xab: {  	[spmem:s3] =	stream.indirect.scatter.add.f32 @!p0 [tilespmem:s10], [sflag:$0x5], $0x80, s9, s0, $0xb8;
	[tilespmem:$0x19880] =	vst v63  }
0xac: {  	_ =	swait.ge @!p0 [sflag:s8], $0x4000  }
0xad: {  	s0 =	sshll.u32 @!p0 s1, $0x6;
	[sflag:s8] =	ssyncset.done @!p0 $0x0  }
0xae: {  	s9 =	sshrl.u32 @!p0 s12, $0x3;
	s0 =	sor.u32 @!p0 $0x1C04, s0;
	[sflag:s8] =	ssyncadd.s32 @!p0 $0xFFFFC000  }
0xaf: {  	[hbm:s26], [sflag:s0] =	dma.local @!p0 [spmem:s9], $0x800  }
0xb0: {  	_ =	swait.ge [sflag:s22], $0x800  }
0xb1: {  	[sflag:s22] =	ssyncset.done $0x0  }
0xb2: {  	[sflag:s22] =	ssyncadd.s32 $0xFFFFF800  }
0xb3: {  	_ =	swait.ge [sflag:s23], $0x800  }
0xb4: {  	s24 =	sadd.s32 $0x1, s24;
	s31 =	rddreg [dreg:$0x7]  }
0xb5: {  	p0 =	sne.s32 s24, s31  }
.Ltmp1:
0xb6: {  	_ = 	snop;
	(pc) =	sbr.rel @p0 .LBB2_1-.Ltmp1, $3  }
0xb7: {  	_ =	sdelay $0x1  }
0xb8: {  	[sflag:s23] =	ssyncset.done $0x0  }
0xb9: {  	[sflag:s23] =	ssyncadd.s32 $0xFFFFF800  }
0xba: {  	_ =	sfence.sel $0x180000  }
0xbb: {  	[bflag:$0x0] =	sbarrier.arrive $0xFFFF  }
0xbc: {  	_ =	strace $0x90000053  }
0xbd: {  	[bflag:$0x2] =	sbarrier.arrive $0xFFFF  }
0xbe: {  	p0 =	sne.s32 s1, $0x0;
	s0 =	rddreg [dreg:$0x3]  }
0xbf: {  	s0 =	sadd.s32 @!p0 $0x100000, s0  }
0xc0: {  	[sflag:s0] =	ssyncadd.tile.s32 @!p0 $0x1;
	_ =	shalt  }
.Lfunc_end2:
_tile_overlayer_lowered:
.L_overlay_start_2:
0xc1: {  	(tag) =	ssettag $0x2  }
0xc2: {  	s0 =	rddreg [dreg:$0x0];
	s2 =	stileid.u32  }
0xc3: {  	s1 =	rddreg [dreg:$0x1];
	p0 =	sne.s32 s2, $0x0  }
0xc4: {  	s3 =	rddreg [dreg:$0x2];
	[bflag:$0x3] =	sbarrier.arrive $0xFFFF;
	s2 =	simm.s32 @!p0 $0x1C05  }
0xc5: {  	[timem:s3], [sflag:s2] =	dma.local @!p0 [hbm:s0], s1  }
0xc6: {  	s0 =	simm.s32 @!p0 $0x5  }
0xc7: {  	_ =	swait.ge @!p0 [sflag:s0], s1  }
0xc8: {  	s1 =	ssub.s32 @!p0 $0x0, s1;
	[sflag:s0] =	ssyncset.done @!p0 $0x0  }
0xc9: {  	[sflag:s0] =	ssyncadd.s32 @!p0 s1  }
0xca: {  	[bflag:$0x3] =	sbarrier.arrive $0xFFFF  }
0xcb: {  	_ =	shalt  }

// kernel: kernel.22.cloned.1.call-start
scs
__scs_entry_jumppad:
0x0: {  	(pc) =	sbr.rel $0x88, $3  }
0x1: {  	(tag) =	ssettag $0x0;
	lr =	simm.s32 $0x1  }
0x2: {  	[smem:$0x3F96] =	sst lr;
	_ =	strace $0xD0000000  }
0x3: {  	_ = 	snop  }
0x4: {  	_ = 	snop  }
0x5: {  	_ = 	snop  }
0x6: {  	_ = 	snop  }
0x7: {  	_ = 	snop  }
__scs_overlays_trampoline_lowered:
0x8: {  	[smem:$0x3FA5] =	sst s0  }
0x9: {  	[smem:$0x3FA6] =	sst s1  }
0xa: {  	[smem:$0x3FA7] =	sst s2  }
0xb: {  	[smem:$0x3FA8] =	sst s3  }
0xc: {  	[smem:$0x3FA9] =	sst s4  }
0xd: {  	[smem:$0x3FAA] =	sst s5  }
0xe: {  	[smem:$0x3FAB] =	sst s6  }
0xf: {  	[smem:$0x3FAC] =	sst s7  }
0x10: {  	[smem:$0x3FAD] =	sst s8  }
0x11: {  	[smem:$0x3FAE] =	sst s9;
	s0 =	simm.s32 @!p0 $0x0  }
0x12: {  	s1 =	sld [smem:$0x3F94];
	s0 =	simm.s32 @p0 $0x1  }
0x13: {  	[smem:$0x3FAF] =	sst s0;
	s0 =	simm.s32 @!p1 $0x0  }
0x14: {  	s2 =	sld [smem:$0x3F93];
	s0 =	simm.s32 @p1 $0x1  }
0x15: {  	[smem:$0x3FB0] =	sst s0;
	s0 =	simm.s32 @!p2 $0x0  }
0x16: {  	s3 =	sld [smem:$0x3FDB];
	s0 =	simm.s32 @p2 $0x1  }
0x17: {  	s4 =	simm.s32 $0x1BF5;
	[smem:$0x3FB2] =	sst s0  }
0x18: {  	s0 =	sld [smem:$0x3F95];
	_ =	swait.ge [sflag:s4], $0x0  }
0x19: {  	s7 =	sld [smem:$0x3F96]  }
0x1a: {  	s8 =	sadd.s32 $0xFFFFE003, lr  }
0x1b: {  	s9 =	sadd.s32 $0xFFFFFEF7, lr;
	s5 =	simm.s32 $0xFFFFFFFF;
	p2 =	slt.u32 s8, $0xFFFFF086  }
0x1c: {  	p1 =	slt.u32 s9, $0xF7A;
	s5 =	simm.s32 @!p2 $0x0  }
0x1d: {  	s5 =	simm.s32 @p1 $0x1;
	p0 =	seq.s32 s7, s2  }
0x1e: {  	s7 =	smul.u32 @!p0 $0xF7A, s2;
	p2 =	seq.s32 @!p0 s5, $0x0  }
0x1f: {  	s9 =	smul.u32 $0xF7A, s1;
	s8 =	simm.s32 @!p0 $0x1BF5;
	p2 =	por !p2, p0  }
0x20: {  	[sflag:s8] =	ssyncset.s32 @!p0 $0xFFFFF086;
	s6 =	sadd.s32 @!p0 s3, s7;
	s7 =	simm.s32 @!p0 $0x108  }
0x21: {  	s3 =	sadd.s32 s3, s9;
	s6 =	sadd.s32 @!p0 $0x88, s6;
	s7 =	simm.s32 @p2 $0x1082  }
0x22: {  	[simem:s7], [sflag:s8] =	dma.local @!p0 [hbm:s6], $0xF7A  }
0x23: {  	s9 =	sor.u32 $0xD0000000, s2;
	s6 =	simm.s32 $0x108;
	_ =	swait.ge @!p0 [sflag:s8], $0x0  }
0x24: {  	s3 =	sadd.s32 $0x88, s3;
	s6 =	simm.s32 @!p1 $0x1082;
	[sflag:s4] =	ssyncset.s32 $0xFFFFF086  }
0x25: {  	[simem:s6], [sflag:s4] =	dma.local [hbm:s3], $0xF7A  }
0x26: {  	[smem:$0x3F96] =	sst s1;
	(tag) =	ssettag s2;
	_ =	strace s9  }
0x27: {  	s1 =	sld [smem:$0x3FA6]  }
0x28: {  	s2 =	sld [smem:$0x3FA7]  }
0x29: {  	s4 =	sld [smem:$0x3FA9]  }
0x2a: {  	p0 =	seq.s32 s5, $0x0;
	s5 =	sld [smem:$0x3FAA]  }
0x2b: {  	s6 =	sld [smem:$0x3FAB]  }
0x2c: {  	s7 =	sld [smem:$0x3FAC]  }
0x2d: {  	s3 =	simm.s32 $0x108;
	s8 =	sld [smem:$0x3FAD]  }
0x2e: {  	s3 =	simm.s32 @!p0 $0x1082;
	s9 =	sld [smem:$0x3FAE]  }
0x2f: {  	lr =	sadd.s32 s0, s3;
	s0 =	sld [smem:$0x3FA5]  }
0x30: {  	s3 =	sld [smem:$0x3FA8]  }
0x31: {  	[smem:$0x3FB1] =	sst s10  }
0x32: {  	s10 =	sld [smem:$0x3FAF];
	_ =	sdelay $0x3  }
0x33: {  	p0 =	seq.s32 s10, $0x1;
	s10 =	sld [smem:$0x3FB1];
	_ =	sdelay $0x3  }
0x34: {  	[smem:$0x3FB1] =	sst s10  }
0x35: {  	s10 =	sld [smem:$0x3FB0];
	_ =	sdelay $0x3  }
0x36: {  	p1 =	seq.s32 s10, $0x1;
	s10 =	sld [smem:$0x3FB1];
	_ =	sdelay $0x3  }
0x37: {  	[smem:$0x3FB1] =	sst s10  }
0x38: {  	s10 =	sld [smem:$0x3FB2]  }
0x39: {  	_ = 	snop;
	(pc) =	sbr.ind lr, $3  }
0x3a: {  	_ = 	snop  }
0x3b: {  	_ = 	snop  }
0x3c: {  	p2 =	seq.s32 s10, $0x1;
	s10 =	sld [smem:$0x3FB1]  }
0x3d: {  	_ =	shalt  }
0x3e: {  	_ =	shalt  }
0x3f: {  	_ =	shalt  }
0x40: {  	_ =	shalt  }
0x41: {  	_ =	shalt  }
0x42: {  	_ =	shalt  }
0x43: {  	_ =	shalt  }
0x44: {  	_ =	shalt  }
0x45: {  	_ =	shalt  }
0x46: {  	_ =	shalt  }
0x47: {  	_ =	shalt  }
0x48: {  	_ =	shalt  }
0x49: {  	_ =	shalt  }
0x4a: {  	_ =	shalt  }
0x4b: {  	_ =	shalt  }
0x4c: {  	_ =	shalt  }
0x4d: {  	_ =	shalt  }
0x4e: {  	_ =	shalt  }
0x4f: {  	_ =	shalt  }
0x50: {  	_ =	shalt  }
0x51: {  	_ =	shalt  }
0x52: {  	_ =	shalt  }
0x53: {  	_ =	shalt  }
0x54: {  	_ =	shalt  }
0x55: {  	_ =	shalt  }
0x56: {  	_ =	shalt  }
0x57: {  	_ =	shalt  }
0x58: {  	_ =	shalt  }
0x59: {  	_ =	shalt  }
0x5a: {  	_ =	shalt  }
0x5b: {  	_ =	shalt  }
0x5c: {  	_ =	shalt  }
0x5d: {  	_ =	shalt  }
0x5e: {  	_ =	shalt  }
0x5f: {  	_ =	shalt  }
0x60: {  	_ =	shalt  }
0x61: {  	_ =	shalt  }
0x62: {  	_ =	shalt  }
0x63: {  	_ =	shalt  }
0x64: {  	_ =	shalt  }
0x65: {  	_ =	shalt  }
0x66: {  	_ =	shalt  }
0x67: {  	_ =	shalt  }
0x68: {  	_ =	shalt  }
0x69: {  	_ =	shalt  }
0x6a: {  	_ =	shalt  }
0x6b: {  	_ =	shalt  }
0x6c: {  	_ =	shalt  }
0x6d: {  	_ =	shalt  }
0x6e: {  	_ =	shalt  }
0x6f: {  	_ =	shalt  }
0x70: {  	_ =	shalt  }
0x71: {  	_ =	shalt  }
0x72: {  	_ =	shalt  }
0x73: {  	_ =	shalt  }
0x74: {  	_ =	shalt  }
0x75: {  	_ =	shalt  }
0x76: {  	_ =	shalt  }
0x77: {  	_ =	shalt  }
0x78: {  	_ =	shalt  }
0x79: {  	_ =	shalt  }
0x7a: {  	_ =	shalt  }
0x7b: {  	_ =	shalt  }
0x7c: {  	_ =	shalt  }
0x7d: {  	_ =	shalt  }
0x7e: {  	_ =	shalt  }
0x7f: {  	_ =	shalt  }
0x80: {  	_ =	shalt  }
0x81: {  	_ =	shalt  }
0x82: {  	_ =	shalt  }
0x83: {  	_ =	shalt  }
0x84: {  	_ =	shalt  }
0x85: {  	_ =	shalt  }
0x86: {  	_ =	shalt  }
0x87: {  	_ =	shalt  }
.Lfunc_end0:
.L_simem_size_0:
called_computation.6_lowered:
.L_overlay_start_0:
0x88: {  	s2 =	sld [smem:$0x3FD9]  }
0x89: {  	s3 =	sld [smem:$0x3FFE];
	_ =	sdelay $0x1  }
0x8a: {  	s1 =	srdreg.scid  }
0x8b: {  	s0 =	sand.u32 $0x1, s1  }
0x8c: {  	s17 =	sshll.u32 s0, $0xA;
	s2 =	sadd.s32 s3, s2  }
0x8d: {  	s2 =	sadd.s32 s2, s17  }
0x8e: {  	[smem:$0x3FBD] =	sst s2  }
0x8f: {  	_ = 	snop  }
0x90: {  	(tm) =	ssettm $0x1  }
0x91: {  	s18 =	sld [smem:$0x3FFB];
	_ =	sdelay $0x3  }
0x92: {  	_ =	strace s18  }
0x93: {  	s2 =	sld [smem:$0x3FFC];
	_ =	sdelay $0x3  }
0x94: {  	_ =	strace s2  }
0x95: {  	s2 =	sld [smem:$0x3FFD];
	_ =	sdelay $0x3  }
0x96: {  	_ =	strace s2  }
0x97: {  	_ =	strace $0x8FFFFFFF  }
0x98: {  	s19 =	sld [smem:$0x3FDB];
	_ =	sdelay $0x1  }
0x99: {  	s20 =	simm.s32 $_scs_section_size  }
0x9a: {  	s4 =	simm.s32 $_size__tile_overlayer_lowered;
	s5 =	simm.s32 $_tile_overlayer_lowered  }
0x9b: {  	s6 =	simm.s32 $0x1BFF;
	s21 =	sshll.u32 s5, $0x1;
	s3 =	sadd.s32 s20, s19  }
0x9c: {  	s22 =	simm.s32 $0x0;
	s4 =	sshll.u32 s4, $0x1;
	s5 =	sadd.s32 s21, s3  }
0x9d: {  	[timem:s22], [sflag:s6] =	dma.local [hbm:s5], s4  }
0x9e: {  	_ =	swait.ge [sflag:s6], s4  }
0x9f: {  	s4 =	ssub.s32 $0x0, s4;
	[sflag:s6] =	ssyncset.done $0x0  }
0xa0: {  	[sflag:s6] =	ssyncadd.s32 s4;
	_ =	sdelay $0x1  }
0xa1: {  	s23 =	simm.s32 $0x1B8B  }
0xa2: {  	_ =	swait.ge [sflag:s23], $0x1  }
0xa3: {  	[sflag:s23] =	ssyncset.done $0x0  }
0xa4: {  	[sflag:s23] =	ssyncadd.s32 $0xFFFFFFFF  }
0xa5: {  	s4 =	sld [smem:$0x0]  }
0xa6: {  	s5 =	sand.u32 $0xFFFFFFFE, s1  }
0xa7: {  	p0 =	sne.s32 s1, s5  }
0xa8: {  	s5 =	sshll.u32 @p0 s5, $0xE  }
0xa9: {  	s5 =	sadd.s32 @p0 $0x11B8D, s5;
	s6 =	sshll.u32 @p0 s4, $0x11  }
0xaa: {  	s5 =	sor.u32 @p0 s6, s5  }
0xab: {  	[sflag:s5] =	ssyncadd.remote.s32 @p0 $0x1;
	_ =	sdelay $0x1  }
0xac: {  	s5 =	simm.s32 @p0 $0x1B8D  }
0xad: {  	_ =	swait.eq @p0 [sflag:s5], $0x1  }
0xae: {  	[sflag:s5] =	ssyncadd.s32 @p0 $0xFFFFFFFF  }
0xaf: {  	s6 =	sshll.u32 @!p0 s1, $0xE  }
0xb0: {  	s6 =	sor.u32 @!p0 $0x4000, s6;
	s5 =	simm.s32 @!p0 $0x1B8D  }
0xb1: {  	s4 =	sshll.u32 @!p0 s4, $0x11;
	s6 =	sadd.s32 @!p0 $0x11B8D, s6;
	_ =	swait.eq @!p0 [sflag:s5], $0x1  }
0xb2: {  	s4 =	sor.u32 @!p0 s4, s6;
	[sflag:s5] =	ssyncadd.s32 @!p0 $0xFFFFFFFF  }
0xb3: {  	s25 =	simm.s32 $0x1B8E;
	s24 =	sld [smem:$0x3FFE];
	[sflag:s4] =	ssyncadd.remote.s32 @!p0 $0x1  }
0xb4: {  	s26 =	simm.s32 $execute0_lowered;
	[smem:$0x3FD2] =	sst s25  }
0xb5: {  	s5 =	sshll.u32 s26, $0x1;
	_ =	strace $0x8000004F;
	[dreg:$0x1] =	wrdreg $0xFFFFFFFF  }
0xb6: {  	s28 =	simm.s32 $_size_execute0_lowered;
	s3 =	sadd.s32 s3, s5;
	[dreg:$0x0] =	wrdreg $0x0  }
0xb7: {  	s5 =	sshll.u32 s28, $0x1;
	[dreg:$0x2] =	wrdreg s3  }
0xb8: {  	[dreg:$0x3] =	wrdreg s5  }
0xb9: {  	[dreg:$0x4] =	wrdreg $0xC0  }
0xba: {  	_ =	task [dreg:s22], $0x5FFFF  }
0xbb: {  	[dreg:$0x1] =	wrdreg $0xFFFFFFFF  }
0xbc: {  	[dreg:$0x0] =	wrdreg $0x60  }
0xbd: {  	[dreg:$0x2] =	wrdreg s24  }
0xbe: {  	[dreg:$0x3] =	wrdreg $0x118800  }
0xbf: {  	[dreg:$0x4] =	wrdreg $0x158800  }
0xc0: {  	[dreg:$0x5] =	wrdreg $0xD  }
0xc1: {  	_ =	task.clear_ibuf [dreg:s22], $0x6FFFF;
	_ =	strace $0x9000004F  }
0xc2: {  	s29 =	simm.s32 $0xD;
	_ =	strace $0x80000051  }
0xc3: {  	_ =	swait.ge [sflag:s29], $0x1  }
0xc4: {  	[sflag:s29] =	ssyncadd.s32 $0xFFFFFFFF  }
0xc5: {  	_ =	strace $0x90000051  }
0xc6: {  	_ =	sfence  }
0xc7: {  	s30 =	sld [smem:$0x0];
	_ =	sdelay $0x2  }
0xc8: {  	s31 =	sshll.u32 s1, $0xD;
	s1 =	sshrl.u32 s1, $0x2  }
0xc9: {  	s4 =	sand.u32 $0x4000, s31;
	s1 =	sadd.s32 s1, s30  }
0xca: {  	s0 =	sor.u32 s4, s0;
	s1 =	sshll.u32 s1, $0x11  }
0xcb: {  	s0 =	sor.u32 s1, s0  }
0xcc: {  	s0 =	sadd.s32 $0x8F2B, s0  }
0xcd: {  	[sflag:s0] =	ssyncadd.remote.s32 $0x1  }
0xce: {  	_ =	sfence.sel $0xFFFF  }
0xcf: {  	[dreg:$0x0] =	wrdreg $0xFFFFFFFF;
	(pc) =	sbr.abs _section_cstart, $3  }
0xd0: {  	[dreg:$0x1] =	wrdreg $0xFFFFFFFF  }
0xd1: {  	_ =	task.clear_ibuf [dreg:s22], $0x2FFFF;
	_ =	strace $0x9FFFFFFF  }
0xd2: {  	(tm) =	ssettm $0x7FFFFFFF  }
0xd3: {  	_ =	shalt  }
tec
execute0_lowered:
.L_overlay_start_1:
0x0: {  	(tag) =	ssettag $0x1  }
0x1: {  	s0 =	rddreg [dreg:$0x0]  }
0x2: {  	s2 =	rddreg [dreg:$0x1]  }
0x3: {  	s3 =	rddreg [dreg:$0x2];
	s1 =	stileid.u32  }
0x4: {  	s5 =	srdreg.scid;
	s4 =	simm.s32 $0x0;
	s16 =	simm.s32 $0x5  }
0x5: {  	s19 =	simm.s32 $0x80;
	s22 =	simm.s32 $0x3;
	s23 =	simm.s32 $0x4  }
0x6: {  	s24 =	simm.s32 $0x0;
	s7 =	sand.u32 $0x1, s5;
	s6 =	smul.u32 $0x26, s1  }
0x7: {  	[smem:$0x7FF] =	sst s4;
	s25 =	sshll.u32 s1, $0x1;
	s5 =	sadd.s32 $0x4B400, s0  }
0x8: {  	s11 =	sshll.u32 s1, $0x4;
	s29 =	sshll.u32 s1, $0xE;
	s8 =	smul.u32 $0x13, s7  }
0x9: {  	_ =	strace $0x80000050;
	s9 =	sor.u32 s7, s25;
	s26 =	ssub.s32 $0x2, s7  }
0xa: {  	s11 =	sadd.s32 s11, s0;
	s7 =	simm.s32 $0x14;
	s10 =	smin.u32 s9, $0x11  }
0xb: {  	s12 =	smul.u32 $0xC00, s9;
	s13 =	sshrl.u32 s26, $0x1;
	p0 =	slt.u32 s9, $0x11  }
0xc: {  	s30 =	sadd.s32 $0x7C800, s11;
	s11 =	sadd.s32 s29, s2;
	s8 =	sadd.s32 s8, s6  }
0xd: {  	s6 =	sadd.s32 $0x24200, s0;
	s13 =	ssub.s32 s26, s13;
	s8 =	sadd.s32 s10, s8  }
0xe: {  	[dreg:$0x6] =	wrdreg s30;
	s28 =	sshrl.u32 s12, $0x3;
	s8 =	sshll.u32 s8, $0xB  }
0xf: {  	s31 =	smax.u32 s13, $0x1;
	s8 =	sadd.s32 s8, s0;
	s0 =	sadd.s32 s0, s28  }
0x10: {  	s7 =	simm.s32 @!p0 $0x13;
	[dreg:$0x7] =	wrdreg s31;
	s9 =	sadd.s32 $0x91A00, s0  }
0x11: {  	s12 =	sadd.s32 s29, s3;
	s0 =	sadd.s32 $0x85A00, s0;
	[dreg:$0x4] =	wrdreg s9  }
0x12: {  	s18 =	sadd.s32 $0x95200, s8;
	s15 =	sadd.s32 $0x94A00, s8;
	[dreg:$0x5] =	wrdreg s0  }
.LBB2_1:
0x13: {  	s0 =	rddreg [dreg:$0x4]  }
0x14: {  	[tilespmem:s4], [sflag:$0x5] =	stream.linear.gather [hbm4b:s0+s4], $0xA00, $0x38;
	[tilespmem:$0x19880] =	vst v63  }
0x15: {  	_ =	swait.ge [sflag:s16], $0xA00  }
0x16: {  	[sflag:s16] =	ssyncset.done $0x0  }
0x17: {  	s8 =	simm.s32 $0xC00;
	s20 =	rddreg [dreg:$0x5];
	[sflag:s16] =	ssyncadd.s32 $0xFFFFF600  }
0x18: {  	[tilespmem:s8], [sflag:$0x5] =	stream.linear.gather [hbm4b:s20+s4], $0xA00, $0x38;
	[tilespmem:$0x19880] =	vst v63  }
0x19: {  	_ =	swait.ge [sflag:s16], $0xA00  }
0x1a: {  	[sflag:s16] =	ssyncset.done $0x0  }
0x1b: {  	s9 =	simm.s32 $0x1800;
	s21 =	rddreg [dreg:$0x6];
	[sflag:s16] =	ssyncadd.s32 $0xFFFFF600  }
0x1c: {  	[tilespmem:s9], [sflag:$0x5] =	stream.linear.gather [hbm4b:s21+s4], $0x80, $0x38;
	[tilespmem:$0x19880] =	vst v63  }
0x1d: {  	_ =	swait.ge [sflag:s16], $0x80  }
0x1e: {  	p1 =	sle.u32 s7, $0x0;
	[sflag:s16] =	ssyncset.done $0x0  }
0x1f: {  	s25 =	simm.s32 $0x1880;
	p0 =	por p1, p1;
	[sflag:s16] =	ssyncadd.s32 $0xFFFFFF80  }
0x20: {  	[tilespmem:s25], [sflag:$0x1] =	stream.indirect.gather [hbm4b:s5+s19], $0x80, s4, s19, $0xb8;
	[tilespmem:$0x19880] =	vst v63  }
0x21: {  	s26 =	simm.s32 $0x5880;
	s0 =	simm.s32 @!p0 $0x1  }
0x22: {  	[tilespmem:s26], [sflag:$0x1] =	stream.indirect.gather [hbm4b:s6+s19], $0x80, s8, s19, $0xb8;
	[tilespmem:$0x19880] =	vst v63  }
0x23: {  	_ =	swait.ge @!p0 [sflag:s0], $0x4000  }
0x24: {  	p2 =	sle.u32 @!p1 s7, $0x1;
	[sflag:s0] =	ssyncset.done @!p0 $0x0  }
0x25: {  	p2 =	por p2, p2;
	[sflag:s0] =	ssyncadd.s32 @!p0 $0xFFFFC000  }
0x26: {  	p3 =	por @!p1 $0x1, $0x1;
	p2 =	por p2, p0;
	_ =	swait.ge @!p0 [sflag:s0], $0x4000  }
0x27: {  	p3 =	por p3, p3;
	s14 =	simm.s32 @!p2 $0x80;
	[sflag:s0] =	ssyncset.done @!p0 $0x0  }
0x28: {  	s9 =	simm.s32 @!p2 $0x80;
	s8 =	simm.s32 @!p2 $0x9880;
	[sflag:s0] =	ssyncadd.s32 @!p0 $0xFFFFC000  }
0x29: {  	[tilespmem:s8], [sflag:$0x2] =	stream.indirect.gather @!p2 [hbm4b:s5+s14], $0x80, s9, s14, $0xb8;
	[tilespmem:$0x19880] =	vst v63  }
0x2a: {  	p3 =	por p3, p0;
	s0 =	simm.s32 @!p2 $0xC80;
	s8 =	simm.s32 @!p2 $0xD880  }
0x2b: {  	[tilespmem:s8], [sflag:$0x2] =	stream.indirect.gather @!p2 [hbm4b:s6+s14], $0x80, s0, s14, $0xb8;
	[tilespmem:$0x19880] =	vst v63  }
0x2c: {  	s0 =	simm.s32 @!p3 $0x3  }
0x2d: {  	_ =	swait.ge @!p3 [sflag:s0], $0x800  }
0x2e: {  	[sflag:s0] =	ssyncset.done @!p3 $0x0  }
0x2f: {  	s9 =	simm.s32 @!p0 $0x5;
	s8 =	simm.s32 @!p0 $0x1880;
	[sflag:s0] =	ssyncadd.s32 @!p3 $0xFFFFF800  }
0x30: {  	[spmem:s11] =	stream.linear.scatter @!p0 [tilespmem:s8], [sflag:$0x5], $0x4000, $0x38;
	[tilespmem:$0x19880] =	vst v63  }
0x31: {  	_ =	swait.ge @!p0 [sflag:s9], $0x4000  }
0x32: {  	s14 =	simm.s32 @!p0 $0x5880;
	[sflag:s9] =	ssyncset.done @!p0 $0x0  }
0x33: {  	s0 =	simm.s32 @!p0 $0x80;
	s8 =	simm.s32 @!p0 $0x1800;
	[sflag:s9] =	ssyncadd.s32 @!p0 $0xFFFFC000  }
0x34: {  	[spmem:s2] =	stream.indirect.scatter.add.f32 @!p0 [tilespmem:s14], [sflag:$0x5], $0x80, s8, s0, $0xb8;
	[tilespmem:$0x19880] =	vst v63  }
0x35: {  	s28 =	simm.s32 $0x2;
	p3 =	sle.u32 s7, $0x1;
	_ =	swait.ge @!p0 [sflag:s9], $0x4000  }
0x36: {  	s0 =	sshll.u32 @!p1 s1, $0x6;
	s8 =	sshrl.u32 @!p0 s11, $0x3;
	[sflag:s9] =	ssyncset.done @!p0 $0x0  }
0x37: {  	s14 =	simm.s32 @!p3 $0x2;
	s0 =	sor.u32 @!p1 $0x1C03, s0;
	[sflag:s9] =	ssyncadd.s32 @!p0 $0xFFFFC000  }
0x38: {  	[hbm:s15], [sflag:s0] =	dma.local @!p0 [spmem:s8], $0x800  }
0x39: {  	s31 =	simm.s32 $0x800;
	s30 =	sadd.s32 $0x1000, s15;
	_ =	swait.ge @!p3 [sflag:s14], $0x4000  }
0x3a: {  	s25 =	simm.s32 $0x400;
	s26 =	sadd.s32 $0x1000, s18;
	[sflag:s14] =	ssyncset.done @!p3 $0x0  }
0x3b: {  	p2 =	sle.u32 @!p3 s7, $0x2;
	p5 =	por @!p3 $0x1, $0x1;
	[sflag:s14] =	ssyncadd.s32 @!p3 $0xFFFFC000  }
0x3c: {  	p4 =	por p2, p3;
	p5 =	por p5, p3;
	_ =	swait.ge @!p3 [sflag:s14], $0x4000  }
0x3d: {  	p1 =	sle.u32 s7, $0x2;
	s9 =	simm.s32 @!p4 $0x100;
	[sflag:s14] =	ssyncset.done @!p3 $0x0  }
0x3e: {  	s0 =	simm.s32 @!p4 $0x1880;
	s8 =	simm.s32 @!p4 $0x80;
	[sflag:s14] =	ssyncadd.s32 @!p3 $0xFFFFC000  }
0x3f: {  	[tilespmem:s0], [sflag:$0x1] =	stream.indirect.gather @!p4 [hbm4b:s5+s8], $0x80, s9, s8, $0xb8;
	[tilespmem:$0x19880] =	vst v63  }
0x40: {  	s14 =	simm.s32 @!p5 $0x4;
	s0 =	simm.s32 @!p4 $0x5880;
	s9 =	simm.s32 @!p4 $0xD00  }
0x41: {  	[tilespmem:s0], [sflag:$0x1] =	stream.indirect.gather @!p4 [hbm4b:s6+s8], $0x80, s9, s8, $0xb8;
	[tilespmem:$0x19880] =	vst v63  }
0x42: {  	p2 =	sle.u32 @!p1 s7, $0x3;
	p0 =	por @!p1 $0x0, $0x0;
	_ =	swait.ge @!p5 [sflag:s14], $0x800  }
0x43: {  	s0 =	sshll.u32 @!p1 s1, $0x6;
	s8 =	simm.s32 @!p3 $0x5;
	[sflag:s14] =	ssyncset.done @!p5 $0x0  }
0x44: {  	s29 =	sor.u32 @!p1 $0x1C03, s0;
	s0 =	simm.s32 @!p3 $0x9880;
	[sflag:s14] =	ssyncadd.s32 @!p5 $0xFFFFF800  }
0x45: {  	[spmem:s12] =	stream.linear.scatter @!p3 [tilespmem:s0], [sflag:$0x5], $0x4000, $0x38;
	[tilespmem:$0x19880] =	vst v63  }
0x46: {  	p4 =	por p0, p0;
	s9 =	simm.s32 @!p3 $0x1800;
	_ =	swait.ge @!p3 [sflag:s8], $0x4000  }
0x47: {  	s14 =	simm.s32 @!p3 $0xD880;
	s0 =	sshll.u32 @!p3 s1, $0x6;
	[sflag:s8] =	ssyncset.done @!p3 $0x0  }
0x48: {  	s21 =	sor.u32 @!p3 $0x1C04, s0;
	s0 =	simm.s32 @!p3 $0x80;
	[sflag:s8] =	ssyncadd.s32 @!p3 $0xFFFFC000  }
0x49: {  	[spmem:s3] =	stream.indirect.scatter.add.f32 @!p3 [tilespmem:s14], [sflag:$0x5], $0x80, s9, s0, $0xb8;
	[tilespmem:$0x19880] =	vst v63  }
0x4a: {  	p0 =	por p2, p2;
	p1 =	por p1, p1;
	s0 =	simm.s32 $0x4  }
0x4b: {  	s9 =	sshrl.u32 @!p3 s12, $0x3;
	s14 =	smov.u32 s18;
	_ =	swait.ge @!p3 [sflag:s8], $0x4000  }
.LBB2_2:
0x4c: {  	p5 =	sge.u32 s0, s7;
	[sflag:s8] =	ssyncset.done @!p3 $0x0;
	s20 =	smov.u32 s31  }
0x4d: {  	p6 =	seq.s32 @!p5 s31, $0x0;
	[sflag:s8] =	ssyncadd.s32 @!p3 $0xFFFFC000;
	s31 =	sadd.s32 $0x400, s31  }
0x4e: {  	[hbm:s14], [sflag:s21] =	dma.local @!p3 [spmem:s9], $0x800  }
0x4f: {  	s10 =	simm.s32 @!p1 $0x1;
	p2 =	sne.s32 s31, $0x2C00  }
0x50: {  	_ =	swait.ge @!p1 [sflag:s10], $0x4000;
	s9 =	simm.s32 @!p2 $0x0  }
0x51: {  	s9 =	simm.s32 @p2 $0x1;
	[sflag:s10] =	ssyncset.done @!p1 $0x0  }
0x52: {  	p0 =	por p0, p1;
	[smem:$0x7FD] =	sst s9;
	[sflag:s10] =	ssyncadd.s32 @!p1 $0xFFFFC000  }
0x53: {  	s17 =	sadd.s32 @!p5 $0x1, s0;
	s13 =	simm.s32 @!p0 $0x80;
	_ =	swait.ge @!p1 [sflag:s10], $0x4000  }
0x54: {  	p3 =	sge.u32 @!p5 s17, s7;
	s9 =	sshra.s32 @!p0 s25, $0x2;
	[sflag:s10] =	ssyncset.done @!p1 $0x0  }
0x55: {  	s17 =	simm.s32 @!p0 $0x9880;
	s21 =	sadd.s32 @!p0 $0x80, s9;
	[sflag:s10] =	ssyncadd.s32 @!p1 $0xFFFFC000  }
0x56: {  	[tilespmem:s17], [sflag:$0x2] =	stream.indirect.gather @!p0 [hbm4b:s5+s13], $0x80, s21, s13, $0xb8;
	[tilespmem:$0x19880] =	vst v63  }
0x57: {  	s9 =	sadd.s32 @!p0 $0xC80, s9;
	s10 =	simm.s32 @!p0 $0xD880  }
0x58: {  	[tilespmem:s10], [sflag:$0x2] =	stream.indirect.gather @!p0 [hbm4b:s6+s13], $0x80, s9, s13, $0xb8;
	[tilespmem:$0x19880] =	vst v63  }
0x59: {  	p0 =	por p3, p3  }
0x5a: {  	s10 =	simm.s32 @!p0 $0x0  }
0x5b: {  	p4 =	por p4, p1;
	s10 =	simm.s32 @p0 $0x1  }
0x5c: {  	s9 =	simm.s32 @!p4 $0x3;
	[smem:$0x7FC] =	sst s10  }
0x5d: {  	_ =	swait.ge @!p4 [sflag:s9], $0x800  }
0x5e: {  	[sflag:s9] =	ssyncset.done @!p4 $0x0  }
0x5f: {  	s13 =	simm.s32 @!p1 $0x5;
	s10 =	simm.s32 @!p1 $0x1880;
	[sflag:s9] =	ssyncadd.s32 @!p4 $0xFFFFF800  }
0x60: {  	[spmem:s11] =	stream.linear.scatter @!p1 [tilespmem:s10], [sflag:$0x5], $0x4000, $0x38;
	[tilespmem:$0x19880] =	vst v63  }
0x61: {  	_ =	swait.ge @!p1 [sflag:s13], $0x4000  }
0x62: {  	s8 =	sshll.u32 @!p5 s1, $0x6;
	s17 =	simm.s32 @!p1 $0x5880;
	[sflag:s13] =	ssyncset.done @!p1 $0x0  }
0x63: {  	s9 =	simm.s32 @!p1 $0x80;
	s10 =	simm.s32 @!p1 $0x1800;
	[sflag:s13] =	ssyncadd.s32 @!p1 $0xFFFFC000  }
0x64: {  	[spmem:s2] =	stream.indirect.scatter.add.f32 @!p1 [tilespmem:s17], [sflag:$0x5], $0x80, s10, s9, $0xb8;
	[tilespmem:$0x19880] =	vst v63  }
0x65: {  	s8 =	sor.u32 @!p5 $0x1C03, s8;
	s21 =	sadd.s32 $0x1, s28;
	_ =	swait.ge @!p1 [sflag:s13], $0x4000  }
0x66: {  	p3 =	sge.u32 s21, s7;
	s9 =	sshrl.u32 @!p1 s11, $0x3;
	[sflag:s13] =	ssyncset.done @!p1 $0x0  }
0x67: {  	s10 =	simm.s32 @!p3 $0x2;
	s17 =	sadd.s32 @!p3 $0x2, s28;
	[sflag:s13] =	ssyncadd.s32 @!p1 $0xFFFFC000  }
0x68: {  	[hbm:s30], [sflag:s29] =	dma.local @!p1 [spmem:s9], $0x800  }
0x69: {  	p2 =	por p6, p6;
	p0 =	sge.u32 @!p3 s17, s7;
	_ =	swait.ge @!p3 [sflag:s10], $0x4000  }
0x6a: {  	p6 =	por p0, p3;
	p0 =	seq.s32 @!p3 s25, $0x0;
	[sflag:s10] =	ssyncset.done @!p3 $0x0  }
0x6b: {  	s13 =	sshll.u32 @!p3 s1, $0x6;
	s17 =	simm.s32 @!p6 $0x80;
	[sflag:s10] =	ssyncadd.s32 @!p3 $0xFFFFC000  }
0x6c: {  	p0 =	por p0, p3;
	s21 =	sor.u32 @!p3 $0x1C04, s13;
	_ =	swait.ge @!p3 [sflag:s10], $0x4000  }
0x6d: {  	s29 =	smov.u32 s8;
	s8 =	sshra.s32 @!p6 s25, $0x2;
	[sflag:s10] =	ssyncset.done @!p3 $0x0  }
0x6e: {  	s13 =	simm.s32 @!p6 $0x1880;
	[sflag:s10] =	ssyncadd.s32 @!p3 $0xFFFFC000;
	s10 =	sadd.s32 @!p6 $0x100, s8  }
0x6f: {  	[tilespmem:s13], [sflag:$0x1] =	stream.indirect.gather @!p6 [hbm4b:s5+s17], $0x80, s10, s17, $0xb8;
	[tilespmem:$0x19880] =	vst v63  }
0x70: {  	s9 =	simm.s32 @!p6 $0x5880;
	s8 =	sadd.s32 @!p6 $0xD00, s8;
	s10 =	simm.s32 @!p0 $0x4  }
0x71: {  	[tilespmem:s9], [sflag:$0x1] =	stream.indirect.gather @!p6 [hbm4b:s6+s17], $0x80, s8, s17, $0xb8;
	[tilespmem:$0x19880] =	vst v63  }
0x72: {  	_ =	swait.ge @!p0 [sflag:s10], $0x800  }
0x73: {  	[sflag:s10] =	ssyncset.done @!p0 $0x0  }
0x74: {  	s9 =	simm.s32 @!p3 $0x9880;
	s8 =	simm.s32 @!p3 $0x5;
	[sflag:s10] =	ssyncadd.s32 @!p0 $0xFFFFF800  }
0x75: {  	[spmem:s12] =	stream.linear.scatter @!p3 [tilespmem:s9], [sflag:$0x5], $0x4000, $0x38;
	[tilespmem:$0x19880] =	vst v63  }
0x76: {  	s17 =	sld [smem:$0x7FC];
	_ =	swait.ge @!p3 [sflag:s8], $0x4000  }
0x77: {  	s13 =	simm.s32 @!p3 $0xD880;
	[sflag:s8] =	ssyncset.done @!p3 $0x0  }
0x78: {  	s10 =	simm.s32 @!p3 $0x1800;
	s9 =	simm.s32 @!p3 $0x80;
	[sflag:s8] =	ssyncadd.s32 @!p3 $0xFFFFC000  }
0x79: {  	[spmem:s3] =	stream.indirect.scatter.add.f32 @!p3 [tilespmem:s13], [sflag:$0x5], $0x80, s10, s9, $0xb8;
	[tilespmem:$0x19880] =	vst v63  }
0x7a: {  	_ =	swait.ge @!p3 [sflag:s8], $0x4000  }
0x7b: {  	s25 =	smov.u32 s20;
	s20 =	sld [smem:$0x7FD];
	_ =	sdelay $0x2  }
0x7c: {  	p4 =	por p2, p2;
	p2 =	seq.s32 s20, $0x1  }
.Ltmp0:
0x7d: {  	_ = 	snop;
	(pc) =	sbr.rel @p2 .LBB2_2-.Ltmp0, $4  }
0x7e: {  	_ = 	snop  }
0x7f: {  	s14 =	smov.u32 s26;
	s26 =	sadd.s32 $0x1000, s26  }
0x80: {  	s28 =	smov.u32 s0;
	s0 =	sadd.s32 $0x2, s0;
	p1 =	por p5, p5  }
0x81: {  	s30 =	sadd.s32 $0x1000, s30;
	p0 =	seq.s32 s17, $0x1;
	s9 =	sshrl.u32 @!p3 s12, $0x3  }
0x82: {  	[sflag:s8] =	ssyncset.done @!p3 $0x0  }
0x83: {  	s0 =	simm.s32 @!p1 $0x1;
	[sflag:s8] =	ssyncadd.s32 @!p3 $0xFFFFC000  }
0x84: {  	[hbm:s14], [sflag:s21] =	dma.local @!p3 [spmem:s9], $0x800  }
0x85: {  	_ =	swait.ge @!p1 [sflag:s0], $0x4000  }
0x86: {  	[sflag:s0] =	ssyncset.done @!p1 $0x0  }
0x87: {  	[sflag:s0] =	ssyncadd.s32 @!p1 $0xFFFFC000  }
0x88: {  	p0 =	por p0, p1;
	_ =	swait.ge @!p1 [sflag:s0], $0x4000  }
0x89: {  	s8 =	sshra.s32 @!p0 s25, $0x2;
	s13 =	simm.s32 @!p0 $0x80;
	[sflag:s0] =	ssyncset.done @!p1 $0x0  }
0x8a: {  	s9 =	simm.s32 @!p0 $0x9880;
	s10 =	sadd.s32 @!p0 $0x80, s8;
	[sflag:s0] =	ssyncadd.s32 @!p1 $0xFFFFC000  }
0x8b: {  	[tilespmem:s9], [sflag:$0x2] =	stream.indirect.gather @!p0 [hbm4b:s5+s13], $0x80, s10, s13, $0xb8;
	[tilespmem:$0x19880] =	vst v63  }
0x8c: {  	p2 =	por p4, p1;
	s0 =	sadd.s32 @!p0 $0xC80, s8;
	s8 =	simm.s32 @!p0 $0xD880  }
0x8d: {  	[tilespmem:s8], [sflag:$0x2] =	stream.indirect.gather @!p0 [hbm4b:s6+s13], $0x80, s0, s13, $0xb8;
	[tilespmem:$0x19880] =	vst v63  }
0x8e: {  	s0 =	simm.s32 @!p2 $0x3  }
0x8f: {  	_ =	swait.ge @!p2 [sflag:s0], $0x800  }
0x90: {  	[sflag:s0] =	ssyncset.done @!p2 $0x0  }
0x91: {  	s9 =	simm.s32 @!p1 $0x5;
	s8 =	simm.s32 @!p1 $0x1880;
	[sflag:s0] =	ssyncadd.s32 @!p2 $0xFFFFF800  }
0x92: {  	[spmem:s11] =	stream.linear.scatter @!p1 [tilespmem:s8], [sflag:$0x5], $0x4000, $0x38;
	[tilespmem:$0x19880] =	vst v63  }
0x93: {  	_ =	swait.ge @!p1 [sflag:s9], $0x4000  }
0x94: {  	s10 =	simm.s32 @!p1 $0x5880;
	[sflag:s9] =	ssyncset.done @!p1 $0x0  }
0x95: {  	s0 =	simm.s32 @!p1 $0x80;
	s8 =	simm.s32 @!p1 $0x1800;
	[sflag:s9] =	ssyncadd.s32 @!p1 $0xFFFFC000  }
0x96: {  	[spmem:s2] =	stream.indirect.scatter.add.f32 @!p1 [tilespmem:s10], [sflag:$0x5], $0x80, s8, s0, $0xb8;
	[tilespmem:$0x19880] =	vst v63  }
0x97: {  	s21 =	sadd.s32 $0x1, s28;
	_ =	swait.ge @!p1 [sflag:s9], $0x4000  }
0x98: {  	p0 =	sge.u32 s21, s7;
	[sflag:s9] =	ssyncset.done @!p1 $0x0  }
0x99: {  	s0 =	sshrl.u32 @!p1 s11, $0x3;
	s8 =	simm.s32 @!p0 $0x2;
	[sflag:s9] =	ssyncadd.s32 @!p1 $0xFFFFC000  }
0x9a: {  	[hbm:s30], [sflag:s29] =	dma.local @!p1 [spmem:s0], $0x800  }
0x9b: {  	_ =	swait.ge @!p0 [sflag:s8], $0x4000  }
0x9c: {  	s0 =	sadd.s32 @!p0 $0x2, s28;
	[sflag:s8] =	ssyncset.done @!p0 $0x0  }
0x9d: {  	p2 =	seq.s32 @!p0 s25, $0x0;
	p1 =	sge.u32 @!p0 s0, s7;
	[sflag:s8] =	ssyncadd.s32 @!p0 $0xFFFFC000  }
0x9e: {  	p2 =	por p2, p0;
	p1 =	por p1, p0;
	_ =	swait.ge @!p0 [sflag:s8], $0x4000  }
0x9f: {  	s0 =	sshra.s32 @!p1 s25, $0x2;
	s9 =	simm.s32 @!p1 $0x1880;
	[sflag:s8] =	ssyncset.done @!p0 $0x0  }
0xa0: {  	s10 =	simm.s32 @!p1 $0x80;
	[sflag:s8] =	ssyncadd.s32 @!p0 $0xFFFFC000;
	s8 =	sadd.s32 @!p1 $0x100, s0  }
0xa1: {  	[tilespmem:s9], [sflag:$0x1] =	stream.indirect.gather @!p1 [hbm4b:s5+s10], $0x80, s8, s10, $0xb8;
	[tilespmem:$0x19880] =	vst v63  }
0xa2: {  	s0 =	sadd.s32 @!p1 $0xD00, s0;
	s8 =	simm.s32 @!p1 $0x5880;
	s9 =	simm.s32 @!p2 $0x4  }
0xa3: {  	[tilespmem:s8], [sflag:$0x1] =	stream.indirect.gather @!p1 [hbm4b:s6+s10], $0x80, s0, s10, $0xb8;
	[tilespmem:$0x19880] =	vst v63  }
0xa4: {  	_ =	swait.ge @!p2 [sflag:s9], $0x800  }
0xa5: {  	[sflag:s9] =	ssyncset.done @!p2 $0x0  }
0xa6: {  	s0 =	simm.s32 @!p0 $0x9880;
	s8 =	simm.s32 @!p0 $0x5;
	[sflag:s9] =	ssyncadd.s32 @!p2 $0xFFFFF800  }
0xa7: {  	[spmem:s12] =	stream.linear.scatter @!p0 [tilespmem:s0], [sflag:$0x5], $0x4000, $0x38;
	[tilespmem:$0x19880] =	vst v63  }
0xa8: {  	_ =	swait.ge @!p0 [sflag:s8], $0x4000  }
0xa9: {  	s10 =	simm.s32 @!p0 $0xD880;
	[sflag:s8] =	ssyncset.done @!p0 $0x0  }
0xaa: {  	s9 =	simm.s32 @!p0 $0x1800;
	s0 =	simm.s32 @!p0 $0x80;
	[sflag:s8] =	ssyncadd.s32 @!p0 $0xFFFFC000  }
0xab: {  	[spmem:s3] =	stream.indirect.scatter.add.f32 @!p0 [tilespmem:s10], [sflag:$0x5], $0x80, s9, s0, $0xb8;
	[tilespmem:$0x19880] =	vst v63  }
0xac: {  	_ =	swait.ge @!p0 [sflag:s8], $0x4000  }
0xad: {  	s0 =	sshll.u32 @!p0 s1, $0x6;
	[sflag:s8] =	ssyncset.done @!p0 $0x0  }
0xae: {  	s9 =	sshrl.u32 @!p0 s12, $0x3;
	s0 =	sor.u32 @!p0 $0x1C04, s0;
	[sflag:s8] =	ssyncadd.s32 @!p0 $0xFFFFC000  }
0xaf: {  	[hbm:s26], [sflag:s0] =	dma.local @!p0 [spmem:s9], $0x800  }
0xb0: {  	_ =	swait.ge [sflag:s22], $0x800  }
0xb1: {  	[sflag:s22] =	ssyncset.done $0x0  }
0xb2: {  	[sflag:s22] =	ssyncadd.s32 $0xFFFFF800  }
0xb3: {  	_ =	swait.ge [sflag:s23], $0x800  }
0xb4: {  	s24 =	sadd.s32 $0x1, s24;
	s31 =	rddreg [dreg:$0x7]  }
0xb5: {  	p0 =	sne.s32 s24, s31  }
.Ltmp1:
0xb6: {  	_ = 	snop;
	(pc) =	sbr.rel @p0 .LBB2_1-.Ltmp1, $3  }
0xb7: {  	_ =	sdelay $0x1  }
0xb8: {  	[sflag:s23] =	ssyncset.done $0x0  }
0xb9: {  	[sflag:s23] =	ssyncadd.s32 $0xFFFFF800  }
0xba: {  	_ =	sfence.sel $0x180000  }
0xbb: {  	[bflag:$0x0] =	sbarrier.arrive $0xFFFF  }
0xbc: {  	_ =	strace $0x90000050  }
0xbd: {  	[bflag:$0x2] =	sbarrier.arrive $0xFFFF  }
0xbe: {  	p0 =	sne.s32 s1, $0x0;
	s0 =	rddreg [dreg:$0x3]  }
0xbf: {  	s0 =	sadd.s32 @!p0 $0x100000, s0  }
0xc0: {  	[sflag:s0] =	ssyncadd.tile.s32 @!p0 $0x1;
	_ =	shalt  }
.Lfunc_end2:
_tile_overlayer_lowered:
.L_overlay_start_2:
0xc1: {  	(tag) =	ssettag $0x2  }
0xc2: {  	s0 =	rddreg [dreg:$0x0];
	s2 =	stileid.u32  }
0xc3: {  	s1 =	rddreg [dreg:$0x1];
	p0 =	sne.s32 s2, $0x0  }
0xc4: {  	s3 =	rddreg [dreg:$0x2];
	[bflag:$0x3] =	sbarrier.arrive $0xFFFF;
	s2 =	simm.s32 @!p0 $0x1C05  }
0xc5: {  	[timem:s3], [sflag:s2] =	dma.local @!p0 [hbm:s0], s1  }
0xc6: {  	s0 =	simm.s32 @!p0 $0x5  }
0xc7: {  	_ =	swait.ge @!p0 [sflag:s0], s1  }
0xc8: {  	s1 =	ssub.s32 @!p0 $0x0, s1;
	[sflag:s0] =	ssyncset.done @!p0 $0x0  }
0xc9: {  	[sflag:s0] =	ssyncadd.s32 @!p0 s1  }
0xca: {  	[bflag:$0x3] =	sbarrier.arrive $0xFFFF  }
0xcb: {  	_ =	shalt  }

// kernel: kernel.25.cloned.1.call-start
scs
__scs_entry_jumppad:
0x0: {  	(pc) =	sbr.rel $0x88, $3  }
0x1: {  	(tag) =	ssettag $0x0;
	lr =	simm.s32 $0x1  }
0x2: {  	[smem:$0x3F96] =	sst lr;
	_ =	strace $0xD0000000  }
0x3: {  	_ = 	snop  }
0x4: {  	_ = 	snop  }
0x5: {  	_ = 	snop  }
0x6: {  	_ = 	snop  }
0x7: {  	_ = 	snop  }
__scs_overlays_trampoline_lowered:
0x8: {  	[smem:$0x3FA5] =	sst s0  }
0x9: {  	[smem:$0x3FA6] =	sst s1  }
0xa: {  	[smem:$0x3FA7] =	sst s2  }
0xb: {  	[smem:$0x3FA8] =	sst s3  }
0xc: {  	[smem:$0x3FA9] =	sst s4  }
0xd: {  	[smem:$0x3FAA] =	sst s5  }
0xe: {  	[smem:$0x3FAB] =	sst s6  }
0xf: {  	[smem:$0x3FAC] =	sst s7  }
0x10: {  	[smem:$0x3FAD] =	sst s8  }
0x11: {  	[smem:$0x3FAE] =	sst s9;
	s0 =	simm.s32 @!p0 $0x0  }
0x12: {  	s1 =	sld [smem:$0x3F94];
	s0 =	simm.s32 @p0 $0x1  }
0x13: {  	[smem:$0x3FAF] =	sst s0;
	s0 =	simm.s32 @!p1 $0x0  }
0x14: {  	s2 =	sld [smem:$0x3F93];
	s0 =	simm.s32 @p1 $0x1  }
0x15: {  	[smem:$0x3FB0] =	sst s0;
	s0 =	simm.s32 @!p2 $0x0  }
0x16: {  	s3 =	sld [smem:$0x3FDB];
	s0 =	simm.s32 @p2 $0x1  }
0x17: {  	s4 =	simm.s32 $0x1BF5;
	[smem:$0x3FB2] =	sst s0  }
0x18: {  	s0 =	sld [smem:$0x3F95];
	_ =	swait.ge [sflag:s4], $0x0  }
0x19: {  	s7 =	sld [smem:$0x3F96]  }
0x1a: {  	s8 =	sadd.s32 $0xFFFFE003, lr  }
0x1b: {  	s9 =	sadd.s32 $0xFFFFFEF7, lr;
	s5 =	simm.s32 $0xFFFFFFFF;
	p2 =	slt.u32 s8, $0xFFFFF086  }
0x1c: {  	p1 =	slt.u32 s9, $0xF7A;
	s5 =	simm.s32 @!p2 $0x0  }
0x1d: {  	s5 =	simm.s32 @p1 $0x1;
	p0 =	seq.s32 s7, s2  }
0x1e: {  	s7 =	smul.u32 @!p0 $0xF7A, s2;
	p2 =	seq.s32 @!p0 s5, $0x0  }
0x1f: {  	s9 =	smul.u32 $0xF7A, s1;
	s8 =	simm.s32 @!p0 $0x1BF5;
	p2 =	por !p2, p0  }
0x20: {  	[sflag:s8] =	ssyncset.s32 @!p0 $0xFFFFF086;
	s6 =	sadd.s32 @!p0 s3, s7;
	s7 =	simm.s32 @!p0 $0x108  }
0x21: {  	s3 =	sadd.s32 s3, s9;
	s6 =	sadd.s32 @!p0 $0x88, s6;
	s7 =	simm.s32 @p2 $0x1082  }
0x22: {  	[simem:s7], [sflag:s8] =	dma.local @!p0 [hbm:s6], $0xF7A  }
0x23: {  	s9 =	sor.u32 $0xD0000000, s2;
	s6 =	simm.s32 $0x108;
	_ =	swait.ge @!p0 [sflag:s8], $0x0  }
0x24: {  	s3 =	sadd.s32 $0x88, s3;
	s6 =	simm.s32 @!p1 $0x1082;
	[sflag:s4] =	ssyncset.s32 $0xFFFFF086  }
0x25: {  	[simem:s6], [sflag:s4] =	dma.local [hbm:s3], $0xF7A  }
0x26: {  	[smem:$0x3F96] =	sst s1;
	(tag) =	ssettag s2;
	_ =	strace s9  }
0x27: {  	s1 =	sld [smem:$0x3FA6]  }
0x28: {  	s2 =	sld [smem:$0x3FA7]  }
0x29: {  	s4 =	sld [smem:$0x3FA9]  }
0x2a: {  	p0 =	seq.s32 s5, $0x0;
	s5 =	sld [smem:$0x3FAA]  }
0x2b: {  	s6 =	sld [smem:$0x3FAB]  }
0x2c: {  	s7 =	sld [smem:$0x3FAC]  }
0x2d: {  	s3 =	simm.s32 $0x108;
	s8 =	sld [smem:$0x3FAD]  }
0x2e: {  	s3 =	simm.s32 @!p0 $0x1082;
	s9 =	sld [smem:$0x3FAE]  }
0x2f: {  	lr =	sadd.s32 s0, s3;
	s0 =	sld [smem:$0x3FA5]  }
0x30: {  	s3 =	sld [smem:$0x3FA8]  }
0x31: {  	[smem:$0x3FB1] =	sst s10  }
0x32: {  	s10 =	sld [smem:$0x3FAF];
	_ =	sdelay $0x3  }
0x33: {  	p0 =	seq.s32 s10, $0x1;
	s10 =	sld [smem:$0x3FB1];
	_ =	sdelay $0x3  }
0x34: {  	[smem:$0x3FB1] =	sst s10  }
0x35: {  	s10 =	sld [smem:$0x3FB0];
	_ =	sdelay $0x3  }
0x36: {  	p1 =	seq.s32 s10, $0x1;
	s10 =	sld [smem:$0x3FB1];
	_ =	sdelay $0x3  }
0x37: {  	[smem:$0x3FB1] =	sst s10  }
0x38: {  	s10 =	sld [smem:$0x3FB2]  }
0x39: {  	_ = 	snop;
	(pc) =	sbr.ind lr, $3  }
0x3a: {  	_ = 	snop  }
0x3b: {  	_ = 	snop  }
0x3c: {  	p2 =	seq.s32 s10, $0x1;
	s10 =	sld [smem:$0x3FB1]  }
0x3d: {  	_ =	shalt  }
0x3e: {  	_ =	shalt  }
0x3f: {  	_ =	shalt  }
0x40: {  	_ =	shalt  }
0x41: {  	_ =	shalt  }
0x42: {  	_ =	shalt  }
0x43: {  	_ =	shalt  }
0x44: {  	_ =	shalt  }
0x45: {  	_ =	shalt  }
0x46: {  	_ =	shalt  }
0x47: {  	_ =	shalt  }
0x48: {  	_ =	shalt  }
0x49: {  	_ =	shalt  }
0x4a: {  	_ =	shalt  }
0x4b: {  	_ =	shalt  }
0x4c: {  	_ =	shalt  }
0x4d: {  	_ =	shalt  }
0x4e: {  	_ =	shalt  }
0x4f: {  	_ =	shalt  }
0x50: {  	_ =	shalt  }
0x51: {  	_ =	shalt  }
0x52: {  	_ =	shalt  }
0x53: {  	_ =	shalt  }
0x54: {  	_ =	shalt  }
0x55: {  	_ =	shalt  }
0x56: {  	_ =	shalt  }
0x57: {  	_ =	shalt  }
0x58: {  	_ =	shalt  }
0x59: {  	_ =	shalt  }
0x5a: {  	_ =	shalt  }
0x5b: {  	_ =	shalt  }
0x5c: {  	_ =	shalt  }
0x5d: {  	_ =	shalt  }
0x5e: {  	_ =	shalt  }
0x5f: {  	_ =	shalt  }
0x60: {  	_ =	shalt  }
0x61: {  	_ =	shalt  }
0x62: {  	_ =	shalt  }
0x63: {  	_ =	shalt  }
0x64: {  	_ =	shalt  }
0x65: {  	_ =	shalt  }
0x66: {  	_ =	shalt  }
0x67: {  	_ =	shalt  }
0x68: {  	_ =	shalt  }
0x69: {  	_ =	shalt  }
0x6a: {  	_ =	shalt  }
0x6b: {  	_ =	shalt  }
0x6c: {  	_ =	shalt  }
0x6d: {  	_ =	shalt  }
0x6e: {  	_ =	shalt  }
0x6f: {  	_ =	shalt  }
0x70: {  	_ =	shalt  }
0x71: {  	_ =	shalt  }
0x72: {  	_ =	shalt  }
0x73: {  	_ =	shalt  }
0x74: {  	_ =	shalt  }
0x75: {  	_ =	shalt  }
0x76: {  	_ =	shalt  }
0x77: {  	_ =	shalt  }
0x78: {  	_ =	shalt  }
0x79: {  	_ =	shalt  }
0x7a: {  	_ =	shalt  }
0x7b: {  	_ =	shalt  }
0x7c: {  	_ =	shalt  }
0x7d: {  	_ =	shalt  }
0x7e: {  	_ =	shalt  }
0x7f: {  	_ =	shalt  }
0x80: {  	_ =	shalt  }
0x81: {  	_ =	shalt  }
0x82: {  	_ =	shalt  }
0x83: {  	_ =	shalt  }
0x84: {  	_ =	shalt  }
0x85: {  	_ =	shalt  }
0x86: {  	_ =	shalt  }
0x87: {  	_ =	shalt  }
.Lfunc_end0:
.L_simem_size_0:
called_computation.7_lowered:
.L_overlay_start_0:
0x88: {  	s2 =	sld [smem:$0x3FD9]  }
0x89: {  	s3 =	sld [smem:$0x3FFE];
	_ =	sdelay $0x1  }
0x8a: {  	s1 =	srdreg.scid  }
0x8b: {  	s0 =	sand.u32 $0x1, s1  }
0x8c: {  	s14 =	sshll.u32 s0, $0xA;
	s2 =	sadd.s32 s3, s2  }
0x8d: {  	s2 =	sadd.s32 s2, s14  }
0x8e: {  	[smem:$0x3FBD] =	sst s2  }
0x8f: {  	_ = 	snop  }
0x90: {  	s2 =	sld [smem:$0x3FD0];
	_ =	sdelay $0x2  }
0x91: {  	s15 =	simm.s32 $0xE;
	s4 =	simm.s32 $0x10  }
0x92: {  	[smem:s4], [sflag:s15] =	dma.local [hbm:s2], $0x1  }
0x93: {  	_ =	swait.eq [sflag:s15], $0x1  }
0x94: {  	[sflag:s15] =	ssyncset.done $0x0  }
0x95: {  	[sflag:s15] =	ssyncadd.s32 $0xFFFFFFFF  }
0x96: {  	s16 =	sld [smem:$0x11];
	(tm) =	ssettm $0x1  }
0x97: {  	s17 =	sld [smem:$0x3FFB];
	_ =	sdelay $0x3  }
0x98: {  	_ =	strace s17  }
0x99: {  	s3 =	sld [smem:$0x3FFC];
	_ =	sdelay $0x3  }
0x9a: {  	_ =	strace s3  }
0x9b: {  	s3 =	sld [smem:$0x3FFD];
	_ =	sdelay $0x3  }
0x9c: {  	_ =	strace s3  }
0x9d: {  	_ =	strace $0x8FFFFFFF  }
0x9e: {  	s18 =	sld [smem:$0x3FDB];
	_ =	sdelay $0x1  }
0x9f: {  	s19 =	simm.s32 $_scs_section_size  }
0xa0: {  	s5 =	simm.s32 $_size__tile_overlayer_lowered;
	s6 =	simm.s32 $_tile_overlayer_lowered  }
0xa1: {  	s22 =	simm.s32 $0x1BFF;
	s21 =	sshll.u32 s6, $0x1;
	s3 =	sadd.s32 s19, s18  }
0xa2: {  	s7 =	simm.s32 $0x0;
	s20 =	sshll.u32 s5, $0x1;
	s5 =	sadd.s32 s21, s3  }
0xa3: {  	[timem:s7], [sflag:s22] =	dma.local [hbm:s5], s20  }
0xa4: {  	_ =	swait.ge [sflag:s22], s20  }
0xa5: {  	s4 =	ssub.s32 $0x0, s20;
	[sflag:s22] =	ssyncset.done $0x0  }
0xa6: {  	[sflag:s22] =	ssyncadd.s32 s4;
	_ =	sdelay $0x1  }
0xa7: {  	s23 =	simm.s32 $0x1B8B  }
0xa8: {  	_ =	swait.ge [sflag:s23], $0x1  }
0xa9: {  	[sflag:s23] =	ssyncset.done $0x0  }
0xaa: {  	s25 =	simm.s32 $0x1B8E;
	s24 =	sld [smem:$0x3FFE];
	[sflag:s23] =	ssyncadd.s32 $0xFFFFFFFF  }
0xab: {  	s26 =	simm.s32 $execute0_lowered;
	[smem:$0x3FD2] =	sst s25  }
0xac: {  	s5 =	sshll.u32 s26, $0x1;
	_ =	strace $0x8000005B;
	[dreg:$0x1] =	wrdreg $0xFFFFFFFF  }
0xad: {  	s28 =	simm.s32 $_size_execute0_lowered;
	s3 =	sadd.s32 s3, s5;
	[dreg:$0x0] =	wrdreg $0x0  }
0xae: {  	s5 =	sshll.u32 s28, $0x1;
	[dreg:$0x2] =	wrdreg s3  }
0xaf: {  	[dreg:$0x3] =	wrdreg s5  }
0xb0: {  	[dreg:$0x4] =	wrdreg $0xC0  }
0xb1: {  	_ =	task [dreg:s7], $0x5FFFF  }
0xb2: {  	[dreg:$0x1] =	wrdreg $0xFFFFFFFF  }
0xb3: {  	[dreg:$0x0] =	wrdreg $0x60  }
0xb4: {  	[dreg:$0x2] =	wrdreg s24  }
0xb5: {  	[dreg:$0x3] =	wrdreg s16  }
0xb6: {  	[dreg:$0x4] =	wrdreg $0xA8000  }
0xb7: {  	[dreg:$0x5] =	wrdreg $0x9  }
0xb8: {  	_ =	task.clear_ibuf [dreg:s7], $0x6FFFF;
	_ =	strace $0x9000005B  }
0xb9: {  	s29 =	simm.s32 $0x9;
	_ =	strace $0x8000005D  }
0xba: {  	_ =	swait.ge [sflag:s29], $0x1  }
0xbb: {  	[sflag:s29] =	ssyncadd.s32 $0xFFFFFFFF  }
0xbc: {  	_ =	strace $0x9000005D  }
0xbd: {  	_ =	sfence  }
0xbe: {  	s30 =	sld [smem:$0x0];
	_ =	sdelay $0x2  }
0xbf: {  	s31 =	sshll.u32 s1, $0xD;
	s1 =	sshrl.u32 s1, $0x2  }
0xc0: {  	s3 =	sand.u32 $0x4000, s31;
	s1 =	sadd.s32 s1, s30  }
0xc1: {  	s0 =	sor.u32 s3, s0;
	s1 =	sshll.u32 s1, $0x11  }
0xc2: {  	s0 =	sor.u32 s1, s0  }
0xc3: {  	s0 =	sadd.s32 $0x8F2B, s0  }
0xc4: {  	[sflag:s0] =	ssyncadd.remote.s32 $0x1  }
0xc5: {  	_ =	sfence.sel $0xFFFF  }
0xc6: {  	[dreg:$0x0] =	wrdreg $0xFFFFFFFF;
	(pc) =	sbr.abs _section_cstart, $3  }
0xc7: {  	[dreg:$0x1] =	wrdreg $0xFFFFFFFF  }
0xc8: {  	_ =	task.clear_ibuf [dreg:s7], $0x2FFFF;
	_ =	strace $0x9FFFFFFF  }
0xc9: {  	(tm) =	ssettm $0x7FFFFFFF  }
tec
execute0_lowered:
.L_overlay_start_1:
0x0: {  	(tag) =	ssettag $0x1  }
0x1: {  	s7 =	rddreg [dreg:$0x0]  }
0x2: {  	s1 =	rddreg [dreg:$0x1]  }
0x3: {  	s2 =	rddreg [dreg:$0x2];
	s4 =	simm.s32 $0x0;
	s0 =	srdreg.scid  }
0x4: {  	s21 =	stileid.u32;
	s29 =	simm.s32 $0x3;
	[smem:$0x7FF] =	sst s4  }
0x5: {  	s6 =	sand.u32 $0x1, s0;
	s19 =	sshll.u32 s21, $0x1;
	s9 =	sadd.s32 $0x305A00, s7  }
0x6: {  	s11 =	smul.u32 $0x14000, s21;
	s0 =	sadd.s32 $0x1CD200, s7;
	s5 =	sadd.s32 $0x94A00, s7  }
0x7: {  	s3 =	sadd.s32 $0x43E200, s7;
	s22 =	sadd.s32 $0xFE00, s7;
	s15 =	smul.u32 $0x50000, s21  }
0x8: {  	s25 =	sshll.u32 s21, $0x6;
	s28 =	sadd.s32 $0x3A9800, s1;
	p3 =	sgt.u32 s21, $0x3  }
0x9: {  	p4 =	slt.u32 s21, $0xC;
	_ =	strace $0x8000005C;
	s8 =	smul.u32 $0x140000, s6  }
0xa: {  	s10 =	sor.u32 s6, s19;
	[dreg:$0x8] =	wrdreg s22;
	s6 =	ssub.s32 $0x2, s6  }
0xb: {  	s12 =	smul.u32 $0x500, s10;
	s23 =	sand.u32 $0x7, s10;
	s13 =	sshrl.u32 s6, $0x1  }
0xc: {  	s24 =	sshrl.u32 s15, $0x2;
	s8 =	sadd.s32 s11, s8;
	s10 =	smul.u32 $0x4E, s23  }
0xd: {  	p0 =	sne.s32 s23, $0x0;
	s16 =	ssub.s32 s6, s13;
	s26 =	smul.u32 $0x27000, s23  }
0xe: {  	s17 =	sadd.s32 s24, s2;
	s20 =	sadd.s32 s12, s7;
	s8 =	sshrl.u32 s8, $0x3  }
0xf: {  	s12 =	simm.s32 $0x1;
	[dreg:$0x9] =	wrdreg s17;
	s15 =	smax.u32 s16, $0x1  }
0x10: {  	s14 =	sadd.s32 s8, s7;
	s12 =	simm.s32 @!p0 $0x0;
	s8 =	sor.u32 $0x1C05, s25  }
0x11: {  	s18 =	sadd.s32 $0x5E00, s20;
	s19 =	sadd.s32 s26, s1;
	[dreg:$0xe] =	wrdreg s15  }
0x12: {  	s6 =	sor.u32 s12, s10;
	[dreg:$0xb] =	wrdreg s18;
	s17 =	sshll.u32 s12, $0xB  }
0x13: {  	s14 =	sadd.s32 $0x24200, s14;
	[dreg:$0xa] =	wrdreg s8;
	s10 =	sshll.u32 s6, $0xB  }
0x14: {  	s18 =	sadd.s32 s17, s19;
	[dreg:$0xd] =	wrdreg s14;
	s20 =	sadd.s32 s9, s10  }
0x15: {  	p1 =	seq.s32 s23, $0x0;
	s22 =	sadd.s32 $0x1000, s18;
	[dreg:$0xc] =	wrdreg s20  }
0x16: {  	s11 =	simm.s32 $0x4D;
	s23 =	sadd.s32 $0x272000, s18;
	[dreg:$0x4] =	wrdreg s22  }
0x17: {  	s24 =	sadd.s32 $0x95200, s7;
	s25 =	sadd.s32 $0x139800, s18;
	[dreg:$0x6] =	wrdreg s23  }
0x18: {  	s19 =	sadd.s32 $0x306200, s7;
	s16 =	sadd.s32 $0x3AA800, s18;
	[dreg:$0x5] =	wrdreg s25  }
0x19: {  	s13 =	sor.u32 s17, s26;
	s18 =	sadd.s32 s10, s19;
	[dreg:$0x7] =	wrdreg s16  }
0x1a: {  	s14 =	sadd.s32 $0x800, s10;
	s15 =	sadd.s32 s1, s10;
	[dreg:$0xf] =	wrdreg s18  }
0x1b: {  	s9 =	sadd.s32 s26, s9;
	s19 =	sadd.s32 s14, s19;
	[dreg:$0x18] =	wrdreg s15  }
0x1c: {  	s26 =	sadd.s32 $0x1CDA00, s7;
	s22 =	sadd.s32 s14, s24;
	[dreg:$0x10] =	wrdreg s19  }
0x1d: {  	s11 =	simm.s32 @!p1 $0x4C;
	s23 =	sadd.s32 s10, s26;
	[dreg:$0x12] =	wrdreg s22  }
0x1e: {  	s12 =	sadd.s32 s17, s9;
	s9 =	sadd.s32 s14, s26;
	[dreg:$0x13] =	wrdreg s23  }
0x1f: {  	s7 =	sadd.s32 $0x43EA00, s7;
	s25 =	sadd.s32 s0, s10;
	[dreg:$0x14] =	wrdreg s9  }
0x20: {  	s30 =	sadd.s32 s5, s13;
	s26 =	sadd.s32 s3, s10;
	[dreg:$0x16] =	wrdreg s25  }
0x21: {  	s20 =	sand.u32 $0xC, s21;
	s18 =	sadd.s32 s10, s7;
	[dreg:$0x17] =	wrdreg s26  }
0x22: {  	s7 =	sadd.s32 s14, s7;
	p1 =	seq.s32 s20, $0x8;
	[dreg:$0x1b] =	wrdreg s18  }
0x23: {  	p2 =	sne.s32 s20, $0x4;
	s20 =	sadd.s32 s10, s24;
	[dreg:$0x1d] =	wrdreg s7  }
0x24: {  	s31 =	sadd.s32 s0, s13;
	s24 =	sadd.s32 s5, s10;
	[dreg:$0x11] =	wrdreg s20  }
0x25: {  	s21 =	simm.s32 $0x1;
	s19 =	sadd.s32 s10, s28;
	[dreg:$0x15] =	wrdreg s24  }
0x26: {  	s23 =	sadd.s32 $0x271000, s1;
	s26 =	sadd.s32 s14, s28;
	[dreg:$0x1c] =	wrdreg s19  }
0x27: {  	s25 =	sadd.s32 $0x138800, s1;
	s16 =	sadd.s32 s10, s23;
	[smem:$0x7FC] =	sst s26  }
0x28: {  	s0 =	simm.s32 $0x4;
	s17 =	sadd.s32 s10, s25;
	[dreg:$0x19] =	wrdreg s16  }
0x29: {  	s7 =	simm.s32 $0x27800;
	s20 =	sadd.s32 s1, s14;
	[dreg:$0x1a] =	wrdreg s17  }
.Ltmp0:
0x2a: {  	s22 =	sadd.s32 s14, s23;
	[dreg:$0x1e] =	wrdreg s20;
	(pc) =	sbr.rel .LBB2_1-.Ltmp0, $4  }
0x2b: {  	s18 =	simm.s32 $0x0;
	s24 =	sadd.s32 s14, s25;
	[dreg:$0x1f] =	wrdreg s22  }
0x2c: {  	s7 =	simm.s32 @!p0 $0x27000;
	s10 =	simm.s32 $0x5;
	[smem:$0x7FB] =	sst s24  }
0x2d: {  	s26 =	simm.s32 $0x80;
	[smem:$0x7FD] =	sst s7;
	s20 =	sadd.s32 s3, s13  }
0x2e: {  	s16 =	simm.s32 $0x2800;
	s17 =	simm.s32 $0x6800;
	s3 =	simm.s32 $0x2  }
.LBB2_17:
0x2f: {  	[sflag:s10] =	ssyncadd.s32 $0xFFFFC000;
	s5 =	simm.s32 @!p0 $0x1  }
0x30: {  	[hbm4b:s14+s4] =	stream.linear.scatter [tilespmem:s17], [sflag:$0x4], $0x4000, $0x38;
	[tilespmem:$0x1E800] =	vst v63  }
0x31: {  	_ =	swait.ge @!p0 [sflag:s5], $0x4000  }
0x32: {  	s7 =	simm.s32 @!p0 $0x2700;
	[sflag:s5] =	ssyncset.done @!p0 $0x0  }
0x33: {  	s8 =	simm.s32 @!p0 $0x2800;
	[sflag:s5] =	ssyncadd.s32 @!p0 $0xFFFFC000;
	s5 =	simm.s32 @!p0 $0x80  }
0x34: {  	[spmem:s2] =	stream.indirect.scatter.add.f32 @!p0 [tilespmem:s8], [sflag:$0x5], $0x80, s7, s5, $0xb8;
	[tilespmem:$0x1E800] =	vst v63  }
0x35: {  	s5 =	simm.s32 @!p0 $0x5  }
0x36: {  	_ =	swait.ge @!p0 [sflag:s5], $0x4000  }
0x37: {  	[sflag:s5] =	ssyncset.done @!p0 $0x0  }
0x38: {  	[sflag:s5] =	ssyncadd.s32 @!p0 $0xFFFFC000;
	s5 =	sld [smem:$0x7FD];
	_ =	sdelay $0x2  }
0x39: {  	s7 =	simm.s32 @!p0 $0x0;
	s5 =	sadd.s32 @!p0 s5, s28  }
0x3a: {  	[hbm4b:s5+s7] =	stream.linear.scatter @!p0 [tilespmem:s8], [sflag:$0x3], $0x4000, $0x38;
	[tilespmem:$0x1E800] =	vst v63  }
0x3b: {  	_ =	swait.ge [sflag:s29], $0x4000  }
0x3c: {  	[sflag:s29] =	ssyncset.done $0x0  }
0x3d: {  	[sflag:s29] =	ssyncadd.s32 $0xFFFFC000  }
0x3e: {  	_ =	swait.ge [sflag:s0], $0x4000  }
0x3f: {  	[sflag:s0] =	ssyncset.done $0x0  }
0x40: {  	s8 =	rddreg [dreg:$0xa];
	[sflag:s0] =	ssyncadd.s32 $0xFFFFC000  }
.LBB2_18:
0x41: {  	[bflag:$0x0] =	sbarrier.arrive $0xFFFF  }
0x42: {  	s7 =	sld [smem:$0x7FA];
	_ =	sdelay $0x1  }
0x43: {  	s5 =	rddreg [dreg:$0xd]  }
0x44: {  	[hbm:s5], [sflag:s8] =	dma.local [spmem:s7], $0x2800  }
0x45: {  	_ =	swait.ge [sflag:s10], $0x2800  }
0x46: {  	s18 =	sadd.s32 $0x1, s18;
	s24 =	rddreg [dreg:$0xe]  }
0x47: {  	p5 =	sne.s32 s18, s24  }
.Ltmp1:
0x48: {  	_ = 	snop;
	(pc) =	sbr.rel @!p5 .LBB2_19-.Ltmp1, $3  }
0x49: {  	_ =	sdelay $0x1  }
0x4a: {  	[sflag:s10] =	ssyncset.done $0x0  }
0x4b: {  	[sflag:s10] =	ssyncadd.s32 $0xFFFFD800  }
.LBB2_1:
0x4c: {  	s5 =	rddreg [dreg:$0x9]  }
0x4d: {  	s22 =	rddreg [dreg:$0x8];
	s7 =	sshrl.u32 s5, $0x3  }
0x4e: {  	[smem:$0x7FA] =	sst s7  }
0x4f: {  	[spmem:s7], [sflag:s8] =	dma.local [hbm:s22], $0x2800  }
0x50: {  	_ =	swait.ge [sflag:s10], $0x2800  }
0x51: {  	[sflag:s10] =	ssyncset.done $0x0  }
0x52: {  	s24 =	rddreg [dreg:$0xb];
	[sflag:s10] =	ssyncadd.s32 $0xFFFFD800  }
0x53: {  	[tilespmem:s4], [sflag:$0x5] =	stream.linear.gather [hbm4b:s24+s4], $0x2780, $0x38;
	[tilespmem:$0x1E800] =	vst v63  }
.Ltmp2:
0x54: {  	_ =	swait.ge [sflag:s10], $0x2780;
	(pc) =	sbr.rel @p3 .LBB2_5-.Ltmp2, $3  }
0x55: {  	[sflag:s10] =	ssyncset.done $0x0  }
0x56: {  	[sflag:s10] =	ssyncadd.s32 $0xFFFFD880  }
0x57: {  	[bflag:$0x0] =	sbarrier.arrive $0xFFFF;
	_ =	sdelay $0x1  }
0x58: {  	s5 =	simm.s32 $0x0;
	s7 =	rddreg [dreg:$0xc];
	s22 =	simm.s32 $0x1  }
0x59: {  	[tilespmem:s16], [sflag:$0x1] =	stream.linear.gather [hbm4b:s7+s5], $0x4000, $0x38;
	[tilespmem:$0x1E800] =	vst v63  }
0x5a: {  	_ =	swait.ge [sflag:s22], $0x4000  }
0x5b: {  	[sflag:s22] =	ssyncset.done $0x0  }
0x5c: {  	s15 =	rddreg [dreg:$0xf];
	[sflag:s22] =	ssyncadd.s32 $0xFFFFC000  }
0x5d: {  	[tilespmem:s17], [sflag:$0x2] =	stream.linear.gather [hbm4b:s15+s5], $0x4000, $0x38;
	[tilespmem:$0x1E800] =	vst v63  }
0x5e: {  	_ = 	snop  }
0x5f: {  	[spmem:s2] =	stream.indirect.scatter.add.f32 [tilespmem:s16], [sflag:$0x5], $0x80, s5, s26, $0xb8;
	[tilespmem:$0x1E800] =	vst v63  }
0x60: {  	_ =	swait.ge [sflag:s10], $0x4000  }
0x61: {  	[sflag:s10] =	ssyncset.done $0x0  }
0x62: {  	s24 =	simm.s32 $0x2;
	s19 =	rddreg [dreg:$0x18];
	[sflag:s10] =	ssyncadd.s32 $0xFFFFC000  }
0x63: {  	[hbm4b:s19+s5] =	stream.linear.scatter [tilespmem:s16], [sflag:$0x3], $0x4000, $0x38;
	[tilespmem:$0x1E800] =	vst v63  }
0x64: {  	_ =	swait.ge [sflag:s24], $0x4000  }
0x65: {  	[sflag:s24] =	ssyncset.done $0x0  }
0x66: {  	[sflag:s24] =	ssyncadd.s32 $0xFFFFC000  }
0x67: {  	_ =	swait.ge [sflag:s29], $0x4000  }
0x68: {  	[sflag:s29] =	ssyncset.done $0x0  }
0x69: {  	s8 =	rddreg [dreg:$0x10];
	[sflag:s29] =	ssyncadd.s32 $0xFFFFC000  }
0x6a: {  	[tilespmem:s16], [sflag:$0x1] =	stream.linear.gather [hbm4b:s8+s5], $0x4000, $0x38;
	[tilespmem:$0x1E800] =	vst v63  }
0x6b: {  	_ = 	snop  }
0x6c: {  	[spmem:s2] =	stream.indirect.scatter.add.f32 [tilespmem:s17], [sflag:$0x5], $0x80, s26, s26, $0xb8;
	[tilespmem:$0x1E800] =	vst v63  }
0x6d: {  	_ =	swait.ge [sflag:s10], $0x4000  }
0x6e: {  	[sflag:s10] =	ssyncset.done $0x0  }
0x6f: {  	s9 =	rddreg [dreg:$0x1e];
	[sflag:s10] =	ssyncadd.s32 $0xFFFFC000  }
0x70: {  	[hbm4b:s9+s5] =	stream.linear.scatter [tilespmem:s17], [sflag:$0x4], $0x4000, $0x38;
	[tilespmem:$0x1E800] =	vst v63  }
0x71: {  	_ =	swait.ge [sflag:s21], $0x4000  }
0x72: {  	[sflag:s21] =	ssyncset.done $0x0  }
0x73: {  	[sflag:s21] =	ssyncadd.s32 $0xFFFFC000  }
0x74: {  	_ =	swait.ge [sflag:s0], $0x4000  }
0x75: {  	s14 =	sadd.s32 $0x0, s12;
	[sflag:s0] =	ssyncset.done $0x0  }
0x76: {  	s5 =	sadd.s32 $0x1800, s14;
	[sflag:s0] =	ssyncadd.s32 $0xFFFFC000  }
0x77: {  	[tilespmem:s17], [sflag:$0x2] =	stream.linear.gather [hbm4b:s5+s4], $0x4000, $0x38;
	[tilespmem:$0x1E800] =	vst v63  }
0x78: {  	s15 =	simm.s32 $0x100  }
0x79: {  	[spmem:s2] =	stream.indirect.scatter.add.f32 [tilespmem:s16], [sflag:$0x5], $0x80, s15, s26, $0xb8;
	[tilespmem:$0x1E800] =	vst v63  }
0x7a: {  	_ =	swait.ge [sflag:s10], $0x4000  }
0x7b: {  	s19 =	rddreg [dreg:$0x4];
	[sflag:s10] =	ssyncset.done $0x0  }
0x7c: {  	[sflag:s10] =	ssyncadd.s32 $0xFFFFC000;
	s5 =	sadd.s32 $0x0, s19  }
0x7d: {  	[hbm4b:s5+s4] =	stream.linear.scatter [tilespmem:s16], [sflag:$0x3], $0x4000, $0x38;
	[tilespmem:$0x1E800] =	vst v63  }
0x7e: {  	_ =	swait.ge [sflag:s3], $0x4000  }
0x7f: {  	p5 =	sgt.u32 s11, $0x2;
	[sflag:s3] =	ssyncset.done $0x0  }
0x80: {  	s5 =	simm.s32 @p5 $0x3;
	[sflag:s3] =	ssyncadd.s32 $0xFFFFC000  }
0x81: {  	s7 =	sshllo.u32 s22, $0x1;
	_ =	swait.ge @p5 [sflag:s5], $0x4000  }
0x82: {  	s9 =	sadd.s32 @p5 $0x0, s12;
	s14 =	simm.s32 @p5 $0x2800;
	[sflag:s5] =	ssyncset.done @p5 $0x0  }
0x83: {  	s9 =	sadd.s32 @p5 $0x2000, s9;
	[sflag:s5] =	ssyncadd.s32 @p5 $0xFFFFC000;
	s5 =	simm.s32 @p5 $0x0  }
0x84: {  	[tilespmem:s14], [sflag:$0x1] =	stream.linear.gather @p5 [hbm4b:s9+s5], $0x4000, $0x38;
	[tilespmem:$0x1E800] =	vst v63  }
0x85: {  	s7 =	sadd.s32 @!p5 s6, s7;
	s24 =	simm.s32 $0x180;
	s9 =	sadd.s32 @p5 $0x0, s13  }
0x86: {  	s5 =	simm.s32 $0x1000;
	s14 =	sshll.u32 @!p5 s7, $0xB;
	s9 =	sadd.s32 @p5 $0x1800, s9  }
0x87: {  	[spmem:s2] =	stream.indirect.scatter.add.f32 [tilespmem:s17], [sflag:$0x5], $0x80, s24, s26, $0xb8;
	[tilespmem:$0x1E800] =	vst v63  }
0x88: {  	s7 =	simm.s32 $0x4;
	s14 =	smov.u32 @p5 s9;
	_ =	swait.ge [sflag:s10], $0x4000  }
0x89: {  	s9 =	simm.s32 $0x200;
	s14 =	sadd.s32 s1, s14;
	[sflag:s10] =	ssyncset.done $0x0  }
.LBB2_3:
0x8a: {  	[sflag:s10] =	ssyncadd.s32 $0xFFFFC000  }
0x8b: {  	[hbm4b:s14+s4] =	stream.linear.scatter [tilespmem:s17], [sflag:$0x4], $0x4000, $0x38;
	[tilespmem:$0x1E800] =	vst v63  }
0x8c: {  	_ =	swait.ge [sflag:s21], $0x4000  }
0x8d: {  	[sflag:s21] =	ssyncset.done $0x0  }
0x8e: {  	[sflag:s21] =	ssyncadd.s32 $0xFFFFC000  }
0x8f: {  	s15 =	smov.u32 s5;
	_ =	swait.ge [sflag:s0], $0x4000  }
0x90: {  	s19 =	sadd.s32 s15, s12;
	[sflag:s0] =	ssyncset.done $0x0  }
0x91: {  	s14 =	sadd.s32 $0x1800, s19;
	[sflag:s0] =	ssyncadd.s32 $0xFFFFC000  }
0x92: {  	[tilespmem:s17], [sflag:$0x2] =	stream.linear.gather [hbm4b:s14+s4], $0x4000, $0x38;
	[tilespmem:$0x1E800] =	vst v63  }
0x93: {  	_ = 	snop  }
0x94: {  	[spmem:s2] =	stream.indirect.scatter.add.f32 [tilespmem:s16], [sflag:$0x5], $0x80, s9, s26, $0xb8;
	[tilespmem:$0x1E800] =	vst v63  }
0x95: {  	_ =	swait.ge [sflag:s10], $0x4000  }
0x96: {  	s24 =	rddreg [dreg:$0x4];
	[sflag:s10] =	ssyncset.done $0x0  }
0x97: {  	[sflag:s10] =	ssyncadd.s32 $0xFFFFC000;
	s14 =	sadd.s32 s15, s24  }
0x98: {  	[hbm4b:s14+s4] =	stream.linear.scatter [tilespmem:s16], [sflag:$0x3], $0x4000, $0x38;
	[tilespmem:$0x1E800] =	vst v63  }
0x99: {  	s22 =	sadd.s32 $0x1, s22;
	s5 =	sadd.s32 $0x1000, s5;
	_ =	swait.ge [sflag:s3], $0x4000  }
0x9a: {  	p6 =	slt.u32 s7, s11;
	p5 =	sne.s32 s5, $0x26000;
	[sflag:s3] =	ssyncset.done $0x0  }
0x9b: {  	s8 =	sadd.s32 @p6 s15, s13;
	s24 =	simm.s32 @p6 $0x3;
	[sflag:s3] =	ssyncadd.s32 $0xFFFFC000  }
0x9c: {  	s19 =	simm.s32 @p6 $0x2800;
	s15 =	sadd.s32 @p6 s15, s12;
	_ =	swait.ge @p6 [sflag:s24], $0x4000  }
0x9d: {  	s14 =	sshllo.u32 s22, $0x1;
	s15 =	sadd.s32 @p6 $0x2000, s15;
	[sflag:s24] =	ssyncset.done @p6 $0x0  }
0x9e: {  	s14 =	sadd.s32 @!p6 s6, s14;
	[sflag:s24] =	ssyncadd.s32 @p6 $0xFFFFC000;
	s24 =	simm.s32 @p6 $0x0  }
0x9f: {  	[tilespmem:s19], [sflag:$0x1] =	stream.linear.gather @p6 [hbm4b:s15+s24], $0x4000, $0x38;
	[tilespmem:$0x1E800] =	vst v63  }
.Ltmp3:
0xa0: {  	s8 =	sadd.s32 @p6 $0x1800, s8;
	s14 =	sshll.u32 @!p6 s14, $0xB;
	(pc) =	sbr.rel @p5 .LBB2_3-.Ltmp3, $4  }
0xa1: {  	s14 =	smov.u32 @p6 s8;
	s8 =	sadd.s32 $0x80, s9  }
0xa2: {  	[spmem:s2] =	stream.indirect.scatter.add.f32 [tilespmem:s17], [sflag:$0x5], $0x80, s8, s26, $0xb8;
	[tilespmem:$0x1E800] =	vst v63  }
0xa3: {  	s7 =	sadd.s32 $0x2, s7;
	_ =	swait.ge [sflag:s10], $0x4000  }
0xa4: {  	s9 =	sadd.s32 $0x100, s9;
	s14 =	sadd.s32 s1, s14;
	[sflag:s10] =	ssyncset.done $0x0  }
0xa5: {  	[sflag:s10] =	ssyncadd.s32 $0xFFFFC000;
	s5 =	simm.s32 @!p0 $0x1  }
0xa6: {  	[hbm4b:s14+s4] =	stream.linear.scatter [tilespmem:s17], [sflag:$0x4], $0x4000, $0x38;
	[tilespmem:$0x1E800] =	vst v63  }
0xa7: {  	_ =	swait.ge @!p0 [sflag:s5], $0x4000  }
0xa8: {  	s7 =	simm.s32 @!p0 $0x2700;
	[sflag:s5] =	ssyncset.done @!p0 $0x0  }
0xa9: {  	s8 =	simm.s32 @!p0 $0x2800;
	[sflag:s5] =	ssyncadd.s32 @!p0 $0xFFFFC000;
	s5 =	simm.s32 @!p0 $0x80  }
0xaa: {  	[spmem:s2] =	stream.indirect.scatter.add.f32 @!p0 [tilespmem:s8], [sflag:$0x5], $0x80, s7, s5, $0xb8;
	[tilespmem:$0x1E800] =	vst v63  }
0xab: {  	s5 =	simm.s32 @!p0 $0x5  }
0xac: {  	_ =	swait.ge @!p0 [sflag:s5], $0x4000  }
0xad: {  	[sflag:s5] =	ssyncset.done @!p0 $0x0  }
0xae: {  	[sflag:s5] =	ssyncadd.s32 @!p0 $0xFFFFC000;
	s5 =	sld [smem:$0x7FD];
	_ =	sdelay $0x2  }
0xaf: {  	s7 =	simm.s32 @!p0 $0x0;
	s5 =	sadd.s32 @!p0 s1, s5  }
0xb0: {  	[hbm4b:s5+s7] =	stream.linear.scatter @!p0 [tilespmem:s8], [sflag:$0x3], $0x4000, $0x38;
	[tilespmem:$0x1E800] =	vst v63  }
0xb1: {  	_ =	swait.ge [sflag:s29], $0x4000  }
0xb2: {  	[sflag:s29] =	ssyncset.done $0x0  }
0xb3: {  	[sflag:s29] =	ssyncadd.s32 $0xFFFFC000  }
0xb4: {  	_ =	swait.ge [sflag:s0], $0x4000  }
0xb5: {  	[sflag:s0] =	ssyncset.done $0x0  }
0xb6: {  	s8 =	rddreg [dreg:$0xa];
	[sflag:s0] =	ssyncadd.s32 $0xFFFFC000  }
.LBB2_5:
.Ltmp4:
0xb7: {  	(pc) =	sbr.rel @p1 .LBB2_10-.Ltmp4, $1  }
0xb8: {  	_ =	sdelay $0x3  }
.Ltmp5:
0xb9: {  	(pc) =	sbr.rel @p2 .LBB2_14-.Ltmp5, $1  }
0xba: {  	_ =	sdelay $0x3  }
0xbb: {  	s5 =	simm.s32 $0x0;
	s7 =	rddreg [dreg:$0x16];
	s22 =	simm.s32 $0x1  }
0xbc: {  	[tilespmem:s16], [sflag:$0x1] =	stream.linear.gather [hbm4b:s7+s5], $0x4000, $0x38;
	[tilespmem:$0x1E800] =	vst v63  }
0xbd: {  	_ =	swait.ge [sflag:s22], $0x4000  }
0xbe: {  	[sflag:s22] =	ssyncset.done $0x0  }
0xbf: {  	s15 =	rddreg [dreg:$0x13];
	[sflag:s22] =	ssyncadd.s32 $0xFFFFC000  }
0xc0: {  	[tilespmem:s17], [sflag:$0x2] =	stream.linear.gather [hbm4b:s15+s5], $0x4000, $0x38;
	[tilespmem:$0x1E800] =	vst v63  }
0xc1: {  	_ = 	snop  }
0xc2: {  	[spmem:s2] =	stream.indirect.scatter.add.f32 [tilespmem:s16], [sflag:$0x5], $0x80, s5, s26, $0xb8;
	[tilespmem:$0x1E800] =	vst v63  }
0xc3: {  	_ =	swait.ge [sflag:s10], $0x4000  }
0xc4: {  	[sflag:s10] =	ssyncset.done $0x0  }
0xc5: {  	s24 =	simm.s32 $0x2;
	s19 =	rddreg [dreg:$0x1a];
	[sflag:s10] =	ssyncadd.s32 $0xFFFFC000  }
0xc6: {  	[hbm4b:s19+s5] =	stream.linear.scatter [tilespmem:s16], [sflag:$0x3], $0x4000, $0x38;
	[tilespmem:$0x1E800] =	vst v63  }
0xc7: {  	_ =	swait.ge [sflag:s24], $0x4000  }
0xc8: {  	[sflag:s24] =	ssyncset.done $0x0  }
0xc9: {  	[sflag:s24] =	ssyncadd.s32 $0xFFFFC000  }
0xca: {  	_ =	swait.ge [sflag:s29], $0x4000  }
0xcb: {  	[sflag:s29] =	ssyncset.done $0x0  }
0xcc: {  	s8 =	rddreg [dreg:$0x14];
	[sflag:s29] =	ssyncadd.s32 $0xFFFFC000  }
0xcd: {  	[tilespmem:s16], [sflag:$0x1] =	stream.linear.gather [hbm4b:s8+s5], $0x4000, $0x38;
	[tilespmem:$0x1E800] =	vst v63  }
0xce: {  	_ = 	snop  }
0xcf: {  	[spmem:s2] =	stream.indirect.scatter.add.f32 [tilespmem:s17], [sflag:$0x5], $0x80, s26, s26, $0xb8;
	[tilespmem:$0x1E800] =	vst v63  }
0xd0: {  	_ =	swait.ge [sflag:s10], $0x4000  }
0xd1: {  	s9 =	sld [smem:$0x7FB]  }
0xd2: {  	[sflag:s10] =	ssyncset.done $0x0  }
0xd3: {  	[sflag:s10] =	ssyncadd.s32 $0xFFFFC000  }
0xd4: {  	[hbm4b:s9+s5] =	stream.linear.scatter [tilespmem:s17], [sflag:$0x4], $0x4000, $0x38;
	[tilespmem:$0x1E800] =	vst v63  }
0xd5: {  	_ =	swait.ge [sflag:s21], $0x4000  }
0xd6: {  	[sflag:s21] =	ssyncset.done $0x0  }
0xd7: {  	[sflag:s21] =	ssyncadd.s32 $0xFFFFC000  }
0xd8: {  	_ =	swait.ge [sflag:s0], $0x4000  }
0xd9: {  	s14 =	sadd.s32 $0x0, s31;
	[sflag:s0] =	ssyncset.done $0x0  }
0xda: {  	s5 =	sadd.s32 $0x1800, s14;
	[sflag:s0] =	ssyncadd.s32 $0xFFFFC000  }
0xdb: {  	[tilespmem:s17], [sflag:$0x2] =	stream.linear.gather [hbm4b:s5+s4], $0x4000, $0x38;
	[tilespmem:$0x1E800] =	vst v63  }
0xdc: {  	s15 =	simm.s32 $0x100  }
0xdd: {  	[spmem:s2] =	stream.indirect.scatter.add.f32 [tilespmem:s16], [sflag:$0x5], $0x80, s15, s26, $0xb8;
	[tilespmem:$0x1E800] =	vst v63  }
0xde: {  	_ =	swait.ge [sflag:s10], $0x4000  }
0xdf: {  	s19 =	rddreg [dreg:$0x5];
	[sflag:s10] =	ssyncset.done $0x0  }
0xe0: {  	[sflag:s10] =	ssyncadd.s32 $0xFFFFC000;
	s5 =	sadd.s32 $0x0, s19  }
0xe1: {  	[hbm4b:s5+s4] =	stream.linear.scatter [tilespmem:s16], [sflag:$0x3], $0x4000, $0x38;
	[tilespmem:$0x1E800] =	vst v63  }
0xe2: {  	_ =	swait.ge [sflag:s3], $0x4000  }
0xe3: {  	p5 =	sgt.u32 s11, $0x2;
	[sflag:s3] =	ssyncset.done $0x0  }
0xe4: {  	s5 =	simm.s32 @p5 $0x3;
	[sflag:s3] =	ssyncadd.s32 $0xFFFFC000  }
0xe5: {  	s8 =	sadd.s32 @p5 $0x0, s31;
	_ =	swait.ge @p5 [sflag:s5], $0x4000  }
0xe6: {  	s7 =	sshllo.u32 s22, $0x1;
	s8 =	sadd.s32 @p5 $0x2000, s8;
	[sflag:s5] =	ssyncset.done @p5 $0x0  }
0xe7: {  	s9 =	simm.s32 @p5 $0x2800;
	[sflag:s5] =	ssyncadd.s32 @p5 $0xFFFFC000;
	s5 =	simm.s32 @p5 $0x0  }
0xe8: {  	[tilespmem:s9], [sflag:$0x1] =	stream.linear.gather @p5 [hbm4b:s8+s5], $0x4000, $0x38;
	[tilespmem:$0x1E800] =	vst v63  }
0xe9: {  	s7 =	sadd.s32 @!p5 s6, s7;
	s24 =	simm.s32 $0x180;
	s8 =	sadd.s32 @p5 $0x0, s13  }
0xea: {  	s5 =	simm.s32 $0x1000;
	s9 =	sshll.u32 @!p5 s7, $0xB;
	s8 =	sadd.s32 @p5 $0x1800, s8  }
0xeb: {  	[spmem:s2] =	stream.indirect.scatter.add.f32 [tilespmem:s17], [sflag:$0x5], $0x80, s24, s26, $0xb8;
	[tilespmem:$0x1E800] =	vst v63  }
0xec: {  	s7 =	simm.s32 $0x4;
	s9 =	smov.u32 @p5 s8;
	_ =	swait.ge [sflag:s10], $0x4000  }
0xed: {  	s14 =	sadd.s32 s9, s25;
	s9 =	simm.s32 $0x200;
	[sflag:s10] =	ssyncset.done $0x0  }
.LBB2_8:
0xee: {  	[sflag:s10] =	ssyncadd.s32 $0xFFFFC000  }
0xef: {  	[hbm4b:s14+s4] =	stream.linear.scatter [tilespmem:s17], [sflag:$0x4], $0x4000, $0x38;
	[tilespmem:$0x1E800] =	vst v63  }
0xf0: {  	_ =	swait.ge [sflag:s21], $0x4000  }
0xf1: {  	[sflag:s21] =	ssyncset.done $0x0  }
0xf2: {  	[sflag:s21] =	ssyncadd.s32 $0xFFFFC000  }
0xf3: {  	s8 =	smov.u32 s5;
	_ =	swait.ge [sflag:s0], $0x4000  }
0xf4: {  	s19 =	sadd.s32 s8, s31;
	[sflag:s0] =	ssyncset.done $0x0  }
0xf5: {  	s14 =	sadd.s32 $0x1800, s19;
	[sflag:s0] =	ssyncadd.s32 $0xFFFFC000  }
0xf6: {  	[tilespmem:s17], [sflag:$0x2] =	stream.linear.gather [hbm4b:s14+s4], $0x4000, $0x38;
	[tilespmem:$0x1E800] =	vst v63  }
0xf7: {  	_ = 	snop  }
0xf8: {  	[spmem:s2] =	stream.indirect.scatter.add.f32 [tilespmem:s16], [sflag:$0x5], $0x80, s9, s26, $0xb8;
	[tilespmem:$0x1E800] =	vst v63  }
0xf9: {  	_ =	swait.ge [sflag:s10], $0x4000  }
0xfa: {  	s24 =	rddreg [dreg:$0x5];
	[sflag:s10] =	ssyncset.done $0x0  }
0xfb: {  	[sflag:s10] =	ssyncadd.s32 $0xFFFFC000;
	s14 =	sadd.s32 s8, s24  }
0xfc: {  	[hbm4b:s14+s4] =	stream.linear.scatter [tilespmem:s16], [sflag:$0x3], $0x4000, $0x38;
	[tilespmem:$0x1E800] =	vst v63  }
0xfd: {  	s22 =	sadd.s32 $0x1, s22;
	s5 =	sadd.s32 $0x1000, s5;
	_ =	swait.ge [sflag:s3], $0x4000  }
0xfe: {  	p6 =	slt.u32 s7, s11;
	p5 =	seq.s32 s5, $0x26000;
	[sflag:s3] =	ssyncset.done $0x0  }
0xff: {  	s15 =	simm.s32 @p6 $0x3;
	s19 =	sadd.s32 @p6 s8, s13;
	[sflag:s3] =	ssyncadd.s32 $0xFFFFC000  }
0x100: {  	s8 =	sadd.s32 @p6 s8, s31;
	s24 =	simm.s32 @p6 $0x2800;
	_ =	swait.ge @p6 [sflag:s15], $0x4000  }
0x101: {  	s14 =	sshllo.u32 s22, $0x1;
	s8 =	sadd.s32 @p6 $0x2000, s8;
	[sflag:s15] =	ssyncset.done @p6 $0x0  }
0x102: {  	s14 =	sadd.s32 @!p6 s6, s14;
	[sflag:s15] =	ssyncadd.s32 @p6 $0xFFFFC000;
	s15 =	simm.s32 @p6 $0x0  }
0x103: {  	[tilespmem:s24], [sflag:$0x1] =	stream.linear.gather @p6 [hbm4b:s8+s15], $0x4000, $0x38;
	[tilespmem:$0x1E800] =	vst v63  }
.Ltmp6:
0x104: {  	s19 =	sadd.s32 @p6 $0x1800, s19;
	s14 =	sshll.u32 @!p6 s14, $0xB;
	(pc) =	sbr.rel @!p5 .LBB2_8-.Ltmp6, $4  }
0x105: {  	s14 =	smov.u32 @p6 s19;
	s19 =	sadd.s32 $0x80, s9  }
0x106: {  	[spmem:s2] =	stream.indirect.scatter.add.f32 [tilespmem:s17], [sflag:$0x5], $0x80, s19, s26, $0xb8;
	[tilespmem:$0x1E800] =	vst v63  }
0x107: {  	s7 =	sadd.s32 $0x2, s7;
	_ =	swait.ge [sflag:s10], $0x4000  }
0x108: {  	s9 =	sadd.s32 $0x100, s9;
	s14 =	sadd.s32 s14, s25;
	[sflag:s10] =	ssyncset.done $0x0  }
0x109: {  	[sflag:s10] =	ssyncadd.s32 $0xFFFFC000;
	s5 =	simm.s32 @!p0 $0x1  }
0x10a: {  	[hbm4b:s14+s4] =	stream.linear.scatter [tilespmem:s17], [sflag:$0x4], $0x4000, $0x38;
	[tilespmem:$0x1E800] =	vst v63  }
0x10b: {  	_ =	swait.ge @!p0 [sflag:s5], $0x4000  }
0x10c: {  	s7 =	simm.s32 @!p0 $0x2700;
	[sflag:s5] =	ssyncset.done @!p0 $0x0  }
0x10d: {  	s8 =	simm.s32 @!p0 $0x2800;
	[sflag:s5] =	ssyncadd.s32 @!p0 $0xFFFFC000;
	s5 =	simm.s32 @!p0 $0x80  }
0x10e: {  	[spmem:s2] =	stream.indirect.scatter.add.f32 @!p0 [tilespmem:s8], [sflag:$0x5], $0x80, s7, s5, $0xb8;
	[tilespmem:$0x1E800] =	vst v63  }
0x10f: {  	s5 =	simm.s32 @!p0 $0x5  }
0x110: {  	_ =	swait.ge @!p0 [sflag:s5], $0x4000  }
0x111: {  	[sflag:s5] =	ssyncset.done @!p0 $0x0  }
0x112: {  	[sflag:s5] =	ssyncadd.s32 @!p0 $0xFFFFC000;
	s5 =	sld [smem:$0x7FD]  }
.Ltmp7:
0x113: {  	_ = 	snop;
	(pc) =	sbr.rel .LBB2_13-.Ltmp7, $4  }
0x114: {  	_ = 	snop  }
0x115: {  	s7 =	simm.s32 @!p0 $0x0;
	s5 =	sadd.s32 @!p0 s5, s25  }
0x116: {  	[hbm4b:s5+s7] =	stream.linear.scatter @!p0 [tilespmem:s8], [sflag:$0x3], $0x4000, $0x38;
	[tilespmem:$0x1E800] =	vst v63  }
0x117: {  	s8 =	rddreg [dreg:$0xa]  }
.LBB2_10:
0x118: {  	s5 =	simm.s32 $0x0;
	s7 =	rddreg [dreg:$0x15];
	s22 =	simm.s32 $0x1  }
0x119: {  	[tilespmem:s16], [sflag:$0x1] =	stream.linear.gather [hbm4b:s7+s5], $0x4000, $0x38;
	[tilespmem:$0x1E800] =	vst v63  }
0x11a: {  	_ =	swait.ge [sflag:s22], $0x4000  }
0x11b: {  	[sflag:s22] =	ssyncset.done $0x0  }
0x11c: {  	s15 =	rddreg [dreg:$0x11];
	[sflag:s22] =	ssyncadd.s32 $0xFFFFC000  }
0x11d: {  	[tilespmem:s17], [sflag:$0x2] =	stream.linear.gather [hbm4b:s15+s5], $0x4000, $0x38;
	[tilespmem:$0x1E800] =	vst v63  }
0x11e: {  	_ = 	snop  }
0x11f: {  	[spmem:s2] =	stream.indirect.scatter.add.f32 [tilespmem:s16], [sflag:$0x5], $0x80, s5, s26, $0xb8;
	[tilespmem:$0x1E800] =	vst v63  }
0x120: {  	_ =	swait.ge [sflag:s10], $0x4000  }
0x121: {  	[sflag:s10] =	ssyncset.done $0x0  }
0x122: {  	s24 =	simm.s32 $0x2;
	s19 =	rddreg [dreg:$0x19];
	[sflag:s10] =	ssyncadd.s32 $0xFFFFC000  }
0x123: {  	[hbm4b:s19+s5] =	stream.linear.scatter [tilespmem:s16], [sflag:$0x3], $0x4000, $0x38;
	[tilespmem:$0x1E800] =	vst v63  }
0x124: {  	_ =	swait.ge [sflag:s24], $0x4000  }
0x125: {  	[sflag:s24] =	ssyncset.done $0x0  }
0x126: {  	[sflag:s24] =	ssyncadd.s32 $0xFFFFC000  }
0x127: {  	_ =	swait.ge [sflag:s29], $0x4000  }
0x128: {  	[sflag:s29] =	ssyncset.done $0x0  }
0x129: {  	s8 =	rddreg [dreg:$0x12];
	[sflag:s29] =	ssyncadd.s32 $0xFFFFC000  }
0x12a: {  	[tilespmem:s16], [sflag:$0x1] =	stream.linear.gather [hbm4b:s8+s5], $0x4000, $0x38;
	[tilespmem:$0x1E800] =	vst v63  }
0x12b: {  	_ = 	snop  }
0x12c: {  	[spmem:s2] =	stream.indirect.scatter.add.f32 [tilespmem:s17], [sflag:$0x5], $0x80, s26, s26, $0xb8;
	[tilespmem:$0x1E800] =	vst v63  }
0x12d: {  	_ =	swait.ge [sflag:s10], $0x4000  }
0x12e: {  	[sflag:s10] =	ssyncset.done $0x0  }
0x12f: {  	s9 =	rddreg [dreg:$0x1f];
	[sflag:s10] =	ssyncadd.s32 $0xFFFFC000  }
0x130: {  	[hbm4b:s9+s5] =	stream.linear.scatter [tilespmem:s17], [sflag:$0x4], $0x4000, $0x38;
	[tilespmem:$0x1E800] =	vst v63  }
0x131: {  	_ =	swait.ge [sflag:s21], $0x4000  }
0x132: {  	[sflag:s21] =	ssyncset.done $0x0  }
0x133: {  	[sflag:s21] =	ssyncadd.s32 $0xFFFFC000  }
0x134: {  	_ =	swait.ge [sflag:s0], $0x4000  }
0x135: {  	s14 =	sadd.s32 $0x0, s30;
	[sflag:s0] =	ssyncset.done $0x0  }
0x136: {  	s5 =	sadd.s32 $0x1800, s14;
	[sflag:s0] =	ssyncadd.s32 $0xFFFFC000  }
0x137: {  	[tilespmem:s17], [sflag:$0x2] =	stream.linear.gather [hbm4b:s5+s4], $0x4000, $0x38;
	[tilespmem:$0x1E800] =	vst v63  }
0x138: {  	s15 =	simm.s32 $0x100  }
0x139: {  	[spmem:s2] =	stream.indirect.scatter.add.f32 [tilespmem:s16], [sflag:$0x5], $0x80, s15, s26, $0xb8;
	[tilespmem:$0x1E800] =	vst v63  }
0x13a: {  	_ =	swait.ge [sflag:s10], $0x4000  }
0x13b: {  	s19 =	rddreg [dreg:$0x6];
	[sflag:s10] =	ssyncset.done $0x0  }
0x13c: {  	[sflag:s10] =	ssyncadd.s32 $0xFFFFC000;
	s5 =	sadd.s32 $0x0, s19  }
0x13d: {  	[hbm4b:s5+s4] =	stream.linear.scatter [tilespmem:s16], [sflag:$0x3], $0x4000, $0x38;
	[tilespmem:$0x1E800] =	vst v63  }
0x13e: {  	_ =	swait.ge [sflag:s3], $0x4000  }
0x13f: {  	p5 =	sgt.u32 s11, $0x2;
	[sflag:s3] =	ssyncset.done $0x0  }
0x140: {  	s5 =	simm.s32 @p5 $0x3;
	[sflag:s3] =	ssyncadd.s32 $0xFFFFC000  }
0x141: {  	s8 =	sadd.s32 @p5 $0x0, s30;
	_ =	swait.ge @p5 [sflag:s5], $0x4000  }
0x142: {  	s7 =	sshllo.u32 s22, $0x1;
	s8 =	sadd.s32 @p5 $0x2000, s8;
	[sflag:s5] =	ssyncset.done @p5 $0x0  }
0x143: {  	s9 =	simm.s32 @p5 $0x2800;
	[sflag:s5] =	ssyncadd.s32 @p5 $0xFFFFC000;
	s5 =	simm.s32 @p5 $0x0  }
0x144: {  	[tilespmem:s9], [sflag:$0x1] =	stream.linear.gather @p5 [hbm4b:s8+s5], $0x4000, $0x38;
	[tilespmem:$0x1E800] =	vst v63  }
0x145: {  	s7 =	sadd.s32 @!p5 s6, s7;
	s24 =	simm.s32 $0x180;
	s8 =	sadd.s32 @p5 $0x0, s13  }
0x146: {  	s5 =	simm.s32 $0x1000;
	s9 =	sshll.u32 @!p5 s7, $0xB;
	s8 =	sadd.s32 @p5 $0x1800, s8  }
0x147: {  	[spmem:s2] =	stream.indirect.scatter.add.f32 [tilespmem:s17], [sflag:$0x5], $0x80, s24, s26, $0xb8;
	[tilespmem:$0x1E800] =	vst v63  }
0x148: {  	s7 =	simm.s32 $0x4;
	s9 =	smov.u32 @p5 s8;
	_ =	swait.ge [sflag:s10], $0x4000  }
0x149: {  	s14 =	sadd.s32 s9, s23;
	s9 =	simm.s32 $0x200;
	[sflag:s10] =	ssyncset.done $0x0  }
.LBB2_11:
0x14a: {  	[sflag:s10] =	ssyncadd.s32 $0xFFFFC000  }
0x14b: {  	[hbm4b:s14+s4] =	stream.linear.scatter [tilespmem:s17], [sflag:$0x4], $0x4000, $0x38;
	[tilespmem:$0x1E800] =	vst v63  }
0x14c: {  	_ =	swait.ge [sflag:s21], $0x4000  }
0x14d: {  	[sflag:s21] =	ssyncset.done $0x0  }
0x14e: {  	[sflag:s21] =	ssyncadd.s32 $0xFFFFC000  }
0x14f: {  	s8 =	smov.u32 s5;
	_ =	swait.ge [sflag:s0], $0x4000  }
0x150: {  	s19 =	sadd.s32 s8, s30;
	[sflag:s0] =	ssyncset.done $0x0  }
0x151: {  	s14 =	sadd.s32 $0x1800, s19;
	[sflag:s0] =	ssyncadd.s32 $0xFFFFC000  }
0x152: {  	[tilespmem:s17], [sflag:$0x2] =	stream.linear.gather [hbm4b:s14+s4], $0x4000, $0x38;
	[tilespmem:$0x1E800] =	vst v63  }
0x153: {  	_ = 	snop  }
0x154: {  	[spmem:s2] =	stream.indirect.scatter.add.f32 [tilespmem:s16], [sflag:$0x5], $0x80, s9, s26, $0xb8;
	[tilespmem:$0x1E800] =	vst v63  }
0x155: {  	_ =	swait.ge [sflag:s10], $0x4000  }
0x156: {  	s24 =	rddreg [dreg:$0x6];
	[sflag:s10] =	ssyncset.done $0x0  }
0x157: {  	[sflag:s10] =	ssyncadd.s32 $0xFFFFC000;
	s14 =	sadd.s32 s8, s24  }
0x158: {  	[hbm4b:s14+s4] =	stream.linear.scatter [tilespmem:s16], [sflag:$0x3], $0x4000, $0x38;
	[tilespmem:$0x1E800] =	vst v63  }
0x159: {  	s22 =	sadd.s32 $0x1, s22;
	s5 =	sadd.s32 $0x1000, s5;
	_ =	swait.ge [sflag:s3], $0x4000  }
0x15a: {  	p6 =	slt.u32 s7, s11;
	p5 =	seq.s32 s5, $0x26000;
	[sflag:s3] =	ssyncset.done $0x0  }
0x15b: {  	s15 =	simm.s32 @p6 $0x3;
	s19 =	sadd.s32 @p6 s8, s13;
	[sflag:s3] =	ssyncadd.s32 $0xFFFFC000  }
0x15c: {  	s8 =	sadd.s32 @p6 s8, s30;
	s24 =	simm.s32 @p6 $0x2800;
	_ =	swait.ge @p6 [sflag:s15], $0x4000  }
0x15d: {  	s14 =	sshllo.u32 s22, $0x1;
	s8 =	sadd.s32 @p6 $0x2000, s8;
	[sflag:s15] =	ssyncset.done @p6 $0x0  }
0x15e: {  	s14 =	sadd.s32 @!p6 s6, s14;
	[sflag:s15] =	ssyncadd.s32 @p6 $0xFFFFC000;
	s15 =	simm.s32 @p6 $0x0  }
0x15f: {  	[tilespmem:s24], [sflag:$0x1] =	stream.linear.gather @p6 [hbm4b:s8+s15], $0x4000, $0x38;
	[tilespmem:$0x1E800] =	vst v63  }
.Ltmp8:
0x160: {  	s19 =	sadd.s32 @p6 $0x1800, s19;
	s14 =	sshll.u32 @!p6 s14, $0xB;
	(pc) =	sbr.rel @!p5 .LBB2_11-.Ltmp8, $4  }
0x161: {  	s14 =	smov.u32 @p6 s19;
	s19 =	sadd.s32 $0x80, s9  }
0x162: {  	[spmem:s2] =	stream.indirect.scatter.add.f32 [tilespmem:s17], [sflag:$0x5], $0x80, s19, s26, $0xb8;
	[tilespmem:$0x1E800] =	vst v63  }
0x163: {  	s7 =	sadd.s32 $0x2, s7;
	_ =	swait.ge [sflag:s10], $0x4000  }
0x164: {  	s9 =	sadd.s32 $0x100, s9;
	s14 =	sadd.s32 s14, s23;
	[sflag:s10] =	ssyncset.done $0x0  }
0x165: {  	[sflag:s10] =	ssyncadd.s32 $0xFFFFC000;
	s5 =	simm.s32 @!p0 $0x1  }
0x166: {  	[hbm4b:s14+s4] =	stream.linear.scatter [tilespmem:s17], [sflag:$0x4], $0x4000, $0x38;
	[tilespmem:$0x1E800] =	vst v63  }
0x167: {  	_ =	swait.ge @!p0 [sflag:s5], $0x4000  }
0x168: {  	s7 =	simm.s32 @!p0 $0x2700;
	[sflag:s5] =	ssyncset.done @!p0 $0x0  }
0x169: {  	s8 =	simm.s32 @!p0 $0x2800;
	[sflag:s5] =	ssyncadd.s32 @!p0 $0xFFFFC000;
	s5 =	simm.s32 @!p0 $0x80  }
0x16a: {  	[spmem:s2] =	stream.indirect.scatter.add.f32 @!p0 [tilespmem:s8], [sflag:$0x5], $0x80, s7, s5, $0xb8;
	[tilespmem:$0x1E800] =	vst v63  }
0x16b: {  	s5 =	simm.s32 @!p0 $0x5  }
0x16c: {  	_ =	swait.ge @!p0 [sflag:s5], $0x4000  }
0x16d: {  	[sflag:s5] =	ssyncset.done @!p0 $0x0  }
0x16e: {  	[sflag:s5] =	ssyncadd.s32 @!p0 $0xFFFFC000;
	s5 =	sld [smem:$0x7FD];
	_ =	sdelay $0x2  }
0x16f: {  	s7 =	simm.s32 @!p0 $0x0;
	s5 =	sadd.s32 @!p0 s5, s23  }
0x170: {  	[hbm4b:s5+s7] =	stream.linear.scatter @!p0 [tilespmem:s8], [sflag:$0x3], $0x4000, $0x38;
	[tilespmem:$0x1E800] =	vst v63  }
0x171: {  	s8 =	rddreg [dreg:$0xa]  }
.LBB2_13:
0x172: {  	_ =	swait.ge [sflag:s29], $0x4000  }
0x173: {  	[sflag:s29] =	ssyncset.done $0x0  }
0x174: {  	[sflag:s29] =	ssyncadd.s32 $0xFFFFC000  }
0x175: {  	_ =	swait.ge [sflag:s0], $0x4000  }
0x176: {  	[sflag:s0] =	ssyncset.done $0x0  }
0x177: {  	[sflag:s0] =	ssyncadd.s32 $0xFFFFC000  }
.LBB2_14:
.Ltmp9:
0x178: {  	(pc) =	sbr.rel @p4 .LBB2_18-.Ltmp9, $1  }
0x179: {  	_ =	sdelay $0x3  }
0x17a: {  	s5 =	simm.s32 $0x0;
	s7 =	rddreg [dreg:$0x17];
	s22 =	simm.s32 $0x1  }
0x17b: {  	[tilespmem:s16], [sflag:$0x1] =	stream.linear.gather [hbm4b:s7+s5], $0x4000, $0x38;
	[tilespmem:$0x1E800] =	vst v63  }
0x17c: {  	_ =	swait.ge [sflag:s22], $0x4000  }
0x17d: {  	[sflag:s22] =	ssyncset.done $0x0  }
0x17e: {  	s15 =	rddreg [dreg:$0x1b];
	[sflag:s22] =	ssyncadd.s32 $0xFFFFC000  }
0x17f: {  	[tilespmem:s17], [sflag:$0x2] =	stream.linear.gather [hbm4b:s15+s5], $0x4000, $0x38;
	[tilespmem:$0x1E800] =	vst v63  }
0x180: {  	_ = 	snop  }
0x181: {  	[spmem:s2] =	stream.indirect.scatter.add.f32 [tilespmem:s16], [sflag:$0x5], $0x80, s5, s26, $0xb8;
	[tilespmem:$0x1E800] =	vst v63  }
0x182: {  	_ =	swait.ge [sflag:s10], $0x4000  }
0x183: {  	[sflag:s10] =	ssyncset.done $0x0  }
0x184: {  	s24 =	simm.s32 $0x2;
	s19 =	rddreg [dreg:$0x1c];
	[sflag:s10] =	ssyncadd.s32 $0xFFFFC000  }
0x185: {  	[hbm4b:s19+s5] =	stream.linear.scatter [tilespmem:s16], [sflag:$0x3], $0x4000, $0x38;
	[tilespmem:$0x1E800] =	vst v63  }
0x186: {  	_ =	swait.ge [sflag:s24], $0x4000  }
0x187: {  	[sflag:s24] =	ssyncset.done $0x0  }
0x188: {  	[sflag:s24] =	ssyncadd.s32 $0xFFFFC000  }
0x189: {  	_ =	swait.ge [sflag:s29], $0x4000  }
0x18a: {  	[sflag:s29] =	ssyncset.done $0x0  }
0x18b: {  	s8 =	rddreg [dreg:$0x1d];
	[sflag:s29] =	ssyncadd.s32 $0xFFFFC000  }
0x18c: {  	[tilespmem:s16], [sflag:$0x1] =	stream.linear.gather [hbm4b:s8+s5], $0x4000, $0x38;
	[tilespmem:$0x1E800] =	vst v63  }
0x18d: {  	_ = 	snop  }
0x18e: {  	[spmem:s2] =	stream.indirect.scatter.add.f32 [tilespmem:s17], [sflag:$0x5], $0x80, s26, s26, $0xb8;
	[tilespmem:$0x1E800] =	vst v63  }
0x18f: {  	_ =	swait.ge [sflag:s10], $0x4000  }
0x190: {  	s9 =	sld [smem:$0x7FC]  }
0x191: {  	[sflag:s10] =	ssyncset.done $0x0  }
0x192: {  	[sflag:s10] =	ssyncadd.s32 $0xFFFFC000  }
0x193: {  	[hbm4b:s9+s5] =	stream.linear.scatter [tilespmem:s17], [sflag:$0x4], $0x4000, $0x38;
	[tilespmem:$0x1E800] =	vst v63  }
0x194: {  	_ =	swait.ge [sflag:s21], $0x4000  }
0x195: {  	[sflag:s21] =	ssyncset.done $0x0  }
0x196: {  	[sflag:s21] =	ssyncadd.s32 $0xFFFFC000  }
0x197: {  	_ =	swait.ge [sflag:s0], $0x4000  }
0x198: {  	s14 =	sadd.s32 $0x0, s20;
	[sflag:s0] =	ssyncset.done $0x0  }
0x199: {  	s5 =	sadd.s32 $0x1800, s14;
	[sflag:s0] =	ssyncadd.s32 $0xFFFFC000  }
0x19a: {  	[tilespmem:s17], [sflag:$0x2] =	stream.linear.gather [hbm4b:s5+s4], $0x4000, $0x38;
	[tilespmem:$0x1E800] =	vst v63  }
0x19b: {  	s15 =	simm.s32 $0x100  }
0x19c: {  	[spmem:s2] =	stream.indirect.scatter.add.f32 [tilespmem:s16], [sflag:$0x5], $0x80, s15, s26, $0xb8;
	[tilespmem:$0x1E800] =	vst v63  }
0x19d: {  	_ =	swait.ge [sflag:s10], $0x4000  }
0x19e: {  	s19 =	rddreg [dreg:$0x7];
	[sflag:s10] =	ssyncset.done $0x0  }
0x19f: {  	[sflag:s10] =	ssyncadd.s32 $0xFFFFC000;
	s5 =	sadd.s32 $0x0, s19  }
0x1a0: {  	[hbm4b:s5+s4] =	stream.linear.scatter [tilespmem:s16], [sflag:$0x3], $0x4000, $0x38;
	[tilespmem:$0x1E800] =	vst v63  }
0x1a1: {  	_ =	swait.ge [sflag:s3], $0x4000  }
0x1a2: {  	p5 =	sgt.u32 s11, $0x2;
	[sflag:s3] =	ssyncset.done $0x0  }
0x1a3: {  	s5 =	simm.s32 @p5 $0x3;
	[sflag:s3] =	ssyncadd.s32 $0xFFFFC000  }
0x1a4: {  	s8 =	sadd.s32 @p5 $0x0, s20;
	_ =	swait.ge @p5 [sflag:s5], $0x4000  }
0x1a5: {  	s7 =	sshllo.u32 s22, $0x1;
	s8 =	sadd.s32 @p5 $0x2000, s8;
	[sflag:s5] =	ssyncset.done @p5 $0x0  }
0x1a6: {  	s9 =	simm.s32 @p5 $0x2800;
	[sflag:s5] =	ssyncadd.s32 @p5 $0xFFFFC000;
	s5 =	simm.s32 @p5 $0x0  }
0x1a7: {  	[tilespmem:s9], [sflag:$0x1] =	stream.linear.gather @p5 [hbm4b:s8+s5], $0x4000, $0x38;
	[tilespmem:$0x1E800] =	vst v63  }
0x1a8: {  	s7 =	sadd.s32 @!p5 s6, s7;
	s24 =	simm.s32 $0x180;
	s8 =	sadd.s32 @p5 $0x0, s13  }
0x1a9: {  	s5 =	simm.s32 $0x1000;
	s9 =	sshll.u32 @!p5 s7, $0xB;
	s8 =	sadd.s32 @p5 $0x1800, s8  }
0x1aa: {  	[spmem:s2] =	stream.indirect.scatter.add.f32 [tilespmem:s17], [sflag:$0x5], $0x80, s24, s26, $0xb8;
	[tilespmem:$0x1E800] =	vst v63  }
0x1ab: {  	s7 =	simm.s32 $0x4;
	s9 =	smov.u32 @p5 s8;
	_ =	swait.ge [sflag:s10], $0x4000  }
0x1ac: {  	s14 =	sadd.s32 s9, s28;
	s9 =	simm.s32 $0x200;
	[sflag:s10] =	ssyncset.done $0x0  }
.LBB2_16:
0x1ad: {  	[sflag:s10] =	ssyncadd.s32 $0xFFFFC000  }
0x1ae: {  	[hbm4b:s14+s4] =	stream.linear.scatter [tilespmem:s17], [sflag:$0x4], $0x4000, $0x38;
	[tilespmem:$0x1E800] =	vst v63  }
0x1af: {  	_ =	swait.ge [sflag:s21], $0x4000  }
0x1b0: {  	[sflag:s21] =	ssyncset.done $0x0  }
0x1b1: {  	[sflag:s21] =	ssyncadd.s32 $0xFFFFC000  }
0x1b2: {  	s8 =	smov.u32 s5;
	_ =	swait.ge [sflag:s0], $0x4000  }
0x1b3: {  	s19 =	sadd.s32 s8, s20;
	[sflag:s0] =	ssyncset.done $0x0  }
0x1b4: {  	s14 =	sadd.s32 $0x1800, s19;
	[sflag:s0] =	ssyncadd.s32 $0xFFFFC000  }
0x1b5: {  	[tilespmem:s17], [sflag:$0x2] =	stream.linear.gather [hbm4b:s14+s4], $0x4000, $0x38;
	[tilespmem:$0x1E800] =	vst v63  }
0x1b6: {  	_ = 	snop  }
0x1b7: {  	[spmem:s2] =	stream.indirect.scatter.add.f32 [tilespmem:s16], [sflag:$0x5], $0x80, s9, s26, $0xb8;
	[tilespmem:$0x1E800] =	vst v63  }
0x1b8: {  	_ =	swait.ge [sflag:s10], $0x4000  }
0x1b9: {  	s24 =	rddreg [dreg:$0x7];
	[sflag:s10] =	ssyncset.done $0x0  }
0x1ba: {  	[sflag:s10] =	ssyncadd.s32 $0xFFFFC000;
	s14 =	sadd.s32 s8, s24  }
0x1bb: {  	[hbm4b:s14+s4] =	stream.linear.scatter [tilespmem:s16], [sflag:$0x3], $0x4000, $0x38;
	[tilespmem:$0x1E800] =	vst v63  }
0x1bc: {  	s22 =	sadd.s32 $0x1, s22;
	s5 =	sadd.s32 $0x1000, s5;
	_ =	swait.ge [sflag:s3], $0x4000  }
0x1bd: {  	p6 =	slt.u32 s7, s11;
	p5 =	sne.s32 s5, $0x26000;
	[sflag:s3] =	ssyncset.done $0x0  }
0x1be: {  	s15 =	simm.s32 @p6 $0x3;
	s19 =	sadd.s32 @p6 s8, s13;
	[sflag:s3] =	ssyncadd.s32 $0xFFFFC000  }
0x1bf: {  	s8 =	sadd.s32 @p6 s8, s20;
	s24 =	simm.s32 @p6 $0x2800;
	_ =	swait.ge @p6 [sflag:s15], $0x4000  }
0x1c0: {  	s14 =	sshllo.u32 s22, $0x1;
	s8 =	sadd.s32 @p6 $0x2000, s8;
	[sflag:s15] =	ssyncset.done @p6 $0x0  }
0x1c1: {  	s14 =	sadd.s32 @!p6 s6, s14;
	[sflag:s15] =	ssyncadd.s32 @p6 $0xFFFFC000;
	s15 =	simm.s32 @p6 $0x0  }
0x1c2: {  	[tilespmem:s24], [sflag:$0x1] =	stream.linear.gather @p6 [hbm4b:s8+s15], $0x4000, $0x38;
	[tilespmem:$0x1E800] =	vst v63  }
.Ltmp10:
0x1c3: {  	s19 =	sadd.s32 @p6 $0x1800, s19;
	s14 =	sshll.u32 @!p6 s14, $0xB;
	(pc) =	sbr.rel @p5 .LBB2_16-.Ltmp10, $4  }
0x1c4: {  	s14 =	smov.u32 @p6 s19;
	s19 =	sadd.s32 $0x80, s9  }
0x1c5: {  	[spmem:s2] =	stream.indirect.scatter.add.f32 [tilespmem:s17], [sflag:$0x5], $0x80, s19, s26, $0xb8;
	[tilespmem:$0x1E800] =	vst v63  }
0x1c6: {  	s7 =	sadd.s32 $0x2, s7;
	_ =	swait.ge [sflag:s10], $0x4000  }
0x1c7: {  	s9 =	sadd.s32 $0x100, s9;
	s14 =	sadd.s32 s14, s28;
	[sflag:s10] =	ssyncset.done $0x0  }
.Ltmp11:
0x1c8: {  	_ = 	snop;
	(pc) =	sbr.rel .LBB2_17-.Ltmp11, $1  }
0x1c9: {  	_ =	sdelay $0x3  }
.LBB2_19:
0x1ca: {  	_ =	sfence.sel $0x180000  }
0x1cb: {  	[bflag:$0x0] =	sbarrier.arrive $0xFFFF  }
0x1cc: {  	_ =	strace $0x9000005C  }
0x1cd: {  	s0 =	stileid.u32;
	[bflag:$0x2] =	sbarrier.arrive $0xFFFF  }
0x1ce: {  	p0 =	sne.s32 s0, $0x0;
	s0 =	rddreg [dreg:$0x3]  }
0x1cf: {  	s0 =	sadd.s32 @!p0 $0x100000, s0  }
0x1d0: {  	[sflag:s0] =	ssyncadd.tile.s32 @!p0 $0x1;
	_ =	shalt  }
.Lfunc_end2:
_tile_overlayer_lowered:
.L_overlay_start_2:
0x1d1: {  	(tag) =	ssettag $0x2  }
0x1d2: {  	s0 =	rddreg [dreg:$0x0];
	s2 =	stileid.u32  }
0x1d3: {  	s1 =	rddreg [dreg:$0x1];
	p0 =	sne.s32 s2, $0x0  }
0x1d4: {  	s3 =	rddreg [dreg:$0x2];
	[bflag:$0x3] =	sbarrier.arrive $0xFFFF;
	s2 =	simm.s32 @!p0 $0x1C05  }
0x1d5: {  	[timem:s3], [sflag:s2] =	dma.local @!p0 [hbm:s0], s1  }
0x1d6: {  	s0 =	simm.s32 @!p0 $0x5  }
0x1d7: {  	_ =	swait.ge @!p0 [sflag:s0], s1  }
0x1d8: {  	s1 =	ssub.s32 @!p0 $0x0, s1;
	[sflag:s0] =	ssyncset.done @!p0 $0x0  }
0x1d9: {  	[sflag:s0] =	ssyncadd.s32 @!p0 s1  }
0x1da: {  	[bflag:$0x3] =	sbarrier.arrive $0xFFFF  }
0x1db: {  	_ =	shalt  }

</sc_bundles>
